<compile_context>
chip_gen: v7x
topology: tpu7x:2x2x1
jax: 0.10.2.dev20260603
libtpu: 0.0.44.dev20260713+nightly
codegen_flags: <defaults>
</compile_context>

<pallas_src>
import functools

import jax
import jax.numpy as jnp
from jax import lax
from jax.experimental import pallas as pl
from jax.experimental.pallas import tpu as pltpu
from jax.experimental.pallas import tpu_sc as plsc

NC = 2
NS = 16
NW = NC * NS

ROWS = 16384
COLS = 50
V = 1000001
D = 64
VP = 1000064
SR = VP // 2
TCOLS_MAIN = 7812
K1N = -(-TCOLS_MAIN // NW)
BPW = ROWS // NW
NCH = COLS * (BPW // 128)

_mesh = plsc.VectorSubcoreMesh(core_axis_name="c", subcore_axis_name="s")
_params = pltpu.CompilerParams(
    use_tc_tiling_on_sc=True, needs_layout_passes=False
)


K1PAIR = (K1N + 1) // 2


@functools.partial(
    pl.kernel,
    mesh=_mesh,
    out_type=jax.ShapeDtypeStruct((SR, 128), jnp.float32),
    scratch_types=[
        pltpu.VMEM((2, D, 128), jnp.float32),
        pltpu.VMEM((2, D, 128), jnp.float32),
        pltpu.VMEM((32, 128), jnp.float32),
        pltpu.SemaphoreType.DMA,
        pltpu.SemaphoreType.DMA,
        pltpu.SemaphoreType.DMA,
        pltpu.SemaphoreType.DMA,
    ],
    compiler_params=_params,
)
def _k1(tT_hbm, tail_hbm, scr_hbm, src_v, dst_v, bounce_v, r0, r1, w0, w1):
    wid = lax.axis_index("s") * NC + lax.axis_index("c")
    rsem = (r0, r1)
    wsem = (w0, w1)
    lanes = lax.iota(jnp.int32, 16)

    @pl.when(wid == 0)
    def _():
        pltpu.sync_copy(tail_hbm, bounce_v)
        pltpu.sync_copy(bounce_v, scr_hbm.at[pl.ds(64 * TCOLS_MAIN, 32)])

    def read_start(ct, p):
        pltpu.async_copy(tT_hbm.at[:, pl.ds(128 * ct, 128)], src_v.at[p], rsem[p])

    def read_wait(ct, p):
        pltpu.make_async_copy(
            tT_hbm.at[:, pl.ds(128 * ct, 128)], src_v.at[p], rsem[p]
        ).wait()

    def write_start(ct, p):
        pltpu.async_copy(dst_v.at[p], scr_hbm.at[pl.ds(64 * ct, 64)], wsem[p])

    def write_wait(ct, p):
        pltpu.make_async_copy(
            dst_v.at[p], scr_hbm.at[pl.ds(64 * ct, 64)], wsem[p]
        ).wait()

    def transpose(p):
        @plsc.parallel_loop(0, 512, unroll=8)
        def _(i):
            r0 = lax.shift_left(lax.shift_right_logical(i, 7), 4)
            c0 = lax.shift_left(lax.shift_right_logical(i, 4) & 7, 4)
            s = i & 15
            cvec = c0 + ((lanes + s) & 15)
            vals = plsc.load_gather(src_v.at[p], [r0 + lanes, cvec])
            mvec = lax.shift_right_logical(cvec, 1)
            hvec = lax.shift_left(cvec & 1, 6) + r0 + lanes
            plsc.store_scatter(dst_v.at[p], [mvec, hvec], vals)

    def ct_of(j):
        return NW * j + wid

    for p in range(2):
        @pl.when(ct_of(p) < TCOLS_MAIN)
        def _():
            read_start(ct_of(p), p)

    def body(u, carry):
        for p in range(2):
            j = 2 * u + p
            ct = ct_of(j)

            @pl.when(ct < TCOLS_MAIN)
            def _():
                read_wait(ct, p)

                @pl.when(j >= 2)
                def _():
                    write_wait(ct_of(j - 2), p)

                transpose(p)
                write_start(ct, p)
                ct2 = ct_of(j + 2)

                @pl.when(ct2 < TCOLS_MAIN)
                def _():
                    read_start(ct2, p)

        return carry

    lax.fori_loop(0, K1PAIR, body, 0)
    jl0 = 2 * (K1PAIR - 1)

    @pl.when(ct_of(jl0) < TCOLS_MAIN)
    def _():
        write_wait(ct_of(jl0), 0)

    @pl.when(ct_of(jl0) >= TCOLS_MAIN)
    def _():
        write_wait(ct_of(jl0 - 2), 0)

    write_wait(ct_of(jl0 - 1), 1)


@functools.partial(
    pl.kernel,
    mesh=_mesh,
    out_type=jax.ShapeDtypeStruct((COLS, D, ROWS), jnp.float32),
    scratch_types=[
        pltpu.VMEM((56, BPW), jnp.int32),
        pltpu.VMEM((4, 128), jnp.int32),
        pltpu.VMEM((4, 128, 128), jnp.float32),
        pltpu.VMEM((2, D, 128), jnp.float32),
        pltpu.SemaphoreType.DMA,
        pltpu.SemaphoreType.DMA,
        pltpu.SemaphoreType.DMA,
        pltpu.SemaphoreType.DMA,
        pltpu.SemaphoreType.DMA,
        pltpu.SemaphoreType.DMA,
    ],
    compiler_params=_params,
)
def _k2(ids_hbm, scr_hbm, out_hbm, idsv, midx_v, g_v, tout_v,
        g0, g1, g2, g3, s0, s1):
    wid = lax.axis_index("s") * NC + lax.axis_index("c")
    b0 = wid * BPW
    gsem = (g0, g1, g2, g3)
    ssem = (s0, s1)
    lanes = lax.iota(jnp.int32, 16)

    pltpu.sync_copy(ids_hbm.at[:, pl.ds(b0, BPW)], idsv)

    def fire_gather(t, p):
        c = t // 4
        k = t % 4
        for g in range(8):
            v = idsv[c, pl.ds(128 * k + 16 * g, 16)]
            midx_v[p, pl.ds(16 * g, 16)] = lax.shift_right_logical(v, 1)
        pltpu.async_copy(scr_hbm.at[midx_v.at[p]], g_v.at[p], gsem[p])

    def wait_gather(p):
        pltpu.make_async_copy(scr_hbm.at[midx_v.at[p]], g_v.at[p], gsem[p]).wait()

    def transpose_store(t, q, p):
        c = t // 4
        k = t % 4
        rowsl = []
        parsl = []
        for kk in range(8):
            idxv = idsv[c, pl.ds(128 * k + 16 * kk, 16)]
            parsl.append(lax.shift_left(idxv & 1, 6))
            rowsl.append(16 * kk + lanes)

        @plsc.parallel_loop(0, D, unroll=8)
        def _(d):
            for kk in range(8):
                vals = plsc.load_gather(g_v.at[p], [rowsl[kk], parsl[kk] + d])
                tout_v[q, d, pl.ds(16 * kk, 16)] = vals
        pltpu.async_copy(
            tout_v.at[q], out_hbm.at[c].at[:, pl.ds(b0 + 128 * k, 128)], ssem[q]
        )

    def wait_store(t, q):
        c = t // 4
        k = t % 4
        pltpu.make_async_copy(
            tout_v.at[q], out_hbm.at[c].at[:, pl.ds(b0 + 128 * k, 128)], ssem[q]
        ).wait()

    for p in range(4):
        fire_gather(p, p)

    def body(u, carry):
        for p in range(4):
            t = 4 * u + p
            q = p % 2
            wait_gather(p)

            @pl.when(t >= 2)
            def _():
                wait_store(t - 2, q)

            transpose_store(t, q, p)

            @pl.when(t + 4 < NCH)
            def _():
                fire_gather(t + 4, p)

        return carry

    lax.fori_loop(0, NCH // 4, body, 0)
    wait_store(NCH - 2, 0)
    wait_store(NCH - 1, 1)


def kernel(input_ids, table):
    idsT = input_ids.T.astype(jnp.int32)
    ids56 = jnp.pad(idsT, ((0, 6), (0, 0)))
    tT = table.T
    tail = table[TCOLS_MAIN * 128 : TCOLS_MAIN * 128 + 64].reshape(32, 128)
    scratch = _k1(tT, tail)
    out = _k2(ids56, scratch)
    return out.transpose(2, 0, 1)

# --- scband reference (transcript-rebuilt; emitter-appended) ---
"""Pipeline reference for scband-address-encoder-15083925144194 (READ-ONLY COPY).

The authoritative reference and input builder live on the scoring server;
editing this copy changes nothing except your own understanding.
"""

import jax, jax.numpy as jnp
import numpy as np

ADDRESS_NUM = 1000000
EMBED_DIM = 64
TABLE_ROWS = ADDRESS_NUM + 1  # module adds +1 internally

def setup_inputs(seed: int = 0) -> dict:
    key = jax.random.key(seed)
    k_idx, k_tab = jax.random.split(key)
    input_ids = jax.random.randint(k_idx, (16384, 50), 0, 1000000, dtype=jnp.int64)
    table = jax.random.normal(k_tab, (TABLE_ROWS, EMBED_DIM), dtype=jnp.float32)
    return {"input_ids": input_ids, "table": table}

def reference(input_ids, table):
    # Faithful to AddressEncoder.forward: bounds are valid by construction;
    # the lookup is nn.Embedding -> gather rows from the table.
    return jnp.take(table, input_ids, axis=0)

if __name__ == "__main__":
    import jax
    _d = setup_inputs()
    print(jax.jit(kernel)(*tuple(_d.values())))

</pallas_src>

<mosaic_0001>
#map = affine_map<(d0, d1) -> (0, 0)>
module attributes {stable_mosaic.version = 14 : i64} {
  func.func @_k1(%arg0: i32, %arg1: i32, %arg2: memref<64x1000001xf32, #tpu.memory_space<hbm>>, %arg3: memref<32x128xf32, #tpu.memory_space<hbm>>, %arg4: memref<500032x128xf32, #tpu.memory_space<hbm>>, %arg5: memref<2x64x128xf32, #tpu.memory_space<vmem>>, %arg6: memref<2x64x128xf32, #tpu.memory_space<vmem>>, %arg7: memref<32x128xf32, #tpu.memory_space<vmem>>, %arg8: memref<!tpu.dma_semaphore, #tpu.memory_space<semaphore_mem>>, %arg9: memref<!tpu.dma_semaphore, #tpu.memory_space<semaphore_mem>>, %arg10: memref<!tpu.dma_semaphore, #tpu.memory_space<semaphore_mem>>, %arg11: memref<!tpu.dma_semaphore, #tpu.memory_space<semaphore_mem>>) attributes {dimension_semantics = [#tpu.dimension_semantics<core_parallel>, #tpu.dimension_semantics<subcore_parallel>], iteration_bounds = array<i64: 2, 16>, scalar_prefetch = 0 : i64, scratch_operands = 7 : i64, tpu.core_type = #tpu.core_type<sc_vector_subcore>, window_params = [{transform_indices = #map}, {transform_indices = #map}, {transform_indices = #map}]} {
    %mul3A = arith.constant 2 : i32
    %mul3A_0 = arith.muli %arg1, %mul3A : i32
    %add3A = arith.addi %mul3A_0, %arg0 : i32
    %iota3A = tpu.iota {dimensions = array<i32: 0>} : vector<16xi32>
    %eq3A = arith.constant 0 : i32
    %eq3A_1 = arith.cmpi eq, %add3A, %eq3A : i32
    %convert_element_type3A = arith.extui %eq3A_1 : i1 to i32
    %cond3A = arith.constant 0 : i32
    %cond3A_2 = arith.cmpi ne, %convert_element_type3A, %cond3A : i32
    scf.if %cond3A_2 {
      "tpu.region"() ({
        %run_scoped3A = tpu.sem_alloc : memref<!tpu.dma_semaphore, #tpu.memory_space<semaphore_mem>>
        tpu.enqueue_dma source(%arg3 : memref<32x128xf32, #tpu.memory_space<hbm>>) target(%arg7 : memref<32x128xf32, #tpu.memory_space<vmem>>) target_semaphore(%run_scoped3A : memref<!tpu.dma_semaphore, #tpu.memory_space<semaphore_mem>>)
        tpu.wait_dma2 semaphore(%run_scoped3A : memref<!tpu.dma_semaphore, #tpu.memory_space<semaphore_mem>>) src(%arg3 : memref<32x128xf32, #tpu.memory_space<hbm>>) dst(%arg7 : memref<32x128xf32, #tpu.memory_space<vmem>>)
        tpu.yield
      }) : () -> ()
      "tpu.region"() ({
        %run_scoped3A = tpu.sem_alloc : memref<!tpu.dma_semaphore, #tpu.memory_space<semaphore_mem>>
        %dma_start3A = arith.constant 499968 : i32
        %dma_start3A_50 = arith.constant 0 : i32
        %dma_start3A_51 = tpu.memref_slice %arg4[%dma_start3A, %dma_start3A_50] : memref<500032x128xf32, #tpu.memory_space<hbm>> -> memref<32x128xf32, #tpu.memory_space<hbm>>
        %dma_start3A_52 = arith.constant 499968 : i32
        %dma_start3A_53 = arith.constant 0 : i32
        %dma_start3A_54 = tpu.memref_slice %arg4[%dma_start3A_52, %dma_start3A_53] : memref<500032x128xf32, #tpu.memory_space<hbm>> -> memref<32x128xf32, #tpu.memory_space<hbm>>
        tpu.enqueue_dma source(%arg7 : memref<32x128xf32, #tpu.memory_space<vmem>>) target(%dma_start3A_54 : memref<32x128xf32, #tpu.memory_space<hbm>>) target_semaphore(%run_scoped3A : memref<!tpu.dma_semaphore, #tpu.memory_space<semaphore_mem>>)
        %dma_wait3A_55 = arith.constant 499968 : i32
        %dma_wait3A_56 = arith.constant 0 : i32
        %dma_wait3A_57 = tpu.memref_slice %arg4[%dma_wait3A_55, %dma_wait3A_56] : memref<500032x128xf32, #tpu.memory_space<hbm>> -> memref<32x128xf32, #tpu.memory_space<hbm>>
        %dma_wait3A_58 = arith.constant 499968 : i32
        %dma_wait3A_59 = arith.constant 0 : i32
        %dma_wait3A_60 = tpu.memref_slice %arg4[%dma_wait3A_58, %dma_wait3A_59] : memref<500032x128xf32, #tpu.memory_space<hbm>> -> memref<32x128xf32, #tpu.memory_space<hbm>>
        tpu.wait_dma2 semaphore(%run_scoped3A : memref<!tpu.dma_semaphore, #tpu.memory_space<semaphore_mem>>) src(%arg7 : memref<32x128xf32, #tpu.memory_space<vmem>>) dst(%dma_wait3A_60 : memref<32x128xf32, #tpu.memory_space<hbm>>)
        tpu.yield
      }) : () -> ()
    } else {
    }
    %add3A_3 = arith.constant 0 : i32
    %add3A_4 = arith.addi %add3A_3, %add3A : i32
    %lt3A = arith.constant 7812 : i32
    %lt3A_5 = arith.cmpi slt, %add3A_4, %lt3A : i32
    %convert_element_type3A_6 = arith.extui %lt3A_5 : i1 to i32
    %cond3A_7 = arith.constant 0 : i32
    %cond3A_8 = arith.cmpi ne, %convert_element_type3A_6, %cond3A_7 : i32
    scf.if %cond3A_8 {
      %add3A_50 = arith.constant 0 : i32
      %add3A_51 = arith.addi %add3A_50, %add3A : i32
      %mul3A_52 = arith.constant 128 : i32
      %mul3A_53 = arith.muli %mul3A_52, %add3A_51 : i32
      %dma_start3A = arith.constant 0 : i32
      %dma_start3A_54 = arith.constant 0 : i32
      %dma_start3A_55 = arith.constant 0 : i32
      %dma_start3A_56 = tpu.memref_slice %arg5[%dma_start3A, %dma_start3A_54, %dma_start3A_55] : memref<2x64x128xf32, #tpu.memory_space<vmem>> -> memref<1x64x128xf32, #tpu.memory_space<vmem>>
      %dma_start3A_57 = tpu.memref_squeeze %dma_start3A_56 : memref<1x64x128xf32, #tpu.memory_space<vmem>> -> memref<64x128xf32, #tpu.memory_space<vmem>>
      %dma_start3A_58 = arith.constant 0 : i32
      %dma_start3A_59 = tpu.memref_slice %arg2[%dma_start3A_58, %mul3A_53] : memref<64x1000001xf32, #tpu.memory_space<hbm>> -> memref<64x128xf32, #tpu.memory_space<hbm>>
      %dma_start3A_60 = arith.constant 0 : i32
      %dma_start3A_61 = arith.constant 0 : i32
      %dma_start3A_62 = tpu.memref_slice %arg5[%dma_start3A, %dma_start3A_60, %dma_start3A_61] : memref<2x64x128xf32, #tpu.memory_space<vmem>> -> memref<1x64x128xf32, #tpu.memory_space<vmem>>
      %dma_start3A_63 = tpu.memref_squeeze %dma_start3A_62 : memref<1x64x128xf32, #tpu.memory_space<vmem>> -> memref<64x128xf32, #tpu.memory_space<vmem>>
      %dma_start3A_64 = arith.constant 0 : i32
      %dma_start3A_65 = tpu.memref_slice %arg2[%dma_start3A_64, %mul3A_53] : memref<64x1000001xf32, #tpu.memory_space<hbm>> -> memref<64x128xf32, #tpu.memory_space<hbm>>
      tpu.enqueue_dma source(%dma_start3A_65 : memref<64x128xf32, #tpu.memory_space<hbm>>) target(%dma_start3A_63 : memref<64x128xf32, #tpu.memory_space<vmem>>) target_semaphore(%arg8 : memref<!tpu.dma_semaphore, #tpu.memory_space<semaphore_mem>>)
    } else {
    }
    %add3A_9 = arith.constant 32 : i32
    %add3A_10 = arith.addi %add3A_9, %add3A : i32
    %lt3A_11 = arith.constant 7812 : i32
    %lt3A_12 = arith.cmpi slt, %add3A_10, %lt3A_11 : i32
    %convert_element_type3A_13 = arith.extui %lt3A_12 : i1 to i32
    %cond3A_14 = arith.constant 0 : i32
    %cond3A_15 = arith.cmpi ne, %convert_element_type3A_13, %cond3A_14 : i32
    scf.if %cond3A_15 {
      %add3A_50 = arith.constant 32 : i32
      %add3A_51 = arith.addi %add3A_50, %add3A : i32
      %mul3A_52 = arith.constant 128 : i32
      %mul3A_53 = arith.muli %mul3A_52, %add3A_51 : i32
      %dma_start3A = arith.constant 1 : i32
      %dma_start3A_54 = arith.constant 0 : i32
      %dma_start3A_55 = arith.constant 0 : i32
      %dma_start3A_56 = tpu.memref_slice %arg5[%dma_start3A, %dma_start3A_54, %dma_start3A_55] : memref<2x64x128xf32, #tpu.memory_space<vmem>> -> memref<1x64x128xf32, #tpu.memory_space<vmem>>
      %dma_start3A_57 = tpu.memref_squeeze %dma_start3A_56 : memref<1x64x128xf32, #tpu.memory_space<vmem>> -> memref<64x128xf32, #tpu.memory_space<vmem>>
      %dma_start3A_58 = arith.constant 0 : i32
      %dma_start3A_59 = tpu.memref_slice %arg2[%dma_start3A_58, %mul3A_53] : memref<64x1000001xf32, #tpu.memory_space<hbm>> -> memref<64x128xf32, #tpu.memory_space<hbm>>
      %dma_start3A_60 = arith.constant 0 : i32
      %dma_start3A_61 = arith.constant 0 : i32
      %dma_start3A_62 = tpu.memref_slice %arg5[%dma_start3A, %dma_start3A_60, %dma_start3A_61] : memref<2x64x128xf32, #tpu.memory_space<vmem>> -> memref<1x64x128xf32, #tpu.memory_space<vmem>>
      %dma_start3A_63 = tpu.memref_squeeze %dma_start3A_62 : memref<1x64x128xf32, #tpu.memory_space<vmem>> -> memref<64x128xf32, #tpu.memory_space<vmem>>
      %dma_start3A_64 = arith.constant 0 : i32
      %dma_start3A_65 = tpu.memref_slice %arg2[%dma_start3A_64, %mul3A_53] : memref<64x1000001xf32, #tpu.memory_space<hbm>> -> memref<64x128xf32, #tpu.memory_space<hbm>>
      tpu.enqueue_dma source(%dma_start3A_65 : memref<64x128xf32, #tpu.memory_space<hbm>>) target(%dma_start3A_63 : memref<64x128xf32, #tpu.memory_space<vmem>>) target_semaphore(%arg9 : memref<!tpu.dma_semaphore, #tpu.memory_space<semaphore_mem>>)
    } else {
    }
    %scan3A = arith.constant 0 : i32
    %scan3A_16 = arith.constant 0 : i32
    %scan3A_17 = arith.constant 123 : i32
    %scan3A_18 = arith.addi %scan3A_16, %scan3A_17 : i32
    %scan3A_19 = arith.constant 1 : i32
    scf.for %scan3A_50 = %scan3A_16 to %scan3A_18 step %scan3A_19  : i32 {
      %mul3A_51 = arith.constant 2 : i32
      %mul3A_52 = arith.muli %mul3A_51, %scan3A_50 : i32
      %add3A_53 = arith.constant 0 : i32
      %add3A_54 = arith.addi %mul3A_52, %add3A_53 : i32
      %mul3A_55 = arith.constant 32 : i32
      %mul3A_56 = arith.muli %mul3A_55, %add3A_54 : i32
      %add3A_57 = arith.addi %mul3A_56, %add3A : i32
      %lt3A_58 = arith.constant 7812 : i32
      %lt3A_59 = arith.cmpi slt, %add3A_57, %lt3A_58 : i32
      %convert_element_type3A_60 = arith.extui %lt3A_59 : i1 to i32
      %cond3A_61 = arith.constant 0 : i32
      %cond3A_62 = arith.cmpi ne, %convert_element_type3A_60, %cond3A_61 : i32
      scf.if %cond3A_62 {
        %mul3A_75 = arith.constant 128 : i32
        %mul3A_76 = arith.muli %mul3A_75, %add3A_57 : i32
        %dma_wait3A_77 = arith.constant 0 : i32
        %dma_wait3A_78 = arith.constant 0 : i32
        %dma_wait3A_79 = arith.constant 0 : i32
        %dma_wait3A_80 = tpu.memref_slice %arg5[%dma_wait3A_77, %dma_wait3A_78, %dma_wait3A_79] : memref<2x64x128xf32, #tpu.memory_space<vmem>> -> memref<1x64x128xf32, #tpu.memory_space<vmem>>
        %dma_wait3A_81 = tpu.memref_squeeze %dma_wait3A_80 : memref<1x64x128xf32, #tpu.memory_space<vmem>> -> memref<64x128xf32, #tpu.memory_space<vmem>>
        %dma_wait3A_82 = arith.constant 0 : i32
        %dma_wait3A_83 = tpu.memref_slice %arg2[%dma_wait3A_82, %mul3A_76] : memref<64x1000001xf32, #tpu.memory_space<hbm>> -> memref<64x128xf32, #tpu.memory_space<hbm>>
        %dma_wait3A_84 = arith.constant 0 : i32
        %dma_wait3A_85 = arith.constant 0 : i32
        %dma_wait3A_86 = tpu.memref_slice %arg5[%dma_wait3A_77, %dma_wait3A_84, %dma_wait3A_85] : memref<2x64x128xf32, #tpu.memory_space<vmem>> -> memref<1x64x128xf32, #tpu.memory_space<vmem>>
        %dma_wait3A_87 = tpu.memref_squeeze %dma_wait3A_86 : memref<1x64x128xf32, #tpu.memory_space<vmem>> -> memref<64x128xf32, #tpu.memory_space<vmem>>
        %dma_wait3A_88 = arith.constant 0 : i32
        %dma_wait3A_89 = tpu.memref_slice %arg2[%dma_wait3A_88, %mul3A_76] : memref<64x1000001xf32, #tpu.memory_space<hbm>> -> memref<64x128xf32, #tpu.memory_space<hbm>>
        tpu.wait_dma2 semaphore(%arg8 : memref<!tpu.dma_semaphore, #tpu.memory_space<semaphore_mem>>) src(%dma_wait3A_89 : memref<64x128xf32, #tpu.memory_space<hbm>>) dst(%dma_wait3A_87 : memref<64x128xf32, #tpu.memory_space<vmem>>)
        %ge3A_90 = arith.constant 2 : i32
        %ge3A_91 = arith.cmpi sge, %add3A_54, %ge3A_90 : i32
        %convert_element_type3A_92 = arith.extui %ge3A_91 : i1 to i32
        %cond3A_93 = arith.constant 0 : i32
        %cond3A_94 = arith.cmpi ne, %convert_element_type3A_92, %cond3A_93 : i32
        scf.if %cond3A_94 {
          %sub3A = arith.constant 2 : i32
          %sub3A_121 = arith.subi %add3A_54, %sub3A : i32
          %mul3A_122 = arith.constant 32 : i32
          %mul3A_123 = arith.muli %mul3A_122, %sub3A_121 : i32
          %add3A_124 = arith.addi %mul3A_123, %add3A : i32
          %mul3A_125 = arith.constant 64 : i32
          %mul3A_126 = arith.muli %mul3A_125, %add3A_124 : i32
          %dma_wait3A_127 = arith.constant 0 : i32
          %dma_wait3A_128 = arith.constant 0 : i32
          %dma_wait3A_129 = arith.constant 0 : i32
          %dma_wait3A_130 = tpu.memref_slice %arg6[%dma_wait3A_127, %dma_wait3A_128, %dma_wait3A_129] : memref<2x64x128xf32, #tpu.memory_space<vmem>> -> memref<1x64x128xf32, #tpu.memory_space<vmem>>
          %dma_wait3A_131 = tpu.memref_squeeze %dma_wait3A_130 : memref<1x64x128xf32, #tpu.memory_space<vmem>> -> memref<64x128xf32, #tpu.memory_space<vmem>>
          %dma_wait3A_132 = arith.constant 0 : i32
          %dma_wait3A_133 = tpu.memref_slice %arg4[%mul3A_126, %dma_wait3A_132] : memref<500032x128xf32, #tpu.memory_space<hbm>> -> memref<64x128xf32, #tpu.memory_space<hbm>>
          %dma_wait3A_134 = arith.constant 0 : i32
          %dma_wait3A_135 = tpu.memref_slice %arg4[%mul3A_126, %dma_wait3A_134] : memref<500032x128xf32, #tpu.memory_space<hbm>> -> memref<64x128xf32, #tpu.memory_space<hbm>>
          %dma_wait3A_136 = arith.constant 0 : i32
          %dma_wait3A_137 = arith.constant 0 : i32
          %dma_wait3A_138 = tpu.memref_slice %arg6[%dma_wait3A_127, %dma_wait3A_136, %dma_wait3A_137] : memref<2x64x128xf32, #tpu.memory_space<vmem>> -> memref<1x64x128xf32, #tpu.memory_space<vmem>>
          %dma_wait3A_139 = tpu.memref_squeeze %dma_wait3A_138 : memref<1x64x128xf32, #tpu.memory_space<vmem>> -> memref<64x128xf32, #tpu.memory_space<vmem>>
          tpu.wait_dma2 semaphore(%arg10 : memref<!tpu.dma_semaphore, #tpu.memory_space<semaphore_mem>>) src(%dma_wait3A_139 : memref<64x128xf32, #tpu.memory_space<vmem>>) dst(%dma_wait3A_135 : memref<64x128xf32, #tpu.memory_space<hbm>>)
        } else {
        }
        %parallel_loop3A = arith.constant 0 : i32
        %parallel_loop3A_95 = arith.constant 512 : i32
        %parallel_loop3A_96 = arith.constant 1 : i32
        scf.for %parallel_loop3A_121 = %parallel_loop3A to %parallel_loop3A_95 step %parallel_loop3A_96  : i32 {
          %parallel_loop3A_122 = arith.constant 7 : i32
          %parallel_loop3A_123 = arith.shrui %parallel_loop3A_121, %parallel_loop3A_122 : i32
          %parallel_loop3A_124 = arith.constant 4 : i32
          %parallel_loop3A_125 = arith.shli %parallel_loop3A_123, %parallel_loop3A_124 : i32
          %parallel_loop3A_126 = arith.constant 4 : i32
          %parallel_loop3A_127 = arith.shrui %parallel_loop3A_121, %parallel_loop3A_126 : i32
          %parallel_loop3A_128 = arith.constant 7 : i32
          %parallel_loop3A_129 = arith.andi %parallel_loop3A_127, %parallel_loop3A_128 : i32
          %parallel_loop3A_130 = arith.constant 4 : i32
          %parallel_loop3A_131 = arith.shli %parallel_loop3A_129, %parallel_loop3A_130 : i32
          %parallel_loop3A_132 = arith.constant 15 : i32
          %parallel_loop3A_133 = arith.andi %parallel_loop3A_121, %parallel_loop3A_132 : i32
          %parallel_loop3A_134 = vector.broadcast %parallel_loop3A_133 : i32 to vector<16xi32>
          %parallel_loop3A_135 = arith.addi %iota3A, %parallel_loop3A_134 : vector<16xi32>
          %parallel_loop3A_136 = arith.constant 15 : i32
          %parallel_loop3A_137 = vector.broadcast %parallel_loop3A_136 : i32 to vector<16xi32>
          %parallel_loop3A_138 = arith.andi %parallel_loop3A_135, %parallel_loop3A_137 : vector<16xi32>
          %parallel_loop3A_139 = vector.broadcast %parallel_loop3A_131 : i32 to vector<16xi32>
          %parallel_loop3A_140 = arith.addi %parallel_loop3A_139, %parallel_loop3A_138 : vector<16xi32>
          %parallel_loop3A_141 = vector.broadcast %parallel_loop3A_125 : i32 to vector<16xi32>
          %parallel_loop3A_142 = arith.addi %parallel_loop3A_141, %iota3A : vector<16xi32>
          %parallel_loop3A_143 = arith.constant 0 : i32
          %parallel_loop3A_144 = arith.constant 0 : i32
          %parallel_loop3A_145 = arith.constant 0 : i32
          %parallel_loop3A_146 = tpu.memref_slice %arg5[%parallel_loop3A_143, %parallel_loop3A_144, %parallel_loop3A_145] : memref<2x64x128xf32, #tpu.memory_space<vmem>> -> memref<1x64x128xf32, #tpu.memory_space<vmem>>
          %parallel_loop3A_147 = tpu.memref_squeeze %parallel_loop3A_146 : memref<1x64x128xf32, #tpu.memory_space<vmem>> -> memref<64x128xf32, #tpu.memory_space<vmem>>
          %parallel_loop3A_148 = tpu.vector_load_idx %parallel_loop3A_147[%parallel_loop3A_142, %parallel_loop3A_140] : memref<64x128xf32, #tpu.memory_space<vmem>>[vector<16xi32>, vector<16xi32>], vector<16xf32>,
          %parallel_loop3A_149 = arith.constant 1 : i32
          %parallel_loop3A_150 = vector.broadcast %parallel_loop3A_149 : i32 to vector<16xi32>
          %parallel_loop3A_151 = arith.shrui %parallel_loop3A_140, %parallel_loop3A_150 : vector<16xi32>
          %parallel_loop3A_152 = arith.constant 1 : i32
          %parallel_loop3A_153 = vector.broadcast %parallel_loop3A_152 : i32 to vector<16xi32>
          %parallel_loop3A_154 = arith.andi %parallel_loop3A_140, %parallel_loop3A_153 : vector<16xi32>
          %parallel_loop3A_155 = arith.constant 6 : i32
          %parallel_loop3A_156 = vector.broadcast %parallel_loop3A_155 : i32 to vector<16xi32>
          %parallel_loop3A_157 = arith.shli %parallel_loop3A_154, %parallel_loop3A_156 : vector<16xi32>
          %parallel_loop3A_158 = vector.broadcast %parallel_loop3A_125 : i32 to vector<16xi32>
          %parallel_loop3A_159 = arith.addi %parallel_loop3A_157, %parallel_loop3A_158 : vector<16xi32>
          %parallel_loop3A_160 = arith.addi %parallel_loop3A_159, %iota3A : vector<16xi32>
          %parallel_loop3A_161 = arith.constant 0 : i32
          %parallel_loop3A_162 = arith.constant 0 : i32
          %parallel_loop3A_163 = arith.constant 0 : i32
          %parallel_loop3A_164 = tpu.memref_slice %arg6[%parallel_loop3A_161, %parallel_loop3A_162, %parallel_loop3A_163] : memref<2x64x128xf32, #tpu.memory_space<vmem>> -> memref<1x64x128xf32, #tpu.memory_space<vmem>>
          %parallel_loop3A_165 = tpu.memref_squeeze %parallel_loop3A_164 : memref<1x64x128xf32, #tpu.memory_space<vmem>> -> memref<64x128xf32, #tpu.memory_space<vmem>>
          tpu.vector_store_idx %parallel_loop3A_165[%parallel_loop3A_151, %parallel_loop3A_160], %parallel_loop3A_148 : memref<64x128xf32, #tpu.memory_space<vmem>>[vector<16xi32>, vector<16xi32>], vector<16xf32>,
        } {sc.loop_unroll_factor = 8 : i64, sc.parallel_access}
        %mul3A_97 = arith.constant 64 : i32
        %mul3A_98 = arith.muli %mul3A_97, %add3A_57 : i32
        %dma_start3A = arith.constant 0 : i32
        %dma_start3A_99 = arith.constant 0 : i32
        %dma_start3A_100 = arith.constant 0 : i32
        %dma_start3A_101 = tpu.memref_slice %arg6[%dma_start3A, %dma_start3A_99, %dma_start3A_100] : memref<2x64x128xf32, #tpu.memory_space<vmem>> -> memref<1x64x128xf32, #tpu.memory_space<vmem>>
        %dma_start3A_102 = tpu.memref_squeeze %dma_start3A_101 : memref<1x64x128xf32, #tpu.memory_space<vmem>> -> memref<64x128xf32, #tpu.memory_space<vmem>>
        %dma_start3A_103 = arith.constant 0 : i32
        %dma_start3A_104 = tpu.memref_slice %arg4[%mul3A_98, %dma_start3A_103] : memref<500032x128xf32, #tpu.memory_space<hbm>> -> memref<64x128xf32, #tpu.memory_space<hbm>>
        %dma_start3A_105 = arith.constant 0 : i32
        %dma_start3A_106 = tpu.memref_slice %arg4[%mul3A_98, %dma_start3A_105] : memref<500032x128xf32, #tpu.memory_space<hbm>> -> memref<64x128xf32, #tpu.memory_space<hbm>>
        %dma_start3A_107 = arith.constant 0 : i32
        %dma_start3A_108 = arith.constant 0 : i32
        %dma_start3A_109 = tpu.memref_slice %arg6[%dma_start3A, %dma_start3A_107, %dma_start3A_108] : memref<2x64x128xf32, #tpu.memory_space<vmem>> -> memref<1x64x128xf32, #tpu.memory_space<vmem>>
        %dma_start3A_110 = tpu.memref_squeeze %dma_start3A_109 : memref<1x64x128xf32, #tpu.memory_space<vmem>> -> memref<64x128xf32, #tpu.memory_space<vmem>>
        tpu.enqueue_dma source(%dma_start3A_110 : memref<64x128xf32, #tpu.memory_space<vmem>>) target(%dma_start3A_106 : memref<64x128xf32, #tpu.memory_space<hbm>>) target_semaphore(%arg10 : memref<!tpu.dma_semaphore, #tpu.memory_space<semaphore_mem>>)
        %add3A_111 = arith.constant 2 : i32
        %add3A_112 = arith.addi %add3A_54, %add3A_111 : i32
        %mul3A_113 = arith.constant 32 : i32
        %mul3A_114 = arith.muli %mul3A_113, %add3A_112 : i32
        %add3A_115 = arith.addi %mul3A_114, %add3A : i32
        %lt3A_116 = arith.constant 7812 : i32
        %lt3A_117 = arith.cmpi slt, %add3A_115, %lt3A_116 : i32
        %convert_element_type3A_118 = arith.extui %lt3A_117 : i1 to i32
        %cond3A_119 = arith.constant 0 : i32
        %cond3A_120 = arith.cmpi ne, %convert_element_type3A_118, %cond3A_119 : i32
        scf.if %cond3A_120 {
          %mul3A_121 = arith.constant 128 : i32
          %mul3A_122 = arith.muli %mul3A_121, %add3A_115 : i32
          %dma_start3A_123 = arith.constant 0 : i32
          %dma_start3A_124 = arith.constant 0 : i32
          %dma_start3A_125 = arith.constant 0 : i32
          %dma_start3A_126 = tpu.memref_slice %arg5[%dma_start3A_123, %dma_start3A_124, %dma_start3A_125] : memref<2x64x128xf32, #tpu.memory_space<vmem>> -> memref<1x64x128xf32, #tpu.memory_space<vmem>>
          %dma_start3A_127 = tpu.memref_squeeze %dma_start3A_126 : memref<1x64x128xf32, #tpu.memory_space<vmem>> -> memref<64x128xf32, #tpu.memory_space<vmem>>
          %dma_start3A_128 = arith.constant 0 : i32
          %dma_start3A_129 = tpu.memref_slice %arg2[%dma_start3A_128, %mul3A_122] : memref<64x1000001xf32, #tpu.memory_space<hbm>> -> memref<64x128xf32, #tpu.memory_space<hbm>>
          %dma_start3A_130 = arith.constant 0 : i32
          %dma_start3A_131 = arith.constant 0 : i32
          %dma_start3A_132 = tpu.memref_slice %arg5[%dma_start3A_123, %dma_start3A_130, %dma_start3A_131] : memref<2x64x128xf32, #tpu.memory_space<vmem>> -> memref<1x64x128xf32, #tpu.memory_space<vmem>>
          %dma_start3A_133 = tpu.memref_squeeze %dma_start3A_132 : memref<1x64x128xf32, #tpu.memory_space<vmem>> -> memref<64x128xf32, #tpu.memory_space<vmem>>
          %dma_start3A_134 = arith.constant 0 : i32
          %dma_start3A_135 = tpu.memref_slice %arg2[%dma_start3A_134, %mul3A_122] : memref<64x1000001xf32, #tpu.memory_space<hbm>> -> memref<64x128xf32, #tpu.memory_space<hbm>>
          tpu.enqueue_dma source(%dma_start3A_135 : memref<64x128xf32, #tpu.memory_space<hbm>>) target(%dma_start3A_133 : memref<64x128xf32, #tpu.memory_space<vmem>>) target_semaphore(%arg8 : memref<!tpu.dma_semaphore, #tpu.memory_space<semaphore_mem>>)
        } else {
        }
      } else {
      }
      %mul3A_63 = arith.constant 2 : i32
      %mul3A_64 = arith.muli %mul3A_63, %scan3A_50 : i32
      %add3A_65 = arith.constant 1 : i32
      %add3A_66 = arith.addi %mul3A_64, %add3A_65 : i32
      %mul3A_67 = arith.constant 32 : i32
      %mul3A_68 = arith.muli %mul3A_67, %add3A_66 : i32
      %add3A_69 = arith.addi %mul3A_68, %add3A : i32
      %lt3A_70 = arith.constant 7812 : i32
      %lt3A_71 = arith.cmpi slt, %add3A_69, %lt3A_70 : i32
      %convert_element_type3A_72 = arith.extui %lt3A_71 : i1 to i32
      %cond3A_73 = arith.constant 0 : i32
      %cond3A_74 = arith.cmpi ne, %convert_element_type3A_72, %cond3A_73 : i32
      scf.if %cond3A_74 {
        %mul3A_75 = arith.constant 128 : i32
        %mul3A_76 = arith.muli %mul3A_75, %add3A_69 : i32
        %dma_wait3A_77 = arith.constant 1 : i32
        %dma_wait3A_78 = arith.constant 0 : i32
        %dma_wait3A_79 = arith.constant 0 : i32
        %dma_wait3A_80 = tpu.memref_slice %arg5[%dma_wait3A_77, %dma_wait3A_78, %dma_wait3A_79] : memref<2x64x128xf32, #tpu.memory_space<vmem>> -> memref<1x64x128xf32, #tpu.memory_space<vmem>>
        %dma_wait3A_81 = tpu.memref_squeeze %dma_wait3A_80 : memref<1x64x128xf32, #tpu.memory_space<vmem>> -> memref<64x128xf32, #tpu.memory_space<vmem>>
        %dma_wait3A_82 = arith.constant 0 : i32
        %dma_wait3A_83 = tpu.memref_slice %arg2[%dma_wait3A_82, %mul3A_76] : memref<64x1000001xf32, #tpu.memory_space<hbm>> -> memref<64x128xf32, #tpu.memory_space<hbm>>
        %dma_wait3A_84 = arith.constant 0 : i32
        %dma_wait3A_85 = arith.constant 0 : i32
        %dma_wait3A_86 = tpu.memref_slice %arg5[%dma_wait3A_77, %dma_wait3A_84, %dma_wait3A_85] : memref<2x64x128xf32, #tpu.memory_space<vmem>> -> memref<1x64x128xf32, #tpu.memory_space<vmem>>
        %dma_wait3A_87 = tpu.memref_squeeze %dma_wait3A_86 : memref<1x64x128xf32, #tpu.memory_space<vmem>> -> memref<64x128xf32, #tpu.memory_space<vmem>>
        %dma_wait3A_88 = arith.constant 0 : i32
        %dma_wait3A_89 = tpu.memref_slice %arg2[%dma_wait3A_88, %mul3A_76] : memref<64x1000001xf32, #tpu.memory_space<hbm>> -> memref<64x128xf32, #tpu.memory_space<hbm>>
        tpu.wait_dma2 semaphore(%arg9 : memref<!tpu.dma_semaphore, #tpu.memory_space<semaphore_mem>>) src(%dma_wait3A_89 : memref<64x128xf32, #tpu.memory_space<hbm>>) dst(%dma_wait3A_87 : memref<64x128xf32, #tpu.memory_space<vmem>>)
        %ge3A_90 = arith.constant 2 : i32
        %ge3A_91 = arith.cmpi sge, %add3A_66, %ge3A_90 : i32
        %convert_element_type3A_92 = arith.extui %ge3A_91 : i1 to i32
        %cond3A_93 = arith.constant 0 : i32
        %cond3A_94 = arith.cmpi ne, %convert_element_type3A_92, %cond3A_93 : i32
        scf.if %cond3A_94 {
          %sub3A = arith.constant 2 : i32
          %sub3A_121 = arith.subi %add3A_66, %sub3A : i32
          %mul3A_122 = arith.constant 32 : i32
          %mul3A_123 = arith.muli %mul3A_122, %sub3A_121 : i32
          %add3A_124 = arith.addi %mul3A_123, %add3A : i32
          %mul3A_125 = arith.constant 64 : i32
          %mul3A_126 = arith.muli %mul3A_125, %add3A_124 : i32
          %dma_wait3A_127 = arith.constant 1 : i32
          %dma_wait3A_128 = arith.constant 0 : i32
          %dma_wait3A_129 = arith.constant 0 : i32
          %dma_wait3A_130 = tpu.memref_slice %arg6[%dma_wait3A_127, %dma_wait3A_128, %dma_wait3A_129] : memref<2x64x128xf32, #tpu.memory_space<vmem>> -> memref<1x64x128xf32, #tpu.memory_space<vmem>>
          %dma_wait3A_131 = tpu.memref_squeeze %dma_wait3A_130 : memref<1x64x128xf32, #tpu.memory_space<vmem>> -> memref<64x128xf32, #tpu.memory_space<vmem>>
          %dma_wait3A_132 = arith.constant 0 : i32
          %dma_wait3A_133 = tpu.memref_slice %arg4[%mul3A_126, %dma_wait3A_132] : memref<500032x128xf32, #tpu.memory_space<hbm>> -> memref<64x128xf32, #tpu.memory_space<hbm>>
          %dma_wait3A_134 = arith.constant 0 : i32
          %dma_wait3A_135 = tpu.memref_slice %arg4[%mul3A_126, %dma_wait3A_134] : memref<500032x128xf32, #tpu.memory_space<hbm>> -> memref<64x128xf32, #tpu.memory_space<hbm>>
          %dma_wait3A_136 = arith.constant 0 : i32
          %dma_wait3A_137 = arith.constant 0 : i32
          %dma_wait3A_138 = tpu.memref_slice %arg6[%dma_wait3A_127, %dma_wait3A_136, %dma_wait3A_137] : memref<2x64x128xf32, #tpu.memory_space<vmem>> -> memref<1x64x128xf32, #tpu.memory_space<vmem>>
          %dma_wait3A_139 = tpu.memref_squeeze %dma_wait3A_138 : memref<1x64x128xf32, #tpu.memory_space<vmem>> -> memref<64x128xf32, #tpu.memory_space<vmem>>
          tpu.wait_dma2 semaphore(%arg11 : memref<!tpu.dma_semaphore, #tpu.memory_space<semaphore_mem>>) src(%dma_wait3A_139 : memref<64x128xf32, #tpu.memory_space<vmem>>) dst(%dma_wait3A_135 : memref<64x128xf32, #tpu.memory_space<hbm>>)
        } else {
        }
        %parallel_loop3A = arith.constant 0 : i32
        %parallel_loop3A_95 = arith.constant 512 : i32
        %parallel_loop3A_96 = arith.constant 1 : i32
        scf.for %parallel_loop3A_121 = %parallel_loop3A to %parallel_loop3A_95 step %parallel_loop3A_96  : i32 {
          %parallel_loop3A_122 = arith.constant 7 : i32
          %parallel_loop3A_123 = arith.shrui %parallel_loop3A_121, %parallel_loop3A_122 : i32
          %parallel_loop3A_124 = arith.constant 4 : i32
          %parallel_loop3A_125 = arith.shli %parallel_loop3A_123, %parallel_loop3A_124 : i32
          %parallel_loop3A_126 = arith.constant 4 : i32
          %parallel_loop3A_127 = arith.shrui %parallel_loop3A_121, %parallel_loop3A_126 : i32
          %parallel_loop3A_128 = arith.constant 7 : i32
          %parallel_loop3A_129 = arith.andi %parallel_loop3A_127, %parallel_loop3A_128 : i32
          %parallel_loop3A_130 = arith.constant 4 : i32
          %parallel_loop3A_131 = arith.shli %parallel_loop3A_129, %parallel_loop3A_130 : i32
          %parallel_loop3A_132 = arith.constant 15 : i32
          %parallel_loop3A_133 = arith.andi %parallel_loop3A_121, %parallel_loop3A_132 : i32
          %parallel_loop3A_134 = vector.broadcast %parallel_loop3A_133 : i32 to vector<16xi32>
          %parallel_loop3A_135 = arith.addi %iota3A, %parallel_loop3A_134 : vector<16xi32>
          %parallel_loop3A_136 = arith.constant 15 : i32
          %parallel_loop3A_137 = vector.broadcast %parallel_loop3A_136 : i32 to vector<16xi32>
          %parallel_loop3A_138 = arith.andi %parallel_loop3A_135, %parallel_loop3A_137 : vector<16xi32>
          %parallel_loop3A_139 = vector.broadcast %parallel_loop3A_131 : i32 to vector<16xi32>
          %parallel_loop3A_140 = arith.addi %parallel_loop3A_139, %parallel_loop3A_138 : vector<16xi32>
          %parallel_loop3A_141 = vector.broadcast %parallel_loop3A_125 : i32 to vector<16xi32>
          %parallel_loop3A_142 = arith.addi %parallel_loop3A_141, %iota3A : vector<16xi32>
          %parallel_loop3A_143 = arith.constant 1 : i32
          %parallel_loop3A_144 = arith.constant 0 : i32
          %parallel_loop3A_145 = arith.constant 0 : i32
          %parallel_loop3A_146 = tpu.memref_slice %arg5[%parallel_loop3A_143, %parallel_loop3A_144, %parallel_loop3A_145] : memref<2x64x128xf32, #tpu.memory_space<vmem>> -> memref<1x64x128xf32, #tpu.memory_space<vmem>>
          %parallel_loop3A_147 = tpu.memref_squeeze %parallel_loop3A_146 : memref<1x64x128xf32, #tpu.memory_space<vmem>> -> memref<64x128xf32, #tpu.memory_space<vmem>>
          %parallel_loop3A_148 = tpu.vector_load_idx %parallel_loop3A_147[%parallel_loop3A_142, %parallel_loop3A_140] : memref<64x128xf32, #tpu.memory_space<vmem>>[vector<16xi32>, vector<16xi32>], vector<16xf32>,
          %parallel_loop3A_149 = arith.constant 1 : i32
          %parallel_loop3A_150 = vector.broadcast %parallel_loop3A_149 : i32 to vector<16xi32>
          %parallel_loop3A_151 = arith.shrui %parallel_loop3A_140, %parallel_loop3A_150 : vector<16xi32>
          %parallel_loop3A_152 = arith.constant 1 : i32
          %parallel_loop3A_153 = vector.broadcast %parallel_loop3A_152 : i32 to vector<16xi32>
          %parallel_loop3A_154 = arith.andi %parallel_loop3A_140, %parallel_loop3A_153 : vector<16xi32>
          %parallel_loop3A_155 = arith.constant 6 : i32
          %parallel_loop3A_156 = vector.broadcast %parallel_loop3A_155 : i32 to vector<16xi32>
          %parallel_loop3A_157 = arith.shli %parallel_loop3A_154, %parallel_loop3A_156 : vector<16xi32>
          %parallel_loop3A_158 = vector.broadcast %parallel_loop3A_125 : i32 to vector<16xi32>
          %parallel_loop3A_159 = arith.addi %parallel_loop3A_157, %parallel_loop3A_158 : vector<16xi32>
          %parallel_loop3A_160 = arith.addi %parallel_loop3A_159, %iota3A : vector<16xi32>
          %parallel_loop3A_161 = arith.constant 1 : i32
          %parallel_loop3A_162 = arith.constant 0 : i32
          %parallel_loop3A_163 = arith.constant 0 : i32
          %parallel_loop3A_164 = tpu.memref_slice %arg6[%parallel_loop3A_161, %parallel_loop3A_162, %parallel_loop3A_163] : memref<2x64x128xf32, #tpu.memory_space<vmem>> -> memref<1x64x128xf32, #tpu.memory_space<vmem>>
          %parallel_loop3A_165 = tpu.memref_squeeze %parallel_loop3A_164 : memref<1x64x128xf32, #tpu.memory_space<vmem>> -> memref<64x128xf32, #tpu.memory_space<vmem>>
          tpu.vector_store_idx %parallel_loop3A_165[%parallel_loop3A_151, %parallel_loop3A_160], %parallel_loop3A_148 : memref<64x128xf32, #tpu.memory_space<vmem>>[vector<16xi32>, vector<16xi32>], vector<16xf32>,
        } {sc.loop_unroll_factor = 8 : i64, sc.parallel_access}
        %mul3A_97 = arith.constant 64 : i32
        %mul3A_98 = arith.muli %mul3A_97, %add3A_69 : i32
        %dma_start3A = arith.constant 1 : i32
        %dma_start3A_99 = arith.constant 0 : i32
        %dma_start3A_100 = arith.constant 0 : i32
        %dma_start3A_101 = tpu.memref_slice %arg6[%dma_start3A, %dma_start3A_99, %dma_start3A_100] : memref<2x64x128xf32, #tpu.memory_space<vmem>> -> memref<1x64x128xf32, #tpu.memory_space<vmem>>
        %dma_start3A_102 = tpu.memref_squeeze %dma_start3A_101 : memref<1x64x128xf32, #tpu.memory_space<vmem>> -> memref<64x128xf32, #tpu.memory_space<vmem>>
        %dma_start3A_103 = arith.constant 0 : i32
        %dma_start3A_104 = tpu.memref_slice %arg4[%mul3A_98, %dma_start3A_103] : memref<500032x128xf32, #tpu.memory_space<hbm>> -> memref<64x128xf32, #tpu.memory_space<hbm>>
        %dma_start3A_105 = arith.constant 0 : i32
        %dma_start3A_106 = tpu.memref_slice %arg4[%mul3A_98, %dma_start3A_105] : memref<500032x128xf32, #tpu.memory_space<hbm>> -> memref<64x128xf32, #tpu.memory_space<hbm>>
        %dma_start3A_107 = arith.constant 0 : i32
        %dma_start3A_108 = arith.constant 0 : i32
        %dma_start3A_109 = tpu.memref_slice %arg6[%dma_start3A, %dma_start3A_107, %dma_start3A_108] : memref<2x64x128xf32, #tpu.memory_space<vmem>> -> memref<1x64x128xf32, #tpu.memory_space<vmem>>
        %dma_start3A_110 = tpu.memref_squeeze %dma_start3A_109 : memref<1x64x128xf32, #tpu.memory_space<vmem>> -> memref<64x128xf32, #tpu.memory_space<vmem>>
        tpu.enqueue_dma source(%dma_start3A_110 : memref<64x128xf32, #tpu.memory_space<vmem>>) target(%dma_start3A_106 : memref<64x128xf32, #tpu.memory_space<hbm>>) target_semaphore(%arg11 : memref<!tpu.dma_semaphore, #tpu.memory_space<semaphore_mem>>)
        %add3A_111 = arith.constant 2 : i32
        %add3A_112 = arith.addi %add3A_66, %add3A_111 : i32
        %mul3A_113 = arith.constant 32 : i32
        %mul3A_114 = arith.muli %mul3A_113, %add3A_112 : i32
        %add3A_115 = arith.addi %mul3A_114, %add3A : i32
        %lt3A_116 = arith.constant 7812 : i32
        %lt3A_117 = arith.cmpi slt, %add3A_115, %lt3A_116 : i32
        %convert_element_type3A_118 = arith.extui %lt3A_117 : i1 to i32
        %cond3A_119 = arith.constant 0 : i32
        %cond3A_120 = arith.cmpi ne, %convert_element_type3A_118, %cond3A_119 : i32
        scf.if %cond3A_120 {
          %mul3A_121 = arith.constant 128 : i32
          %mul3A_122 = arith.muli %mul3A_121, %add3A_115 : i32
          %dma_start3A_123 = arith.constant 1 : i32
          %dma_start3A_124 = arith.constant 0 : i32
          %dma_start3A_125 = arith.constant 0 : i32
          %dma_start3A_126 = tpu.memref_slice %arg5[%dma_start3A_123, %dma_start3A_124, %dma_start3A_125] : memref<2x64x128xf32, #tpu.memory_space<vmem>> -> memref<1x64x128xf32, #tpu.memory_space<vmem>>
          %dma_start3A_127 = tpu.memref_squeeze %dma_start3A_126 : memref<1x64x128xf32, #tpu.memory_space<vmem>> -> memref<64x128xf32, #tpu.memory_space<vmem>>
          %dma_start3A_128 = arith.constant 0 : i32
          %dma_start3A_129 = tpu.memref_slice %arg2[%dma_start3A_128, %mul3A_122] : memref<64x1000001xf32, #tpu.memory_space<hbm>> -> memref<64x128xf32, #tpu.memory_space<hbm>>
          %dma_start3A_130 = arith.constant 0 : i32
          %dma_start3A_131 = arith.constant 0 : i32
          %dma_start3A_132 = tpu.memref_slice %arg5[%dma_start3A_123, %dma_start3A_130, %dma_start3A_131] : memref<2x64x128xf32, #tpu.memory_space<vmem>> -> memref<1x64x128xf32, #tpu.memory_space<vmem>>
          %dma_start3A_133 = tpu.memref_squeeze %dma_start3A_132 : memref<1x64x128xf32, #tpu.memory_space<vmem>> -> memref<64x128xf32, #tpu.memory_space<vmem>>
          %dma_start3A_134 = arith.constant 0 : i32
          %dma_start3A_135 = tpu.memref_slice %arg2[%dma_start3A_134, %mul3A_122] : memref<64x1000001xf32, #tpu.memory_space<hbm>> -> memref<64x128xf32, #tpu.memory_space<hbm>>
          tpu.enqueue_dma source(%dma_start3A_135 : memref<64x128xf32, #tpu.memory_space<hbm>>) target(%dma_start3A_133 : memref<64x128xf32, #tpu.memory_space<vmem>>) target_semaphore(%arg9 : memref<!tpu.dma_semaphore, #tpu.memory_space<semaphore_mem>>)
        } else {
        }
      } else {
      }
    }
    %scan3A_20 = arith.constant 123 : i32
    %add3A_21 = arith.constant 7808 : i32
    %add3A_22 = arith.addi %add3A_21, %add3A : i32
    %lt3A_23 = arith.constant 7812 : i32
    %lt3A_24 = arith.cmpi slt, %add3A_22, %lt3A_23 : i32
    %convert_element_type3A_25 = arith.extui %lt3A_24 : i1 to i32
    %cond3A_26 = arith.constant 0 : i32
    %cond3A_27 = arith.cmpi ne, %convert_element_type3A_25, %cond3A_26 : i32
    scf.if %cond3A_27 {
      %add3A_50 = arith.constant 7808 : i32
      %add3A_51 = arith.addi %add3A_50, %add3A : i32
      %mul3A_52 = arith.constant 64 : i32
      %mul3A_53 = arith.muli %mul3A_52, %add3A_51 : i32
      %dma_wait3A_54 = arith.constant 0 : i32
      %dma_wait3A_55 = arith.constant 0 : i32
      %dma_wait3A_56 = arith.constant 0 : i32
      %dma_wait3A_57 = tpu.memref_slice %arg6[%dma_wait3A_54, %dma_wait3A_55, %dma_wait3A_56] : memref<2x64x128xf32, #tpu.memory_space<vmem>> -> memref<1x64x128xf32, #tpu.memory_space<vmem>>
      %dma_wait3A_58 = tpu.memref_squeeze %dma_wait3A_57 : memref<1x64x128xf32, #tpu.memory_space<vmem>> -> memref<64x128xf32, #tpu.memory_space<vmem>>
      %dma_wait3A_59 = arith.constant 0 : i32
      %dma_wait3A_60 = tpu.memref_slice %arg4[%mul3A_53, %dma_wait3A_59] : memref<500032x128xf32, #tpu.memory_space<hbm>> -> memref<64x128xf32, #tpu.memory_space<hbm>>
      %dma_wait3A_61 = arith.constant 0 : i32
      %dma_wait3A_62 = tpu.memref_slice %arg4[%mul3A_53, %dma_wait3A_61] : memref<500032x128xf32, #tpu.memory_space<hbm>> -> memref<64x128xf32, #tpu.memory_space<hbm>>
      %dma_wait3A_63 = arith.constant 0 : i32
      %dma_wait3A_64 = arith.constant 0 : i32
      %dma_wait3A_65 = tpu.memref_slice %arg6[%dma_wait3A_54, %dma_wait3A_63, %dma_wait3A_64] : memref<2x64x128xf32, #tpu.memory_space<vmem>> -> memref<1x64x128xf32, #tpu.memory_space<vmem>>
      %dma_wait3A_66 = tpu.memref_squeeze %dma_wait3A_65 : memref<1x64x128xf32, #tpu.memory_space<vmem>> -> memref<64x128xf32, #tpu.memory_space<vmem>>
      tpu.wait_dma2 semaphore(%arg10 : memref<!tpu.dma_semaphore, #tpu.memory_space<semaphore_mem>>) src(%dma_wait3A_66 : memref<64x128xf32, #tpu.memory_space<vmem>>) dst(%dma_wait3A_62 : memref<64x128xf32, #tpu.memory_space<hbm>>)
    } else {
    }
    %add3A_28 = arith.constant 7808 : i32
    %add3A_29 = arith.addi %add3A_28, %add3A : i32
    %ge3A = arith.constant 7812 : i32
    %ge3A_30 = arith.cmpi sge, %add3A_29, %ge3A : i32
    %convert_element_type3A_31 = arith.extui %ge3A_30 : i1 to i32
    %cond3A_32 = arith.constant 0 : i32
    %cond3A_33 = arith.cmpi ne, %convert_element_type3A_31, %cond3A_32 : i32
    scf.if %cond3A_33 {
      %add3A_50 = arith.constant 7744 : i32
      %add3A_51 = arith.addi %add3A_50, %add3A : i32
      %mul3A_52 = arith.constant 64 : i32
      %mul3A_53 = arith.muli %mul3A_52, %add3A_51 : i32
      %dma_wait3A_54 = arith.constant 0 : i32
      %dma_wait3A_55 = arith.constant 0 : i32
      %dma_wait3A_56 = arith.constant 0 : i32
      %dma_wait3A_57 = tpu.memref_slice %arg6[%dma_wait3A_54, %dma_wait3A_55, %dma_wait3A_56] : memref<2x64x128xf32, #tpu.memory_space<vmem>> -> memref<1x64x128xf32, #tpu.memory_space<vmem>>
      %dma_wait3A_58 = tpu.memref_squeeze %dma_wait3A_57 : memref<1x64x128xf32, #tpu.memory_space<vmem>> -> memref<64x128xf32, #tpu.memory_space<vmem>>
      %dma_wait3A_59 = arith.constant 0 : i32
      %dma_wait3A_60 = tpu.memref_slice %arg4[%mul3A_53, %dma_wait3A_59] : memref<500032x128xf32, #tpu.memory_space<hbm>> -> memref<64x128xf32, #tpu.memory_space<hbm>>
      %dma_wait3A_61 = arith.constant 0 : i32
      %dma_wait3A_62 = tpu.memref_slice %arg4[%mul3A_53, %dma_wait3A_61] : memref<500032x128xf32, #tpu.memory_space<hbm>> -> memref<64x128xf32, #tpu.memory_space<hbm>>
      %dma_wait3A_63 = arith.constant 0 : i32
      %dma_wait3A_64 = arith.constant 0 : i32
      %dma_wait3A_65 = tpu.memref_slice %arg6[%dma_wait3A_54, %dma_wait3A_63, %dma_wait3A_64] : memref<2x64x128xf32, #tpu.memory_space<vmem>> -> memref<1x64x128xf32, #tpu.memory_space<vmem>>
      %dma_wait3A_66 = tpu.memref_squeeze %dma_wait3A_65 : memref<1x64x128xf32, #tpu.memory_space<vmem>> -> memref<64x128xf32, #tpu.memory_space<vmem>>
      tpu.wait_dma2 semaphore(%arg10 : memref<!tpu.dma_semaphore, #tpu.memory_space<semaphore_mem>>) src(%dma_wait3A_66 : memref<64x128xf32, #tpu.memory_space<vmem>>) dst(%dma_wait3A_62 : memref<64x128xf32, #tpu.memory_space<hbm>>)
    } else {
    }
    %add3A_34 = arith.constant 7776 : i32
    %add3A_35 = arith.addi %add3A_34, %add3A : i32
    %mul3A_36 = arith.constant 64 : i32
    %mul3A_37 = arith.muli %mul3A_36, %add3A_35 : i32
    %dma_wait3A = arith.constant 1 : i32
    %dma_wait3A_38 = arith.constant 0 : i32
    %dma_wait3A_39 = arith.constant 0 : i32
    %dma_wait3A_40 = tpu.memref_slice %arg6[%dma_wait3A, %dma_wait3A_38, %dma_wait3A_39] : memref<2x64x128xf32, #tpu.memory_space<vmem>> -> memref<1x64x128xf32, #tpu.memory_space<vmem>>
    %dma_wait3A_41 = tpu.memref_squeeze %dma_wait3A_40 : memref<1x64x128xf32, #tpu.memory_space<vmem>> -> memref<64x128xf32, #tpu.memory_space<vmem>>
    %dma_wait3A_42 = arith.constant 0 : i32
    %dma_wait3A_43 = tpu.memref_slice %arg4[%mul3A_37, %dma_wait3A_42] : memref<500032x128xf32, #tpu.memory_space<hbm>> -> memref<64x128xf32, #tpu.memory_space<hbm>>
    %dma_wait3A_44 = arith.constant 0 : i32
    %dma_wait3A_45 = tpu.memref_slice %arg4[%mul3A_37, %dma_wait3A_44] : memref<500032x128xf32, #tpu.memory_space<hbm>> -> memref<64x128xf32, #tpu.memory_space<hbm>>
    %dma_wait3A_46 = arith.constant 0 : i32
    %dma_wait3A_47 = arith.constant 0 : i32
    %dma_wait3A_48 = tpu.memref_slice %arg6[%dma_wait3A, %dma_wait3A_46, %dma_wait3A_47] : memref<2x64x128xf32, #tpu.memory_space<vmem>> -> memref<1x64x128xf32, #tpu.memory_space<vmem>>
    %dma_wait3A_49 = tpu.memref_squeeze %dma_wait3A_48 : memref<1x64x128xf32, #tpu.memory_space<vmem>> -> memref<64x128xf32, #tpu.memory_space<vmem>>
    tpu.wait_dma2 semaphore(%arg11 : memref<!tpu.dma_semaphore, #tpu.memory_space<semaphore_mem>>) src(%dma_wait3A_49 : memref<64x128xf32, #tpu.memory_space<vmem>>) dst(%dma_wait3A_45 : memref<64x128xf32, #tpu.memory_space<hbm>>)
    return
  }
}

#map = affine_map<(d0, d1) -> (0, 0)>
#map1 = affine_map<(d0, d1) -> (0, 0, 0)>
module attributes {stable_mosaic.version = 14 : i64} {
  func.func @_k2(%arg0: i32, %arg1: i32, %arg2: memref<56x16384xi32, #tpu.memory_space<hbm>>, %arg3: memref<500032x128xf32, #tpu.memory_space<hbm>>, %arg4: memref<50x64x16384xf32, #tpu.memory_space<hbm>>, %arg5: memref<56x512xi32, #tpu.memory_space<vmem>>, %arg6: memref<4x128xi32, #tpu.memory_space<vmem>>, %arg7: memref<4x128x128xf32, #tpu.memory_space<vmem>>, %arg8: memref<2x64x128xf32, #tpu.memory_space<vmem>>, %arg9: memref<!tpu.dma_semaphore, #tpu.memory_space<semaphore_mem>>, %arg10: memref<!tpu.dma_semaphore, #tpu.memory_space<semaphore_mem>>, %arg11: memref<!tpu.dma_semaphore, #tpu.memory_space<semaphore_mem>>, %arg12: memref<!tpu.dma_semaphore, #tpu.memory_space<semaphore_mem>>, %arg13: memref<!tpu.dma_semaphore, #tpu.memory_space<semaphore_mem>>, %arg14: memref<!tpu.dma_semaphore, #tpu.memory_space<semaphore_mem>>) attributes {dimension_semantics = [#tpu.dimension_semantics<core_parallel>, #tpu.dimension_semantics<subcore_parallel>], iteration_bounds = array<i64: 2, 16>, scalar_prefetch = 0 : i64, scratch_operands = 10 : i64, tpu.core_type = #tpu.core_type<sc_vector_subcore>, window_params = [{transform_indices = #map}, {transform_indices = #map}, {transform_indices = #map1}]} {
    %mul3A = arith.constant 2 : i32
    %mul3A_0 = arith.muli %arg1, %mul3A : i32
    %add3A = arith.addi %mul3A_0, %arg0 : i32
    %mul3A_1 = arith.constant 512 : i32
    %mul3A_2 = arith.muli %add3A, %mul3A_1 : i32
    %iota3A = tpu.iota {dimensions = array<i32: 0>} : vector<16xi32>
    "tpu.region"() ({
      %run_scoped3A = tpu.sem_alloc : memref<!tpu.dma_semaphore, #tpu.memory_space<semaphore_mem>>
      %dma_start3A_451 = arith.constant 0 : i32
      %dma_start3A_452 = tpu.memref_slice %arg2[%dma_start3A_451, %mul3A_2] : memref<56x16384xi32, #tpu.memory_space<hbm>> -> memref<56x512xi32, #tpu.memory_space<hbm>>
      %dma_start3A_453 = arith.constant 0 : i32
      %dma_start3A_454 = tpu.memref_slice %arg2[%dma_start3A_453, %mul3A_2] : memref<56x16384xi32, #tpu.memory_space<hbm>> -> memref<56x512xi32, #tpu.memory_space<hbm>>
      tpu.enqueue_dma source(%dma_start3A_454 : memref<56x512xi32, #tpu.memory_space<hbm>>) target(%arg5 : memref<56x512xi32, #tpu.memory_space<vmem>>) target_semaphore(%run_scoped3A : memref<!tpu.dma_semaphore, #tpu.memory_space<semaphore_mem>>)
      %dma_wait3A_455 = arith.constant 0 : i32
      %dma_wait3A_456 = tpu.memref_slice %arg2[%dma_wait3A_455, %mul3A_2] : memref<56x16384xi32, #tpu.memory_space<hbm>> -> memref<56x512xi32, #tpu.memory_space<hbm>>
      %dma_wait3A_457 = arith.constant 0 : i32
      %dma_wait3A_458 = tpu.memref_slice %arg2[%dma_wait3A_457, %mul3A_2] : memref<56x16384xi32, #tpu.memory_space<hbm>> -> memref<56x512xi32, #tpu.memory_space<hbm>>
      tpu.wait_dma2 semaphore(%run_scoped3A : memref<!tpu.dma_semaphore, #tpu.memory_space<semaphore_mem>>) src(%dma_wait3A_458 : memref<56x512xi32, #tpu.memory_space<hbm>>) dst(%arg5 : memref<56x512xi32, #tpu.memory_space<vmem>>)
      tpu.yield
    }) : () -> ()
    %get3A = arith.constant 0 : i32
    %get3A_3 = arith.index_cast %get3A : i32 to index
    %get3A_4 = arith.constant 0 : index
    %get3A_5 = tpu.vector_load %arg5[%get3A_3, %get3A_4] {strides = array<i32>} : memref<56x512xi32, #tpu.memory_space<vmem>>, vector<16xi32>,
    %shift_right_logical3A = arith.constant 1 : i32
    %shift_right_logical3A_6 = vector.broadcast %shift_right_logical3A : i32 to vector<16xi32>
    %shift_right_logical3A_7 = arith.shrui %get3A_5, %shift_right_logical3A_6 : vector<16xi32>
    %swap3A = arith.constant 0 : i32
    %swap3A_8 = arith.index_cast %swap3A : i32 to index
    %swap3A_9 = arith.constant 0 : index
    %swap3A_10 = tpu.vector_load %arg6[%swap3A_8, %swap3A_9] {strides = array<i32>} : memref<4x128xi32, #tpu.memory_space<vmem>>, vector<16xi32>,
    tpu.vector_store %arg6[%swap3A_8, %swap3A_9], %shift_right_logical3A_7 {strides = array<i32>} : memref<4x128xi32, #tpu.memory_space<vmem>>, vector<16xi32>,
    %get3A_11 = arith.constant 0 : i32
    %get3A_12 = arith.index_cast %get3A_11 : i32 to index
    %get3A_13 = arith.constant 16 : index
    %get3A_14 = tpu.vector_load %arg5[%get3A_12, %get3A_13] {strides = array<i32>} : memref<56x512xi32, #tpu.memory_space<vmem>>, vector<16xi32>,
    %shift_right_logical3A_15 = arith.constant 1 : i32
    %shift_right_logical3A_16 = vector.broadcast %shift_right_logical3A_15 : i32 to vector<16xi32>
    %shift_right_logical3A_17 = arith.shrui %get3A_14, %shift_right_logical3A_16 : vector<16xi32>
    %swap3A_18 = arith.constant 0 : i32
    %swap3A_19 = arith.index_cast %swap3A_18 : i32 to index
    %swap3A_20 = arith.constant 16 : index
    %swap3A_21 = tpu.vector_load %arg6[%swap3A_19, %swap3A_20] {strides = array<i32>} : memref<4x128xi32, #tpu.memory_space<vmem>>, vector<16xi32>,
    tpu.vector_store %arg6[%swap3A_19, %swap3A_20], %shift_right_logical3A_17 {strides = array<i32>} : memref<4x128xi32, #tpu.memory_space<vmem>>, vector<16xi32>,
    %get3A_22 = arith.constant 0 : i32
    %get3A_23 = arith.index_cast %get3A_22 : i32 to index
    %get3A_24 = arith.constant 32 : index
    %get3A_25 = tpu.vector_load %arg5[%get3A_23, %get3A_24] {strides = array<i32>} : memref<56x512xi32, #tpu.memory_space<vmem>>, vector<16xi32>,
    %shift_right_logical3A_26 = arith.constant 1 : i32
    %shift_right_logical3A_27 = vector.broadcast %shift_right_logical3A_26 : i32 to vector<16xi32>
    %shift_right_logical3A_28 = arith.shrui %get3A_25, %shift_right_logical3A_27 : vector<16xi32>
    %swap3A_29 = arith.constant 0 : i32
    %swap3A_30 = arith.index_cast %swap3A_29 : i32 to index
    %swap3A_31 = arith.constant 32 : index
    %swap3A_32 = tpu.vector_load %arg6[%swap3A_30, %swap3A_31] {strides = array<i32>} : memref<4x128xi32, #tpu.memory_space<vmem>>, vector<16xi32>,
    tpu.vector_store %arg6[%swap3A_30, %swap3A_31], %shift_right_logical3A_28 {strides = array<i32>} : memref<4x128xi32, #tpu.memory_space<vmem>>, vector<16xi32>,
    %get3A_33 = arith.constant 0 : i32
    %get3A_34 = arith.index_cast %get3A_33 : i32 to index
    %get3A_35 = arith.constant 48 : index
    %get3A_36 = tpu.vector_load %arg5[%get3A_34, %get3A_35] {strides = array<i32>} : memref<56x512xi32, #tpu.memory_space<vmem>>, vector<16xi32>,
    %shift_right_logical3A_37 = arith.constant 1 : i32
    %shift_right_logical3A_38 = vector.broadcast %shift_right_logical3A_37 : i32 to vector<16xi32>
    %shift_right_logical3A_39 = arith.shrui %get3A_36, %shift_right_logical3A_38 : vector<16xi32>
    %swap3A_40 = arith.constant 0 : i32
    %swap3A_41 = arith.index_cast %swap3A_40 : i32 to index
    %swap3A_42 = arith.constant 48 : index
    %swap3A_43 = tpu.vector_load %arg6[%swap3A_41, %swap3A_42] {strides = array<i32>} : memref<4x128xi32, #tpu.memory_space<vmem>>, vector<16xi32>,
    tpu.vector_store %arg6[%swap3A_41, %swap3A_42], %shift_right_logical3A_39 {strides = array<i32>} : memref<4x128xi32, #tpu.memory_space<vmem>>, vector<16xi32>,
    %get3A_44 = arith.constant 0 : i32
    %get3A_45 = arith.index_cast %get3A_44 : i32 to index
    %get3A_46 = arith.constant 64 : index
    %get3A_47 = tpu.vector_load %arg5[%get3A_45, %get3A_46] {strides = array<i32>} : memref<56x512xi32, #tpu.memory_space<vmem>>, vector<16xi32>,
    %shift_right_logical3A_48 = arith.constant 1 : i32
    %shift_right_logical3A_49 = vector.broadcast %shift_right_logical3A_48 : i32 to vector<16xi32>
    %shift_right_logical3A_50 = arith.shrui %get3A_47, %shift_right_logical3A_49 : vector<16xi32>
    %swap3A_51 = arith.constant 0 : i32
    %swap3A_52 = arith.index_cast %swap3A_51 : i32 to index
    %swap3A_53 = arith.constant 64 : index
    %swap3A_54 = tpu.vector_load %arg6[%swap3A_52, %swap3A_53] {strides = array<i32>} : memref<4x128xi32, #tpu.memory_space<vmem>>, vector<16xi32>,
    tpu.vector_store %arg6[%swap3A_52, %swap3A_53], %shift_right_logical3A_50 {strides = array<i32>} : memref<4x128xi32, #tpu.memory_space<vmem>>, vector<16xi32>,
    %get3A_55 = arith.constant 0 : i32
    %get3A_56 = arith.index_cast %get3A_55 : i32 to index
    %get3A_57 = arith.constant 80 : index
    %get3A_58 = tpu.vector_load %arg5[%get3A_56, %get3A_57] {strides = array<i32>} : memref<56x512xi32, #tpu.memory_space<vmem>>, vector<16xi32>,
    %shift_right_logical3A_59 = arith.constant 1 : i32
    %shift_right_logical3A_60 = vector.broadcast %shift_right_logical3A_59 : i32 to vector<16xi32>
    %shift_right_logical3A_61 = arith.shrui %get3A_58, %shift_right_logical3A_60 : vector<16xi32>
    %swap3A_62 = arith.constant 0 : i32
    %swap3A_63 = arith.index_cast %swap3A_62 : i32 to index
    %swap3A_64 = arith.constant 80 : index
    %swap3A_65 = tpu.vector_load %arg6[%swap3A_63, %swap3A_64] {strides = array<i32>} : memref<4x128xi32, #tpu.memory_space<vmem>>, vector<16xi32>,
    tpu.vector_store %arg6[%swap3A_63, %swap3A_64], %shift_right_logical3A_61 {strides = array<i32>} : memref<4x128xi32, #tpu.memory_space<vmem>>, vector<16xi32>,
    %get3A_66 = arith.constant 0 : i32
    %get3A_67 = arith.index_cast %get3A_66 : i32 to index
    %get3A_68 = arith.constant 96 : index
    %get3A_69 = tpu.vector_load %arg5[%get3A_67, %get3A_68] {strides = array<i32>} : memref<56x512xi32, #tpu.memory_space<vmem>>, vector<16xi32>,
    %shift_right_logical3A_70 = arith.constant 1 : i32
    %shift_right_logical3A_71 = vector.broadcast %shift_right_logical3A_70 : i32 to vector<16xi32>
    %shift_right_logical3A_72 = arith.shrui %get3A_69, %shift_right_logical3A_71 : vector<16xi32>
    %swap3A_73 = arith.constant 0 : i32
    %swap3A_74 = arith.index_cast %swap3A_73 : i32 to index
    %swap3A_75 = arith.constant 96 : index
    %swap3A_76 = tpu.vector_load %arg6[%swap3A_74, %swap3A_75] {strides = array<i32>} : memref<4x128xi32, #tpu.memory_space<vmem>>, vector<16xi32>,
    tpu.vector_store %arg6[%swap3A_74, %swap3A_75], %shift_right_logical3A_72 {strides = array<i32>} : memref<4x128xi32, #tpu.memory_space<vmem>>, vector<16xi32>,
    %get3A_77 = arith.constant 0 : i32
    %get3A_78 = arith.index_cast %get3A_77 : i32 to index
    %get3A_79 = arith.constant 112 : index
    %get3A_80 = tpu.vector_load %arg5[%get3A_78, %get3A_79] {strides = array<i32>} : memref<56x512xi32, #tpu.memory_space<vmem>>, vector<16xi32>,
    %shift_right_logical3A_81 = arith.constant 1 : i32
    %shift_right_logical3A_82 = vector.broadcast %shift_right_logical3A_81 : i32 to vector<16xi32>
    %shift_right_logical3A_83 = arith.shrui %get3A_80, %shift_right_logical3A_82 : vector<16xi32>
    %swap3A_84 = arith.constant 0 : i32
    %swap3A_85 = arith.index_cast %swap3A_84 : i32 to index
    %swap3A_86 = arith.constant 112 : index
    %swap3A_87 = tpu.vector_load %arg6[%swap3A_85, %swap3A_86] {strides = array<i32>} : memref<4x128xi32, #tpu.memory_space<vmem>>, vector<16xi32>,
    tpu.vector_store %arg6[%swap3A_85, %swap3A_86], %shift_right_logical3A_83 {strides = array<i32>} : memref<4x128xi32, #tpu.memory_space<vmem>>, vector<16xi32>,
    %dma_start3A = arith.constant 0 : i32
    %dma_start3A_88 = arith.constant 0 : i32
    %dma_start3A_89 = arith.constant 0 : i32
    %dma_start3A_90 = arith.constant 0 : i32
    %dma_start3A_91 = tpu.memref_slice %arg7[%dma_start3A_88, %dma_start3A_89, %dma_start3A_90] : memref<4x128x128xf32, #tpu.memory_space<vmem>> -> memref<1x128x128xf32, #tpu.memory_space<vmem>>
    %dma_start3A_92 = tpu.memref_squeeze %dma_start3A_91 : memref<1x128x128xf32, #tpu.memory_space<vmem>> -> memref<128x128xf32, #tpu.memory_space<vmem>>
    %dma_start3A_93 = arith.constant 0 : i32
    %dma_start3A_94 = tpu.memref_slice %arg6[%dma_start3A, %dma_start3A_93] : memref<4x128xi32, #tpu.memory_space<vmem>> -> memref<1x128xi32, #tpu.memory_space<vmem>>
    %dma_start3A_95 = tpu.memref_squeeze %dma_start3A_94 : memref<1x128xi32, #tpu.memory_space<vmem>> -> memref<128xi32, #tpu.memory_space<vmem>>
    %dma_start3A_96 = arith.constant 0 : i32
    %dma_start3A_97 = arith.constant 0 : i32
    %dma_start3A_98 = tpu.memref_slice %arg3[%dma_start3A_96, %dma_start3A_97] : memref<500032x128xf32, #tpu.memory_space<hbm>> -> memref<500032x128xf32, #tpu.memory_space<hbm>>
    tpu.enqueue_indirect_dma source(%dma_start3A_98 : memref<500032x128xf32, #tpu.memory_space<hbm>>) target(%dma_start3A_92 : memref<128x128xf32, #tpu.memory_space<vmem>>) offsets(%dma_start3A_95 : memref<128xi32, #tpu.memory_space<vmem>>) semaphore(%arg9 : memref<!tpu.dma_semaphore, #tpu.memory_space<semaphore_mem>>)
    %get3A_99 = arith.constant 0 : i32
    %get3A_100 = arith.index_cast %get3A_99 : i32 to index
    %get3A_101 = arith.constant 128 : index
    %get3A_102 = tpu.vector_load %arg5[%get3A_100, %get3A_101] {strides = array<i32>} : memref<56x512xi32, #tpu.memory_space<vmem>>, vector<16xi32>,
    %shift_right_logical3A_103 = arith.constant 1 : i32
    %shift_right_logical3A_104 = vector.broadcast %shift_right_logical3A_103 : i32 to vector<16xi32>
    %shift_right_logical3A_105 = arith.shrui %get3A_102, %shift_right_logical3A_104 : vector<16xi32>
    %swap3A_106 = arith.constant 1 : i32
    %swap3A_107 = arith.index_cast %swap3A_106 : i32 to index
    %swap3A_108 = arith.constant 0 : index
    %swap3A_109 = tpu.vector_load %arg6[%swap3A_107, %swap3A_108] {strides = array<i32>} : memref<4x128xi32, #tpu.memory_space<vmem>>, vector<16xi32>,
    tpu.vector_store %arg6[%swap3A_107, %swap3A_108], %shift_right_logical3A_105 {strides = array<i32>} : memref<4x128xi32, #tpu.memory_space<vmem>>, vector<16xi32>,
    %get3A_110 = arith.constant 0 : i32
    %get3A_111 = arith.index_cast %get3A_110 : i32 to index
    %get3A_112 = arith.constant 144 : index
    %get3A_113 = tpu.vector_load %arg5[%get3A_111, %get3A_112] {strides = array<i32>} : memref<56x512xi32, #tpu.memory_space<vmem>>, vector<16xi32>,
    %shift_right_logical3A_114 = arith.constant 1 : i32
    %shift_right_logical3A_115 = vector.broadcast %shift_right_logical3A_114 : i32 to vector<16xi32>
    %shift_right_logical3A_116 = arith.shrui %get3A_113, %shift_right_logical3A_115 : vector<16xi32>
    %swap3A_117 = arith.constant 1 : i32
    %swap3A_118 = arith.index_cast %swap3A_117 : i32 to index
    %swap3A_119 = arith.constant 16 : index
    %swap3A_120 = tpu.vector_load %arg6[%swap3A_118, %swap3A_119] {strides = array<i32>} : memref<4x128xi32, #tpu.memory_space<vmem>>, vector<16xi32>,
    tpu.vector_store %arg6[%swap3A_118, %swap3A_119], %shift_right_logical3A_116 {strides = array<i32>} : memref<4x128xi32, #tpu.memory_space<vmem>>, vector<16xi32>,
    %get3A_121 = arith.constant 0 : i32
    %get3A_122 = arith.index_cast %get3A_121 : i32 to index
    %get3A_123 = arith.constant 160 : index
    %get3A_124 = tpu.vector_load %arg5[%get3A_122, %get3A_123] {strides = array<i32>} : memref<56x512xi32, #tpu.memory_space<vmem>>, vector<16xi32>,
    %shift_right_logical3A_125 = arith.constant 1 : i32
    %shift_right_logical3A_126 = vector.broadcast %shift_right_logical3A_125 : i32 to vector<16xi32>
    %shift_right_logical3A_127 = arith.shrui %get3A_124, %shift_right_logical3A_126 : vector<16xi32>
    %swap3A_128 = arith.constant 1 : i32
    %swap3A_129 = arith.index_cast %swap3A_128 : i32 to index
    %swap3A_130 = arith.constant 32 : index
    %swap3A_131 = tpu.vector_load %arg6[%swap3A_129, %swap3A_130] {strides = array<i32>} : memref<4x128xi32, #tpu.memory_space<vmem>>, vector<16xi32>,
    tpu.vector_store %arg6[%swap3A_129, %swap3A_130], %shift_right_logical3A_127 {strides = array<i32>} : memref<4x128xi32, #tpu.memory_space<vmem>>, vector<16xi32>,
    %get3A_132 = arith.constant 0 : i32
    %get3A_133 = arith.index_cast %get3A_132 : i32 to index
    %get3A_134 = arith.constant 176 : index
    %get3A_135 = tpu.vector_load %arg5[%get3A_133, %get3A_134] {strides = array<i32>} : memref<56x512xi32, #tpu.memory_space<vmem>>, vector<16xi32>,
    %shift_right_logical3A_136 = arith.constant 1 : i32
    %shift_right_logical3A_137 = vector.broadcast %shift_right_logical3A_136 : i32 to vector<16xi32>
    %shift_right_logical3A_138 = arith.shrui %get3A_135, %shift_right_logical3A_137 : vector<16xi32>
    %swap3A_139 = arith.constant 1 : i32
    %swap3A_140 = arith.index_cast %swap3A_139 : i32 to index
    %swap3A_141 = arith.constant 48 : index
    %swap3A_142 = tpu.vector_load %arg6[%swap3A_140, %swap3A_141] {strides = array<i32>} : memref<4x128xi32, #tpu.memory_space<vmem>>, vector<16xi32>,
    tpu.vector_store %arg6[%swap3A_140, %swap3A_141], %shift_right_logical3A_138 {strides = array<i32>} : memref<4x128xi32, #tpu.memory_space<vmem>>, vector<16xi32>,
    %get3A_143 = arith.constant 0 : i32
    %get3A_144 = arith.index_cast %get3A_143 : i32 to index
    %get3A_145 = arith.constant 192 : index
    %get3A_146 = tpu.vector_load %arg5[%get3A_144, %get3A_145] {strides = array<i32>} : memref<56x512xi32, #tpu.memory_space<vmem>>, vector<16xi32>,
    %shift_right_logical3A_147 = arith.constant 1 : i32
    %shift_right_logical3A_148 = vector.broadcast %shift_right_logical3A_147 : i32 to vector<16xi32>
    %shift_right_logical3A_149 = arith.shrui %get3A_146, %shift_right_logical3A_148 : vector<16xi32>
    %swap3A_150 = arith.constant 1 : i32
    %swap3A_151 = arith.index_cast %swap3A_150 : i32 to index
    %swap3A_152 = arith.constant 64 : index
    %swap3A_153 = tpu.vector_load %arg6[%swap3A_151, %swap3A_152] {strides = array<i32>} : memref<4x128xi32, #tpu.memory_space<vmem>>, vector<16xi32>,
    tpu.vector_store %arg6[%swap3A_151, %swap3A_152], %shift_right_logical3A_149 {strides = array<i32>} : memref<4x128xi32, #tpu.memory_space<vmem>>, vector<16xi32>,
    %get3A_154 = arith.constant 0 : i32
    %get3A_155 = arith.index_cast %get3A_154 : i32 to index
    %get3A_156 = arith.constant 208 : index
    %get3A_157 = tpu.vector_load %arg5[%get3A_155, %get3A_156] {strides = array<i32>} : memref<56x512xi32, #tpu.memory_space<vmem>>, vector<16xi32>,
    %shift_right_logical3A_158 = arith.constant 1 : i32
    %shift_right_logical3A_159 = vector.broadcast %shift_right_logical3A_158 : i32 to vector<16xi32>
    %shift_right_logical3A_160 = arith.shrui %get3A_157, %shift_right_logical3A_159 : vector<16xi32>
    %swap3A_161 = arith.constant 1 : i32
    %swap3A_162 = arith.index_cast %swap3A_161 : i32 to index
    %swap3A_163 = arith.constant 80 : index
    %swap3A_164 = tpu.vector_load %arg6[%swap3A_162, %swap3A_163] {strides = array<i32>} : memref<4x128xi32, #tpu.memory_space<vmem>>, vector<16xi32>,
    tpu.vector_store %arg6[%swap3A_162, %swap3A_163], %shift_right_logical3A_160 {strides = array<i32>} : memref<4x128xi32, #tpu.memory_space<vmem>>, vector<16xi32>,
    %get3A_165 = arith.constant 0 : i32
    %get3A_166 = arith.index_cast %get3A_165 : i32 to index
    %get3A_167 = arith.constant 224 : index
    %get3A_168 = tpu.vector_load %arg5[%get3A_166, %get3A_167] {strides = array<i32>} : memref<56x512xi32, #tpu.memory_space<vmem>>, vector<16xi32>,
    %shift_right_logical3A_169 = arith.constant 1 : i32
    %shift_right_logical3A_170 = vector.broadcast %shift_right_logical3A_169 : i32 to vector<16xi32>
    %shift_right_logical3A_171 = arith.shrui %get3A_168, %shift_right_logical3A_170 : vector<16xi32>
    %swap3A_172 = arith.constant 1 : i32
    %swap3A_173 = arith.index_cast %swap3A_172 : i32 to index
    %swap3A_174 = arith.constant 96 : index
    %swap3A_175 = tpu.vector_load %arg6[%swap3A_173, %swap3A_174] {strides = array<i32>} : memref<4x128xi32, #tpu.memory_space<vmem>>, vector<16xi32>,
    tpu.vector_store %arg6[%swap3A_173, %swap3A_174], %shift_right_logical3A_171 {strides = array<i32>} : memref<4x128xi32, #tpu.memory_space<vmem>>, vector<16xi32>,
    %get3A_176 = arith.constant 0 : i32
    %get3A_177 = arith.index_cast %get3A_176 : i32 to index
    %get3A_178 = arith.constant 240 : index
    %get3A_179 = tpu.vector_load %arg5[%get3A_177, %get3A_178] {strides = array<i32>} : memref<56x512xi32, #tpu.memory_space<vmem>>, vector<16xi32>,
    %shift_right_logical3A_180 = arith.constant 1 : i32
    %shift_right_logical3A_181 = vector.broadcast %shift_right_logical3A_180 : i32 to vector<16xi32>
    %shift_right_logical3A_182 = arith.shrui %get3A_179, %shift_right_logical3A_181 : vector<16xi32>
    %swap3A_183 = arith.constant 1 : i32
    %swap3A_184 = arith.index_cast %swap3A_183 : i32 to index
    %swap3A_185 = arith.constant 112 : index
    %swap3A_186 = tpu.vector_load %arg6[%swap3A_184, %swap3A_185] {strides = array<i32>} : memref<4x128xi32, #tpu.memory_space<vmem>>, vector<16xi32>,
    tpu.vector_store %arg6[%swap3A_184, %swap3A_185], %shift_right_logical3A_182 {strides = array<i32>} : memref<4x128xi32, #tpu.memory_space<vmem>>, vector<16xi32>,
    %dma_start3A_187 = arith.constant 1 : i32
    %dma_start3A_188 = arith.constant 1 : i32
    %dma_start3A_189 = arith.constant 0 : i32
    %dma_start3A_190 = arith.constant 0 : i32
    %dma_start3A_191 = tpu.memref_slice %arg7[%dma_start3A_188, %dma_start3A_189, %dma_start3A_190] : memref<4x128x128xf32, #tpu.memory_space<vmem>> -> memref<1x128x128xf32, #tpu.memory_space<vmem>>
    %dma_start3A_192 = tpu.memref_squeeze %dma_start3A_191 : memref<1x128x128xf32, #tpu.memory_space<vmem>> -> memref<128x128xf32, #tpu.memory_space<vmem>>
    %dma_start3A_193 = arith.constant 0 : i32
    %dma_start3A_194 = tpu.memref_slice %arg6[%dma_start3A_187, %dma_start3A_193] : memref<4x128xi32, #tpu.memory_space<vmem>> -> memref<1x128xi32, #tpu.memory_space<vmem>>
    %dma_start3A_195 = tpu.memref_squeeze %dma_start3A_194 : memref<1x128xi32, #tpu.memory_space<vmem>> -> memref<128xi32, #tpu.memory_space<vmem>>
    %dma_start3A_196 = arith.constant 0 : i32
    %dma_start3A_197 = arith.constant 0 : i32
    %dma_start3A_198 = tpu.memref_slice %arg3[%dma_start3A_196, %dma_start3A_197] : memref<500032x128xf32, #tpu.memory_space<hbm>> -> memref<500032x128xf32, #tpu.memory_space<hbm>>
    tpu.enqueue_indirect_dma source(%dma_start3A_198 : memref<500032x128xf32, #tpu.memory_space<hbm>>) target(%dma_start3A_192 : memref<128x128xf32, #tpu.memory_space<vmem>>) offsets(%dma_start3A_195 : memref<128xi32, #tpu.memory_space<vmem>>) semaphore(%arg10 : memref<!tpu.dma_semaphore, #tpu.memory_space<semaphore_mem>>)
    %get3A_199 = arith.constant 0 : i32
    %get3A_200 = arith.index_cast %get3A_199 : i32 to index
    %get3A_201 = arith.constant 256 : index
    %get3A_202 = tpu.vector_load %arg5[%get3A_200, %get3A_201] {strides = array<i32>} : memref<56x512xi32, #tpu.memory_space<vmem>>, vector<16xi32>,
    %shift_right_logical3A_203 = arith.constant 1 : i32
    %shift_right_logical3A_204 = vector.broadcast %shift_right_logical3A_203 : i32 to vector<16xi32>
    %shift_right_logical3A_205 = arith.shrui %get3A_202, %shift_right_logical3A_204 : vector<16xi32>
    %swap3A_206 = arith.constant 2 : i32
    %swap3A_207 = arith.index_cast %swap3A_206 : i32 to index
    %swap3A_208 = arith.constant 0 : index
    %swap3A_209 = tpu.vector_load %arg6[%swap3A_207, %swap3A_208] {strides = array<i32>} : memref<4x128xi32, #tpu.memory_space<vmem>>, vector<16xi32>,
    tpu.vector_store %arg6[%swap3A_207, %swap3A_208], %shift_right_logical3A_205 {strides = array<i32>} : memref<4x128xi32, #tpu.memory_space<vmem>>, vector<16xi32>,
    %get3A_210 = arith.constant 0 : i32
    %get3A_211 = arith.index_cast %get3A_210 : i32 to index
    %get3A_212 = arith.constant 272 : index
    %get3A_213 = tpu.vector_load %arg5[%get3A_211, %get3A_212] {strides = array<i32>} : memref<56x512xi32, #tpu.memory_space<vmem>>, vector<16xi32>,
    %shift_right_logical3A_214 = arith.constant 1 : i32
    %shift_right_logical3A_215 = vector.broadcast %shift_right_logical3A_214 : i32 to vector<16xi32>
    %shift_right_logical3A_216 = arith.shrui %get3A_213, %shift_right_logical3A_215 : vector<16xi32>
    %swap3A_217 = arith.constant 2 : i32
    %swap3A_218 = arith.index_cast %swap3A_217 : i32 to index
    %swap3A_219 = arith.constant 16 : index
    %swap3A_220 = tpu.vector_load %arg6[%swap3A_218, %swap3A_219] {strides = array<i32>} : memref<4x128xi32, #tpu.memory_space<vmem>>, vector<16xi32>,
    tpu.vector_store %arg6[%swap3A_218, %swap3A_219], %shift_right_logical3A_216 {strides = array<i32>} : memref<4x128xi32, #tpu.memory_space<vmem>>, vector<16xi32>,
    %get3A_221 = arith.constant 0 : i32
    %get3A_222 = arith.index_cast %get3A_221 : i32 to index
    %get3A_223 = arith.constant 288 : index
    %get3A_224 = tpu.vector_load %arg5[%get3A_222, %get3A_223] {strides = array<i32>} : memref<56x512xi32, #tpu.memory_space<vmem>>, vector<16xi32>,
    %shift_right_logical3A_225 = arith.constant 1 : i32
    %shift_right_logical3A_226 = vector.broadcast %shift_right_logical3A_225 : i32 to vector<16xi32>
    %shift_right_logical3A_227 = arith.shrui %get3A_224, %shift_right_logical3A_226 : vector<16xi32>
    %swap3A_228 = arith.constant 2 : i32
    %swap3A_229 = arith.index_cast %swap3A_228 : i32 to index
    %swap3A_230 = arith.constant 32 : index
    %swap3A_231 = tpu.vector_load %arg6[%swap3A_229, %swap3A_230] {strides = array<i32>} : memref<4x128xi32, #tpu.memory_space<vmem>>, vector<16xi32>,
    tpu.vector_store %arg6[%swap3A_229, %swap3A_230], %shift_right_logical3A_227 {strides = array<i32>} : memref<4x128xi32, #tpu.memory_space<vmem>>, vector<16xi32>,
    %get3A_232 = arith.constant 0 : i32
    %get3A_233 = arith.index_cast %get3A_232 : i32 to index
    %get3A_234 = arith.constant 304 : index
    %get3A_235 = tpu.vector_load %arg5[%get3A_233, %get3A_234] {strides = array<i32>} : memref<56x512xi32, #tpu.memory_space<vmem>>, vector<16xi32>,
    %shift_right_logical3A_236 = arith.constant 1 : i32
    %shift_right_logical3A_237 = vector.broadcast %shift_right_logical3A_236 : i32 to vector<16xi32>
    %shift_right_logical3A_238 = arith.shrui %get3A_235, %shift_right_logical3A_237 : vector<16xi32>
    %swap3A_239 = arith.constant 2 : i32
    %swap3A_240 = arith.index_cast %swap3A_239 : i32 to index
    %swap3A_241 = arith.constant 48 : index
    %swap3A_242 = tpu.vector_load %arg6[%swap3A_240, %swap3A_241] {strides = array<i32>} : memref<4x128xi32, #tpu.memory_space<vmem>>, vector<16xi32>,
    tpu.vector_store %arg6[%swap3A_240, %swap3A_241], %shift_right_logical3A_238 {strides = array<i32>} : memref<4x128xi32, #tpu.memory_space<vmem>>, vector<16xi32>,
    %get3A_243 = arith.constant 0 : i32
    %get3A_244 = arith.index_cast %get3A_243 : i32 to index
    %get3A_245 = arith.constant 320 : index
    %get3A_246 = tpu.vector_load %arg5[%get3A_244, %get3A_245] {strides = array<i32>} : memref<56x512xi32, #tpu.memory_space<vmem>>, vector<16xi32>,
    %shift_right_logical3A_247 = arith.constant 1 : i32
    %shift_right_logical3A_248 = vector.broadcast %shift_right_logical3A_247 : i32 to vector<16xi32>
    %shift_right_logical3A_249 = arith.shrui %get3A_246, %shift_right_logical3A_248 : vector<16xi32>
    %swap3A_250 = arith.constant 2 : i32
    %swap3A_251 = arith.index_cast %swap3A_250 : i32 to index
    %swap3A_252 = arith.constant 64 : index
    %swap3A_253 = tpu.vector_load %arg6[%swap3A_251, %swap3A_252] {strides = array<i32>} : memref<4x128xi32, #tpu.memory_space<vmem>>, vector<16xi32>,
    tpu.vector_store %arg6[%swap3A_251, %swap3A_252], %shift_right_logical3A_249 {strides = array<i32>} : memref<4x128xi32, #tpu.memory_space<vmem>>, vector<16xi32>,
    %get3A_254 = arith.constant 0 : i32
    %get3A_255 = arith.index_cast %get3A_254 : i32 to index
    %get3A_256 = arith.constant 336 : index
    %get3A_257 = tpu.vector_load %arg5[%get3A_255, %get3A_256] {strides = array<i32>} : memref<56x512xi32, #tpu.memory_space<vmem>>, vector<16xi32>,
    %shift_right_logical3A_258 = arith.constant 1 : i32
    %shift_right_logical3A_259 = vector.broadcast %shift_right_logical3A_258 : i32 to vector<16xi32>
    %shift_right_logical3A_260 = arith.shrui %get3A_257, %shift_right_logical3A_259 : vector<16xi32>
    %swap3A_261 = arith.constant 2 : i32
    %swap3A_262 = arith.index_cast %swap3A_261 : i32 to index
    %swap3A_263 = arith.constant 80 : index
    %swap3A_264 = tpu.vector_load %arg6[%swap3A_262, %swap3A_263] {strides = array<i32>} : memref<4x128xi32, #tpu.memory_space<vmem>>, vector<16xi32>,
    tpu.vector_store %arg6[%swap3A_262, %swap3A_263], %shift_right_logical3A_260 {strides = array<i32>} : memref<4x128xi32, #tpu.memory_space<vmem>>, vector<16xi32>,
    %get3A_265 = arith.constant 0 : i32
    %get3A_266 = arith.index_cast %get3A_265 : i32 to index
    %get3A_267 = arith.constant 352 : index
    %get3A_268 = tpu.vector_load %arg5[%get3A_266, %get3A_267] {strides = array<i32>} : memref<56x512xi32, #tpu.memory_space<vmem>>, vector<16xi32>,
    %shift_right_logical3A_269 = arith.constant 1 : i32
    %shift_right_logical3A_270 = vector.broadcast %shift_right_logical3A_269 : i32 to vector<16xi32>
    %shift_right_logical3A_271 = arith.shrui %get3A_268, %shift_right_logical3A_270 : vector<16xi32>
    %swap3A_272 = arith.constant 2 : i32
    %swap3A_273 = arith.index_cast %swap3A_272 : i32 to index
    %swap3A_274 = arith.constant 96 : index
    %swap3A_275 = tpu.vector_load %arg6[%swap3A_273, %swap3A_274] {strides = array<i32>} : memref<4x128xi32, #tpu.memory_space<vmem>>, vector<16xi32>,
    tpu.vector_store %arg6[%swap3A_273, %swap3A_274], %shift_right_logical3A_271 {strides = array<i32>} : memref<4x128xi32, #tpu.memory_space<vmem>>, vector<16xi32>,
    %get3A_276 = arith.constant 0 : i32
    %get3A_277 = arith.index_cast %get3A_276 : i32 to index
    %get3A_278 = arith.constant 368 : index
    %get3A_279 = tpu.vector_load %arg5[%get3A_277, %get3A_278] {strides = array<i32>} : memref<56x512xi32, #tpu.memory_space<vmem>>, vector<16xi32>,
    %shift_right_logical3A_280 = arith.constant 1 : i32
    %shift_right_logical3A_281 = vector.broadcast %shift_right_logical3A_280 : i32 to vector<16xi32>
    %shift_right_logical3A_282 = arith.shrui %get3A_279, %shift_right_logical3A_281 : vector<16xi32>
    %swap3A_283 = arith.constant 2 : i32
    %swap3A_284 = arith.index_cast %swap3A_283 : i32 to index
    %swap3A_285 = arith.constant 112 : index
    %swap3A_286 = tpu.vector_load %arg6[%swap3A_284, %swap3A_285] {strides = array<i32>} : memref<4x128xi32, #tpu.memory_space<vmem>>, vector<16xi32>,
    tpu.vector_store %arg6[%swap3A_284, %swap3A_285], %shift_right_logical3A_282 {strides = array<i32>} : memref<4x128xi32, #tpu.memory_space<vmem>>, vector<16xi32>,
    %dma_start3A_287 = arith.constant 2 : i32
    %dma_start3A_288 = arith.constant 2 : i32
    %dma_start3A_289 = arith.constant 0 : i32
    %dma_start3A_290 = arith.constant 0 : i32
    %dma_start3A_291 = tpu.memref_slice %arg7[%dma_start3A_288, %dma_start3A_289, %dma_start3A_290] : memref<4x128x128xf32, #tpu.memory_space<vmem>> -> memref<1x128x128xf32, #tpu.memory_space<vmem>>
    %dma_start3A_292 = tpu.memref_squeeze %dma_start3A_291 : memref<1x128x128xf32, #tpu.memory_space<vmem>> -> memref<128x128xf32, #tpu.memory_space<vmem>>
    %dma_start3A_293 = arith.constant 0 : i32
    %dma_start3A_294 = tpu.memref_slice %arg6[%dma_start3A_287, %dma_start3A_293] : memref<4x128xi32, #tpu.memory_space<vmem>> -> memref<1x128xi32, #tpu.memory_space<vmem>>
    %dma_start3A_295 = tpu.memref_squeeze %dma_start3A_294 : memref<1x128xi32, #tpu.memory_space<vmem>> -> memref<128xi32, #tpu.memory_space<vmem>>
    %dma_start3A_296 = arith.constant 0 : i32
    %dma_start3A_297 = arith.constant 0 : i32
    %dma_start3A_298 = tpu.memref_slice %arg3[%dma_start3A_296, %dma_start3A_297] : memref<500032x128xf32, #tpu.memory_space<hbm>> -> memref<500032x128xf32, #tpu.memory_space<hbm>>
    tpu.enqueue_indirect_dma source(%dma_start3A_298 : memref<500032x128xf32, #tpu.memory_space<hbm>>) target(%dma_start3A_292 : memref<128x128xf32, #tpu.memory_space<vmem>>) offsets(%dma_start3A_295 : memref<128xi32, #tpu.memory_space<vmem>>) semaphore(%arg11 : memref<!tpu.dma_semaphore, #tpu.memory_space<semaphore_mem>>)
    %get3A_299 = arith.constant 0 : i32
    %get3A_300 = arith.index_cast %get3A_299 : i32 to index
    %get3A_301 = arith.constant 384 : index
    %get3A_302 = tpu.vector_load %arg5[%get3A_300, %get3A_301] {strides = array<i32>} : memref<56x512xi32, #tpu.memory_space<vmem>>, vector<16xi32>,
    %shift_right_logical3A_303 = arith.constant 1 : i32
    %shift_right_logical3A_304 = vector.broadcast %shift_right_logical3A_303 : i32 to vector<16xi32>
    %shift_right_logical3A_305 = arith.shrui %get3A_302, %shift_right_logical3A_304 : vector<16xi32>
    %swap3A_306 = arith.constant 3 : i32
    %swap3A_307 = arith.index_cast %swap3A_306 : i32 to index
    %swap3A_308 = arith.constant 0 : index
    %swap3A_309 = tpu.vector_load %arg6[%swap3A_307, %swap3A_308] {strides = array<i32>} : memref<4x128xi32, #tpu.memory_space<vmem>>, vector<16xi32>,
    tpu.vector_store %arg6[%swap3A_307, %swap3A_308], %shift_right_logical3A_305 {strides = array<i32>} : memref<4x128xi32, #tpu.memory_space<vmem>>, vector<16xi32>,
    %get3A_310 = arith.constant 0 : i32
    %get3A_311 = arith.index_cast %get3A_310 : i32 to index
    %get3A_312 = arith.constant 400 : index
    %get3A_313 = tpu.vector_load %arg5[%get3A_311, %get3A_312] {strides = array<i32>} : memref<56x512xi32, #tpu.memory_space<vmem>>, vector<16xi32>,
    %shift_right_logical3A_314 = arith.constant 1 : i32
    %shift_right_logical3A_315 = vector.broadcast %shift_right_logical3A_314 : i32 to vector<16xi32>
    %shift_right_logical3A_316 = arith.shrui %get3A_313, %shift_right_logical3A_315 : vector<16xi32>
    %swap3A_317 = arith.constant 3 : i32
    %swap3A_318 = arith.index_cast %swap3A_317 : i32 to index
    %swap3A_319 = arith.constant 16 : index
    %swap3A_320 = tpu.vector_load %arg6[%swap3A_318, %swap3A_319] {strides = array<i32>} : memref<4x128xi32, #tpu.memory_space<vmem>>, vector<16xi32>,
    tpu.vector_store %arg6[%swap3A_318, %swap3A_319], %shift_right_logical3A_316 {strides = array<i32>} : memref<4x128xi32, #tpu.memory_space<vmem>>, vector<16xi32>,
    %get3A_321 = arith.constant 0 : i32
    %get3A_322 = arith.index_cast %get3A_321 : i32 to index
    %get3A_323 = arith.constant 416 : index
    %get3A_324 = tpu.vector_load %arg5[%get3A_322, %get3A_323] {strides = array<i32>} : memref<56x512xi32, #tpu.memory_space<vmem>>, vector<16xi32>,
    %shift_right_logical3A_325 = arith.constant 1 : i32
    %shift_right_logical3A_326 = vector.broadcast %shift_right_logical3A_325 : i32 to vector<16xi32>
    %shift_right_logical3A_327 = arith.shrui %get3A_324, %shift_right_logical3A_326 : vector<16xi32>
    %swap3A_328 = arith.constant 3 : i32
    %swap3A_329 = arith.index_cast %swap3A_328 : i32 to index
    %swap3A_330 = arith.constant 32 : index
    %swap3A_331 = tpu.vector_load %arg6[%swap3A_329, %swap3A_330] {strides = array<i32>} : memref<4x128xi32, #tpu.memory_space<vmem>>, vector<16xi32>,
    tpu.vector_store %arg6[%swap3A_329, %swap3A_330], %shift_right_logical3A_327 {strides = array<i32>} : memref<4x128xi32, #tpu.memory_space<vmem>>, vector<16xi32>,
    %get3A_332 = arith.constant 0 : i32
    %get3A_333 = arith.index_cast %get3A_332 : i32 to index
    %get3A_334 = arith.constant 432 : index
    %get3A_335 = tpu.vector_load %arg5[%get3A_333, %get3A_334] {strides = array<i32>} : memref<56x512xi32, #tpu.memory_space<vmem>>, vector<16xi32>,
    %shift_right_logical3A_336 = arith.constant 1 : i32
    %shift_right_logical3A_337 = vector.broadcast %shift_right_logical3A_336 : i32 to vector<16xi32>
    %shift_right_logical3A_338 = arith.shrui %get3A_335, %shift_right_logical3A_337 : vector<16xi32>
    %swap3A_339 = arith.constant 3 : i32
    %swap3A_340 = arith.index_cast %swap3A_339 : i32 to index
    %swap3A_341 = arith.constant 48 : index
    %swap3A_342 = tpu.vector_load %arg6[%swap3A_340, %swap3A_341] {strides = array<i32>} : memref<4x128xi32, #tpu.memory_space<vmem>>, vector<16xi32>,
    tpu.vector_store %arg6[%swap3A_340, %swap3A_341], %shift_right_logical3A_338 {strides = array<i32>} : memref<4x128xi32, #tpu.memory_space<vmem>>, vector<16xi32>,
    %get3A_343 = arith.constant 0 : i32
    %get3A_344 = arith.index_cast %get3A_343 : i32 to index
    %get3A_345 = arith.constant 448 : index
    %get3A_346 = tpu.vector_load %arg5[%get3A_344, %get3A_345] {strides = array<i32>} : memref<56x512xi32, #tpu.memory_space<vmem>>, vector<16xi32>,
    %shift_right_logical3A_347 = arith.constant 1 : i32
    %shift_right_logical3A_348 = vector.broadcast %shift_right_logical3A_347 : i32 to vector<16xi32>
    %shift_right_logical3A_349 = arith.shrui %get3A_346, %shift_right_logical3A_348 : vector<16xi32>
    %swap3A_350 = arith.constant 3 : i32
    %swap3A_351 = arith.index_cast %swap3A_350 : i32 to index
    %swap3A_352 = arith.constant 64 : index
    %swap3A_353 = tpu.vector_load %arg6[%swap3A_351, %swap3A_352] {strides = array<i32>} : memref<4x128xi32, #tpu.memory_space<vmem>>, vector<16xi32>,
    tpu.vector_store %arg6[%swap3A_351, %swap3A_352], %shift_right_logical3A_349 {strides = array<i32>} : memref<4x128xi32, #tpu.memory_space<vmem>>, vector<16xi32>,
    %get3A_354 = arith.constant 0 : i32
    %get3A_355 = arith.index_cast %get3A_354 : i32 to index
    %get3A_356 = arith.constant 464 : index
    %get3A_357 = tpu.vector_load %arg5[%get3A_355, %get3A_356] {strides = array<i32>} : memref<56x512xi32, #tpu.memory_space<vmem>>, vector<16xi32>,
    %shift_right_logical3A_358 = arith.constant 1 : i32
    %shift_right_logical3A_359 = vector.broadcast %shift_right_logical3A_358 : i32 to vector<16xi32>
    %shift_right_logical3A_360 = arith.shrui %get3A_357, %shift_right_logical3A_359 : vector<16xi32>
    %swap3A_361 = arith.constant 3 : i32
    %swap3A_362 = arith.index_cast %swap3A_361 : i32 to index
    %swap3A_363 = arith.constant 80 : index
    %swap3A_364 = tpu.vector_load %arg6[%swap3A_362, %swap3A_363] {strides = array<i32>} : memref<4x128xi32, #tpu.memory_space<vmem>>, vector<16xi32>,
    tpu.vector_store %arg6[%swap3A_362, %swap3A_363], %shift_right_logical3A_360 {strides = array<i32>} : memref<4x128xi32, #tpu.memory_space<vmem>>, vector<16xi32>,
    %get3A_365 = arith.constant 0 : i32
    %get3A_366 = arith.index_cast %get3A_365 : i32 to index
    %get3A_367 = arith.constant 480 : index
    %get3A_368 = tpu.vector_load %arg5[%get3A_366, %get3A_367] {strides = array<i32>} : memref<56x512xi32, #tpu.memory_space<vmem>>, vector<16xi32>,
    %shift_right_logical3A_369 = arith.constant 1 : i32
    %shift_right_logical3A_370 = vector.broadcast %shift_right_logical3A_369 : i32 to vector<16xi32>
    %shift_right_logical3A_371 = arith.shrui %get3A_368, %shift_right_logical3A_370 : vector<16xi32>
    %swap3A_372 = arith.constant 3 : i32
    %swap3A_373 = arith.index_cast %swap3A_372 : i32 to index
    %swap3A_374 = arith.constant 96 : index
    %swap3A_375 = tpu.vector_load %arg6[%swap3A_373, %swap3A_374] {strides = array<i32>} : memref<4x128xi32, #tpu.memory_space<vmem>>, vector<16xi32>,
    tpu.vector_store %arg6[%swap3A_373, %swap3A_374], %shift_right_logical3A_371 {strides = array<i32>} : memref<4x128xi32, #tpu.memory_space<vmem>>, vector<16xi32>,
    %get3A_376 = arith.constant 0 : i32
    %get3A_377 = arith.index_cast %get3A_376 : i32 to index
    %get3A_378 = arith.constant 496 : index
    %get3A_379 = tpu.vector_load %arg5[%get3A_377, %get3A_378] {strides = array<i32>} : memref<56x512xi32, #tpu.memory_space<vmem>>, vector<16xi32>,
    %shift_right_logical3A_380 = arith.constant 1 : i32
    %shift_right_logical3A_381 = vector.broadcast %shift_right_logical3A_380 : i32 to vector<16xi32>
    %shift_right_logical3A_382 = arith.shrui %get3A_379, %shift_right_logical3A_381 : vector<16xi32>
    %swap3A_383 = arith.constant 3 : i32
    %swap3A_384 = arith.index_cast %swap3A_383 : i32 to index
    %swap3A_385 = arith.constant 112 : index
    %swap3A_386 = tpu.vector_load %arg6[%swap3A_384, %swap3A_385] {strides = array<i32>} : memref<4x128xi32, #tpu.memory_space<vmem>>, vector<16xi32>,
    tpu.vector_store %arg6[%swap3A_384, %swap3A_385], %shift_right_logical3A_382 {strides = array<i32>} : memref<4x128xi32, #tpu.memory_space<vmem>>, vector<16xi32>,
    %dma_start3A_387 = arith.constant 3 : i32
    %dma_start3A_388 = arith.constant 3 : i32
    %dma_start3A_389 = arith.constant 0 : i32
    %dma_start3A_390 = arith.constant 0 : i32
    %dma_start3A_391 = tpu.memref_slice %arg7[%dma_start3A_388, %dma_start3A_389, %dma_start3A_390] : memref<4x128x128xf32, #tpu.memory_space<vmem>> -> memref<1x128x128xf32, #tpu.memory_space<vmem>>
    %dma_start3A_392 = tpu.memref_squeeze %dma_start3A_391 : memref<1x128x128xf32, #tpu.memory_space<vmem>> -> memref<128x128xf32, #tpu.memory_space<vmem>>
    %dma_start3A_393 = arith.constant 0 : i32
    %dma_start3A_394 = tpu.memref_slice %arg6[%dma_start3A_387, %dma_start3A_393] : memref<4x128xi32, #tpu.memory_space<vmem>> -> memref<1x128xi32, #tpu.memory_space<vmem>>
    %dma_start3A_395 = tpu.memref_squeeze %dma_start3A_394 : memref<1x128xi32, #tpu.memory_space<vmem>> -> memref<128xi32, #tpu.memory_space<vmem>>
    %dma_start3A_396 = arith.constant 0 : i32
    %dma_start3A_397 = arith.constant 0 : i32
    %dma_start3A_398 = tpu.memref_slice %arg3[%dma_start3A_396, %dma_start3A_397] : memref<500032x128xf32, #tpu.memory_space<hbm>> -> memref<500032x128xf32, #tpu.memory_space<hbm>>
    tpu.enqueue_indirect_dma source(%dma_start3A_398 : memref<500032x128xf32, #tpu.memory_space<hbm>>) target(%dma_start3A_392 : memref<128x128xf32, #tpu.memory_space<vmem>>) offsets(%dma_start3A_395 : memref<128xi32, #tpu.memory_space<vmem>>) semaphore(%arg12 : memref<!tpu.dma_semaphore, #tpu.memory_space<semaphore_mem>>)
    %scan3A = arith.constant 0 : i32
    %scan3A_399 = arith.constant 0 : i32
    %scan3A_400 = arith.constant 50 : i32
    %scan3A_401 = arith.addi %scan3A_399, %scan3A_400 : i32
    %scan3A_402 = arith.constant 1 : i32
    scf.for %scan3A_451 = %scan3A_399 to %scan3A_401 step %scan3A_402  : i32 {
      %mul3A_452 = arith.constant 4 : i32
      %mul3A_453 = arith.muli %mul3A_452, %scan3A_451 : i32
      %add3A_454 = arith.constant 0 : i32
      %add3A_455 = arith.addi %mul3A_453, %add3A_454 : i32
      %dma_wait3A_456 = arith.constant 0 : i32
      %dma_wait3A_457 = arith.constant 0 : i32
      %dma_wait3A_458 = arith.constant 0 : i32
      %dma_wait3A_459 = arith.constant 0 : i32
      %dma_wait3A_460 = tpu.memref_slice %arg7[%dma_wait3A_457, %dma_wait3A_458, %dma_wait3A_459] : memref<4x128x128xf32, #tpu.memory_space<vmem>> -> memref<1x128x128xf32, #tpu.memory_space<vmem>>
      %dma_wait3A_461 = tpu.memref_squeeze %dma_wait3A_460 : memref<1x128x128xf32, #tpu.memory_space<vmem>> -> memref<128x128xf32, #tpu.memory_space<vmem>>
      %dma_wait3A_462 = arith.constant 0 : i32
      %dma_wait3A_463 = tpu.memref_slice %arg6[%dma_wait3A_456, %dma_wait3A_462] : memref<4x128xi32, #tpu.memory_space<vmem>> -> memref<1x128xi32, #tpu.memory_space<vmem>>
      %dma_wait3A_464 = tpu.memref_squeeze %dma_wait3A_463 : memref<1x128xi32, #tpu.memory_space<vmem>> -> memref<128xi32, #tpu.memory_space<vmem>>
      %dma_wait3A_465 = arith.constant 0 : i32
      %dma_wait3A_466 = arith.constant 0 : i32
      %dma_wait3A_467 = tpu.memref_slice %arg3[%dma_wait3A_465, %dma_wait3A_466] : memref<500032x128xf32, #tpu.memory_space<hbm>> -> memref<500032x128xf32, #tpu.memory_space<hbm>>
      tpu.wait_indirect_dma semaphore(%arg9 : memref<!tpu.dma_semaphore, #tpu.memory_space<semaphore_mem>>) src(%dma_wait3A_467 : memref<500032x128xf32, #tpu.memory_space<hbm>>) dst(%dma_wait3A_461 : memref<128x128xf32, #tpu.memory_space<vmem>>)
      %ge3A = arith.constant 2 : i32
      %ge3A_468 = arith.cmpi sge, %add3A_455, %ge3A : i32
      %convert_element_type3A = arith.extui %ge3A_468 : i1 to i32
      %cond3A = arith.constant 0 : i32
      %cond3A_469 = arith.cmpi ne, %convert_element_type3A, %cond3A : i32
      scf.if %cond3A_469 {
        %sub3A_1329 = arith.constant 2 : i32
        %sub3A_1330 = arith.subi %add3A_455, %sub3A_1329 : i32
        %jit3A_1331 = arith.constant 4 : i32
        %div3A_1332 = arith.divsi %sub3A_1330, %jit3A_1331 : i32
        %sign3A_1333 = arith.constant 0 : i32
        %sign3A_1334 = arith.cmpi sgt, %sub3A_1330, %sign3A_1333 : i32
        %sign3A_1335 = arith.extui %sign3A_1334 : i1 to i32
        %sign3A_1336 = arith.constant 0 : i32
        %sign3A_1337 = arith.cmpi slt, %sub3A_1330, %sign3A_1336 : i32
        %sign3A_1338 = arith.extui %sign3A_1337 : i1 to i32
        %sign3A_1339 = arith.subi %sign3A_1335, %sign3A_1338 : i32
        %sign3A_1340 = arith.constant 0 : i32
        %sign3A_1341 = arith.cmpi sgt, %jit3A_1331, %sign3A_1340 : i32
        %sign3A_1342 = arith.extui %sign3A_1341 : i1 to i32
        %sign3A_1343 = arith.constant 0 : i32
        %sign3A_1344 = arith.cmpi slt, %jit3A_1331, %sign3A_1343 : i32
        %sign3A_1345 = arith.extui %sign3A_1344 : i1 to i32
        %sign3A_1346 = arith.subi %sign3A_1342, %sign3A_1345 : i32
        %ne3A_1347 = arith.cmpi ne, %sign3A_1339, %sign3A_1346 : i32
        %rem3A_1348 = arith.remsi %sub3A_1330, %jit3A_1331 : i32
        %ne3A_1349 = arith.constant 0 : i32
        %ne3A_1350 = arith.cmpi ne, %rem3A_1348, %ne3A_1349 : i32
        %and3A_1351 = arith.andi %ne3A_1347, %ne3A_1350 : i1
        %sub3A_1352 = arith.constant 1 : i32
        %sub3A_1353 = arith.subi %div3A_1332, %sub3A_1352 : i32
        %select_n3A_1354 = arith.select %and3A_1351, %sub3A_1353, %div3A_1332 : i32
        %jit3A_1355 = arith.constant 4 : i32
        %eq3A_1356 = arith.constant 0 : i32
        %eq3A_1357 = arith.cmpi eq, %jit3A_1355, %eq3A_1356 : i32
        %jit3A_1358 = arith.constant 1 : i32
        %select_n3A_1359 = arith.select %eq3A_1357, %jit3A_1358, %jit3A_1355 : i32
        %rem3A_1360 = arith.remsi %sub3A_1330, %select_n3A_1359 : i32
        %ne3A_1361 = arith.constant 0 : i32
        %ne3A_1362 = arith.cmpi ne, %rem3A_1360, %ne3A_1361 : i32
        %lt3A_1363 = arith.constant 0 : i32
        %lt3A_1364 = arith.cmpi slt, %rem3A_1360, %lt3A_1363 : i32
        %lt3A_1365 = arith.constant 0 : i32
        %lt3A_1366 = arith.cmpi slt, %select_n3A_1359, %lt3A_1365 : i32
        %ne3A_1367 = arith.xori %lt3A_1364, %lt3A_1366 : i1
        %and3A_1368 = arith.andi %ne3A_1367, %ne3A_1362 : i1
        %add3A_1369 = arith.addi %rem3A_1360, %select_n3A_1359 : i32
        %select_n3A_1370 = arith.select %and3A_1368, %add3A_1369, %rem3A_1360 : i32
        %mul3A_1371 = arith.constant 128 : i32
        %mul3A_1372 = arith.muli %mul3A_1371, %select_n3A_1370 : i32
        %add3A_1373 = arith.addi %mul3A_2, %mul3A_1372 : i32
        %dma_wait3A_1374 = arith.constant 0 : i32
        %dma_wait3A_1375 = arith.constant 0 : i32
        %dma_wait3A_1376 = arith.constant 0 : i32
        %dma_wait3A_1377 = tpu.memref_slice %arg8[%dma_wait3A_1374, %dma_wait3A_1375, %dma_wait3A_1376] : memref<2x64x128xf32, #tpu.memory_space<vmem>> -> memref<1x64x128xf32, #tpu.memory_space<vmem>>
        %dma_wait3A_1378 = tpu.memref_squeeze %dma_wait3A_1377 : memref<1x64x128xf32, #tpu.memory_space<vmem>> -> memref<64x128xf32, #tpu.memory_space<vmem>>
        %dma_wait3A_1379 = arith.constant 0 : i32
        %dma_wait3A_1380 = arith.constant 0 : i32
        %dma_wait3A_1381 = tpu.memref_slice %arg4[%select_n3A_1354, %dma_wait3A_1379, %dma_wait3A_1380] : memref<50x64x16384xf32, #tpu.memory_space<hbm>> -> memref<1x64x16384xf32, #tpu.memory_space<hbm>>
        %dma_wait3A_1382 = tpu.memref_squeeze %dma_wait3A_1381 : memref<1x64x16384xf32, #tpu.memory_space<hbm>> -> memref<64x16384xf32, #tpu.memory_space<hbm>>
        %dma_wait3A_1383 = arith.constant 0 : i32
        %dma_wait3A_1384 = tpu.memref_slice %dma_wait3A_1382[%dma_wait3A_1383, %add3A_1373] : memref<64x16384xf32, #tpu.memory_space<hbm>> -> memref<64x128xf32, #tpu.memory_space<hbm>>
        %dma_wait3A_1385 = arith.constant 0 : i32
        %dma_wait3A_1386 = arith.constant 0 : i32
        %dma_wait3A_1387 = tpu.memref_slice %arg4[%select_n3A_1354, %dma_wait3A_1385, %dma_wait3A_1386] : memref<50x64x16384xf32, #tpu.memory_space<hbm>> -> memref<1x64x16384xf32, #tpu.memory_space<hbm>>
        %dma_wait3A_1388 = tpu.memref_squeeze %dma_wait3A_1387 : memref<1x64x16384xf32, #tpu.memory_space<hbm>> -> memref<64x16384xf32, #tpu.memory_space<hbm>>
        %dma_wait3A_1389 = arith.constant 0 : i32
        %dma_wait3A_1390 = tpu.memref_slice %dma_wait3A_1388[%dma_wait3A_1389, %add3A_1373] : memref<64x16384xf32, #tpu.memory_space<hbm>> -> memref<64x128xf32, #tpu.memory_space<hbm>>
        %dma_wait3A_1391 = arith.constant 0 : i32
        %dma_wait3A_1392 = arith.constant 0 : i32
        %dma_wait3A_1393 = tpu.memref_slice %arg8[%dma_wait3A_1374, %dma_wait3A_1391, %dma_wait3A_1392] : memref<2x64x128xf32, #tpu.memory_space<vmem>> -> memref<1x64x128xf32, #tpu.memory_space<vmem>>
        %dma_wait3A_1394 = tpu.memref_squeeze %dma_wait3A_1393 : memref<1x64x128xf32, #tpu.memory_space<vmem>> -> memref<64x128xf32, #tpu.memory_space<vmem>>
        tpu.wait_dma2 semaphore(%arg13 : memref<!tpu.dma_semaphore, #tpu.memory_space<semaphore_mem>>) src(%dma_wait3A_1394 : memref<64x128xf32, #tpu.memory_space<vmem>>) dst(%dma_wait3A_1390 : memref<64x128xf32, #tpu.memory_space<hbm>>)
      } else {
      }
      %jit3A = arith.constant 4 : i32
      %div3A = arith.divsi %add3A_455, %jit3A : i32
      %sign3A = arith.constant 0 : i32
      %sign3A_470 = arith.cmpi sgt, %add3A_455, %sign3A : i32
      %sign3A_471 = arith.extui %sign3A_470 : i1 to i32
      %sign3A_472 = arith.constant 0 : i32
      %sign3A_473 = arith.cmpi slt, %add3A_455, %sign3A_472 : i32
      %sign3A_474 = arith.extui %sign3A_473 : i1 to i32
      %sign3A_475 = arith.subi %sign3A_471, %sign3A_474 : i32
      %sign3A_476 = arith.constant 0 : i32
      %sign3A_477 = arith.cmpi sgt, %jit3A, %sign3A_476 : i32
      %sign3A_478 = arith.extui %sign3A_477 : i1 to i32
      %sign3A_479 = arith.constant 0 : i32
      %sign3A_480 = arith.cmpi slt, %jit3A, %sign3A_479 : i32
      %sign3A_481 = arith.extui %sign3A_480 : i1 to i32
      %sign3A_482 = arith.subi %sign3A_478, %sign3A_481 : i32
      %ne3A = arith.cmpi ne, %sign3A_475, %sign3A_482 : i32
      %rem3A = arith.remsi %add3A_455, %jit3A : i32
      %ne3A_483 = arith.constant 0 : i32
      %ne3A_484 = arith.cmpi ne, %rem3A, %ne3A_483 : i32
      %and3A = arith.andi %ne3A, %ne3A_484 : i1
      %sub3A = arith.constant 1 : i32
      %sub3A_485 = arith.subi %div3A, %sub3A : i32
      %select_n3A = arith.select %and3A, %sub3A_485, %div3A : i32
      %jit3A_486 = arith.constant 4 : i32
      %eq3A = arith.constant 0 : i32
      %eq3A_487 = arith.cmpi eq, %jit3A_486, %eq3A : i32
      %jit3A_488 = arith.constant 1 : i32
      %select_n3A_489 = arith.select %eq3A_487, %jit3A_488, %jit3A_486 : i32
      %rem3A_490 = arith.remsi %add3A_455, %select_n3A_489 : i32
      %ne3A_491 = arith.constant 0 : i32
      %ne3A_492 = arith.cmpi ne, %rem3A_490, %ne3A_491 : i32
      %lt3A = arith.constant 0 : i32
      %lt3A_493 = arith.cmpi slt, %rem3A_490, %lt3A : i32
      %lt3A_494 = arith.constant 0 : i32
      %lt3A_495 = arith.cmpi slt, %select_n3A_489, %lt3A_494 : i32
      %ne3A_496 = arith.xori %lt3A_493, %lt3A_495 : i1
      %and3A_497 = arith.andi %ne3A_496, %ne3A_492 : i1
      %add3A_498 = arith.addi %rem3A_490, %select_n3A_489 : i32
      %select_n3A_499 = arith.select %and3A_497, %add3A_498, %rem3A_490 : i32
      %mul3A_500 = arith.constant 128 : i32
      %mul3A_501 = arith.muli %mul3A_500, %select_n3A_499 : i32
      %add3A_502 = arith.constant 0 : i32
      %add3A_503 = arith.addi %mul3A_501, %add3A_502 : i32
      %get3A_504 = arith.index_cast %select_n3A : i32 to index
      %get3A_505 = arith.index_cast %add3A_503 : i32 to index
      %get3A_506 = tpu.vector_load %arg5[%get3A_504, %get3A_505] {strides = array<i32>} : memref<56x512xi32, #tpu.memory_space<vmem>>, vector<16xi32>,
      %and3A_507 = arith.constant 1 : i32
      %and3A_508 = vector.broadcast %and3A_507 : i32 to vector<16xi32>
      %and3A_509 = arith.andi %get3A_506, %and3A_508 : vector<16xi32>
      %shift_left3A = arith.constant 6 : i32
      %shift_left3A_510 = vector.broadcast %shift_left3A : i32 to vector<16xi32>
      %shift_left3A_511 = arith.shli %and3A_509, %shift_left3A_510 : vector<16xi32>
      %add3A_512 = arith.constant 0 : i32
      %add3A_513 = vector.broadcast %add3A_512 : i32 to vector<16xi32>
      %add3A_514 = arith.addi %add3A_513, %iota3A : vector<16xi32>
      %mul3A_515 = arith.constant 128 : i32
      %mul3A_516 = arith.muli %mul3A_515, %select_n3A_499 : i32
      %add3A_517 = arith.constant 16 : i32
      %add3A_518 = arith.addi %mul3A_516, %add3A_517 : i32
      %get3A_519 = arith.index_cast %select_n3A : i32 to index
      %get3A_520 = arith.index_cast %add3A_518 : i32 to index
      %get3A_521 = tpu.vector_load %arg5[%get3A_519, %get3A_520] {strides = array<i32>} : memref<56x512xi32, #tpu.memory_space<vmem>>, vector<16xi32>,
      %and3A_522 = arith.constant 1 : i32
      %and3A_523 = vector.broadcast %and3A_522 : i32 to vector<16xi32>
      %and3A_524 = arith.andi %get3A_521, %and3A_523 : vector<16xi32>
      %shift_left3A_525 = arith.constant 6 : i32
      %shift_left3A_526 = vector.broadcast %shift_left3A_525 : i32 to vector<16xi32>
      %shift_left3A_527 = arith.shli %and3A_524, %shift_left3A_526 : vector<16xi32>
      %add3A_528 = arith.constant 16 : i32
      %add3A_529 = vector.broadcast %add3A_528 : i32 to vector<16xi32>
      %add3A_530 = arith.addi %add3A_529, %iota3A : vector<16xi32>
      %mul3A_531 = arith.constant 128 : i32
      %mul3A_532 = arith.muli %mul3A_531, %select_n3A_499 : i32
      %add3A_533 = arith.constant 32 : i32
      %add3A_534 = arith.addi %mul3A_532, %add3A_533 : i32
      %get3A_535 = arith.index_cast %select_n3A : i32 to index
      %get3A_536 = arith.index_cast %add3A_534 : i32 to index
      %get3A_537 = tpu.vector_load %arg5[%get3A_535, %get3A_536] {strides = array<i32>} : memref<56x512xi32, #tpu.memory_space<vmem>>, vector<16xi32>,
      %and3A_538 = arith.constant 1 : i32
      %and3A_539 = vector.broadcast %and3A_538 : i32 to vector<16xi32>
      %and3A_540 = arith.andi %get3A_537, %and3A_539 : vector<16xi32>
      %shift_left3A_541 = arith.constant 6 : i32
      %shift_left3A_542 = vector.broadcast %shift_left3A_541 : i32 to vector<16xi32>
      %shift_left3A_543 = arith.shli %and3A_540, %shift_left3A_542 : vector<16xi32>
      %add3A_544 = arith.constant 32 : i32
      %add3A_545 = vector.broadcast %add3A_544 : i32 to vector<16xi32>
      %add3A_546 = arith.addi %add3A_545, %iota3A : vector<16xi32>
      %mul3A_547 = arith.constant 128 : i32
      %mul3A_548 = arith.muli %mul3A_547, %select_n3A_499 : i32
      %add3A_549 = arith.constant 48 : i32
      %add3A_550 = arith.addi %mul3A_548, %add3A_549 : i32
      %get3A_551 = arith.index_cast %select_n3A : i32 to index
      %get3A_552 = arith.index_cast %add3A_550 : i32 to index
      %get3A_553 = tpu.vector_load %arg5[%get3A_551, %get3A_552] {strides = array<i32>} : memref<56x512xi32, #tpu.memory_space<vmem>>, vector<16xi32>,
      %and3A_554 = arith.constant 1 : i32
      %and3A_555 = vector.broadcast %and3A_554 : i32 to vector<16xi32>
      %and3A_556 = arith.andi %get3A_553, %and3A_555 : vector<16xi32>
      %shift_left3A_557 = arith.constant 6 : i32
      %shift_left3A_558 = vector.broadcast %shift_left3A_557 : i32 to vector<16xi32>
      %shift_left3A_559 = arith.shli %and3A_556, %shift_left3A_558 : vector<16xi32>
      %add3A_560 = arith.constant 48 : i32
      %add3A_561 = vector.broadcast %add3A_560 : i32 to vector<16xi32>
      %add3A_562 = arith.addi %add3A_561, %iota3A : vector<16xi32>
      %mul3A_563 = arith.constant 128 : i32
      %mul3A_564 = arith.muli %mul3A_563, %select_n3A_499 : i32
      %add3A_565 = arith.constant 64 : i32
      %add3A_566 = arith.addi %mul3A_564, %add3A_565 : i32
      %get3A_567 = arith.index_cast %select_n3A : i32 to index
      %get3A_568 = arith.index_cast %add3A_566 : i32 to index
      %get3A_569 = tpu.vector_load %arg5[%get3A_567, %get3A_568] {strides = array<i32>} : memref<56x512xi32, #tpu.memory_space<vmem>>, vector<16xi32>,
      %and3A_570 = arith.constant 1 : i32
      %and3A_571 = vector.broadcast %and3A_570 : i32 to vector<16xi32>
      %and3A_572 = arith.andi %get3A_569, %and3A_571 : vector<16xi32>
      %shift_left3A_573 = arith.constant 6 : i32
      %shift_left3A_574 = vector.broadcast %shift_left3A_573 : i32 to vector<16xi32>
      %shift_left3A_575 = arith.shli %and3A_572, %shift_left3A_574 : vector<16xi32>
      %add3A_576 = arith.constant 64 : i32
      %add3A_577 = vector.broadcast %add3A_576 : i32 to vector<16xi32>
      %add3A_578 = arith.addi %add3A_577, %iota3A : vector<16xi32>
      %mul3A_579 = arith.constant 128 : i32
      %mul3A_580 = arith.muli %mul3A_579, %select_n3A_499 : i32
      %add3A_581 = arith.constant 80 : i32
      %add3A_582 = arith.addi %mul3A_580, %add3A_581 : i32
      %get3A_583 = arith.index_cast %select_n3A : i32 to index
      %get3A_584 = arith.index_cast %add3A_582 : i32 to index
      %get3A_585 = tpu.vector_load %arg5[%get3A_583, %get3A_584] {strides = array<i32>} : memref<56x512xi32, #tpu.memory_space<vmem>>, vector<16xi32>,
      %and3A_586 = arith.constant 1 : i32
      %and3A_587 = vector.broadcast %and3A_586 : i32 to vector<16xi32>
      %and3A_588 = arith.andi %get3A_585, %and3A_587 : vector<16xi32>
      %shift_left3A_589 = arith.constant 6 : i32
      %shift_left3A_590 = vector.broadcast %shift_left3A_589 : i32 to vector<16xi32>
      %shift_left3A_591 = arith.shli %and3A_588, %shift_left3A_590 : vector<16xi32>
      %add3A_592 = arith.constant 80 : i32
      %add3A_593 = vector.broadcast %add3A_592 : i32 to vector<16xi32>
      %add3A_594 = arith.addi %add3A_593, %iota3A : vector<16xi32>
      %mul3A_595 = arith.constant 128 : i32
      %mul3A_596 = arith.muli %mul3A_595, %select_n3A_499 : i32
      %add3A_597 = arith.constant 96 : i32
      %add3A_598 = arith.addi %mul3A_596, %add3A_597 : i32
      %get3A_599 = arith.index_cast %select_n3A : i32 to index
      %get3A_600 = arith.index_cast %add3A_598 : i32 to index
      %get3A_601 = tpu.vector_load %arg5[%get3A_599, %get3A_600] {strides = array<i32>} : memref<56x512xi32, #tpu.memory_space<vmem>>, vector<16xi32>,
      %and3A_602 = arith.constant 1 : i32
      %and3A_603 = vector.broadcast %and3A_602 : i32 to vector<16xi32>
      %and3A_604 = arith.andi %get3A_601, %and3A_603 : vector<16xi32>
      %shift_left3A_605 = arith.constant 6 : i32
      %shift_left3A_606 = vector.broadcast %shift_left3A_605 : i32 to vector<16xi32>
      %shift_left3A_607 = arith.shli %and3A_604, %shift_left3A_606 : vector<16xi32>
      %add3A_608 = arith.constant 96 : i32
      %add3A_609 = vector.broadcast %add3A_608 : i32 to vector<16xi32>
      %add3A_610 = arith.addi %add3A_609, %iota3A : vector<16xi32>
      %mul3A_611 = arith.constant 128 : i32
      %mul3A_612 = arith.muli %mul3A_611, %select_n3A_499 : i32
      %add3A_613 = arith.constant 112 : i32
      %add3A_614 = arith.addi %mul3A_612, %add3A_613 : i32
      %get3A_615 = arith.index_cast %select_n3A : i32 to index
      %get3A_616 = arith.index_cast %add3A_614 : i32 to index
      %get3A_617 = tpu.vector_load %arg5[%get3A_615, %get3A_616] {strides = array<i32>} : memref<56x512xi32, #tpu.memory_space<vmem>>, vector<16xi32>,
      %and3A_618 = arith.constant 1 : i32
      %and3A_619 = vector.broadcast %and3A_618 : i32 to vector<16xi32>
      %and3A_620 = arith.andi %get3A_617, %and3A_619 : vector<16xi32>
      %shift_left3A_621 = arith.constant 6 : i32
      %shift_left3A_622 = vector.broadcast %shift_left3A_621 : i32 to vector<16xi32>
      %shift_left3A_623 = arith.shli %and3A_620, %shift_left3A_622 : vector<16xi32>
      %add3A_624 = arith.constant 112 : i32
      %add3A_625 = vector.broadcast %add3A_624 : i32 to vector<16xi32>
      %add3A_626 = arith.addi %add3A_625, %iota3A : vector<16xi32>
      %parallel_loop3A = arith.constant 0 : i32
      %parallel_loop3A_627 = arith.constant 64 : i32
      %parallel_loop3A_628 = arith.constant 1 : i32
      scf.for %parallel_loop3A_1329 = %parallel_loop3A to %parallel_loop3A_627 step %parallel_loop3A_628  : i32 {
        %parallel_loop3A_1330 = vector.broadcast %parallel_loop3A_1329 : i32 to vector<16xi32>
        %parallel_loop3A_1331 = arith.addi %shift_left3A_511, %parallel_loop3A_1330 : vector<16xi32>
        %parallel_loop3A_1332 = arith.constant 0 : i32
        %parallel_loop3A_1333 = arith.constant 0 : i32
        %parallel_loop3A_1334 = arith.constant 0 : i32
        %parallel_loop3A_1335 = tpu.memref_slice %arg7[%parallel_loop3A_1332, %parallel_loop3A_1333, %parallel_loop3A_1334] : memref<4x128x128xf32, #tpu.memory_space<vmem>> -> memref<1x128x128xf32, #tpu.memory_space<vmem>>
        %parallel_loop3A_1336 = tpu.memref_squeeze %parallel_loop3A_1335 : memref<1x128x128xf32, #tpu.memory_space<vmem>> -> memref<128x128xf32, #tpu.memory_space<vmem>>
        %parallel_loop3A_1337 = tpu.vector_load_idx %parallel_loop3A_1336[%add3A_514, %parallel_loop3A_1331] : memref<128x128xf32, #tpu.memory_space<vmem>>[vector<16xi32>, vector<16xi32>], vector<16xf32>,
        %parallel_loop3A_1338 = arith.constant 0 : i32
        %parallel_loop3A_1339 = arith.index_cast %parallel_loop3A_1338 : i32 to index
        %parallel_loop3A_1340 = arith.index_cast %parallel_loop3A_1329 : i32 to index
        %parallel_loop3A_1341 = arith.constant 0 : index
        %parallel_loop3A_1342 = tpu.vector_load %arg8[%parallel_loop3A_1339, %parallel_loop3A_1340, %parallel_loop3A_1341] {strides = array<i32>} : memref<2x64x128xf32, #tpu.memory_space<vmem>>, vector<16xf32>,
        tpu.vector_store %arg8[%parallel_loop3A_1339, %parallel_loop3A_1340, %parallel_loop3A_1341], %parallel_loop3A_1337 {strides = array<i32>} : memref<2x64x128xf32, #tpu.memory_space<vmem>>, vector<16xf32>,
        %parallel_loop3A_1343 = vector.broadcast %parallel_loop3A_1329 : i32 to vector<16xi32>
        %parallel_loop3A_1344 = arith.addi %shift_left3A_527, %parallel_loop3A_1343 : vector<16xi32>
        %parallel_loop3A_1345 = arith.constant 0 : i32
        %parallel_loop3A_1346 = arith.constant 0 : i32
        %parallel_loop3A_1347 = arith.constant 0 : i32
        %parallel_loop3A_1348 = tpu.memref_slice %arg7[%parallel_loop3A_1345, %parallel_loop3A_1346, %parallel_loop3A_1347] : memref<4x128x128xf32, #tpu.memory_space<vmem>> -> memref<1x128x128xf32, #tpu.memory_space<vmem>>
        %parallel_loop3A_1349 = tpu.memref_squeeze %parallel_loop3A_1348 : memref<1x128x128xf32, #tpu.memory_space<vmem>> -> memref<128x128xf32, #tpu.memory_space<vmem>>
        %parallel_loop3A_1350 = tpu.vector_load_idx %parallel_loop3A_1349[%add3A_530, %parallel_loop3A_1344] : memref<128x128xf32, #tpu.memory_space<vmem>>[vector<16xi32>, vector<16xi32>], vector<16xf32>,
        %parallel_loop3A_1351 = arith.constant 0 : i32
        %parallel_loop3A_1352 = arith.index_cast %parallel_loop3A_1351 : i32 to index
        %parallel_loop3A_1353 = arith.index_cast %parallel_loop3A_1329 : i32 to index
        %parallel_loop3A_1354 = arith.constant 16 : index
        %parallel_loop3A_1355 = tpu.vector_load %arg8[%parallel_loop3A_1352, %parallel_loop3A_1353, %parallel_loop3A_1354] {strides = array<i32>} : memref<2x64x128xf32, #tpu.memory_space<vmem>>, vector<16xf32>,
        tpu.vector_store %arg8[%parallel_loop3A_1352, %parallel_loop3A_1353, %parallel_loop3A_1354], %parallel_loop3A_1350 {strides = array<i32>} : memref<2x64x128xf32, #tpu.memory_space<vmem>>, vector<16xf32>,
        %parallel_loop3A_1356 = vector.broadcast %parallel_loop3A_1329 : i32 to vector<16xi32>
        %parallel_loop3A_1357 = arith.addi %shift_left3A_543, %parallel_loop3A_1356 : vector<16xi32>
        %parallel_loop3A_1358 = arith.constant 0 : i32
        %parallel_loop3A_1359 = arith.constant 0 : i32
        %parallel_loop3A_1360 = arith.constant 0 : i32
        %parallel_loop3A_1361 = tpu.memref_slice %arg7[%parallel_loop3A_1358, %parallel_loop3A_1359, %parallel_loop3A_1360] : memref<4x128x128xf32, #tpu.memory_space<vmem>> -> memref<1x128x128xf32, #tpu.memory_space<vmem>>
        %parallel_loop3A_1362 = tpu.memref_squeeze %parallel_loop3A_1361 : memref<1x128x128xf32, #tpu.memory_space<vmem>> -> memref<128x128xf32, #tpu.memory_space<vmem>>
        %parallel_loop3A_1363 = tpu.vector_load_idx %parallel_loop3A_1362[%add3A_546, %parallel_loop3A_1357] : memref<128x128xf32, #tpu.memory_space<vmem>>[vector<16xi32>, vector<16xi32>], vector<16xf32>,
        %parallel_loop3A_1364 = arith.constant 0 : i32
        %parallel_loop3A_1365 = arith.index_cast %parallel_loop3A_1364 : i32 to index
        %parallel_loop3A_1366 = arith.index_cast %parallel_loop3A_1329 : i32 to index
        %parallel_loop3A_1367 = arith.constant 32 : index
        %parallel_loop3A_1368 = tpu.vector_load %arg8[%parallel_loop3A_1365, %parallel_loop3A_1366, %parallel_loop3A_1367] {strides = array<i32>} : memref<2x64x128xf32, #tpu.memory_space<vmem>>, vector<16xf32>,
        tpu.vector_store %arg8[%parallel_loop3A_1365, %parallel_loop3A_1366, %parallel_loop3A_1367], %parallel_loop3A_1363 {strides = array<i32>} : memref<2x64x128xf32, #tpu.memory_space<vmem>>, vector<16xf32>,
        %parallel_loop3A_1369 = vector.broadcast %parallel_loop3A_1329 : i32 to vector<16xi32>
        %parallel_loop3A_1370 = arith.addi %shift_left3A_559, %parallel_loop3A_1369 : vector<16xi32>
        %parallel_loop3A_1371 = arith.constant 0 : i32
        %parallel_loop3A_1372 = arith.constant 0 : i32
        %parallel_loop3A_1373 = arith.constant 0 : i32
        %parallel_loop3A_1374 = tpu.memref_slice %arg7[%parallel_loop3A_1371, %parallel_loop3A_1372, %parallel_loop3A_1373] : memref<4x128x128xf32, #tpu.memory_space<vmem>> -> memref<1x128x128xf32, #tpu.memory_space<vmem>>
        %parallel_loop3A_1375 = tpu.memref_squeeze %parallel_loop3A_1374 : memref<1x128x128xf32, #tpu.memory_space<vmem>> -> memref<128x128xf32, #tpu.memory_space<vmem>>
        %parallel_loop3A_1376 = tpu.vector_load_idx %parallel_loop3A_1375[%add3A_562, %parallel_loop3A_1370] : memref<128x128xf32, #tpu.memory_space<vmem>>[vector<16xi32>, vector<16xi32>], vector<16xf32>,
        %parallel_loop3A_1377 = arith.constant 0 : i32
        %parallel_loop3A_1378 = arith.index_cast %parallel_loop3A_1377 : i32 to index
        %parallel_loop3A_1379 = arith.index_cast %parallel_loop3A_1329 : i32 to index
        %parallel_loop3A_1380 = arith.constant 48 : index
        %parallel_loop3A_1381 = tpu.vector_load %arg8[%parallel_loop3A_1378, %parallel_loop3A_1379, %parallel_loop3A_1380] {strides = array<i32>} : memref<2x64x128xf32, #tpu.memory_space<vmem>>, vector<16xf32>,
        tpu.vector_store %arg8[%parallel_loop3A_1378, %parallel_loop3A_1379, %parallel_loop3A_1380], %parallel_loop3A_1376 {strides = array<i32>} : memref<2x64x128xf32, #tpu.memory_space<vmem>>, vector<16xf32>,
        %parallel_loop3A_1382 = vector.broadcast %parallel_loop3A_1329 : i32 to vector<16xi32>
        %parallel_loop3A_1383 = arith.addi %shift_left3A_575, %parallel_loop3A_1382 : vector<16xi32>
        %parallel_loop3A_1384 = arith.constant 0 : i32
        %parallel_loop3A_1385 = arith.constant 0 : i32
        %parallel_loop3A_1386 = arith.constant 0 : i32
        %parallel_loop3A_1387 = tpu.memref_slice %arg7[%parallel_loop3A_1384, %parallel_loop3A_1385, %parallel_loop3A_1386] : memref<4x128x128xf32, #tpu.memory_space<vmem>> -> memref<1x128x128xf32, #tpu.memory_space<vmem>>
        %parallel_loop3A_1388 = tpu.memref_squeeze %parallel_loop3A_1387 : memref<1x128x128xf32, #tpu.memory_space<vmem>> -> memref<128x128xf32, #tpu.memory_space<vmem>>
        %parallel_loop3A_1389 = tpu.vector_load_idx %parallel_loop3A_1388[%add3A_578, %parallel_loop3A_1383] : memref<128x128xf32, #tpu.memory_space<vmem>>[vector<16xi32>, vector<16xi32>], vector<16xf32>,
        %parallel_loop3A_1390 = arith.constant 0 : i32
        %parallel_loop3A_1391 = arith.index_cast %parallel_loop3A_1390 : i32 to index
        %parallel_loop3A_1392 = arith.index_cast %parallel_loop3A_1329 : i32 to index
        %parallel_loop3A_1393 = arith.constant 64 : index
        %parallel_loop3A_1394 = tpu.vector_load %arg8[%parallel_loop3A_1391, %parallel_loop3A_1392, %parallel_loop3A_1393] {strides = array<i32>} : memref<2x64x128xf32, #tpu.memory_space<vmem>>, vector<16xf32>,
        tpu.vector_store %arg8[%parallel_loop3A_1391, %parallel_loop3A_1392, %parallel_loop3A_1393], %parallel_loop3A_1389 {strides = array<i32>} : memref<2x64x128xf32, #tpu.memory_space<vmem>>, vector<16xf32>,
        %parallel_loop3A_1395 = vector.broadcast %parallel_loop3A_1329 : i32 to vector<16xi32>
        %parallel_loop3A_1396 = arith.addi %shift_left3A_591, %parallel_loop3A_1395 : vector<16xi32>
        %parallel_loop3A_1397 = arith.constant 0 : i32
        %parallel_loop3A_1398 = arith.constant 0 : i32
        %parallel_loop3A_1399 = arith.constant 0 : i32
        %parallel_loop3A_1400 = tpu.memref_slice %arg7[%parallel_loop3A_1397, %parallel_loop3A_1398, %parallel_loop3A_1399] : memref<4x128x128xf32, #tpu.memory_space<vmem>> -> memref<1x128x128xf32, #tpu.memory_space<vmem>>
        %parallel_loop3A_1401 = tpu.memref_squeeze %parallel_loop3A_1400 : memref<1x128x128xf32, #tpu.memory_space<vmem>> -> memref<128x128xf32, #tpu.memory_space<vmem>>
        %parallel_loop3A_1402 = tpu.vector_load_idx %parallel_loop3A_1401[%add3A_594, %parallel_loop3A_1396] : memref<128x128xf32, #tpu.memory_space<vmem>>[vector<16xi32>, vector<16xi32>], vector<16xf32>,
        %parallel_loop3A_1403 = arith.constant 0 : i32
        %parallel_loop3A_1404 = arith.index_cast %parallel_loop3A_1403 : i32 to index
        %parallel_loop3A_1405 = arith.index_cast %parallel_loop3A_1329 : i32 to index
        %parallel_loop3A_1406 = arith.constant 80 : index
        %parallel_loop3A_1407 = tpu.vector_load %arg8[%parallel_loop3A_1404, %parallel_loop3A_1405, %parallel_loop3A_1406] {strides = array<i32>} : memref<2x64x128xf32, #tpu.memory_space<vmem>>, vector<16xf32>,
        tpu.vector_store %arg8[%parallel_loop3A_1404, %parallel_loop3A_1405, %parallel_loop3A_1406], %parallel_loop3A_1402 {strides = array<i32>} : memref<2x64x128xf32, #tpu.memory_space<vmem>>, vector<16xf32>,
        %parallel_loop3A_1408 = vector.broadcast %parallel_loop3A_1329 : i32 to vector<16xi32>
        %parallel_loop3A_1409 = arith.addi %shift_left3A_607, %parallel_loop3A_1408 : vector<16xi32>
        %parallel_loop3A_1410 = arith.constant 0 : i32
        %parallel_loop3A_1411 = arith.constant 0 : i32
        %parallel_loop3A_1412 = arith.constant 0 : i32
        %parallel_loop3A_1413 = tpu.memref_slice %arg7[%parallel_loop3A_1410, %parallel_loop3A_1411, %parallel_loop3A_1412] : memref<4x128x128xf32, #tpu.memory_space<vmem>> -> memref<1x128x128xf32, #tpu.memory_space<vmem>>
        %parallel_loop3A_1414 = tpu.memref_squeeze %parallel_loop3A_1413 : memref<1x128x128xf32, #tpu.memory_space<vmem>> -> memref<128x128xf32, #tpu.memory_space<vmem>>
        %parallel_loop3A_1415 = tpu.vector_load_idx %parallel_loop3A_1414[%add3A_610, %parallel_loop3A_1409] : memref<128x128xf32, #tpu.memory_space<vmem>>[vector<16xi32>, vector<16xi32>], vector<16xf32>,
        %parallel_loop3A_1416 = arith.constant 0 : i32
        %parallel_loop3A_1417 = arith.index_cast %parallel_loop3A_1416 : i32 to index
        %parallel_loop3A_1418 = arith.index_cast %parallel_loop3A_1329 : i32 to index
        %parallel_loop3A_1419 = arith.constant 96 : index
        %parallel_loop3A_1420 = tpu.vector_load %arg8[%parallel_loop3A_1417, %parallel_loop3A_1418, %parallel_loop3A_1419] {strides = array<i32>} : memref<2x64x128xf32, #tpu.memory_space<vmem>>, vector<16xf32>,
        tpu.vector_store %arg8[%parallel_loop3A_1417, %parallel_loop3A_1418, %parallel_loop3A_1419], %parallel_loop3A_1415 {strides = array<i32>} : memref<2x64x128xf32, #tpu.memory_space<vmem>>, vector<16xf32>,
        %parallel_loop3A_1421 = vector.broadcast %parallel_loop3A_1329 : i32 to vector<16xi32>
        %parallel_loop3A_1422 = arith.addi %shift_left3A_623, %parallel_loop3A_1421 : vector<16xi32>
        %parallel_loop3A_1423 = arith.constant 0 : i32
        %parallel_loop3A_1424 = arith.constant 0 : i32
        %parallel_loop3A_1425 = arith.constant 0 : i32
        %parallel_loop3A_1426 = tpu.memref_slice %arg7[%parallel_loop3A_1423, %parallel_loop3A_1424, %parallel_loop3A_1425] : memref<4x128x128xf32, #tpu.memory_space<vmem>> -> memref<1x128x128xf32, #tpu.memory_space<vmem>>
        %parallel_loop3A_1427 = tpu.memref_squeeze %parallel_loop3A_1426 : memref<1x128x128xf32, #tpu.memory_space<vmem>> -> memref<128x128xf32, #tpu.memory_space<vmem>>
        %parallel_loop3A_1428 = tpu.vector_load_idx %parallel_loop3A_1427[%add3A_626, %parallel_loop3A_1422] : memref<128x128xf32, #tpu.memory_space<vmem>>[vector<16xi32>, vector<16xi32>], vector<16xf32>,
        %parallel_loop3A_1429 = arith.constant 0 : i32
        %parallel_loop3A_1430 = arith.index_cast %parallel_loop3A_1429 : i32 to index
        %parallel_loop3A_1431 = arith.index_cast %parallel_loop3A_1329 : i32 to index
        %parallel_loop3A_1432 = arith.constant 112 : index
        %parallel_loop3A_1433 = tpu.vector_load %arg8[%parallel_loop3A_1430, %parallel_loop3A_1431, %parallel_loop3A_1432] {strides = array<i32>} : memref<2x64x128xf32, #tpu.memory_space<vmem>>, vector<16xf32>,
        tpu.vector_store %arg8[%parallel_loop3A_1430, %parallel_loop3A_1431, %parallel_loop3A_1432], %parallel_loop3A_1428 {strides = array<i32>} : memref<2x64x128xf32, #tpu.memory_space<vmem>>, vector<16xf32>,
      } {sc.loop_unroll_factor = 8 : i64, sc.parallel_access}
      %mul3A_629 = arith.constant 128 : i32
      %mul3A_630 = arith.muli %mul3A_629, %select_n3A_499 : i32
      %add3A_631 = arith.addi %mul3A_2, %mul3A_630 : i32
      %dma_start3A_632 = arith.constant 0 : i32
      %dma_start3A_633 = arith.constant 0 : i32
      %dma_start3A_634 = arith.constant 0 : i32
      %dma_start3A_635 = tpu.memref_slice %arg8[%dma_start3A_632, %dma_start3A_633, %dma_start3A_634] : memref<2x64x128xf32, #tpu.memory_space<vmem>> -> memref<1x64x128xf32, #tpu.memory_space<vmem>>
      %dma_start3A_636 = tpu.memref_squeeze %dma_start3A_635 : memref<1x64x128xf32, #tpu.memory_space<vmem>> -> memref<64x128xf32, #tpu.memory_space<vmem>>
      %dma_start3A_637 = arith.constant 0 : i32
      %dma_start3A_638 = arith.constant 0 : i32
      %dma_start3A_639 = tpu.memref_slice %arg4[%select_n3A, %dma_start3A_637, %dma_start3A_638] : memref<50x64x16384xf32, #tpu.memory_space<hbm>> -> memref<1x64x16384xf32, #tpu.memory_space<hbm>>
      %dma_start3A_640 = tpu.memref_squeeze %dma_start3A_639 : memref<1x64x16384xf32, #tpu.memory_space<hbm>> -> memref<64x16384xf32, #tpu.memory_space<hbm>>
      %dma_start3A_641 = arith.constant 0 : i32
      %dma_start3A_642 = tpu.memref_slice %dma_start3A_640[%dma_start3A_641, %add3A_631] : memref<64x16384xf32, #tpu.memory_space<hbm>> -> memref<64x128xf32, #tpu.memory_space<hbm>>
      %dma_start3A_643 = arith.constant 0 : i32
      %dma_start3A_644 = arith.constant 0 : i32
      %dma_start3A_645 = tpu.memref_slice %arg4[%select_n3A, %dma_start3A_643, %dma_start3A_644] : memref<50x64x16384xf32, #tpu.memory_space<hbm>> -> memref<1x64x16384xf32, #tpu.memory_space<hbm>>
      %dma_start3A_646 = tpu.memref_squeeze %dma_start3A_645 : memref<1x64x16384xf32, #tpu.memory_space<hbm>> -> memref<64x16384xf32, #tpu.memory_space<hbm>>
      %dma_start3A_647 = arith.constant 0 : i32
      %dma_start3A_648 = tpu.memref_slice %dma_start3A_646[%dma_start3A_647, %add3A_631] : memref<64x16384xf32, #tpu.memory_space<hbm>> -> memref<64x128xf32, #tpu.memory_space<hbm>>
      %dma_start3A_649 = arith.constant 0 : i32
      %dma_start3A_650 = arith.constant 0 : i32
      %dma_start3A_651 = tpu.memref_slice %arg8[%dma_start3A_632, %dma_start3A_649, %dma_start3A_650] : memref<2x64x128xf32, #tpu.memory_space<vmem>> -> memref<1x64x128xf32, #tpu.memory_space<vmem>>
      %dma_start3A_652 = tpu.memref_squeeze %dma_start3A_651 : memref<1x64x128xf32, #tpu.memory_space<vmem>> -> memref<64x128xf32, #tpu.memory_space<vmem>>
      tpu.enqueue_dma source(%dma_start3A_652 : memref<64x128xf32, #tpu.memory_space<vmem>>) target(%dma_start3A_648 : memref<64x128xf32, #tpu.memory_space<hbm>>) target_semaphore(%arg13 : memref<!tpu.dma_semaphore, #tpu.memory_space<semaphore_mem>>)
      %add3A_653 = arith.constant 4 : i32
      %add3A_654 = arith.addi %add3A_455, %add3A_653 : i32
      %lt3A_655 = arith.constant 200 : i32
      %lt3A_656 = arith.cmpi slt, %add3A_654, %lt3A_655 : i32
      %convert_element_type3A_657 = arith.extui %lt3A_656 : i1 to i32
      %cond3A_658 = arith.constant 0 : i32
      %cond3A_659 = arith.cmpi ne, %convert_element_type3A_657, %cond3A_658 : i32
      scf.if %cond3A_659 {
        %add3A_1329 = arith.constant 4 : i32
        %add3A_1330 = arith.addi %add3A_455, %add3A_1329 : i32
        %jit3A_1331 = arith.constant 4 : i32
        %div3A_1332 = arith.divsi %add3A_1330, %jit3A_1331 : i32
        %sign3A_1333 = arith.constant 0 : i32
        %sign3A_1334 = arith.cmpi sgt, %add3A_1330, %sign3A_1333 : i32
        %sign3A_1335 = arith.extui %sign3A_1334 : i1 to i32
        %sign3A_1336 = arith.constant 0 : i32
        %sign3A_1337 = arith.cmpi slt, %add3A_1330, %sign3A_1336 : i32
        %sign3A_1338 = arith.extui %sign3A_1337 : i1 to i32
        %sign3A_1339 = arith.subi %sign3A_1335, %sign3A_1338 : i32
        %sign3A_1340 = arith.constant 0 : i32
        %sign3A_1341 = arith.cmpi sgt, %jit3A_1331, %sign3A_1340 : i32
        %sign3A_1342 = arith.extui %sign3A_1341 : i1 to i32
        %sign3A_1343 = arith.constant 0 : i32
        %sign3A_1344 = arith.cmpi slt, %jit3A_1331, %sign3A_1343 : i32
        %sign3A_1345 = arith.extui %sign3A_1344 : i1 to i32
        %sign3A_1346 = arith.subi %sign3A_1342, %sign3A_1345 : i32
        %ne3A_1347 = arith.cmpi ne, %sign3A_1339, %sign3A_1346 : i32
        %rem3A_1348 = arith.remsi %add3A_1330, %jit3A_1331 : i32
        %ne3A_1349 = arith.constant 0 : i32
        %ne3A_1350 = arith.cmpi ne, %rem3A_1348, %ne3A_1349 : i32
        %and3A_1351 = arith.andi %ne3A_1347, %ne3A_1350 : i1
        %sub3A_1352 = arith.constant 1 : i32
        %sub3A_1353 = arith.subi %div3A_1332, %sub3A_1352 : i32
        %select_n3A_1354 = arith.select %and3A_1351, %sub3A_1353, %div3A_1332 : i32
        %jit3A_1355 = arith.constant 4 : i32
        %eq3A_1356 = arith.constant 0 : i32
        %eq3A_1357 = arith.cmpi eq, %jit3A_1355, %eq3A_1356 : i32
        %jit3A_1358 = arith.constant 1 : i32
        %select_n3A_1359 = arith.select %eq3A_1357, %jit3A_1358, %jit3A_1355 : i32
        %rem3A_1360 = arith.remsi %add3A_1330, %select_n3A_1359 : i32
        %ne3A_1361 = arith.constant 0 : i32
        %ne3A_1362 = arith.cmpi ne, %rem3A_1360, %ne3A_1361 : i32
        %lt3A_1363 = arith.constant 0 : i32
        %lt3A_1364 = arith.cmpi slt, %rem3A_1360, %lt3A_1363 : i32
        %lt3A_1365 = arith.constant 0 : i32
        %lt3A_1366 = arith.cmpi slt, %select_n3A_1359, %lt3A_1365 : i32
        %ne3A_1367 = arith.xori %lt3A_1364, %lt3A_1366 : i1
        %and3A_1368 = arith.andi %ne3A_1367, %ne3A_1362 : i1
        %add3A_1369 = arith.addi %rem3A_1360, %select_n3A_1359 : i32
        %select_n3A_1370 = arith.select %and3A_1368, %add3A_1369, %rem3A_1360 : i32
        %mul3A_1371 = arith.constant 128 : i32
        %mul3A_1372 = arith.muli %mul3A_1371, %select_n3A_1370 : i32
        %add3A_1373 = arith.constant 0 : i32
        %add3A_1374 = arith.addi %mul3A_1372, %add3A_1373 : i32
        %get3A_1375 = arith.index_cast %select_n3A_1354 : i32 to index
        %get3A_1376 = arith.index_cast %add3A_1374 : i32 to index
        %get3A_1377 = tpu.vector_load %arg5[%get3A_1375, %get3A_1376] {strides = array<i32>} : memref<56x512xi32, #tpu.memory_space<vmem>>, vector<16xi32>,
        %shift_right_logical3A_1378 = arith.constant 1 : i32
        %shift_right_logical3A_1379 = vector.broadcast %shift_right_logical3A_1378 : i32 to vector<16xi32>
        %shift_right_logical3A_1380 = arith.shrui %get3A_1377, %shift_right_logical3A_1379 : vector<16xi32>
        %swap3A_1381 = arith.constant 0 : i32
        %swap3A_1382 = arith.index_cast %swap3A_1381 : i32 to index
        %swap3A_1383 = arith.constant 0 : index
        %swap3A_1384 = tpu.vector_load %arg6[%swap3A_1382, %swap3A_1383] {strides = array<i32>} : memref<4x128xi32, #tpu.memory_space<vmem>>, vector<16xi32>,
        tpu.vector_store %arg6[%swap3A_1382, %swap3A_1383], %shift_right_logical3A_1380 {strides = array<i32>} : memref<4x128xi32, #tpu.memory_space<vmem>>, vector<16xi32>,
        %mul3A_1385 = arith.constant 128 : i32
        %mul3A_1386 = arith.muli %mul3A_1385, %select_n3A_1370 : i32
        %add3A_1387 = arith.constant 16 : i32
        %add3A_1388 = arith.addi %mul3A_1386, %add3A_1387 : i32
        %get3A_1389 = arith.index_cast %select_n3A_1354 : i32 to index
        %get3A_1390 = arith.index_cast %add3A_1388 : i32 to index
        %get3A_1391 = tpu.vector_load %arg5[%get3A_1389, %get3A_1390] {strides = array<i32>} : memref<56x512xi32, #tpu.memory_space<vmem>>, vector<16xi32>,
        %shift_right_logical3A_1392 = arith.constant 1 : i32
        %shift_right_logical3A_1393 = vector.broadcast %shift_right_logical3A_1392 : i32 to vector<16xi32>
        %shift_right_logical3A_1394 = arith.shrui %get3A_1391, %shift_right_logical3A_1393 : vector<16xi32>
        %swap3A_1395 = arith.constant 0 : i32
        %swap3A_1396 = arith.index_cast %swap3A_1395 : i32 to index
        %swap3A_1397 = arith.constant 16 : index
        %swap3A_1398 = tpu.vector_load %arg6[%swap3A_1396, %swap3A_1397] {strides = array<i32>} : memref<4x128xi32, #tpu.memory_space<vmem>>, vector<16xi32>,
        tpu.vector_store %arg6[%swap3A_1396, %swap3A_1397], %shift_right_logical3A_1394 {strides = array<i32>} : memref<4x128xi32, #tpu.memory_space<vmem>>, vector<16xi32>,
        %mul3A_1399 = arith.constant 128 : i32
        %mul3A_1400 = arith.muli %mul3A_1399, %select_n3A_1370 : i32
        %add3A_1401 = arith.constant 32 : i32
        %add3A_1402 = arith.addi %mul3A_1400, %add3A_1401 : i32
        %get3A_1403 = arith.index_cast %select_n3A_1354 : i32 to index
        %get3A_1404 = arith.index_cast %add3A_1402 : i32 to index
        %get3A_1405 = tpu.vector_load %arg5[%get3A_1403, %get3A_1404] {strides = array<i32>} : memref<56x512xi32, #tpu.memory_space<vmem>>, vector<16xi32>,
        %shift_right_logical3A_1406 = arith.constant 1 : i32
        %shift_right_logical3A_1407 = vector.broadcast %shift_right_logical3A_1406 : i32 to vector<16xi32>
        %shift_right_logical3A_1408 = arith.shrui %get3A_1405, %shift_right_logical3A_1407 : vector<16xi32>
        %swap3A_1409 = arith.constant 0 : i32
        %swap3A_1410 = arith.index_cast %swap3A_1409 : i32 to index
        %swap3A_1411 = arith.constant 32 : index
        %swap3A_1412 = tpu.vector_load %arg6[%swap3A_1410, %swap3A_1411] {strides = array<i32>} : memref<4x128xi32, #tpu.memory_space<vmem>>, vector<16xi32>,
        tpu.vector_store %arg6[%swap3A_1410, %swap3A_1411], %shift_right_logical3A_1408 {strides = array<i32>} : memref<4x128xi32, #tpu.memory_space<vmem>>, vector<16xi32>,
        %mul3A_1413 = arith.constant 128 : i32
        %mul3A_1414 = arith.muli %mul3A_1413, %select_n3A_1370 : i32
        %add3A_1415 = arith.constant 48 : i32
        %add3A_1416 = arith.addi %mul3A_1414, %add3A_1415 : i32
        %get3A_1417 = arith.index_cast %select_n3A_1354 : i32 to index
        %get3A_1418 = arith.index_cast %add3A_1416 : i32 to index
        %get3A_1419 = tpu.vector_load %arg5[%get3A_1417, %get3A_1418] {strides = array<i32>} : memref<56x512xi32, #tpu.memory_space<vmem>>, vector<16xi32>,
        %shift_right_logical3A_1420 = arith.constant 1 : i32
        %shift_right_logical3A_1421 = vector.broadcast %shift_right_logical3A_1420 : i32 to vector<16xi32>
        %shift_right_logical3A_1422 = arith.shrui %get3A_1419, %shift_right_logical3A_1421 : vector<16xi32>
        %swap3A_1423 = arith.constant 0 : i32
        %swap3A_1424 = arith.index_cast %swap3A_1423 : i32 to index
        %swap3A_1425 = arith.constant 48 : index
        %swap3A_1426 = tpu.vector_load %arg6[%swap3A_1424, %swap3A_1425] {strides = array<i32>} : memref<4x128xi32, #tpu.memory_space<vmem>>, vector<16xi32>,
        tpu.vector_store %arg6[%swap3A_1424, %swap3A_1425], %shift_right_logical3A_1422 {strides = array<i32>} : memref<4x128xi32, #tpu.memory_space<vmem>>, vector<16xi32>,
        %mul3A_1427 = arith.constant 128 : i32
        %mul3A_1428 = arith.muli %mul3A_1427, %select_n3A_1370 : i32
        %add3A_1429 = arith.constant 64 : i32
        %add3A_1430 = arith.addi %mul3A_1428, %add3A_1429 : i32
        %get3A_1431 = arith.index_cast %select_n3A_1354 : i32 to index
        %get3A_1432 = arith.index_cast %add3A_1430 : i32 to index
        %get3A_1433 = tpu.vector_load %arg5[%get3A_1431, %get3A_1432] {strides = array<i32>} : memref<56x512xi32, #tpu.memory_space<vmem>>, vector<16xi32>,
        %shift_right_logical3A_1434 = arith.constant 1 : i32
        %shift_right_logical3A_1435 = vector.broadcast %shift_right_logical3A_1434 : i32 to vector<16xi32>
        %shift_right_logical3A_1436 = arith.shrui %get3A_1433, %shift_right_logical3A_1435 : vector<16xi32>
        %swap3A_1437 = arith.constant 0 : i32
        %swap3A_1438 = arith.index_cast %swap3A_1437 : i32 to index
        %swap3A_1439 = arith.constant 64 : index
        %swap3A_1440 = tpu.vector_load %arg6[%swap3A_1438, %swap3A_1439] {strides = array<i32>} : memref<4x128xi32, #tpu.memory_space<vmem>>, vector<16xi32>,
        tpu.vector_store %arg6[%swap3A_1438, %swap3A_1439], %shift_right_logical3A_1436 {strides = array<i32>} : memref<4x128xi32, #tpu.memory_space<vmem>>, vector<16xi32>,
        %mul3A_1441 = arith.constant 128 : i32
        %mul3A_1442 = arith.muli %mul3A_1441, %select_n3A_1370 : i32
        %add3A_1443 = arith.constant 80 : i32
        %add3A_1444 = arith.addi %mul3A_1442, %add3A_1443 : i32
        %get3A_1445 = arith.index_cast %select_n3A_1354 : i32 to index
        %get3A_1446 = arith.index_cast %add3A_1444 : i32 to index
        %get3A_1447 = tpu.vector_load %arg5[%get3A_1445, %get3A_1446] {strides = array<i32>} : memref<56x512xi32, #tpu.memory_space<vmem>>, vector<16xi32>,
        %shift_right_logical3A_1448 = arith.constant 1 : i32
        %shift_right_logical3A_1449 = vector.broadcast %shift_right_logical3A_1448 : i32 to vector<16xi32>
        %shift_right_logical3A_1450 = arith.shrui %get3A_1447, %shift_right_logical3A_1449 : vector<16xi32>
        %swap3A_1451 = arith.constant 0 : i32
        %swap3A_1452 = arith.index_cast %swap3A_1451 : i32 to index
        %swap3A_1453 = arith.constant 80 : index
        %swap3A_1454 = tpu.vector_load %arg6[%swap3A_1452, %swap3A_1453] {strides = array<i32>} : memref<4x128xi32, #tpu.memory_space<vmem>>, vector<16xi32>,
        tpu.vector_store %arg6[%swap3A_1452, %swap3A_1453], %shift_right_logical3A_1450 {strides = array<i32>} : memref<4x128xi32, #tpu.memory_space<vmem>>, vector<16xi32>,
        %mul3A_1455 = arith.constant 128 : i32
        %mul3A_1456 = arith.muli %mul3A_1455, %select_n3A_1370 : i32
        %add3A_1457 = arith.constant 96 : i32
        %add3A_1458 = arith.addi %mul3A_1456, %add3A_1457 : i32
        %get3A_1459 = arith.index_cast %select_n3A_1354 : i32 to index
        %get3A_1460 = arith.index_cast %add3A_1458 : i32 to index
        %get3A_1461 = tpu.vector_load %arg5[%get3A_1459, %get3A_1460] {strides = array<i32>} : memref<56x512xi32, #tpu.memory_space<vmem>>, vector<16xi32>,
        %shift_right_logical3A_1462 = arith.constant 1 : i32
        %shift_right_logical3A_1463 = vector.broadcast %shift_right_logical3A_1462 : i32 to vector<16xi32>
        %shift_right_logical3A_1464 = arith.shrui %get3A_1461, %shift_right_logical3A_1463 : vector<16xi32>
        %swap3A_1465 = arith.constant 0 : i32
        %swap3A_1466 = arith.index_cast %swap3A_1465 : i32 to index
        %swap3A_1467 = arith.constant 96 : index
        %swap3A_1468 = tpu.vector_load %arg6[%swap3A_1466, %swap3A_1467] {strides = array<i32>} : memref<4x128xi32, #tpu.memory_space<vmem>>, vector<16xi32>,
        tpu.vector_store %arg6[%swap3A_1466, %swap3A_1467], %shift_right_logical3A_1464 {strides = array<i32>} : memref<4x128xi32, #tpu.memory_space<vmem>>, vector<16xi32>,
        %mul3A_1469 = arith.constant 128 : i32
        %mul3A_1470 = arith.muli %mul3A_1469, %select_n3A_1370 : i32
        %add3A_1471 = arith.constant 112 : i32
        %add3A_1472 = arith.addi %mul3A_1470, %add3A_1471 : i32
        %get3A_1473 = arith.index_cast %select_n3A_1354 : i32 to index
        %get3A_1474 = arith.index_cast %add3A_1472 : i32 to index
        %get3A_1475 = tpu.vector_load %arg5[%get3A_1473, %get3A_1474] {strides = array<i32>} : memref<56x512xi32, #tpu.memory_space<vmem>>, vector<16xi32>,
        %shift_right_logical3A_1476 = arith.constant 1 : i32
        %shift_right_logical3A_1477 = vector.broadcast %shift_right_logical3A_1476 : i32 to vector<16xi32>
        %shift_right_logical3A_1478 = arith.shrui %get3A_1475, %shift_right_logical3A_1477 : vector<16xi32>
        %swap3A_1479 = arith.constant 0 : i32
        %swap3A_1480 = arith.index_cast %swap3A_1479 : i32 to index
        %swap3A_1481 = arith.constant 112 : index
        %swap3A_1482 = tpu.vector_load %arg6[%swap3A_1480, %swap3A_1481] {strides = array<i32>} : memref<4x128xi32, #tpu.memory_space<vmem>>, vector<16xi32>,
        tpu.vector_store %arg6[%swap3A_1480, %swap3A_1481], %shift_right_logical3A_1478 {strides = array<i32>} : memref<4x128xi32, #tpu.memory_space<vmem>>, vector<16xi32>,
        %dma_start3A_1483 = arith.constant 0 : i32
        %dma_start3A_1484 = arith.constant 0 : i32
        %dma_start3A_1485 = arith.constant 0 : i32
        %dma_start3A_1486 = arith.constant 0 : i32
        %dma_start3A_1487 = tpu.memref_slice %arg7[%dma_start3A_1484, %dma_start3A_1485, %dma_start3A_1486] : memref<4x128x128xf32, #tpu.memory_space<vmem>> -> memref<1x128x128xf32, #tpu.memory_space<vmem>>
        %dma_start3A_1488 = tpu.memref_squeeze %dma_start3A_1487 : memref<1x128x128xf32, #tpu.memory_space<vmem>> -> memref<128x128xf32, #tpu.memory_space<vmem>>
        %dma_start3A_1489 = arith.constant 0 : i32
        %dma_start3A_1490 = tpu.memref_slice %arg6[%dma_start3A_1483, %dma_start3A_1489] : memref<4x128xi32, #tpu.memory_space<vmem>> -> memref<1x128xi32, #tpu.memory_space<vmem>>
        %dma_start3A_1491 = tpu.memref_squeeze %dma_start3A_1490 : memref<1x128xi32, #tpu.memory_space<vmem>> -> memref<128xi32, #tpu.memory_space<vmem>>
        %dma_start3A_1492 = arith.constant 0 : i32
        %dma_start3A_1493 = arith.constant 0 : i32
        %dma_start3A_1494 = tpu.memref_slice %arg3[%dma_start3A_1492, %dma_start3A_1493] : memref<500032x128xf32, #tpu.memory_space<hbm>> -> memref<500032x128xf32, #tpu.memory_space<hbm>>
        tpu.enqueue_indirect_dma source(%dma_start3A_1494 : memref<500032x128xf32, #tpu.memory_space<hbm>>) target(%dma_start3A_1488 : memref<128x128xf32, #tpu.memory_space<vmem>>) offsets(%dma_start3A_1491 : memref<128xi32, #tpu.memory_space<vmem>>) semaphore(%arg9 : memref<!tpu.dma_semaphore, #tpu.memory_space<semaphore_mem>>)
      } else {
      }
      %mul3A_660 = arith.constant 4 : i32
      %mul3A_661 = arith.muli %mul3A_660, %scan3A_451 : i32
      %add3A_662 = arith.constant 1 : i32
      %add3A_663 = arith.addi %mul3A_661, %add3A_662 : i32
      %dma_wait3A_664 = arith.constant 1 : i32
      %dma_wait3A_665 = arith.constant 1 : i32
      %dma_wait3A_666 = arith.constant 0 : i32
      %dma_wait3A_667 = arith.constant 0 : i32
      %dma_wait3A_668 = tpu.memref_slice %arg7[%dma_wait3A_665, %dma_wait3A_666, %dma_wait3A_667] : memref<4x128x128xf32, #tpu.memory_space<vmem>> -> memref<1x128x128xf32, #tpu.memory_space<vmem>>
      %dma_wait3A_669 = tpu.memref_squeeze %dma_wait3A_668 : memref<1x128x128xf32, #tpu.memory_space<vmem>> -> memref<128x128xf32, #tpu.memory_space<vmem>>
      %dma_wait3A_670 = arith.constant 0 : i32
      %dma_wait3A_671 = tpu.memref_slice %arg6[%dma_wait3A_664, %dma_wait3A_670] : memref<4x128xi32, #tpu.memory_space<vmem>> -> memref<1x128xi32, #tpu.memory_space<vmem>>
      %dma_wait3A_672 = tpu.memref_squeeze %dma_wait3A_671 : memref<1x128xi32, #tpu.memory_space<vmem>> -> memref<128xi32, #tpu.memory_space<vmem>>
      %dma_wait3A_673 = arith.constant 0 : i32
      %dma_wait3A_674 = arith.constant 0 : i32
      %dma_wait3A_675 = tpu.memref_slice %arg3[%dma_wait3A_673, %dma_wait3A_674] : memref<500032x128xf32, #tpu.memory_space<hbm>> -> memref<500032x128xf32, #tpu.memory_space<hbm>>
      tpu.wait_indirect_dma semaphore(%arg10 : memref<!tpu.dma_semaphore, #tpu.memory_space<semaphore_mem>>) src(%dma_wait3A_675 : memref<500032x128xf32, #tpu.memory_space<hbm>>) dst(%dma_wait3A_669 : memref<128x128xf32, #tpu.memory_space<vmem>>)
      %ge3A_676 = arith.constant 2 : i32
      %ge3A_677 = arith.cmpi sge, %add3A_663, %ge3A_676 : i32
      %convert_element_type3A_678 = arith.extui %ge3A_677 : i1 to i32
      %cond3A_679 = arith.constant 0 : i32
      %cond3A_680 = arith.cmpi ne, %convert_element_type3A_678, %cond3A_679 : i32
      scf.if %cond3A_680 {
        %sub3A_1329 = arith.constant 2 : i32
        %sub3A_1330 = arith.subi %add3A_663, %sub3A_1329 : i32
        %jit3A_1331 = arith.constant 4 : i32
        %div3A_1332 = arith.divsi %sub3A_1330, %jit3A_1331 : i32
        %sign3A_1333 = arith.constant 0 : i32
        %sign3A_1334 = arith.cmpi sgt, %sub3A_1330, %sign3A_1333 : i32
        %sign3A_1335 = arith.extui %sign3A_1334 : i1 to i32
        %sign3A_1336 = arith.constant 0 : i32
        %sign3A_1337 = arith.cmpi slt, %sub3A_1330, %sign3A_1336 : i32
        %sign3A_1338 = arith.extui %sign3A_1337 : i1 to i32
        %sign3A_1339 = arith.subi %sign3A_1335, %sign3A_1338 : i32
        %sign3A_1340 = arith.constant 0 : i32
        %sign3A_1341 = arith.cmpi sgt, %jit3A_1331, %sign3A_1340 : i32
        %sign3A_1342 = arith.extui %sign3A_1341 : i1 to i32
        %sign3A_1343 = arith.constant 0 : i32
        %sign3A_1344 = arith.cmpi slt, %jit3A_1331, %sign3A_1343 : i32
        %sign3A_1345 = arith.extui %sign3A_1344 : i1 to i32
        %sign3A_1346 = arith.subi %sign3A_1342, %sign3A_1345 : i32
        %ne3A_1347 = arith.cmpi ne, %sign3A_1339, %sign3A_1346 : i32
        %rem3A_1348 = arith.remsi %sub3A_1330, %jit3A_1331 : i32
        %ne3A_1349 = arith.constant 0 : i32
        %ne3A_1350 = arith.cmpi ne, %rem3A_1348, %ne3A_1349 : i32
        %and3A_1351 = arith.andi %ne3A_1347, %ne3A_1350 : i1
        %sub3A_1352 = arith.constant 1 : i32
        %sub3A_1353 = arith.subi %div3A_1332, %sub3A_1352 : i32
        %select_n3A_1354 = arith.select %and3A_1351, %sub3A_1353, %div3A_1332 : i32
        %jit3A_1355 = arith.constant 4 : i32
        %eq3A_1356 = arith.constant 0 : i32
        %eq3A_1357 = arith.cmpi eq, %jit3A_1355, %eq3A_1356 : i32
        %jit3A_1358 = arith.constant 1 : i32
        %select_n3A_1359 = arith.select %eq3A_1357, %jit3A_1358, %jit3A_1355 : i32
        %rem3A_1360 = arith.remsi %sub3A_1330, %select_n3A_1359 : i32
        %ne3A_1361 = arith.constant 0 : i32
        %ne3A_1362 = arith.cmpi ne, %rem3A_1360, %ne3A_1361 : i32
        %lt3A_1363 = arith.constant 0 : i32
        %lt3A_1364 = arith.cmpi slt, %rem3A_1360, %lt3A_1363 : i32
        %lt3A_1365 = arith.constant 0 : i32
        %lt3A_1366 = arith.cmpi slt, %select_n3A_1359, %lt3A_1365 : i32
        %ne3A_1367 = arith.xori %lt3A_1364, %lt3A_1366 : i1
        %and3A_1368 = arith.andi %ne3A_1367, %ne3A_1362 : i1
        %add3A_1369 = arith.addi %rem3A_1360, %select_n3A_1359 : i32
        %select_n3A_1370 = arith.select %and3A_1368, %add3A_1369, %rem3A_1360 : i32
        %mul3A_1371 = arith.constant 128 : i32
        %mul3A_1372 = arith.muli %mul3A_1371, %select_n3A_1370 : i32
        %add3A_1373 = arith.addi %mul3A_2, %mul3A_1372 : i32
        %dma_wait3A_1374 = arith.constant 1 : i32
        %dma_wait3A_1375 = arith.constant 0 : i32
        %dma_wait3A_1376 = arith.constant 0 : i32
        %dma_wait3A_1377 = tpu.memref_slice %arg8[%dma_wait3A_1374, %dma_wait3A_1375, %dma_wait3A_1376] : memref<2x64x128xf32, #tpu.memory_space<vmem>> -> memref<1x64x128xf32, #tpu.memory_space<vmem>>
        %dma_wait3A_1378 = tpu.memref_squeeze %dma_wait3A_1377 : memref<1x64x128xf32, #tpu.memory_space<vmem>> -> memref<64x128xf32, #tpu.memory_space<vmem>>
        %dma_wait3A_1379 = arith.constant 0 : i32
        %dma_wait3A_1380 = arith.constant 0 : i32
        %dma_wait3A_1381 = tpu.memref_slice %arg4[%select_n3A_1354, %dma_wait3A_1379, %dma_wait3A_1380] : memref<50x64x16384xf32, #tpu.memory_space<hbm>> -> memref<1x64x16384xf32, #tpu.memory_space<hbm>>
        %dma_wait3A_1382 = tpu.memref_squeeze %dma_wait3A_1381 : memref<1x64x16384xf32, #tpu.memory_space<hbm>> -> memref<64x16384xf32, #tpu.memory_space<hbm>>
        %dma_wait3A_1383 = arith.constant 0 : i32
        %dma_wait3A_1384 = tpu.memref_slice %dma_wait3A_1382[%dma_wait3A_1383, %add3A_1373] : memref<64x16384xf32, #tpu.memory_space<hbm>> -> memref<64x128xf32, #tpu.memory_space<hbm>>
        %dma_wait3A_1385 = arith.constant 0 : i32
        %dma_wait3A_1386 = arith.constant 0 : i32
        %dma_wait3A_1387 = tpu.memref_slice %arg4[%select_n3A_1354, %dma_wait3A_1385, %dma_wait3A_1386] : memref<50x64x16384xf32, #tpu.memory_space<hbm>> -> memref<1x64x16384xf32, #tpu.memory_space<hbm>>
        %dma_wait3A_1388 = tpu.memref_squeeze %dma_wait3A_1387 : memref<1x64x16384xf32, #tpu.memory_space<hbm>> -> memref<64x16384xf32, #tpu.memory_space<hbm>>
        %dma_wait3A_1389 = arith.constant 0 : i32
        %dma_wait3A_1390 = tpu.memref_slice %dma_wait3A_1388[%dma_wait3A_1389, %add3A_1373] : memref<64x16384xf32, #tpu.memory_space<hbm>> -> memref<64x128xf32, #tpu.memory_space<hbm>>
        %dma_wait3A_1391 = arith.constant 0 : i32
        %dma_wait3A_1392 = arith.constant 0 : i32
        %dma_wait3A_1393 = tpu.memref_slice %arg8[%dma_wait3A_1374, %dma_wait3A_1391, %dma_wait3A_1392] : memref<2x64x128xf32, #tpu.memory_space<vmem>> -> memref<1x64x128xf32, #tpu.memory_space<vmem>>
        %dma_wait3A_1394 = tpu.memref_squeeze %dma_wait3A_1393 : memref<1x64x128xf32, #tpu.memory_space<vmem>> -> memref<64x128xf32, #tpu.memory_space<vmem>>
        tpu.wait_dma2 semaphore(%arg14 : memref<!tpu.dma_semaphore, #tpu.memory_space<semaphore_mem>>) src(%dma_wait3A_1394 : memref<64x128xf32, #tpu.memory_space<vmem>>) dst(%dma_wait3A_1390 : memref<64x128xf32, #tpu.memory_space<hbm>>)
      } else {
      }
      %jit3A_681 = arith.constant 4 : i32
      %div3A_682 = arith.divsi %add3A_663, %jit3A_681 : i32
      %sign3A_683 = arith.constant 0 : i32
      %sign3A_684 = arith.cmpi sgt, %add3A_663, %sign3A_683 : i32
      %sign3A_685 = arith.extui %sign3A_684 : i1 to i32
      %sign3A_686 = arith.constant 0 : i32
      %sign3A_687 = arith.cmpi slt, %add3A_663, %sign3A_686 : i32
      %sign3A_688 = arith.extui %sign3A_687 : i1 to i32
      %sign3A_689 = arith.subi %sign3A_685, %sign3A_688 : i32
      %sign3A_690 = arith.constant 0 : i32
      %sign3A_691 = arith.cmpi sgt, %jit3A_681, %sign3A_690 : i32
      %sign3A_692 = arith.extui %sign3A_691 : i1 to i32
      %sign3A_693 = arith.constant 0 : i32
      %sign3A_694 = arith.cmpi slt, %jit3A_681, %sign3A_693 : i32
      %sign3A_695 = arith.extui %sign3A_694 : i1 to i32
      %sign3A_696 = arith.subi %sign3A_692, %sign3A_695 : i32
      %ne3A_697 = arith.cmpi ne, %sign3A_689, %sign3A_696 : i32
      %rem3A_698 = arith.remsi %add3A_663, %jit3A_681 : i32
      %ne3A_699 = arith.constant 0 : i32
      %ne3A_700 = arith.cmpi ne, %rem3A_698, %ne3A_699 : i32
      %and3A_701 = arith.andi %ne3A_697, %ne3A_700 : i1
      %sub3A_702 = arith.constant 1 : i32
      %sub3A_703 = arith.subi %div3A_682, %sub3A_702 : i32
      %select_n3A_704 = arith.select %and3A_701, %sub3A_703, %div3A_682 : i32
      %jit3A_705 = arith.constant 4 : i32
      %eq3A_706 = arith.constant 0 : i32
      %eq3A_707 = arith.cmpi eq, %jit3A_705, %eq3A_706 : i32
      %jit3A_708 = arith.constant 1 : i32
      %select_n3A_709 = arith.select %eq3A_707, %jit3A_708, %jit3A_705 : i32
      %rem3A_710 = arith.remsi %add3A_663, %select_n3A_709 : i32
      %ne3A_711 = arith.constant 0 : i32
      %ne3A_712 = arith.cmpi ne, %rem3A_710, %ne3A_711 : i32
      %lt3A_713 = arith.constant 0 : i32
      %lt3A_714 = arith.cmpi slt, %rem3A_710, %lt3A_713 : i32
      %lt3A_715 = arith.constant 0 : i32
      %lt3A_716 = arith.cmpi slt, %select_n3A_709, %lt3A_715 : i32
      %ne3A_717 = arith.xori %lt3A_714, %lt3A_716 : i1
      %and3A_718 = arith.andi %ne3A_717, %ne3A_712 : i1
      %add3A_719 = arith.addi %rem3A_710, %select_n3A_709 : i32
      %select_n3A_720 = arith.select %and3A_718, %add3A_719, %rem3A_710 : i32
      %mul3A_721 = arith.constant 128 : i32
      %mul3A_722 = arith.muli %mul3A_721, %select_n3A_720 : i32
      %add3A_723 = arith.constant 0 : i32
      %add3A_724 = arith.addi %mul3A_722, %add3A_723 : i32
      %get3A_725 = arith.index_cast %select_n3A_704 : i32 to index
      %get3A_726 = arith.index_cast %add3A_724 : i32 to index
      %get3A_727 = tpu.vector_load %arg5[%get3A_725, %get3A_726] {strides = array<i32>} : memref<56x512xi32, #tpu.memory_space<vmem>>, vector<16xi32>,
      %and3A_728 = arith.constant 1 : i32
      %and3A_729 = vector.broadcast %and3A_728 : i32 to vector<16xi32>
      %and3A_730 = arith.andi %get3A_727, %and3A_729 : vector<16xi32>
      %shift_left3A_731 = arith.constant 6 : i32
      %shift_left3A_732 = vector.broadcast %shift_left3A_731 : i32 to vector<16xi32>
      %shift_left3A_733 = arith.shli %and3A_730, %shift_left3A_732 : vector<16xi32>
      %add3A_734 = arith.constant 0 : i32
      %add3A_735 = vector.broadcast %add3A_734 : i32 to vector<16xi32>
      %add3A_736 = arith.addi %add3A_735, %iota3A : vector<16xi32>
      %mul3A_737 = arith.constant 128 : i32
      %mul3A_738 = arith.muli %mul3A_737, %select_n3A_720 : i32
      %add3A_739 = arith.constant 16 : i32
      %add3A_740 = arith.addi %mul3A_738, %add3A_739 : i32
      %get3A_741 = arith.index_cast %select_n3A_704 : i32 to index
      %get3A_742 = arith.index_cast %add3A_740 : i32 to index
      %get3A_743 = tpu.vector_load %arg5[%get3A_741, %get3A_742] {strides = array<i32>} : memref<56x512xi32, #tpu.memory_space<vmem>>, vector<16xi32>,
      %and3A_744 = arith.constant 1 : i32
      %and3A_745 = vector.broadcast %and3A_744 : i32 to vector<16xi32>
      %and3A_746 = arith.andi %get3A_743, %and3A_745 : vector<16xi32>
      %shift_left3A_747 = arith.constant 6 : i32
      %shift_left3A_748 = vector.broadcast %shift_left3A_747 : i32 to vector<16xi32>
      %shift_left3A_749 = arith.shli %and3A_746, %shift_left3A_748 : vector<16xi32>
      %add3A_750 = arith.constant 16 : i32
      %add3A_751 = vector.broadcast %add3A_750 : i32 to vector<16xi32>
      %add3A_752 = arith.addi %add3A_751, %iota3A : vector<16xi32>
      %mul3A_753 = arith.constant 128 : i32
      %mul3A_754 = arith.muli %mul3A_753, %select_n3A_720 : i32
      %add3A_755 = arith.constant 32 : i32
      %add3A_756 = arith.addi %mul3A_754, %add3A_755 : i32
      %get3A_757 = arith.index_cast %select_n3A_704 : i32 to index
      %get3A_758 = arith.index_cast %add3A_756 : i32 to index
      %get3A_759 = tpu.vector_load %arg5[%get3A_757, %get3A_758] {strides = array<i32>} : memref<56x512xi32, #tpu.memory_space<vmem>>, vector<16xi32>,
      %and3A_760 = arith.constant 1 : i32
      %and3A_761 = vector.broadcast %and3A_760 : i32 to vector<16xi32>
      %and3A_762 = arith.andi %get3A_759, %and3A_761 : vector<16xi32>
      %shift_left3A_763 = arith.constant 6 : i32
      %shift_left3A_764 = vector.broadcast %shift_left3A_763 : i32 to vector<16xi32>
      %shift_left3A_765 = arith.shli %and3A_762, %shift_left3A_764 : vector<16xi32>
      %add3A_766 = arith.constant 32 : i32
      %add3A_767 = vector.broadcast %add3A_766 : i32 to vector<16xi32>
      %add3A_768 = arith.addi %add3A_767, %iota3A : vector<16xi32>
      %mul3A_769 = arith.constant 128 : i32
      %mul3A_770 = arith.muli %mul3A_769, %select_n3A_720 : i32
      %add3A_771 = arith.constant 48 : i32
      %add3A_772 = arith.addi %mul3A_770, %add3A_771 : i32
      %get3A_773 = arith.index_cast %select_n3A_704 : i32 to index
      %get3A_774 = arith.index_cast %add3A_772 : i32 to index
      %get3A_775 = tpu.vector_load %arg5[%get3A_773, %get3A_774] {strides = array<i32>} : memref<56x512xi32, #tpu.memory_space<vmem>>, vector<16xi32>,
      %and3A_776 = arith.constant 1 : i32
      %and3A_777 = vector.broadcast %and3A_776 : i32 to vector<16xi32>
      %and3A_778 = arith.andi %get3A_775, %and3A_777 : vector<16xi32>
      %shift_left3A_779 = arith.constant 6 : i32
      %shift_left3A_780 = vector.broadcast %shift_left3A_779 : i32 to vector<16xi32>
      %shift_left3A_781 = arith.shli %and3A_778, %shift_left3A_780 : vector<16xi32>
      %add3A_782 = arith.constant 48 : i32
      %add3A_783 = vector.broadcast %add3A_782 : i32 to vector<16xi32>
      %add3A_784 = arith.addi %add3A_783, %iota3A : vector<16xi32>
      %mul3A_785 = arith.constant 128 : i32
      %mul3A_786 = arith.muli %mul3A_785, %select_n3A_720 : i32
      %add3A_787 = arith.constant 64 : i32
      %add3A_788 = arith.addi %mul3A_786, %add3A_787 : i32
      %get3A_789 = arith.index_cast %select_n3A_704 : i32 to index
      %get3A_790 = arith.index_cast %add3A_788 : i32 to index
      %get3A_791 = tpu.vector_load %arg5[%get3A_789, %get3A_790] {strides = array<i32>} : memref<56x512xi32, #tpu.memory_space<vmem>>, vector<16xi32>,
      %and3A_792 = arith.constant 1 : i32
      %and3A_793 = vector.broadcast %and3A_792 : i32 to vector<16xi32>
      %and3A_794 = arith.andi %get3A_791, %and3A_793 : vector<16xi32>
      %shift_left3A_795 = arith.constant 6 : i32
      %shift_left3A_796 = vector.broadcast %shift_left3A_795 : i32 to vector<16xi32>
      %shift_left3A_797 = arith.shli %and3A_794, %shift_left3A_796 : vector<16xi32>
      %add3A_798 = arith.constant 64 : i32
      %add3A_799 = vector.broadcast %add3A_798 : i32 to vector<16xi32>
      %add3A_800 = arith.addi %add3A_799, %iota3A : vector<16xi32>
      %mul3A_801 = arith.constant 128 : i32
      %mul3A_802 = arith.muli %mul3A_801, %select_n3A_720 : i32
      %add3A_803 = arith.constant 80 : i32
      %add3A_804 = arith.addi %mul3A_802, %add3A_803 : i32
      %get3A_805 = arith.index_cast %select_n3A_704 : i32 to index
      %get3A_806 = arith.index_cast %add3A_804 : i32 to index
      %get3A_807 = tpu.vector_load %arg5[%get3A_805, %get3A_806] {strides = array<i32>} : memref<56x512xi32, #tpu.memory_space<vmem>>, vector<16xi32>,
      %and3A_808 = arith.constant 1 : i32
      %and3A_809 = vector.broadcast %and3A_808 : i32 to vector<16xi32>
      %and3A_810 = arith.andi %get3A_807, %and3A_809 : vector<16xi32>
      %shift_left3A_811 = arith.constant 6 : i32
      %shift_left3A_812 = vector.broadcast %shift_left3A_811 : i32 to vector<16xi32>
      %shift_left3A_813 = arith.shli %and3A_810, %shift_left3A_812 : vector<16xi32>
      %add3A_814 = arith.constant 80 : i32
      %add3A_815 = vector.broadcast %add3A_814 : i32 to vector<16xi32>
      %add3A_816 = arith.addi %add3A_815, %iota3A : vector<16xi32>
      %mul3A_817 = arith.constant 128 : i32
      %mul3A_818 = arith.muli %mul3A_817, %select_n3A_720 : i32
      %add3A_819 = arith.constant 96 : i32
      %add3A_820 = arith.addi %mul3A_818, %add3A_819 : i32
      %get3A_821 = arith.index_cast %select_n3A_704 : i32 to index
      %get3A_822 = arith.index_cast %add3A_820 : i32 to index
      %get3A_823 = tpu.vector_load %arg5[%get3A_821, %get3A_822] {strides = array<i32>} : memref<56x512xi32, #tpu.memory_space<vmem>>, vector<16xi32>,
      %and3A_824 = arith.constant 1 : i32
      %and3A_825 = vector.broadcast %and3A_824 : i32 to vector<16xi32>
      %and3A_826 = arith.andi %get3A_823, %and3A_825 : vector<16xi32>
      %shift_left3A_827 = arith.constant 6 : i32
      %shift_left3A_828 = vector.broadcast %shift_left3A_827 : i32 to vector<16xi32>
      %shift_left3A_829 = arith.shli %and3A_826, %shift_left3A_828 : vector<16xi32>
      %add3A_830 = arith.constant 96 : i32
      %add3A_831 = vector.broadcast %add3A_830 : i32 to vector<16xi32>
      %add3A_832 = arith.addi %add3A_831, %iota3A : vector<16xi32>
      %mul3A_833 = arith.constant 128 : i32
      %mul3A_834 = arith.muli %mul3A_833, %select_n3A_720 : i32
      %add3A_835 = arith.constant 112 : i32
      %add3A_836 = arith.addi %mul3A_834, %add3A_835 : i32
      %get3A_837 = arith.index_cast %select_n3A_704 : i32 to index
      %get3A_838 = arith.index_cast %add3A_836 : i32 to index
      %get3A_839 = tpu.vector_load %arg5[%get3A_837, %get3A_838] {strides = array<i32>} : memref<56x512xi32, #tpu.memory_space<vmem>>, vector<16xi32>,
      %and3A_840 = arith.constant 1 : i32
      %and3A_841 = vector.broadcast %and3A_840 : i32 to vector<16xi32>
      %and3A_842 = arith.andi %get3A_839, %and3A_841 : vector<16xi32>
      %shift_left3A_843 = arith.constant 6 : i32
      %shift_left3A_844 = vector.broadcast %shift_left3A_843 : i32 to vector<16xi32>
      %shift_left3A_845 = arith.shli %and3A_842, %shift_left3A_844 : vector<16xi32>
      %add3A_846 = arith.constant 112 : i32
      %add3A_847 = vector.broadcast %add3A_846 : i32 to vector<16xi32>
      %add3A_848 = arith.addi %add3A_847, %iota3A : vector<16xi32>
      %parallel_loop3A_849 = arith.constant 0 : i32
      %parallel_loop3A_850 = arith.constant 64 : i32
      %parallel_loop3A_851 = arith.constant 1 : i32
      scf.for %parallel_loop3A_1329 = %parallel_loop3A_849 to %parallel_loop3A_850 step %parallel_loop3A_851  : i32 {
        %parallel_loop3A_1330 = vector.broadcast %parallel_loop3A_1329 : i32 to vector<16xi32>
        %parallel_loop3A_1331 = arith.addi %shift_left3A_733, %parallel_loop3A_1330 : vector<16xi32>
        %parallel_loop3A_1332 = arith.constant 1 : i32
        %parallel_loop3A_1333 = arith.constant 0 : i32
        %parallel_loop3A_1334 = arith.constant 0 : i32
        %parallel_loop3A_1335 = tpu.memref_slice %arg7[%parallel_loop3A_1332, %parallel_loop3A_1333, %parallel_loop3A_1334] : memref<4x128x128xf32, #tpu.memory_space<vmem>> -> memref<1x128x128xf32, #tpu.memory_space<vmem>>
        %parallel_loop3A_1336 = tpu.memref_squeeze %parallel_loop3A_1335 : memref<1x128x128xf32, #tpu.memory_space<vmem>> -> memref<128x128xf32, #tpu.memory_space<vmem>>
        %parallel_loop3A_1337 = tpu.vector_load_idx %parallel_loop3A_1336[%add3A_736, %parallel_loop3A_1331] : memref<128x128xf32, #tpu.memory_space<vmem>>[vector<16xi32>, vector<16xi32>], vector<16xf32>,
        %parallel_loop3A_1338 = arith.constant 1 : i32
        %parallel_loop3A_1339 = arith.index_cast %parallel_loop3A_1338 : i32 to index
        %parallel_loop3A_1340 = arith.index_cast %parallel_loop3A_1329 : i32 to index
        %parallel_loop3A_1341 = arith.constant 0 : index
        %parallel_loop3A_1342 = tpu.vector_load %arg8[%parallel_loop3A_1339, %parallel_loop3A_1340, %parallel_loop3A_1341] {strides = array<i32>} : memref<2x64x128xf32, #tpu.memory_space<vmem>>, vector<16xf32>,
        tpu.vector_store %arg8[%parallel_loop3A_1339, %parallel_loop3A_1340, %parallel_loop3A_1341], %parallel_loop3A_1337 {strides = array<i32>} : memref<2x64x128xf32, #tpu.memory_space<vmem>>, vector<16xf32>,
        %parallel_loop3A_1343 = vector.broadcast %parallel_loop3A_1329 : i32 to vector<16xi32>
        %parallel_loop3A_1344 = arith.addi %shift_left3A_749, %parallel_loop3A_1343 : vector<16xi32>
        %parallel_loop3A_1345 = arith.constant 1 : i32
        %parallel_loop3A_1346 = arith.constant 0 : i32
        %parallel_loop3A_1347 = arith.constant 0 : i32
        %parallel_loop3A_1348 = tpu.memref_slice %arg7[%parallel_loop3A_1345, %parallel_loop3A_1346, %parallel_loop3A_1347] : memref<4x128x128xf32, #tpu.memory_space<vmem>> -> memref<1x128x128xf32, #tpu.memory_space<vmem>>
        %parallel_loop3A_1349 = tpu.memref_squeeze %parallel_loop3A_1348 : memref<1x128x128xf32, #tpu.memory_space<vmem>> -> memref<128x128xf32, #tpu.memory_space<vmem>>
        %parallel_loop3A_1350 = tpu.vector_load_idx %parallel_loop3A_1349[%add3A_752, %parallel_loop3A_1344] : memref<128x128xf32, #tpu.memory_space<vmem>>[vector<16xi32>, vector<16xi32>], vector<16xf32>,
        %parallel_loop3A_1351 = arith.constant 1 : i32
        %parallel_loop3A_1352 = arith.index_cast %parallel_loop3A_1351 : i32 to index
        %parallel_loop3A_1353 = arith.index_cast %parallel_loop3A_1329 : i32 to index
        %parallel_loop3A_1354 = arith.constant 16 : index
        %parallel_loop3A_1355 = tpu.vector_load %arg8[%parallel_loop3A_1352, %parallel_loop3A_1353, %parallel_loop3A_1354] {strides = array<i32>} : memref<2x64x128xf32, #tpu.memory_space<vmem>>, vector<16xf32>,
        tpu.vector_store %arg8[%parallel_loop3A_1352, %parallel_loop3A_1353, %parallel_loop3A_1354], %parallel_loop3A_1350 {strides = array<i32>} : memref<2x64x128xf32, #tpu.memory_space<vmem>>, vector<16xf32>,
        %parallel_loop3A_1356 = vector.broadcast %parallel_loop3A_1329 : i32 to vector<16xi32>
        %parallel_loop3A_1357 = arith.addi %shift_left3A_765, %parallel_loop3A_1356 : vector<16xi32>
        %parallel_loop3A_1358 = arith.constant 1 : i32
        %parallel_loop3A_1359 = arith.constant 0 : i32
        %parallel_loop3A_1360 = arith.constant 0 : i32
        %parallel_loop3A_1361 = tpu.memref_slice %arg7[%parallel_loop3A_1358, %parallel_loop3A_1359, %parallel_loop3A_1360] : memref<4x128x128xf32, #tpu.memory_space<vmem>> -> memref<1x128x128xf32, #tpu.memory_space<vmem>>
        %parallel_loop3A_1362 = tpu.memref_squeeze %parallel_loop3A_1361 : memref<1x128x128xf32, #tpu.memory_space<vmem>> -> memref<128x128xf32, #tpu.memory_space<vmem>>
        %parallel_loop3A_1363 = tpu.vector_load_idx %parallel_loop3A_1362[%add3A_768, %parallel_loop3A_1357] : memref<128x128xf32, #tpu.memory_space<vmem>>[vector<16xi32>, vector<16xi32>], vector<16xf32>,
        %parallel_loop3A_1364 = arith.constant 1 : i32
        %parallel_loop3A_1365 = arith.index_cast %parallel_loop3A_1364 : i32 to index
        %parallel_loop3A_1366 = arith.index_cast %parallel_loop3A_1329 : i32 to index
        %parallel_loop3A_1367 = arith.constant 32 : index
        %parallel_loop3A_1368 = tpu.vector_load %arg8[%parallel_loop3A_1365, %parallel_loop3A_1366, %parallel_loop3A_1367] {strides = array<i32>} : memref<2x64x128xf32, #tpu.memory_space<vmem>>, vector<16xf32>,
        tpu.vector_store %arg8[%parallel_loop3A_1365, %parallel_loop3A_1366, %parallel_loop3A_1367], %parallel_loop3A_1363 {strides = array<i32>} : memref<2x64x128xf32, #tpu.memory_space<vmem>>, vector<16xf32>,
        %parallel_loop3A_1369 = vector.broadcast %parallel_loop3A_1329 : i32 to vector<16xi32>
        %parallel_loop3A_1370 = arith.addi %shift_left3A_781, %parallel_loop3A_1369 : vector<16xi32>
        %parallel_loop3A_1371 = arith.constant 1 : i32
        %parallel_loop3A_1372 = arith.constant 0 : i32
        %parallel_loop3A_1373 = arith.constant 0 : i32
        %parallel_loop3A_1374 = tpu.memref_slice %arg7[%parallel_loop3A_1371, %parallel_loop3A_1372, %parallel_loop3A_1373] : memref<4x128x128xf32, #tpu.memory_space<vmem>> -> memref<1x128x128xf32, #tpu.memory_space<vmem>>
        %parallel_loop3A_1375 = tpu.memref_squeeze %parallel_loop3A_1374 : memref<1x128x128xf32, #tpu.memory_space<vmem>> -> memref<128x128xf32, #tpu.memory_space<vmem>>
        %parallel_loop3A_1376 = tpu.vector_load_idx %parallel_loop3A_1375[%add3A_784, %parallel_loop3A_1370] : memref<128x128xf32, #tpu.memory_space<vmem>>[vector<16xi32>, vector<16xi32>], vector<16xf32>,
        %parallel_loop3A_1377 = arith.constant 1 : i32
        %parallel_loop3A_1378 = arith.index_cast %parallel_loop3A_1377 : i32 to index
        %parallel_loop3A_1379 = arith.index_cast %parallel_loop3A_1329 : i32 to index
        %parallel_loop3A_1380 = arith.constant 48 : index
        %parallel_loop3A_1381 = tpu.vector_load %arg8[%parallel_loop3A_1378, %parallel_loop3A_1379, %parallel_loop3A_1380] {strides = array<i32>} : memref<2x64x128xf32, #tpu.memory_space<vmem>>, vector<16xf32>,
        tpu.vector_store %arg8[%parallel_loop3A_1378, %parallel_loop3A_1379, %parallel_loop3A_1380], %parallel_loop3A_1376 {strides = array<i32>} : memref<2x64x128xf32, #tpu.memory_space<vmem>>, vector<16xf32>,
        %parallel_loop3A_1382 = vector.broadcast %parallel_loop3A_1329 : i32 to vector<16xi32>
        %parallel_loop3A_1383 = arith.addi %shift_left3A_797, %parallel_loop3A_1382 : vector<16xi32>
        %parallel_loop3A_1384 = arith.constant 1 : i32
        %parallel_loop3A_1385 = arith.constant 0 : i32
        %parallel_loop3A_1386 = arith.constant 0 : i32
        %parallel_loop3A_1387 = tpu.memref_slice %arg7[%parallel_loop3A_1384, %parallel_loop3A_1385, %parallel_loop3A_1386] : memref<4x128x128xf32, #tpu.memory_space<vmem>> -> memref<1x128x128xf32, #tpu.memory_space<vmem>>
        %parallel_loop3A_1388 = tpu.memref_squeeze %parallel_loop3A_1387 : memref<1x128x128xf32, #tpu.memory_space<vmem>> -> memref<128x128xf32, #tpu.memory_space<vmem>>
        %parallel_loop3A_1389 = tpu.vector_load_idx %parallel_loop3A_1388[%add3A_800, %parallel_loop3A_1383] : memref<128x128xf32, #tpu.memory_space<vmem>>[vector<16xi32>, vector<16xi32>], vector<16xf32>,
        %parallel_loop3A_1390 = arith.constant 1 : i32
        %parallel_loop3A_1391 = arith.index_cast %parallel_loop3A_1390 : i32 to index
        %parallel_loop3A_1392 = arith.index_cast %parallel_loop3A_1329 : i32 to index
        %parallel_loop3A_1393 = arith.constant 64 : index
        %parallel_loop3A_1394 = tpu.vector_load %arg8[%parallel_loop3A_1391, %parallel_loop3A_1392, %parallel_loop3A_1393] {strides = array<i32>} : memref<2x64x128xf32, #tpu.memory_space<vmem>>, vector<16xf32>,
        tpu.vector_store %arg8[%parallel_loop3A_1391, %parallel_loop3A_1392, %parallel_loop3A_1393], %parallel_loop3A_1389 {strides = array<i32>} : memref<2x64x128xf32, #tpu.memory_space<vmem>>, vector<16xf32>,
        %parallel_loop3A_1395 = vector.broadcast %parallel_loop3A_1329 : i32 to vector<16xi32>
        %parallel_loop3A_1396 = arith.addi %shift_left3A_813, %parallel_loop3A_1395 : vector<16xi32>
        %parallel_loop3A_1397 = arith.constant 1 : i32
        %parallel_loop3A_1398 = arith.constant 0 : i32
        %parallel_loop3A_1399 = arith.constant 0 : i32
        %parallel_loop3A_1400 = tpu.memref_slice %arg7[%parallel_loop3A_1397, %parallel_loop3A_1398, %parallel_loop3A_1399] : memref<4x128x128xf32, #tpu.memory_space<vmem>> -> memref<1x128x128xf32, #tpu.memory_space<vmem>>
        %parallel_loop3A_1401 = tpu.memref_squeeze %parallel_loop3A_1400 : memref<1x128x128xf32, #tpu.memory_space<vmem>> -> memref<128x128xf32, #tpu.memory_space<vmem>>
        %parallel_loop3A_1402 = tpu.vector_load_idx %parallel_loop3A_1401[%add3A_816, %parallel_loop3A_1396] : memref<128x128xf32, #tpu.memory_space<vmem>>[vector<16xi32>, vector<16xi32>], vector<16xf32>,
        %parallel_loop3A_1403 = arith.constant 1 : i32
        %parallel_loop3A_1404 = arith.index_cast %parallel_loop3A_1403 : i32 to index
        %parallel_loop3A_1405 = arith.index_cast %parallel_loop3A_1329 : i32 to index
        %parallel_loop3A_1406 = arith.constant 80 : index
        %parallel_loop3A_1407 = tpu.vector_load %arg8[%parallel_loop3A_1404, %parallel_loop3A_1405, %parallel_loop3A_1406] {strides = array<i32>} : memref<2x64x128xf32, #tpu.memory_space<vmem>>, vector<16xf32>,
        tpu.vector_store %arg8[%parallel_loop3A_1404, %parallel_loop3A_1405, %parallel_loop3A_1406], %parallel_loop3A_1402 {strides = array<i32>} : memref<2x64x128xf32, #tpu.memory_space<vmem>>, vector<16xf32>,
        %parallel_loop3A_1408 = vector.broadcast %parallel_loop3A_1329 : i32 to vector<16xi32>
        %parallel_loop3A_1409 = arith.addi %shift_left3A_829, %parallel_loop3A_1408 : vector<16xi32>
        %parallel_loop3A_1410 = arith.constant 1 : i32
        %parallel_loop3A_1411 = arith.constant 0 : i32
        %parallel_loop3A_1412 = arith.constant 0 : i32
        %parallel_loop3A_1413 = tpu.memref_slice %arg7[%parallel_loop3A_1410, %parallel_loop3A_1411, %parallel_loop3A_1412] : memref<4x128x128xf32, #tpu.memory_space<vmem>> -> memref<1x128x128xf32, #tpu.memory_space<vmem>>
        %parallel_loop3A_1414 = tpu.memref_squeeze %parallel_loop3A_1413 : memref<1x128x128xf32, #tpu.memory_space<vmem>> -> memref<128x128xf32, #tpu.memory_space<vmem>>
        %parallel_loop3A_1415 = tpu.vector_load_idx %parallel_loop3A_1414[%add3A_832, %parallel_loop3A_1409] : memref<128x128xf32, #tpu.memory_space<vmem>>[vector<16xi32>, vector<16xi32>], vector<16xf32>,
        %parallel_loop3A_1416 = arith.constant 1 : i32
        %parallel_loop3A_1417 = arith.index_cast %parallel_loop3A_1416 : i32 to index
        %parallel_loop3A_1418 = arith.index_cast %parallel_loop3A_1329 : i32 to index
        %parallel_loop3A_1419 = arith.constant 96 : index
        %parallel_loop3A_1420 = tpu.vector_load %arg8[%parallel_loop3A_1417, %parallel_loop3A_1418, %parallel_loop3A_1419] {strides = array<i32>} : memref<2x64x128xf32, #tpu.memory_space<vmem>>, vector<16xf32>,
        tpu.vector_store %arg8[%parallel_loop3A_1417, %parallel_loop3A_1418, %parallel_loop3A_1419], %parallel_loop3A_1415 {strides = array<i32>} : memref<2x64x128xf32, #tpu.memory_space<vmem>>, vector<16xf32>,
        %parallel_loop3A_1421 = vector.broadcast %parallel_loop3A_1329 : i32 to vector<16xi32>
        %parallel_loop3A_1422 = arith.addi %shift_left3A_845, %parallel_loop3A_1421 : vector<16xi32>
        %parallel_loop3A_1423 = arith.constant 1 : i32
        %parallel_loop3A_1424 = arith.constant 0 : i32
        %parallel_loop3A_1425 = arith.constant 0 : i32
        %parallel_loop3A_1426 = tpu.memref_slice %arg7[%parallel_loop3A_1423, %parallel_loop3A_1424, %parallel_loop3A_1425] : memref<4x128x128xf32, #tpu.memory_space<vmem>> -> memref<1x128x128xf32, #tpu.memory_space<vmem>>
        %parallel_loop3A_1427 = tpu.memref_squeeze %parallel_loop3A_1426 : memref<1x128x128xf32, #tpu.memory_space<vmem>> -> memref<128x128xf32, #tpu.memory_space<vmem>>
        %parallel_loop3A_1428 = tpu.vector_load_idx %parallel_loop3A_1427[%add3A_848, %parallel_loop3A_1422] : memref<128x128xf32, #tpu.memory_space<vmem>>[vector<16xi32>, vector<16xi32>], vector<16xf32>,
        %parallel_loop3A_1429 = arith.constant 1 : i32
        %parallel_loop3A_1430 = arith.index_cast %parallel_loop3A_1429 : i32 to index
        %parallel_loop3A_1431 = arith.index_cast %parallel_loop3A_1329 : i32 to index
        %parallel_loop3A_1432 = arith.constant 112 : index
        %parallel_loop3A_1433 = tpu.vector_load %arg8[%parallel_loop3A_1430, %parallel_loop3A_1431, %parallel_loop3A_1432] {strides = array<i32>} : memref<2x64x128xf32, #tpu.memory_space<vmem>>, vector<16xf32>,
        tpu.vector_store %arg8[%parallel_loop3A_1430, %parallel_loop3A_1431, %parallel_loop3A_1432], %parallel_loop3A_1428 {strides = array<i32>} : memref<2x64x128xf32, #tpu.memory_space<vmem>>, vector<16xf32>,
      } {sc.loop_unroll_factor = 8 : i64, sc.parallel_access}
      %mul3A_852 = arith.constant 128 : i32
      %mul3A_853 = arith.muli %mul3A_852, %select_n3A_720 : i32
      %add3A_854 = arith.addi %mul3A_2, %mul3A_853 : i32
      %dma_start3A_855 = arith.constant 1 : i32
      %dma_start3A_856 = arith.constant 0 : i32
      %dma_start3A_857 = arith.constant 0 : i32
      %dma_start3A_858 = tpu.memref_slice %arg8[%dma_start3A_855, %dma_start3A_856, %dma_start3A_857] : memref<2x64x128xf32, #tpu.memory_space<vmem>> -> memref<1x64x128xf32, #tpu.memory_space<vmem>>
      %dma_start3A_859 = tpu.memref_squeeze %dma_start3A_858 : memref<1x64x128xf32, #tpu.memory_space<vmem>> -> memref<64x128xf32, #tpu.memory_space<vmem>>
      %dma_start3A_860 = arith.constant 0 : i32
      %dma_start3A_861 = arith.constant 0 : i32
      %dma_start3A_862 = tpu.memref_slice %arg4[%select_n3A_704, %dma_start3A_860, %dma_start3A_861] : memref<50x64x16384xf32, #tpu.memory_space<hbm>> -> memref<1x64x16384xf32, #tpu.memory_space<hbm>>
      %dma_start3A_863 = tpu.memref_squeeze %dma_start3A_862 : memref<1x64x16384xf32, #tpu.memory_space<hbm>> -> memref<64x16384xf32, #tpu.memory_space<hbm>>
      %dma_start3A_864 = arith.constant 0 : i32
      %dma_start3A_865 = tpu.memref_slice %dma_start3A_863[%dma_start3A_864, %add3A_854] : memref<64x16384xf32, #tpu.memory_space<hbm>> -> memref<64x128xf32, #tpu.memory_space<hbm>>
      %dma_start3A_866 = arith.constant 0 : i32
      %dma_start3A_867 = arith.constant 0 : i32
      %dma_start3A_868 = tpu.memref_slice %arg4[%select_n3A_704, %dma_start3A_866, %dma_start3A_867] : memref<50x64x16384xf32, #tpu.memory_space<hbm>> -> memref<1x64x16384xf32, #tpu.memory_space<hbm>>
      %dma_start3A_869 = tpu.memref_squeeze %dma_start3A_868 : memref<1x64x16384xf32, #tpu.memory_space<hbm>> -> memref<64x16384xf32, #tpu.memory_space<hbm>>
      %dma_start3A_870 = arith.constant 0 : i32
      %dma_start3A_871 = tpu.memref_slice %dma_start3A_869[%dma_start3A_870, %add3A_854] : memref<64x16384xf32, #tpu.memory_space<hbm>> -> memref<64x128xf32, #tpu.memory_space<hbm>>
      %dma_start3A_872 = arith.constant 0 : i32
      %dma_start3A_873 = arith.constant 0 : i32
      %dma_start3A_874 = tpu.memref_slice %arg8[%dma_start3A_855, %dma_start3A_872, %dma_start3A_873] : memref<2x64x128xf32, #tpu.memory_space<vmem>> -> memref<1x64x128xf32, #tpu.memory_space<vmem>>
      %dma_start3A_875 = tpu.memref_squeeze %dma_start3A_874 : memref<1x64x128xf32, #tpu.memory_space<vmem>> -> memref<64x128xf32, #tpu.memory_space<vmem>>
      tpu.enqueue_dma source(%dma_start3A_875 : memref<64x128xf32, #tpu.memory_space<vmem>>) target(%dma_start3A_871 : memref<64x128xf32, #tpu.memory_space<hbm>>) target_semaphore(%arg14 : memref<!tpu.dma_semaphore, #tpu.memory_space<semaphore_mem>>)
      %add3A_876 = arith.constant 4 : i32
      %add3A_877 = arith.addi %add3A_663, %add3A_876 : i32
      %lt3A_878 = arith.constant 200 : i32
      %lt3A_879 = arith.cmpi slt, %add3A_877, %lt3A_878 : i32
      %convert_element_type3A_880 = arith.extui %lt3A_879 : i1 to i32
      %cond3A_881 = arith.constant 0 : i32
      %cond3A_882 = arith.cmpi ne, %convert_element_type3A_880, %cond3A_881 : i32
      scf.if %cond3A_882 {
        %add3A_1329 = arith.constant 4 : i32
        %add3A_1330 = arith.addi %add3A_663, %add3A_1329 : i32
        %jit3A_1331 = arith.constant 4 : i32
        %div3A_1332 = arith.divsi %add3A_1330, %jit3A_1331 : i32
        %sign3A_1333 = arith.constant 0 : i32
        %sign3A_1334 = arith.cmpi sgt, %add3A_1330, %sign3A_1333 : i32
        %sign3A_1335 = arith.extui %sign3A_1334 : i1 to i32
        %sign3A_1336 = arith.constant 0 : i32
        %sign3A_1337 = arith.cmpi slt, %add3A_1330, %sign3A_1336 : i32
        %sign3A_1338 = arith.extui %sign3A_1337 : i1 to i32
        %sign3A_1339 = arith.subi %sign3A_1335, %sign3A_1338 : i32
        %sign3A_1340 = arith.constant 0 : i32
        %sign3A_1341 = arith.cmpi sgt, %jit3A_1331, %sign3A_1340 : i32
        %sign3A_1342 = arith.extui %sign3A_1341 : i1 to i32
        %sign3A_1343 = arith.constant 0 : i32
        %sign3A_1344 = arith.cmpi slt, %jit3A_1331, %sign3A_1343 : i32
        %sign3A_1345 = arith.extui %sign3A_1344 : i1 to i32
        %sign3A_1346 = arith.subi %sign3A_1342, %sign3A_1345 : i32
        %ne3A_1347 = arith.cmpi ne, %sign3A_1339, %sign3A_1346 : i32
        %rem3A_1348 = arith.remsi %add3A_1330, %jit3A_1331 : i32
        %ne3A_1349 = arith.constant 0 : i32
        %ne3A_1350 = arith.cmpi ne, %rem3A_1348, %ne3A_1349 : i32
        %and3A_1351 = arith.andi %ne3A_1347, %ne3A_1350 : i1
        %sub3A_1352 = arith.constant 1 : i32
        %sub3A_1353 = arith.subi %div3A_1332, %sub3A_1352 : i32
        %select_n3A_1354 = arith.select %and3A_1351, %sub3A_1353, %div3A_1332 : i32
        %jit3A_1355 = arith.constant 4 : i32
        %eq3A_1356 = arith.constant 0 : i32
        %eq3A_1357 = arith.cmpi eq, %jit3A_1355, %eq3A_1356 : i32
        %jit3A_1358 = arith.constant 1 : i32
        %select_n3A_1359 = arith.select %eq3A_1357, %jit3A_1358, %jit3A_1355 : i32
        %rem3A_1360 = arith.remsi %add3A_1330, %select_n3A_1359 : i32
        %ne3A_1361 = arith.constant 0 : i32
        %ne3A_1362 = arith.cmpi ne, %rem3A_1360, %ne3A_1361 : i32
        %lt3A_1363 = arith.constant 0 : i32
        %lt3A_1364 = arith.cmpi slt, %rem3A_1360, %lt3A_1363 : i32
        %lt3A_1365 = arith.constant 0 : i32
        %lt3A_1366 = arith.cmpi slt, %select_n3A_1359, %lt3A_1365 : i32
        %ne3A_1367 = arith.xori %lt3A_1364, %lt3A_1366 : i1
        %and3A_1368 = arith.andi %ne3A_1367, %ne3A_1362 : i1
        %add3A_1369 = arith.addi %rem3A_1360, %select_n3A_1359 : i32
        %select_n3A_1370 = arith.select %and3A_1368, %add3A_1369, %rem3A_1360 : i32
        %mul3A_1371 = arith.constant 128 : i32
        %mul3A_1372 = arith.muli %mul3A_1371, %select_n3A_1370 : i32
        %add3A_1373 = arith.constant 0 : i32
        %add3A_1374 = arith.addi %mul3A_1372, %add3A_1373 : i32
        %get3A_1375 = arith.index_cast %select_n3A_1354 : i32 to index
        %get3A_1376 = arith.index_cast %add3A_1374 : i32 to index
        %get3A_1377 = tpu.vector_load %arg5[%get3A_1375, %get3A_1376] {strides = array<i32>} : memref<56x512xi32, #tpu.memory_space<vmem>>, vector<16xi32>,
        %shift_right_logical3A_1378 = arith.constant 1 : i32
        %shift_right_logical3A_1379 = vector.broadcast %shift_right_logical3A_1378 : i32 to vector<16xi32>
        %shift_right_logical3A_1380 = arith.shrui %get3A_1377, %shift_right_logical3A_1379 : vector<16xi32>
        %swap3A_1381 = arith.constant 1 : i32
        %swap3A_1382 = arith.index_cast %swap3A_1381 : i32 to index
        %swap3A_1383 = arith.constant 0 : index
        %swap3A_1384 = tpu.vector_load %arg6[%swap3A_1382, %swap3A_1383] {strides = array<i32>} : memref<4x128xi32, #tpu.memory_space<vmem>>, vector<16xi32>,
        tpu.vector_store %arg6[%swap3A_1382, %swap3A_1383], %shift_right_logical3A_1380 {strides = array<i32>} : memref<4x128xi32, #tpu.memory_space<vmem>>, vector<16xi32>,
        %mul3A_1385 = arith.constant 128 : i32
        %mul3A_1386 = arith.muli %mul3A_1385, %select_n3A_1370 : i32
        %add3A_1387 = arith.constant 16 : i32
        %add3A_1388 = arith.addi %mul3A_1386, %add3A_1387 : i32
        %get3A_1389 = arith.index_cast %select_n3A_1354 : i32 to index
        %get3A_1390 = arith.index_cast %add3A_1388 : i32 to index
        %get3A_1391 = tpu.vector_load %arg5[%get3A_1389, %get3A_1390] {strides = array<i32>} : memref<56x512xi32, #tpu.memory_space<vmem>>, vector<16xi32>,
        %shift_right_logical3A_1392 = arith.constant 1 : i32
        %shift_right_logical3A_1393 = vector.broadcast %shift_right_logical3A_1392 : i32 to vector<16xi32>
        %shift_right_logical3A_1394 = arith.shrui %get3A_1391, %shift_right_logical3A_1393 : vector<16xi32>
        %swap3A_1395 = arith.constant 1 : i32
        %swap3A_1396 = arith.index_cast %swap3A_1395 : i32 to index
        %swap3A_1397 = arith.constant 16 : index
        %swap3A_1398 = tpu.vector_load %arg6[%swap3A_1396, %swap3A_1397] {strides = array<i32>} : memref<4x128xi32, #tpu.memory_space<vmem>>, vector<16xi32>,
        tpu.vector_store %arg6[%swap3A_1396, %swap3A_1397], %shift_right_logical3A_1394 {strides = array<i32>} : memref<4x128xi32, #tpu.memory_space<vmem>>, vector<16xi32>,
        %mul3A_1399 = arith.constant 128 : i32
        %mul3A_1400 = arith.muli %mul3A_1399, %select_n3A_1370 : i32
        %add3A_1401 = arith.constant 32 : i32
        %add3A_1402 = arith.addi %mul3A_1400, %add3A_1401 : i32
        %get3A_1403 = arith.index_cast %select_n3A_1354 : i32 to index
        %get3A_1404 = arith.index_cast %add3A_1402 : i32 to index
        %get3A_1405 = tpu.vector_load %arg5[%get3A_1403, %get3A_1404] {strides = array<i32>} : memref<56x512xi32, #tpu.memory_space<vmem>>, vector<16xi32>,
        %shift_right_logical3A_1406 = arith.constant 1 : i32
        %shift_right_logical3A_1407 = vector.broadcast %shift_right_logical3A_1406 : i32 to vector<16xi32>
        %shift_right_logical3A_1408 = arith.shrui %get3A_1405, %shift_right_logical3A_1407 : vector<16xi32>
        %swap3A_1409 = arith.constant 1 : i32
        %swap3A_1410 = arith.index_cast %swap3A_1409 : i32 to index
        %swap3A_1411 = arith.constant 32 : index
        %swap3A_1412 = tpu.vector_load %arg6[%swap3A_1410, %swap3A_1411] {strides = array<i32>} : memref<4x128xi32, #tpu.memory_space<vmem>>, vector<16xi32>,
        tpu.vector_store %arg6[%swap3A_1410, %swap3A_1411], %shift_right_logical3A_1408 {strides = array<i32>} : memref<4x128xi32, #tpu.memory_space<vmem>>, vector<16xi32>,
        %mul3A_1413 = arith.constant 128 : i32
        %mul3A_1414 = arith.muli %mul3A_1413, %select_n3A_1370 : i32
        %add3A_1415 = arith.constant 48 : i32
        %add3A_1416 = arith.addi %mul3A_1414, %add3A_1415 : i32
        %get3A_1417 = arith.index_cast %select_n3A_1354 : i32 to index
        %get3A_1418 = arith.index_cast %add3A_1416 : i32 to index
        %get3A_1419 = tpu.vector_load %arg5[%get3A_1417, %get3A_1418] {strides = array<i32>} : memref<56x512xi32, #tpu.memory_space<vmem>>, vector<16xi32>,
        %shift_right_logical3A_1420 = arith.constant 1 : i32
        %shift_right_logical3A_1421 = vector.broadcast %shift_right_logical3A_1420 : i32 to vector<16xi32>
        %shift_right_logical3A_1422 = arith.shrui %get3A_1419, %shift_right_logical3A_1421 : vector<16xi32>
        %swap3A_1423 = arith.constant 1 : i32
        %swap3A_1424 = arith.index_cast %swap3A_1423 : i32 to index
        %swap3A_1425 = arith.constant 48 : index
        %swap3A_1426 = tpu.vector_load %arg6[%swap3A_1424, %swap3A_1425] {strides = array<i32>} : memref<4x128xi32, #tpu.memory_space<vmem>>, vector<16xi32>,
        tpu.vector_store %arg6[%swap3A_1424, %swap3A_1425], %shift_right_logical3A_1422 {strides = array<i32>} : memref<4x128xi32, #tpu.memory_space<vmem>>, vector<16xi32>,
        %mul3A_1427 = arith.constant 128 : i32
        %mul3A_1428 = arith.muli %mul3A_1427, %select_n3A_1370 : i32
        %add3A_1429 = arith.constant 64 : i32
        %add3A_1430 = arith.addi %mul3A_1428, %add3A_1429 : i32
        %get3A_1431 = arith.index_cast %select_n3A_1354 : i32 to index
        %get3A_1432 = arith.index_cast %add3A_1430 : i32 to index
        %get3A_1433 = tpu.vector_load %arg5[%get3A_1431, %get3A_1432] {strides = array<i32>} : memref<56x512xi32, #tpu.memory_space<vmem>>, vector<16xi32>,
        %shift_right_logical3A_1434 = arith.constant 1 : i32
        %shift_right_logical3A_1435 = vector.broadcast %shift_right_logical3A_1434 : i32 to vector<16xi32>
        %shift_right_logical3A_1436 = arith.shrui %get3A_1433, %shift_right_logical3A_1435 : vector<16xi32>
        %swap3A_1437 = arith.constant 1 : i32
        %swap3A_1438 = arith.index_cast %swap3A_1437 : i32 to index
        %swap3A_1439 = arith.constant 64 : index
        %swap3A_1440 = tpu.vector_load %arg6[%swap3A_1438, %swap3A_1439] {strides = array<i32>} : memref<4x128xi32, #tpu.memory_space<vmem>>, vector<16xi32>,
        tpu.vector_store %arg6[%swap3A_1438, %swap3A_1439], %shift_right_logical3A_1436 {strides = array<i32>} : memref<4x128xi32, #tpu.memory_space<vmem>>, vector<16xi32>,
        %mul3A_1441 = arith.constant 128 : i32
        %mul3A_1442 = arith.muli %mul3A_1441, %select_n3A_1370 : i32
        %add3A_1443 = arith.constant 80 : i32
        %add3A_1444 = arith.addi %mul3A_1442, %add3A_1443 : i32
        %get3A_1445 = arith.index_cast %select_n3A_1354 : i32 to index
        %get3A_1446 = arith.index_cast %add3A_1444 : i32 to index
        %get3A_1447 = tpu.vector_load %arg5[%get3A_1445, %get3A_1446] {strides = array<i32>} : memref<56x512xi32, #tpu.memory_space<vmem>>, vector<16xi32>,
        %shift_right_logical3A_1448 = arith.constant 1 : i32
        %shift_right_logical3A_1449 = vector.broadcast %shift_right_logical3A_1448 : i32 to vector<16xi32>
        %shift_right_logical3A_1450 = arith.shrui %get3A_1447, %shift_right_logical3A_1449 : vector<16xi32>
        %swap3A_1451 = arith.constant 1 : i32
        %swap3A_1452 = arith.index_cast %swap3A_1451 : i32 to index
        %swap3A_1453 = arith.constant 80 : index
        %swap3A_1454 = tpu.vector_load %arg6[%swap3A_1452, %swap3A_1453] {strides = array<i32>} : memref<4x128xi32, #tpu.memory_space<vmem>>, vector<16xi32>,
        tpu.vector_store %arg6[%swap3A_1452, %swap3A_1453], %shift_right_logical3A_1450 {strides = array<i32>} : memref<4x128xi32, #tpu.memory_space<vmem>>, vector<16xi32>,
        %mul3A_1455 = arith.constant 128 : i32
        %mul3A_1456 = arith.muli %mul3A_1455, %select_n3A_1370 : i32
        %add3A_1457 = arith.constant 96 : i32
        %add3A_1458 = arith.addi %mul3A_1456, %add3A_1457 : i32
        %get3A_1459 = arith.index_cast %select_n3A_1354 : i32 to index
        %get3A_1460 = arith.index_cast %add3A_1458 : i32 to index
        %get3A_1461 = tpu.vector_load %arg5[%get3A_1459, %get3A_1460] {strides = array<i32>} : memref<56x512xi32, #tpu.memory_space<vmem>>, vector<16xi32>,
        %shift_right_logical3A_1462 = arith.constant 1 : i32
        %shift_right_logical3A_1463 = vector.broadcast %shift_right_logical3A_1462 : i32 to vector<16xi32>
        %shift_right_logical3A_1464 = arith.shrui %get3A_1461, %shift_right_logical3A_1463 : vector<16xi32>
        %swap3A_1465 = arith.constant 1 : i32
        %swap3A_1466 = arith.index_cast %swap3A_1465 : i32 to index
        %swap3A_1467 = arith.constant 96 : index
        %swap3A_1468 = tpu.vector_load %arg6[%swap3A_1466, %swap3A_1467] {strides = array<i32>} : memref<4x128xi32, #tpu.memory_space<vmem>>, vector<16xi32>,
        tpu.vector_store %arg6[%swap3A_1466, %swap3A_1467], %shift_right_logical3A_1464 {strides = array<i32>} : memref<4x128xi32, #tpu.memory_space<vmem>>, vector<16xi32>,
        %mul3A_1469 = arith.constant 128 : i32
        %mul3A_1470 = arith.muli %mul3A_1469, %select_n3A_1370 : i32
        %add3A_1471 = arith.constant 112 : i32
        %add3A_1472 = arith.addi %mul3A_1470, %add3A_1471 : i32
        %get3A_1473 = arith.index_cast %select_n3A_1354 : i32 to index
        %get3A_1474 = arith.index_cast %add3A_1472 : i32 to index
        %get3A_1475 = tpu.vector_load %arg5[%get3A_1473, %get3A_1474] {strides = array<i32>} : memref<56x512xi32, #tpu.memory_space<vmem>>, vector<16xi32>,
        %shift_right_logical3A_1476 = arith.constant 1 : i32
        %shift_right_logical3A_1477 = vector.broadcast %shift_right_logical3A_1476 : i32 to vector<16xi32>
        %shift_right_logical3A_1478 = arith.shrui %get3A_1475, %shift_right_logical3A_1477 : vector<16xi32>
        %swap3A_1479 = arith.constant 1 : i32
        %swap3A_1480 = arith.index_cast %swap3A_1479 : i32 to index
        %swap3A_1481 = arith.constant 112 : index
        %swap3A_1482 = tpu.vector_load %arg6[%swap3A_1480, %swap3A_1481] {strides = array<i32>} : memref<4x128xi32, #tpu.memory_space<vmem>>, vector<16xi32>,
        tpu.vector_store %arg6[%swap3A_1480, %swap3A_1481], %shift_right_logical3A_1478 {strides = array<i32>} : memref<4x128xi32, #tpu.memory_space<vmem>>, vector<16xi32>,
        %dma_start3A_1483 = arith.constant 1 : i32
        %dma_start3A_1484 = arith.constant 1 : i32
        %dma_start3A_1485 = arith.constant 0 : i32
        %dma_start3A_1486 = arith.constant 0 : i32
        %dma_start3A_1487 = tpu.memref_slice %arg7[%dma_start3A_1484, %dma_start3A_1485, %dma_start3A_1486] : memref<4x128x128xf32, #tpu.memory_space<vmem>> -> memref<1x128x128xf32, #tpu.memory_space<vmem>>
        %dma_start3A_1488 = tpu.memref_squeeze %dma_start3A_1487 : memref<1x128x128xf32, #tpu.memory_space<vmem>> -> memref<128x128xf32, #tpu.memory_space<vmem>>
        %dma_start3A_1489 = arith.constant 0 : i32
        %dma_start3A_1490 = tpu.memref_slice %arg6[%dma_start3A_1483, %dma_start3A_1489] : memref<4x128xi32, #tpu.memory_space<vmem>> -> memref<1x128xi32, #tpu.memory_space<vmem>>
        %dma_start3A_1491 = tpu.memref_squeeze %dma_start3A_1490 : memref<1x128xi32, #tpu.memory_space<vmem>> -> memref<128xi32, #tpu.memory_space<vmem>>
        %dma_start3A_1492 = arith.constant 0 : i32
        %dma_start3A_1493 = arith.constant 0 : i32
        %dma_start3A_1494 = tpu.memref_slice %arg3[%dma_start3A_1492, %dma_start3A_1493] : memref<500032x128xf32, #tpu.memory_space<hbm>> -> memref<500032x128xf32, #tpu.memory_space<hbm>>
        tpu.enqueue_indirect_dma source(%dma_start3A_1494 : memref<500032x128xf32, #tpu.memory_space<hbm>>) target(%dma_start3A_1488 : memref<128x128xf32, #tpu.memory_space<vmem>>) offsets(%dma_start3A_1491 : memref<128xi32, #tpu.memory_space<vmem>>) semaphore(%arg10 : memref<!tpu.dma_semaphore, #tpu.memory_space<semaphore_mem>>)
      } else {
      }
      %mul3A_883 = arith.constant 4 : i32
      %mul3A_884 = arith.muli %mul3A_883, %scan3A_451 : i32
      %add3A_885 = arith.constant 2 : i32
      %add3A_886 = arith.addi %mul3A_884, %add3A_885 : i32
      %dma_wait3A_887 = arith.constant 2 : i32
      %dma_wait3A_888 = arith.constant 2 : i32
      %dma_wait3A_889 = arith.constant 0 : i32
      %dma_wait3A_890 = arith.constant 0 : i32
      %dma_wait3A_891 = tpu.memref_slice %arg7[%dma_wait3A_888, %dma_wait3A_889, %dma_wait3A_890] : memref<4x128x128xf32, #tpu.memory_space<vmem>> -> memref<1x128x128xf32, #tpu.memory_space<vmem>>
      %dma_wait3A_892 = tpu.memref_squeeze %dma_wait3A_891 : memref<1x128x128xf32, #tpu.memory_space<vmem>> -> memref<128x128xf32, #tpu.memory_space<vmem>>
      %dma_wait3A_893 = arith.constant 0 : i32
      %dma_wait3A_894 = tpu.memref_slice %arg6[%dma_wait3A_887, %dma_wait3A_893] : memref<4x128xi32, #tpu.memory_space<vmem>> -> memref<1x128xi32, #tpu.memory_space<vmem>>
      %dma_wait3A_895 = tpu.memref_squeeze %dma_wait3A_894 : memref<1x128xi32, #tpu.memory_space<vmem>> -> memref<128xi32, #tpu.memory_space<vmem>>
      %dma_wait3A_896 = arith.constant 0 : i32
      %dma_wait3A_897 = arith.constant 0 : i32
      %dma_wait3A_898 = tpu.memref_slice %arg3[%dma_wait3A_896, %dma_wait3A_897] : memref<500032x128xf32, #tpu.memory_space<hbm>> -> memref<500032x128xf32, #tpu.memory_space<hbm>>
      tpu.wait_indirect_dma semaphore(%arg11 : memref<!tpu.dma_semaphore, #tpu.memory_space<semaphore_mem>>) src(%dma_wait3A_898 : memref<500032x128xf32, #tpu.memory_space<hbm>>) dst(%dma_wait3A_892 : memref<128x128xf32, #tpu.memory_space<vmem>>)
      %ge3A_899 = arith.constant 2 : i32
      %ge3A_900 = arith.cmpi sge, %add3A_886, %ge3A_899 : i32
      %convert_element_type3A_901 = arith.extui %ge3A_900 : i1 to i32
      %cond3A_902 = arith.constant 0 : i32
      %cond3A_903 = arith.cmpi ne, %convert_element_type3A_901, %cond3A_902 : i32
      scf.if %cond3A_903 {
        %sub3A_1329 = arith.constant 2 : i32
        %sub3A_1330 = arith.subi %add3A_886, %sub3A_1329 : i32
        %jit3A_1331 = arith.constant 4 : i32
        %div3A_1332 = arith.divsi %sub3A_1330, %jit3A_1331 : i32
        %sign3A_1333 = arith.constant 0 : i32
        %sign3A_1334 = arith.cmpi sgt, %sub3A_1330, %sign3A_1333 : i32
        %sign3A_1335 = arith.extui %sign3A_1334 : i1 to i32
        %sign3A_1336 = arith.constant 0 : i32
        %sign3A_1337 = arith.cmpi slt, %sub3A_1330, %sign3A_1336 : i32
        %sign3A_1338 = arith.extui %sign3A_1337 : i1 to i32
        %sign3A_1339 = arith.subi %sign3A_1335, %sign3A_1338 : i32
        %sign3A_1340 = arith.constant 0 : i32
        %sign3A_1341 = arith.cmpi sgt, %jit3A_1331, %sign3A_1340 : i32
        %sign3A_1342 = arith.extui %sign3A_1341 : i1 to i32
        %sign3A_1343 = arith.constant 0 : i32
        %sign3A_1344 = arith.cmpi slt, %jit3A_1331, %sign3A_1343 : i32
        %sign3A_1345 = arith.extui %sign3A_1344 : i1 to i32
        %sign3A_1346 = arith.subi %sign3A_1342, %sign3A_1345 : i32
        %ne3A_1347 = arith.cmpi ne, %sign3A_1339, %sign3A_1346 : i32
        %rem3A_1348 = arith.remsi %sub3A_1330, %jit3A_1331 : i32
        %ne3A_1349 = arith.constant 0 : i32
        %ne3A_1350 = arith.cmpi ne, %rem3A_1348, %ne3A_1349 : i32
        %and3A_1351 = arith.andi %ne3A_1347, %ne3A_1350 : i1
        %sub3A_1352 = arith.constant 1 : i32
        %sub3A_1353 = arith.subi %div3A_1332, %sub3A_1352 : i32
        %select_n3A_1354 = arith.select %and3A_1351, %sub3A_1353, %div3A_1332 : i32
        %jit3A_1355 = arith.constant 4 : i32
        %eq3A_1356 = arith.constant 0 : i32
        %eq3A_1357 = arith.cmpi eq, %jit3A_1355, %eq3A_1356 : i32
        %jit3A_1358 = arith.constant 1 : i32
        %select_n3A_1359 = arith.select %eq3A_1357, %jit3A_1358, %jit3A_1355 : i32
        %rem3A_1360 = arith.remsi %sub3A_1330, %select_n3A_1359 : i32
        %ne3A_1361 = arith.constant 0 : i32
        %ne3A_1362 = arith.cmpi ne, %rem3A_1360, %ne3A_1361 : i32
        %lt3A_1363 = arith.constant 0 : i32
        %lt3A_1364 = arith.cmpi slt, %rem3A_1360, %lt3A_1363 : i32
        %lt3A_1365 = arith.constant 0 : i32
        %lt3A_1366 = arith.cmpi slt, %select_n3A_1359, %lt3A_1365 : i32
        %ne3A_1367 = arith.xori %lt3A_1364, %lt3A_1366 : i1
        %and3A_1368 = arith.andi %ne3A_1367, %ne3A_1362 : i1
        %add3A_1369 = arith.addi %rem3A_1360, %select_n3A_1359 : i32
        %select_n3A_1370 = arith.select %and3A_1368, %add3A_1369, %rem3A_1360 : i32
        %mul3A_1371 = arith.constant 128 : i32
        %mul3A_1372 = arith.muli %mul3A_1371, %select_n3A_1370 : i32
        %add3A_1373 = arith.addi %mul3A_2, %mul3A_1372 : i32
        %dma_wait3A_1374 = arith.constant 0 : i32
        %dma_wait3A_1375 = arith.constant 0 : i32
        %dma_wait3A_1376 = arith.constant 0 : i32
        %dma_wait3A_1377 = tpu.memref_slice %arg8[%dma_wait3A_1374, %dma_wait3A_1375, %dma_wait3A_1376] : memref<2x64x128xf32, #tpu.memory_space<vmem>> -> memref<1x64x128xf32, #tpu.memory_space<vmem>>
        %dma_wait3A_1378 = tpu.memref_squeeze %dma_wait3A_1377 : memref<1x64x128xf32, #tpu.memory_space<vmem>> -> memref<64x128xf32, #tpu.memory_space<vmem>>
        %dma_wait3A_1379 = arith.constant 0 : i32
        %dma_wait3A_1380 = arith.constant 0 : i32
        %dma_wait3A_1381 = tpu.memref_slice %arg4[%select_n3A_1354, %dma_wait3A_1379, %dma_wait3A_1380] : memref<50x64x16384xf32, #tpu.memory_space<hbm>> -> memref<1x64x16384xf32, #tpu.memory_space<hbm>>
        %dma_wait3A_1382 = tpu.memref_squeeze %dma_wait3A_1381 : memref<1x64x16384xf32, #tpu.memory_space<hbm>> -> memref<64x16384xf32, #tpu.memory_space<hbm>>
        %dma_wait3A_1383 = arith.constant 0 : i32
        %dma_wait3A_1384 = tpu.memref_slice %dma_wait3A_1382[%dma_wait3A_1383, %add3A_1373] : memref<64x16384xf32, #tpu.memory_space<hbm>> -> memref<64x128xf32, #tpu.memory_space<hbm>>
        %dma_wait3A_1385 = arith.constant 0 : i32
        %dma_wait3A_1386 = arith.constant 0 : i32
        %dma_wait3A_1387 = tpu.memref_slice %arg4[%select_n3A_1354, %dma_wait3A_1385, %dma_wait3A_1386] : memref<50x64x16384xf32, #tpu.memory_space<hbm>> -> memref<1x64x16384xf32, #tpu.memory_space<hbm>>
        %dma_wait3A_1388 = tpu.memref_squeeze %dma_wait3A_1387 : memref<1x64x16384xf32, #tpu.memory_space<hbm>> -> memref<64x16384xf32, #tpu.memory_space<hbm>>
        %dma_wait3A_1389 = arith.constant 0 : i32
        %dma_wait3A_1390 = tpu.memref_slice %dma_wait3A_1388[%dma_wait3A_1389, %add3A_1373] : memref<64x16384xf32, #tpu.memory_space<hbm>> -> memref<64x128xf32, #tpu.memory_space<hbm>>
        %dma_wait3A_1391 = arith.constant 0 : i32
        %dma_wait3A_1392 = arith.constant 0 : i32
        %dma_wait3A_1393 = tpu.memref_slice %arg8[%dma_wait3A_1374, %dma_wait3A_1391, %dma_wait3A_1392] : memref<2x64x128xf32, #tpu.memory_space<vmem>> -> memref<1x64x128xf32, #tpu.memory_space<vmem>>
        %dma_wait3A_1394 = tpu.memref_squeeze %dma_wait3A_1393 : memref<1x64x128xf32, #tpu.memory_space<vmem>> -> memref<64x128xf32, #tpu.memory_space<vmem>>
        tpu.wait_dma2 semaphore(%arg13 : memref<!tpu.dma_semaphore, #tpu.memory_space<semaphore_mem>>) src(%dma_wait3A_1394 : memref<64x128xf32, #tpu.memory_space<vmem>>) dst(%dma_wait3A_1390 : memref<64x128xf32, #tpu.memory_space<hbm>>)
      } else {
      }
      %jit3A_904 = arith.constant 4 : i32
      %div3A_905 = arith.divsi %add3A_886, %jit3A_904 : i32
      %sign3A_906 = arith.constant 0 : i32
      %sign3A_907 = arith.cmpi sgt, %add3A_886, %sign3A_906 : i32
      %sign3A_908 = arith.extui %sign3A_907 : i1 to i32
      %sign3A_909 = arith.constant 0 : i32
      %sign3A_910 = arith.cmpi slt, %add3A_886, %sign3A_909 : i32
      %sign3A_911 = arith.extui %sign3A_910 : i1 to i32
      %sign3A_912 = arith.subi %sign3A_908, %sign3A_911 : i32
      %sign3A_913 = arith.constant 0 : i32
      %sign3A_914 = arith.cmpi sgt, %jit3A_904, %sign3A_913 : i32
      %sign3A_915 = arith.extui %sign3A_914 : i1 to i32
      %sign3A_916 = arith.constant 0 : i32
      %sign3A_917 = arith.cmpi slt, %jit3A_904, %sign3A_916 : i32
      %sign3A_918 = arith.extui %sign3A_917 : i1 to i32
      %sign3A_919 = arith.subi %sign3A_915, %sign3A_918 : i32
      %ne3A_920 = arith.cmpi ne, %sign3A_912, %sign3A_919 : i32
      %rem3A_921 = arith.remsi %add3A_886, %jit3A_904 : i32
      %ne3A_922 = arith.constant 0 : i32
      %ne3A_923 = arith.cmpi ne, %rem3A_921, %ne3A_922 : i32
      %and3A_924 = arith.andi %ne3A_920, %ne3A_923 : i1
      %sub3A_925 = arith.constant 1 : i32
      %sub3A_926 = arith.subi %div3A_905, %sub3A_925 : i32
      %select_n3A_927 = arith.select %and3A_924, %sub3A_926, %div3A_905 : i32
      %jit3A_928 = arith.constant 4 : i32
      %eq3A_929 = arith.constant 0 : i32
      %eq3A_930 = arith.cmpi eq, %jit3A_928, %eq3A_929 : i32
      %jit3A_931 = arith.constant 1 : i32
      %select_n3A_932 = arith.select %eq3A_930, %jit3A_931, %jit3A_928 : i32
      %rem3A_933 = arith.remsi %add3A_886, %select_n3A_932 : i32
      %ne3A_934 = arith.constant 0 : i32
      %ne3A_935 = arith.cmpi ne, %rem3A_933, %ne3A_934 : i32
      %lt3A_936 = arith.constant 0 : i32
      %lt3A_937 = arith.cmpi slt, %rem3A_933, %lt3A_936 : i32
      %lt3A_938 = arith.constant 0 : i32
      %lt3A_939 = arith.cmpi slt, %select_n3A_932, %lt3A_938 : i32
      %ne3A_940 = arith.xori %lt3A_937, %lt3A_939 : i1
      %and3A_941 = arith.andi %ne3A_940, %ne3A_935 : i1
      %add3A_942 = arith.addi %rem3A_933, %select_n3A_932 : i32
      %select_n3A_943 = arith.select %and3A_941, %add3A_942, %rem3A_933 : i32
      %mul3A_944 = arith.constant 128 : i32
      %mul3A_945 = arith.muli %mul3A_944, %select_n3A_943 : i32
      %add3A_946 = arith.constant 0 : i32
      %add3A_947 = arith.addi %mul3A_945, %add3A_946 : i32
      %get3A_948 = arith.index_cast %select_n3A_927 : i32 to index
      %get3A_949 = arith.index_cast %add3A_947 : i32 to index
      %get3A_950 = tpu.vector_load %arg5[%get3A_948, %get3A_949] {strides = array<i32>} : memref<56x512xi32, #tpu.memory_space<vmem>>, vector<16xi32>,
      %and3A_951 = arith.constant 1 : i32
      %and3A_952 = vector.broadcast %and3A_951 : i32 to vector<16xi32>
      %and3A_953 = arith.andi %get3A_950, %and3A_952 : vector<16xi32>
      %shift_left3A_954 = arith.constant 6 : i32
      %shift_left3A_955 = vector.broadcast %shift_left3A_954 : i32 to vector<16xi32>
      %shift_left3A_956 = arith.shli %and3A_953, %shift_left3A_955 : vector<16xi32>
      %add3A_957 = arith.constant 0 : i32
      %add3A_958 = vector.broadcast %add3A_957 : i32 to vector<16xi32>
      %add3A_959 = arith.addi %add3A_958, %iota3A : vector<16xi32>
      %mul3A_960 = arith.constant 128 : i32
      %mul3A_961 = arith.muli %mul3A_960, %select_n3A_943 : i32
      %add3A_962 = arith.constant 16 : i32
      %add3A_963 = arith.addi %mul3A_961, %add3A_962 : i32
      %get3A_964 = arith.index_cast %select_n3A_927 : i32 to index
      %get3A_965 = arith.index_cast %add3A_963 : i32 to index
      %get3A_966 = tpu.vector_load %arg5[%get3A_964, %get3A_965] {strides = array<i32>} : memref<56x512xi32, #tpu.memory_space<vmem>>, vector<16xi32>,
      %and3A_967 = arith.constant 1 : i32
      %and3A_968 = vector.broadcast %and3A_967 : i32 to vector<16xi32>
      %and3A_969 = arith.andi %get3A_966, %and3A_968 : vector<16xi32>
      %shift_left3A_970 = arith.constant 6 : i32
      %shift_left3A_971 = vector.broadcast %shift_left3A_970 : i32 to vector<16xi32>
      %shift_left3A_972 = arith.shli %and3A_969, %shift_left3A_971 : vector<16xi32>
      %add3A_973 = arith.constant 16 : i32
      %add3A_974 = vector.broadcast %add3A_973 : i32 to vector<16xi32>
      %add3A_975 = arith.addi %add3A_974, %iota3A : vector<16xi32>
      %mul3A_976 = arith.constant 128 : i32
      %mul3A_977 = arith.muli %mul3A_976, %select_n3A_943 : i32
      %add3A_978 = arith.constant 32 : i32
      %add3A_979 = arith.addi %mul3A_977, %add3A_978 : i32
      %get3A_980 = arith.index_cast %select_n3A_927 : i32 to index
      %get3A_981 = arith.index_cast %add3A_979 : i32 to index
      %get3A_982 = tpu.vector_load %arg5[%get3A_980, %get3A_981] {strides = array<i32>} : memref<56x512xi32, #tpu.memory_space<vmem>>, vector<16xi32>,
      %and3A_983 = arith.constant 1 : i32
      %and3A_984 = vector.broadcast %and3A_983 : i32 to vector<16xi32>
      %and3A_985 = arith.andi %get3A_982, %and3A_984 : vector<16xi32>
      %shift_left3A_986 = arith.constant 6 : i32
      %shift_left3A_987 = vector.broadcast %shift_left3A_986 : i32 to vector<16xi32>
      %shift_left3A_988 = arith.shli %and3A_985, %shift_left3A_987 : vector<16xi32>
      %add3A_989 = arith.constant 32 : i32
      %add3A_990 = vector.broadcast %add3A_989 : i32 to vector<16xi32>
      %add3A_991 = arith.addi %add3A_990, %iota3A : vector<16xi32>
      %mul3A_992 = arith.constant 128 : i32
      %mul3A_993 = arith.muli %mul3A_992, %select_n3A_943 : i32
      %add3A_994 = arith.constant 48 : i32
      %add3A_995 = arith.addi %mul3A_993, %add3A_994 : i32
      %get3A_996 = arith.index_cast %select_n3A_927 : i32 to index
      %get3A_997 = arith.index_cast %add3A_995 : i32 to index
      %get3A_998 = tpu.vector_load %arg5[%get3A_996, %get3A_997] {strides = array<i32>} : memref<56x512xi32, #tpu.memory_space<vmem>>, vector<16xi32>,
      %and3A_999 = arith.constant 1 : i32
      %and3A_1000 = vector.broadcast %and3A_999 : i32 to vector<16xi32>
      %and3A_1001 = arith.andi %get3A_998, %and3A_1000 : vector<16xi32>
      %shift_left3A_1002 = arith.constant 6 : i32
      %shift_left3A_1003 = vector.broadcast %shift_left3A_1002 : i32 to vector<16xi32>
      %shift_left3A_1004 = arith.shli %and3A_1001, %shift_left3A_1003 : vector<16xi32>
      %add3A_1005 = arith.constant 48 : i32
      %add3A_1006 = vector.broadcast %add3A_1005 : i32 to vector<16xi32>
      %add3A_1007 = arith.addi %add3A_1006, %iota3A : vector<16xi32>
      %mul3A_1008 = arith.constant 128 : i32
      %mul3A_1009 = arith.muli %mul3A_1008, %select_n3A_943 : i32
      %add3A_1010 = arith.constant 64 : i32
      %add3A_1011 = arith.addi %mul3A_1009, %add3A_1010 : i32
      %get3A_1012 = arith.index_cast %select_n3A_927 : i32 to index
      %get3A_1013 = arith.index_cast %add3A_1011 : i32 to index
      %get3A_1014 = tpu.vector_load %arg5[%get3A_1012, %get3A_1013] {strides = array<i32>} : memref<56x512xi32, #tpu.memory_space<vmem>>, vector<16xi32>,
      %and3A_1015 = arith.constant 1 : i32
      %and3A_1016 = vector.broadcast %and3A_1015 : i32 to vector<16xi32>
      %and3A_1017 = arith.andi %get3A_1014, %and3A_1016 : vector<16xi32>
      %shift_left3A_1018 = arith.constant 6 : i32
      %shift_left3A_1019 = vector.broadcast %shift_left3A_1018 : i32 to vector<16xi32>
      %shift_left3A_1020 = arith.shli %and3A_1017, %shift_left3A_1019 : vector<16xi32>
      %add3A_1021 = arith.constant 64 : i32
      %add3A_1022 = vector.broadcast %add3A_1021 : i32 to vector<16xi32>
      %add3A_1023 = arith.addi %add3A_1022, %iota3A : vector<16xi32>
      %mul3A_1024 = arith.constant 128 : i32
      %mul3A_1025 = arith.muli %mul3A_1024, %select_n3A_943 : i32
      %add3A_1026 = arith.constant 80 : i32
      %add3A_1027 = arith.addi %mul3A_1025, %add3A_1026 : i32
      %get3A_1028 = arith.index_cast %select_n3A_927 : i32 to index
      %get3A_1029 = arith.index_cast %add3A_1027 : i32 to index
      %get3A_1030 = tpu.vector_load %arg5[%get3A_1028, %get3A_1029] {strides = array<i32>} : memref<56x512xi32, #tpu.memory_space<vmem>>, vector<16xi32>,
      %and3A_1031 = arith.constant 1 : i32
      %and3A_1032 = vector.broadcast %and3A_1031 : i32 to vector<16xi32>
      %and3A_1033 = arith.andi %get3A_1030, %and3A_1032 : vector<16xi32>
      %shift_left3A_1034 = arith.constant 6 : i32
      %shift_left3A_1035 = vector.broadcast %shift_left3A_1034 : i32 to vector<16xi32>
      %shift_left3A_1036 = arith.shli %and3A_1033, %shift_left3A_1035 : vector<16xi32>
      %add3A_1037 = arith.constant 80 : i32
      %add3A_1038 = vector.broadcast %add3A_1037 : i32 to vector<16xi32>
      %add3A_1039 = arith.addi %add3A_1038, %iota3A : vector<16xi32>
      %mul3A_1040 = arith.constant 128 : i32
      %mul3A_1041 = arith.muli %mul3A_1040, %select_n3A_943 : i32
      %add3A_1042 = arith.constant 96 : i32
      %add3A_1043 = arith.addi %mul3A_1041, %add3A_1042 : i32
      %get3A_1044 = arith.index_cast %select_n3A_927 : i32 to index
      %get3A_1045 = arith.index_cast %add3A_1043 : i32 to index
      %get3A_1046 = tpu.vector_load %arg5[%get3A_1044, %get3A_1045] {strides = array<i32>} : memref<56x512xi32, #tpu.memory_space<vmem>>, vector<16xi32>,
      %and3A_1047 = arith.constant 1 : i32
      %and3A_1048 = vector.broadcast %and3A_1047 : i32 to vector<16xi32>
      %and3A_1049 = arith.andi %get3A_1046, %and3A_1048 : vector<16xi32>
      %shift_left3A_1050 = arith.constant 6 : i32
      %shift_left3A_1051 = vector.broadcast %shift_left3A_1050 : i32 to vector<16xi32>
      %shift_left3A_1052 = arith.shli %and3A_1049, %shift_left3A_1051 : vector<16xi32>
      %add3A_1053 = arith.constant 96 : i32
      %add3A_1054 = vector.broadcast %add3A_1053 : i32 to vector<16xi32>
      %add3A_1055 = arith.addi %add3A_1054, %iota3A : vector<16xi32>
      %mul3A_1056 = arith.constant 128 : i32
      %mul3A_1057 = arith.muli %mul3A_1056, %select_n3A_943 : i32
      %add3A_1058 = arith.constant 112 : i32
      %add3A_1059 = arith.addi %mul3A_1057, %add3A_1058 : i32
      %get3A_1060 = arith.index_cast %select_n3A_927 : i32 to index
      %get3A_1061 = arith.index_cast %add3A_1059 : i32 to index
      %get3A_1062 = tpu.vector_load %arg5[%get3A_1060, %get3A_1061] {strides = array<i32>} : memref<56x512xi32, #tpu.memory_space<vmem>>, vector<16xi32>,
      %and3A_1063 = arith.constant 1 : i32
      %and3A_1064 = vector.broadcast %and3A_1063 : i32 to vector<16xi32>
      %and3A_1065 = arith.andi %get3A_1062, %and3A_1064 : vector<16xi32>
      %shift_left3A_1066 = arith.constant 6 : i32
      %shift_left3A_1067 = vector.broadcast %shift_left3A_1066 : i32 to vector<16xi32>
      %shift_left3A_1068 = arith.shli %and3A_1065, %shift_left3A_1067 : vector<16xi32>
      %add3A_1069 = arith.constant 112 : i32
      %add3A_1070 = vector.broadcast %add3A_1069 : i32 to vector<16xi32>
      %add3A_1071 = arith.addi %add3A_1070, %iota3A : vector<16xi32>
      %parallel_loop3A_1072 = arith.constant 0 : i32
      %parallel_loop3A_1073 = arith.constant 64 : i32
      %parallel_loop3A_1074 = arith.constant 1 : i32
      scf.for %parallel_loop3A_1329 = %parallel_loop3A_1072 to %parallel_loop3A_1073 step %parallel_loop3A_1074  : i32 {
        %parallel_loop3A_1330 = vector.broadcast %parallel_loop3A_1329 : i32 to vector<16xi32>
        %parallel_loop3A_1331 = arith.addi %shift_left3A_956, %parallel_loop3A_1330 : vector<16xi32>
        %parallel_loop3A_1332 = arith.constant 2 : i32
        %parallel_loop3A_1333 = arith.constant 0 : i32
        %parallel_loop3A_1334 = arith.constant 0 : i32
        %parallel_loop3A_1335 = tpu.memref_slice %arg7[%parallel_loop3A_1332, %parallel_loop3A_1333, %parallel_loop3A_1334] : memref<4x128x128xf32, #tpu.memory_space<vmem>> -> memref<1x128x128xf32, #tpu.memory_space<vmem>>
        %parallel_loop3A_1336 = tpu.memref_squeeze %parallel_loop3A_1335 : memref<1x128x128xf32, #tpu.memory_space<vmem>> -> memref<128x128xf32, #tpu.memory_space<vmem>>
        %parallel_loop3A_1337 = tpu.vector_load_idx %parallel_loop3A_1336[%add3A_959, %parallel_loop3A_1331] : memref<128x128xf32, #tpu.memory_space<vmem>>[vector<16xi32>, vector<16xi32>], vector<16xf32>,
        %parallel_loop3A_1338 = arith.constant 0 : i32
        %parallel_loop3A_1339 = arith.index_cast %parallel_loop3A_1338 : i32 to index
        %parallel_loop3A_1340 = arith.index_cast %parallel_loop3A_1329 : i32 to index
        %parallel_loop3A_1341 = arith.constant 0 : index
        %parallel_loop3A_1342 = tpu.vector_load %arg8[%parallel_loop3A_1339, %parallel_loop3A_1340, %parallel_loop3A_1341] {strides = array<i32>} : memref<2x64x128xf32, #tpu.memory_space<vmem>>, vector<16xf32>,
        tpu.vector_store %arg8[%parallel_loop3A_1339, %parallel_loop3A_1340, %parallel_loop3A_1341], %parallel_loop3A_1337 {strides = array<i32>} : memref<2x64x128xf32, #tpu.memory_space<vmem>>, vector<16xf32>,
        %parallel_loop3A_1343 = vector.broadcast %parallel_loop3A_1329 : i32 to vector<16xi32>
        %parallel_loop3A_1344 = arith.addi %shift_left3A_972, %parallel_loop3A_1343 : vector<16xi32>
        %parallel_loop3A_1345 = arith.constant 2 : i32
        %parallel_loop3A_1346 = arith.constant 0 : i32
        %parallel_loop3A_1347 = arith.constant 0 : i32
        %parallel_loop3A_1348 = tpu.memref_slice %arg7[%parallel_loop3A_1345, %parallel_loop3A_1346, %parallel_loop3A_1347] : memref<4x128x128xf32, #tpu.memory_space<vmem>> -> memref<1x128x128xf32, #tpu.memory_space<vmem>>
        %parallel_loop3A_1349 = tpu.memref_squeeze %parallel_loop3A_1348 : memref<1x128x128xf32, #tpu.memory_space<vmem>> -> memref<128x128xf32, #tpu.memory_space<vmem>>
        %parallel_loop3A_1350 = tpu.vector_load_idx %parallel_loop3A_1349[%add3A_975, %parallel_loop3A_1344] : memref<128x128xf32, #tpu.memory_space<vmem>>[vector<16xi32>, vector<16xi32>], vector<16xf32>,
        %parallel_loop3A_1351 = arith.constant 0 : i32
        %parallel_loop3A_1352 = arith.index_cast %parallel_loop3A_1351 : i32 to index
        %parallel_loop3A_1353 = arith.index_cast %parallel_loop3A_1329 : i32 to index
        %parallel_loop3A_1354 = arith.constant 16 : index
        %parallel_loop3A_1355 = tpu.vector_load %arg8[%parallel_loop3A_1352, %parallel_loop3A_1353, %parallel_loop3A_1354] {strides = array<i32>} : memref<2x64x128xf32, #tpu.memory_space<vmem>>, vector<16xf32>,
        tpu.vector_store %arg8[%parallel_loop3A_1352, %parallel_loop3A_1353, %parallel_loop3A_1354], %parallel_loop3A_1350 {strides = array<i32>} : memref<2x64x128xf32, #tpu.memory_space<vmem>>, vector<16xf32>,
        %parallel_loop3A_1356 = vector.broadcast %parallel_loop3A_1329 : i32 to vector<16xi32>
        %parallel_loop3A_1357 = arith.addi %shift_left3A_988, %parallel_loop3A_1356 : vector<16xi32>
        %parallel_loop3A_1358 = arith.constant 2 : i32
        %parallel_loop3A_1359 = arith.constant 0 : i32
        %parallel_loop3A_1360 = arith.constant 0 : i32
        %parallel_loop3A_1361 = tpu.memref_slice %arg7[%parallel_loop3A_1358, %parallel_loop3A_1359, %parallel_loop3A_1360] : memref<4x128x128xf32, #tpu.memory_space<vmem>> -> memref<1x128x128xf32, #tpu.memory_space<vmem>>
        %parallel_loop3A_1362 = tpu.memref_squeeze %parallel_loop3A_1361 : memref<1x128x128xf32, #tpu.memory_space<vmem>> -> memref<128x128xf32, #tpu.memory_space<vmem>>
        %parallel_loop3A_1363 = tpu.vector_load_idx %parallel_loop3A_1362[%add3A_991, %parallel_loop3A_1357] : memref<128x128xf32, #tpu.memory_space<vmem>>[vector<16xi32>, vector<16xi32>], vector<16xf32>,
        %parallel_loop3A_1364 = arith.constant 0 : i32
        %parallel_loop3A_1365 = arith.index_cast %parallel_loop3A_1364 : i32 to index
        %parallel_loop3A_1366 = arith.index_cast %parallel_loop3A_1329 : i32 to index
        %parallel_loop3A_1367 = arith.constant 32 : index
        %parallel_loop3A_1368 = tpu.vector_load %arg8[%parallel_loop3A_1365, %parallel_loop3A_1366, %parallel_loop3A_1367] {strides = array<i32>} : memref<2x64x128xf32, #tpu.memory_space<vmem>>, vector<16xf32>,
        tpu.vector_store %arg8[%parallel_loop3A_1365, %parallel_loop3A_1366, %parallel_loop3A_1367], %parallel_loop3A_1363 {strides = array<i32>} : memref<2x64x128xf32, #tpu.memory_space<vmem>>, vector<16xf32>,
        %parallel_loop3A_1369 = vector.broadcast %parallel_loop3A_1329 : i32 to vector<16xi32>
        %parallel_loop3A_1370 = arith.addi %shift_left3A_1004, %parallel_loop3A_1369 : vector<16xi32>
        %parallel_loop3A_1371 = arith.constant 2 : i32
        %parallel_loop3A_1372 = arith.constant 0 : i32
        %parallel_loop3A_1373 = arith.constant 0 : i32
        %parallel_loop3A_1374 = tpu.memref_slice %arg7[%parallel_loop3A_1371, %parallel_loop3A_1372, %parallel_loop3A_1373] : memref<4x128x128xf32, #tpu.memory_space<vmem>> -> memref<1x128x128xf32, #tpu.memory_space<vmem>>
        %parallel_loop3A_1375 = tpu.memref_squeeze %parallel_loop3A_1374 : memref<1x128x128xf32, #tpu.memory_space<vmem>> -> memref<128x128xf32, #tpu.memory_space<vmem>>
        %parallel_loop3A_1376 = tpu.vector_load_idx %parallel_loop3A_1375[%add3A_1007, %parallel_loop3A_1370] : memref<128x128xf32, #tpu.memory_space<vmem>>[vector<16xi32>, vector<16xi32>], vector<16xf32>,
        %parallel_loop3A_1377 = arith.constant 0 : i32
        %parallel_loop3A_1378 = arith.index_cast %parallel_loop3A_1377 : i32 to index
        %parallel_loop3A_1379 = arith.index_cast %parallel_loop3A_1329 : i32 to index
        %parallel_loop3A_1380 = arith.constant 48 : index
        %parallel_loop3A_1381 = tpu.vector_load %arg8[%parallel_loop3A_1378, %parallel_loop3A_1379, %parallel_loop3A_1380] {strides = array<i32>} : memref<2x64x128xf32, #tpu.memory_space<vmem>>, vector<16xf32>,
        tpu.vector_store %arg8[%parallel_loop3A_1378, %parallel_loop3A_1379, %parallel_loop3A_1380], %parallel_loop3A_1376 {strides = array<i32>} : memref<2x64x128xf32, #tpu.memory_space<vmem>>, vector<16xf32>,
        %parallel_loop3A_1382 = vector.broadcast %parallel_loop3A_1329 : i32 to vector<16xi32>
        %parallel_loop3A_1383 = arith.addi %shift_left3A_1020, %parallel_loop3A_1382 : vector<16xi32>
        %parallel_loop3A_1384 = arith.constant 2 : i32
        %parallel_loop3A_1385 = arith.constant 0 : i32
        %parallel_loop3A_1386 = arith.constant 0 : i32
        %parallel_loop3A_1387 = tpu.memref_slice %arg7[%parallel_loop3A_1384, %parallel_loop3A_1385, %parallel_loop3A_1386] : memref<4x128x128xf32, #tpu.memory_space<vmem>> -> memref<1x128x128xf32, #tpu.memory_space<vmem>>
        %parallel_loop3A_1388 = tpu.memref_squeeze %parallel_loop3A_1387 : memref<1x128x128xf32, #tpu.memory_space<vmem>> -> memref<128x128xf32, #tpu.memory_space<vmem>>
        %parallel_loop3A_1389 = tpu.vector_load_idx %parallel_loop3A_1388[%add3A_1023, %parallel_loop3A_1383] : memref<128x128xf32, #tpu.memory_space<vmem>>[vector<16xi32>, vector<16xi32>], vector<16xf32>,
        %parallel_loop3A_1390 = arith.constant 0 : i32
        %parallel_loop3A_1391 = arith.index_cast %parallel_loop3A_1390 : i32 to index
        %parallel_loop3A_1392 = arith.index_cast %parallel_loop3A_1329 : i32 to index
        %parallel_loop3A_1393 = arith.constant 64 : index
        %parallel_loop3A_1394 = tpu.vector_load %arg8[%parallel_loop3A_1391, %parallel_loop3A_1392, %parallel_loop3A_1393] {strides = array<i32>} : memref<2x64x128xf32, #tpu.memory_space<vmem>>, vector<16xf32>,
        tpu.vector_store %arg8[%parallel_loop3A_1391, %parallel_loop3A_1392, %parallel_loop3A_1393], %parallel_loop3A_1389 {strides = array<i32>} : memref<2x64x128xf32, #tpu.memory_space<vmem>>, vector<16xf32>,
        %parallel_loop3A_1395 = vector.broadcast %parallel_loop3A_1329 : i32 to vector<16xi32>
        %parallel_loop3A_1396 = arith.addi %shift_left3A_1036, %parallel_loop3A_1395 : vector<16xi32>
        %parallel_loop3A_1397 = arith.constant 2 : i32
        %parallel_loop3A_1398 = arith.constant 0 : i32
        %parallel_loop3A_1399 = arith.constant 0 : i32
        %parallel_loop3A_1400 = tpu.memref_slice %arg7[%parallel_loop3A_1397, %parallel_loop3A_1398, %parallel_loop3A_1399] : memref<4x128x128xf32, #tpu.memory_space<vmem>> -> memref<1x128x128xf32, #tpu.memory_space<vmem>>
        %parallel_loop3A_1401 = tpu.memref_squeeze %parallel_loop3A_1400 : memref<1x128x128xf32, #tpu.memory_space<vmem>> -> memref<128x128xf32, #tpu.memory_space<vmem>>
        %parallel_loop3A_1402 = tpu.vector_load_idx %parallel_loop3A_1401[%add3A_1039, %parallel_loop3A_1396] : memref<128x128xf32, #tpu.memory_space<vmem>>[vector<16xi32>, vector<16xi32>], vector<16xf32>,
        %parallel_loop3A_1403 = arith.constant 0 : i32
        %parallel_loop3A_1404 = arith.index_cast %parallel_loop3A_1403 : i32 to index
        %parallel_loop3A_1405 = arith.index_cast %parallel_loop3A_1329 : i32 to index
        %parallel_loop3A_1406 = arith.constant 80 : index
        %parallel_loop3A_1407 = tpu.vector_load %arg8[%parallel_loop3A_1404, %parallel_loop3A_1405, %parallel_loop3A_1406] {strides = array<i32>} : memref<2x64x128xf32, #tpu.memory_space<vmem>>, vector<16xf32>,
        tpu.vector_store %arg8[%parallel_loop3A_1404, %parallel_loop3A_1405, %parallel_loop3A_1406], %parallel_loop3A_1402 {strides = array<i32>} : memref<2x64x128xf32, #tpu.memory_space<vmem>>, vector<16xf32>,
        %parallel_loop3A_1408 = vector.broadcast %parallel_loop3A_1329 : i32 to vector<16xi32>
        %parallel_loop3A_1409 = arith.addi %shift_left3A_1052, %parallel_loop3A_1408 : vector<16xi32>
        %parallel_loop3A_1410 = arith.constant 2 : i32
        %parallel_loop3A_1411 = arith.constant 0 : i32
        %parallel_loop3A_1412 = arith.constant 0 : i32
        %parallel_loop3A_1413 = tpu.memref_slice %arg7[%parallel_loop3A_1410, %parallel_loop3A_1411, %parallel_loop3A_1412] : memref<4x128x128xf32, #tpu.memory_space<vmem>> -> memref<1x128x128xf32, #tpu.memory_space<vmem>>
        %parallel_loop3A_1414 = tpu.memref_squeeze %parallel_loop3A_1413 : memref<1x128x128xf32, #tpu.memory_space<vmem>> -> memref<128x128xf32, #tpu.memory_space<vmem>>
        %parallel_loop3A_1415 = tpu.vector_load_idx %parallel_loop3A_1414[%add3A_1055, %parallel_loop3A_1409] : memref<128x128xf32, #tpu.memory_space<vmem>>[vector<16xi32>, vector<16xi32>], vector<16xf32>,
        %parallel_loop3A_1416 = arith.constant 0 : i32
        %parallel_loop3A_1417 = arith.index_cast %parallel_loop3A_1416 : i32 to index
        %parallel_loop3A_1418 = arith.index_cast %parallel_loop3A_1329 : i32 to index
        %parallel_loop3A_1419 = arith.constant 96 : index
        %parallel_loop3A_1420 = tpu.vector_load %arg8[%parallel_loop3A_1417, %parallel_loop3A_1418, %parallel_loop3A_1419] {strides = array<i32>} : memref<2x64x128xf32, #tpu.memory_space<vmem>>, vector<16xf32>,
        tpu.vector_store %arg8[%parallel_loop3A_1417, %parallel_loop3A_1418, %parallel_loop3A_1419], %parallel_loop3A_1415 {strides = array<i32>} : memref<2x64x128xf32, #tpu.memory_space<vmem>>, vector<16xf32>,
        %parallel_loop3A_1421 = vector.broadcast %parallel_loop3A_1329 : i32 to vector<16xi32>
        %parallel_loop3A_1422 = arith.addi %shift_left3A_1068, %parallel_loop3A_1421 : vector<16xi32>
        %parallel_loop3A_1423 = arith.constant 2 : i32
        %parallel_loop3A_1424 = arith.constant 0 : i32
        %parallel_loop3A_1425 = arith.constant 0 : i32
        %parallel_loop3A_1426 = tpu.memref_slice %arg7[%parallel_loop3A_1423, %parallel_loop3A_1424, %parallel_loop3A_1425] : memref<4x128x128xf32, #tpu.memory_space<vmem>> -> memref<1x128x128xf32, #tpu.memory_space<vmem>>
        %parallel_loop3A_1427 = tpu.memref_squeeze %parallel_loop3A_1426 : memref<1x128x128xf32, #tpu.memory_space<vmem>> -> memref<128x128xf32, #tpu.memory_space<vmem>>
        %parallel_loop3A_1428 = tpu.vector_load_idx %parallel_loop3A_1427[%add3A_1071, %parallel_loop3A_1422] : memref<128x128xf32, #tpu.memory_space<vmem>>[vector<16xi32>, vector<16xi32>], vector<16xf32>,
        %parallel_loop3A_1429 = arith.constant 0 : i32
        %parallel_loop3A_1430 = arith.index_cast %parallel_loop3A_1429 : i32 to index
        %parallel_loop3A_1431 = arith.index_cast %parallel_loop3A_1329 : i32 to index
        %parallel_loop3A_1432 = arith.constant 112 : index
        %parallel_loop3A_1433 = tpu.vector_load %arg8[%parallel_loop3A_1430, %parallel_loop3A_1431, %parallel_loop3A_1432] {strides = array<i32>} : memref<2x64x128xf32, #tpu.memory_space<vmem>>, vector<16xf32>,
        tpu.vector_store %arg8[%parallel_loop3A_1430, %parallel_loop3A_1431, %parallel_loop3A_1432], %parallel_loop3A_1428 {strides = array<i32>} : memref<2x64x128xf32, #tpu.memory_space<vmem>>, vector<16xf32>,
      } {sc.loop_unroll_factor = 8 : i64, sc.parallel_access}
      %mul3A_1075 = arith.constant 128 : i32
      %mul3A_1076 = arith.muli %mul3A_1075, %select_n3A_943 : i32
      %add3A_1077 = arith.addi %mul3A_2, %mul3A_1076 : i32
      %dma_start3A_1078 = arith.constant 0 : i32
      %dma_start3A_1079 = arith.constant 0 : i32
      %dma_start3A_1080 = arith.constant 0 : i32
      %dma_start3A_1081 = tpu.memref_slice %arg8[%dma_start3A_1078, %dma_start3A_1079, %dma_start3A_1080] : memref<2x64x128xf32, #tpu.memory_space<vmem>> -> memref<1x64x128xf32, #tpu.memory_space<vmem>>
      %dma_start3A_1082 = tpu.memref_squeeze %dma_start3A_1081 : memref<1x64x128xf32, #tpu.memory_space<vmem>> -> memref<64x128xf32, #tpu.memory_space<vmem>>
      %dma_start3A_1083 = arith.constant 0 : i32
      %dma_start3A_1084 = arith.constant 0 : i32
      %dma_start3A_1085 = tpu.memref_slice %arg4[%select_n3A_927, %dma_start3A_1083, %dma_start3A_1084] : memref<50x64x16384xf32, #tpu.memory_space<hbm>> -> memref<1x64x16384xf32, #tpu.memory_space<hbm>>
      %dma_start3A_1086 = tpu.memref_squeeze %dma_start3A_1085 : memref<1x64x16384xf32, #tpu.memory_space<hbm>> -> memref<64x16384xf32, #tpu.memory_space<hbm>>
      %dma_start3A_1087 = arith.constant 0 : i32
      %dma_start3A_1088 = tpu.memref_slice %dma_start3A_1086[%dma_start3A_1087, %add3A_1077] : memref<64x16384xf32, #tpu.memory_space<hbm>> -> memref<64x128xf32, #tpu.memory_space<hbm>>
      %dma_start3A_1089 = arith.constant 0 : i32
      %dma_start3A_1090 = arith.constant 0 : i32
      %dma_start3A_1091 = tpu.memref_slice %arg4[%select_n3A_927, %dma_start3A_1089, %dma_start3A_1090] : memref<50x64x16384xf32, #tpu.memory_space<hbm>> -> memref<1x64x16384xf32, #tpu.memory_space<hbm>>
      %dma_start3A_1092 = tpu.memref_squeeze %dma_start3A_1091 : memref<1x64x16384xf32, #tpu.memory_space<hbm>> -> memref<64x16384xf32, #tpu.memory_space<hbm>>
      %dma_start3A_1093 = arith.constant 0 : i32
      %dma_start3A_1094 = tpu.memref_slice %dma_start3A_1092[%dma_start3A_1093, %add3A_1077] : memref<64x16384xf32, #tpu.memory_space<hbm>> -> memref<64x128xf32, #tpu.memory_space<hbm>>
      %dma_start3A_1095 = arith.constant 0 : i32
      %dma_start3A_1096 = arith.constant 0 : i32
      %dma_start3A_1097 = tpu.memref_slice %arg8[%dma_start3A_1078, %dma_start3A_1095, %dma_start3A_1096] : memref<2x64x128xf32, #tpu.memory_space<vmem>> -> memref<1x64x128xf32, #tpu.memory_space<vmem>>
      %dma_start3A_1098 = tpu.memref_squeeze %dma_start3A_1097 : memref<1x64x128xf32, #tpu.memory_space<vmem>> -> memref<64x128xf32, #tpu.memory_space<vmem>>
      tpu.enqueue_dma source(%dma_start3A_1098 : memref<64x128xf32, #tpu.memory_space<vmem>>) target(%dma_start3A_1094 : memref<64x128xf32, #tpu.memory_space<hbm>>) target_semaphore(%arg13 : memref<!tpu.dma_semaphore, #tpu.memory_space<semaphore_mem>>)
      %add3A_1099 = arith.constant 4 : i32
      %add3A_1100 = arith.addi %add3A_886, %add3A_1099 : i32
      %lt3A_1101 = arith.constant 200 : i32
      %lt3A_1102 = arith.cmpi slt, %add3A_1100, %lt3A_1101 : i32
      %convert_element_type3A_1103 = arith.extui %lt3A_1102 : i1 to i32
      %cond3A_1104 = arith.constant 0 : i32
      %cond3A_1105 = arith.cmpi ne, %convert_element_type3A_1103, %cond3A_1104 : i32
      scf.if %cond3A_1105 {
        %add3A_1329 = arith.constant 4 : i32
        %add3A_1330 = arith.addi %add3A_886, %add3A_1329 : i32
        %jit3A_1331 = arith.constant 4 : i32
        %div3A_1332 = arith.divsi %add3A_1330, %jit3A_1331 : i32
        %sign3A_1333 = arith.constant 0 : i32
        %sign3A_1334 = arith.cmpi sgt, %add3A_1330, %sign3A_1333 : i32
        %sign3A_1335 = arith.extui %sign3A_1334 : i1 to i32
        %sign3A_1336 = arith.constant 0 : i32
        %sign3A_1337 = arith.cmpi slt, %add3A_1330, %sign3A_1336 : i32
        %sign3A_1338 = arith.extui %sign3A_1337 : i1 to i32
        %sign3A_1339 = arith.subi %sign3A_1335, %sign3A_1338 : i32
        %sign3A_1340 = arith.constant 0 : i32
        %sign3A_1341 = arith.cmpi sgt, %jit3A_1331, %sign3A_1340 : i32
        %sign3A_1342 = arith.extui %sign3A_1341 : i1 to i32
        %sign3A_1343 = arith.constant 0 : i32
        %sign3A_1344 = arith.cmpi slt, %jit3A_1331, %sign3A_1343 : i32
        %sign3A_1345 = arith.extui %sign3A_1344 : i1 to i32
        %sign3A_1346 = arith.subi %sign3A_1342, %sign3A_1345 : i32
        %ne3A_1347 = arith.cmpi ne, %sign3A_1339, %sign3A_1346 : i32
        %rem3A_1348 = arith.remsi %add3A_1330, %jit3A_1331 : i32
        %ne3A_1349 = arith.constant 0 : i32
        %ne3A_1350 = arith.cmpi ne, %rem3A_1348, %ne3A_1349 : i32
        %and3A_1351 = arith.andi %ne3A_1347, %ne3A_1350 : i1
        %sub3A_1352 = arith.constant 1 : i32
        %sub3A_1353 = arith.subi %div3A_1332, %sub3A_1352 : i32
        %select_n3A_1354 = arith.select %and3A_1351, %sub3A_1353, %div3A_1332 : i32
        %jit3A_1355 = arith.constant 4 : i32
        %eq3A_1356 = arith.constant 0 : i32
        %eq3A_1357 = arith.cmpi eq, %jit3A_1355, %eq3A_1356 : i32
        %jit3A_1358 = arith.constant 1 : i32
        %select_n3A_1359 = arith.select %eq3A_1357, %jit3A_1358, %jit3A_1355 : i32
        %rem3A_1360 = arith.remsi %add3A_1330, %select_n3A_1359 : i32
        %ne3A_1361 = arith.constant 0 : i32
        %ne3A_1362 = arith.cmpi ne, %rem3A_1360, %ne3A_1361 : i32
        %lt3A_1363 = arith.constant 0 : i32
        %lt3A_1364 = arith.cmpi slt, %rem3A_1360, %lt3A_1363 : i32
        %lt3A_1365 = arith.constant 0 : i32
        %lt3A_1366 = arith.cmpi slt, %select_n3A_1359, %lt3A_1365 : i32
        %ne3A_1367 = arith.xori %lt3A_1364, %lt3A_1366 : i1
        %and3A_1368 = arith.andi %ne3A_1367, %ne3A_1362 : i1
        %add3A_1369 = arith.addi %rem3A_1360, %select_n3A_1359 : i32
        %select_n3A_1370 = arith.select %and3A_1368, %add3A_1369, %rem3A_1360 : i32
        %mul3A_1371 = arith.constant 128 : i32
        %mul3A_1372 = arith.muli %mul3A_1371, %select_n3A_1370 : i32
        %add3A_1373 = arith.constant 0 : i32
        %add3A_1374 = arith.addi %mul3A_1372, %add3A_1373 : i32
        %get3A_1375 = arith.index_cast %select_n3A_1354 : i32 to index
        %get3A_1376 = arith.index_cast %add3A_1374 : i32 to index
        %get3A_1377 = tpu.vector_load %arg5[%get3A_1375, %get3A_1376] {strides = array<i32>} : memref<56x512xi32, #tpu.memory_space<vmem>>, vector<16xi32>,
        %shift_right_logical3A_1378 = arith.constant 1 : i32
        %shift_right_logical3A_1379 = vector.broadcast %shift_right_logical3A_1378 : i32 to vector<16xi32>
        %shift_right_logical3A_1380 = arith.shrui %get3A_1377, %shift_right_logical3A_1379 : vector<16xi32>
        %swap3A_1381 = arith.constant 2 : i32
        %swap3A_1382 = arith.index_cast %swap3A_1381 : i32 to index
        %swap3A_1383 = arith.constant 0 : index
        %swap3A_1384 = tpu.vector_load %arg6[%swap3A_1382, %swap3A_1383] {strides = array<i32>} : memref<4x128xi32, #tpu.memory_space<vmem>>, vector<16xi32>,
        tpu.vector_store %arg6[%swap3A_1382, %swap3A_1383], %shift_right_logical3A_1380 {strides = array<i32>} : memref<4x128xi32, #tpu.memory_space<vmem>>, vector<16xi32>,
        %mul3A_1385 = arith.constant 128 : i32
        %mul3A_1386 = arith.muli %mul3A_1385, %select_n3A_1370 : i32
        %add3A_1387 = arith.constant 16 : i32
        %add3A_1388 = arith.addi %mul3A_1386, %add3A_1387 : i32
        %get3A_1389 = arith.index_cast %select_n3A_1354 : i32 to index
        %get3A_1390 = arith.index_cast %add3A_1388 : i32 to index
        %get3A_1391 = tpu.vector_load %arg5[%get3A_1389, %get3A_1390] {strides = array<i32>} : memref<56x512xi32, #tpu.memory_space<vmem>>, vector<16xi32>,
        %shift_right_logical3A_1392 = arith.constant 1 : i32
        %shift_right_logical3A_1393 = vector.broadcast %shift_right_logical3A_1392 : i32 to vector<16xi32>
        %shift_right_logical3A_1394 = arith.shrui %get3A_1391, %shift_right_logical3A_1393 : vector<16xi32>
        %swap3A_1395 = arith.constant 2 : i32
        %swap3A_1396 = arith.index_cast %swap3A_1395 : i32 to index
        %swap3A_1397 = arith.constant 16 : index
        %swap3A_1398 = tpu.vector_load %arg6[%swap3A_1396, %swap3A_1397] {strides = array<i32>} : memref<4x128xi32, #tpu.memory_space<vmem>>, vector<16xi32>,
        tpu.vector_store %arg6[%swap3A_1396, %swap3A_1397], %shift_right_logical3A_1394 {strides = array<i32>} : memref<4x128xi32, #tpu.memory_space<vmem>>, vector<16xi32>,
        %mul3A_1399 = arith.constant 128 : i32
        %mul3A_1400 = arith.muli %mul3A_1399, %select_n3A_1370 : i32
        %add3A_1401 = arith.constant 32 : i32
        %add3A_1402 = arith.addi %mul3A_1400, %add3A_1401 : i32
        %get3A_1403 = arith.index_cast %select_n3A_1354 : i32 to index
        %get3A_1404 = arith.index_cast %add3A_1402 : i32 to index
        %get3A_1405 = tpu.vector_load %arg5[%get3A_1403, %get3A_1404] {strides = array<i32>} : memref<56x512xi32, #tpu.memory_space<vmem>>, vector<16xi32>,
        %shift_right_logical3A_1406 = arith.constant 1 : i32
        %shift_right_logical3A_1407 = vector.broadcast %shift_right_logical3A_1406 : i32 to vector<16xi32>
        %shift_right_logical3A_1408 = arith.shrui %get3A_1405, %shift_right_logical3A_1407 : vector<16xi32>
        %swap3A_1409 = arith.constant 2 : i32
        %swap3A_1410 = arith.index_cast %swap3A_1409 : i32 to index
        %swap3A_1411 = arith.constant 32 : index
        %swap3A_1412 = tpu.vector_load %arg6[%swap3A_1410, %swap3A_1411] {strides = array<i32>} : memref<4x128xi32, #tpu.memory_space<vmem>>, vector<16xi32>,
        tpu.vector_store %arg6[%swap3A_1410, %swap3A_1411], %shift_right_logical3A_1408 {strides = array<i32>} : memref<4x128xi32, #tpu.memory_space<vmem>>, vector<16xi32>,
        %mul3A_1413 = arith.constant 128 : i32
        %mul3A_1414 = arith.muli %mul3A_1413, %select_n3A_1370 : i32
        %add3A_1415 = arith.constant 48 : i32
        %add3A_1416 = arith.addi %mul3A_1414, %add3A_1415 : i32
        %get3A_1417 = arith.index_cast %select_n3A_1354 : i32 to index
        %get3A_1418 = arith.index_cast %add3A_1416 : i32 to index
        %get3A_1419 = tpu.vector_load %arg5[%get3A_1417, %get3A_1418] {strides = array<i32>} : memref<56x512xi32, #tpu.memory_space<vmem>>, vector<16xi32>,
        %shift_right_logical3A_1420 = arith.constant 1 : i32
        %shift_right_logical3A_1421 = vector.broadcast %shift_right_logical3A_1420 : i32 to vector<16xi32>
        %shift_right_logical3A_1422 = arith.shrui %get3A_1419, %shift_right_logical3A_1421 : vector<16xi32>
        %swap3A_1423 = arith.constant 2 : i32
        %swap3A_1424 = arith.index_cast %swap3A_1423 : i32 to index
        %swap3A_1425 = arith.constant 48 : index
        %swap3A_1426 = tpu.vector_load %arg6[%swap3A_1424, %swap3A_1425] {strides = array<i32>} : memref<4x128xi32, #tpu.memory_space<vmem>>, vector<16xi32>,
        tpu.vector_store %arg6[%swap3A_1424, %swap3A_1425], %shift_right_logical3A_1422 {strides = array<i32>} : memref<4x128xi32, #tpu.memory_space<vmem>>, vector<16xi32>,
        %mul3A_1427 = arith.constant 128 : i32
        %mul3A_1428 = arith.muli %mul3A_1427, %select_n3A_1370 : i32
        %add3A_1429 = arith.constant 64 : i32
        %add3A_1430 = arith.addi %mul3A_1428, %add3A_1429 : i32
        %get3A_1431 = arith.index_cast %select_n3A_1354 : i32 to index
        %get3A_1432 = arith.index_cast %add3A_1430 : i32 to index
        %get3A_1433 = tpu.vector_load %arg5[%get3A_1431, %get3A_1432] {strides = array<i32>} : memref<56x512xi32, #tpu.memory_space<vmem>>, vector<16xi32>,
        %shift_right_logical3A_1434 = arith.constant 1 : i32
        %shift_right_logical3A_1435 = vector.broadcast %shift_right_logical3A_1434 : i32 to vector<16xi32>
        %shift_right_logical3A_1436 = arith.shrui %get3A_1433, %shift_right_logical3A_1435 : vector<16xi32>
        %swap3A_1437 = arith.constant 2 : i32
        %swap3A_1438 = arith.index_cast %swap3A_1437 : i32 to index
        %swap3A_1439 = arith.constant 64 : index
        %swap3A_1440 = tpu.vector_load %arg6[%swap3A_1438, %swap3A_1439] {strides = array<i32>} : memref<4x128xi32, #tpu.memory_space<vmem>>, vector<16xi32>,
        tpu.vector_store %arg6[%swap3A_1438, %swap3A_1439], %shift_right_logical3A_1436 {strides = array<i32>} : memref<4x128xi32, #tpu.memory_space<vmem>>, vector<16xi32>,
        %mul3A_1441 = arith.constant 128 : i32
        %mul3A_1442 = arith.muli %mul3A_1441, %select_n3A_1370 : i32
        %add3A_1443 = arith.constant 80 : i32
        %add3A_1444 = arith.addi %mul3A_1442, %add3A_1443 : i32
        %get3A_1445 = arith.index_cast %select_n3A_1354 : i32 to index
        %get3A_1446 = arith.index_cast %add3A_1444 : i32 to index
        %get3A_1447 = tpu.vector_load %arg5[%get3A_1445, %get3A_1446] {strides = array<i32>} : memref<56x512xi32, #tpu.memory_space<vmem>>, vector<16xi32>,
        %shift_right_logical3A_1448 = arith.constant 1 : i32
        %shift_right_logical3A_1449 = vector.broadcast %shift_right_logical3A_1448 : i32 to vector<16xi32>
        %shift_right_logical3A_1450 = arith.shrui %get3A_1447, %shift_right_logical3A_1449 : vector<16xi32>
        %swap3A_1451 = arith.constant 2 : i32
        %swap3A_1452 = arith.index_cast %swap3A_1451 : i32 to index
        %swap3A_1453 = arith.constant 80 : index
        %swap3A_1454 = tpu.vector_load %arg6[%swap3A_1452, %swap3A_1453] {strides = array<i32>} : memref<4x128xi32, #tpu.memory_space<vmem>>, vector<16xi32>,
        tpu.vector_store %arg6[%swap3A_1452, %swap3A_1453], %shift_right_logical3A_1450 {strides = array<i32>} : memref<4x128xi32, #tpu.memory_space<vmem>>, vector<16xi32>,
        %mul3A_1455 = arith.constant 128 : i32
        %mul3A_1456 = arith.muli %mul3A_1455, %select_n3A_1370 : i32
        %add3A_1457 = arith.constant 96 : i32
        %add3A_1458 = arith.addi %mul3A_1456, %add3A_1457 : i32
        %get3A_1459 = arith.index_cast %select_n3A_1354 : i32 to index
        %get3A_1460 = arith.index_cast %add3A_1458 : i32 to index
        %get3A_1461 = tpu.vector_load %arg5[%get3A_1459, %get3A_1460] {strides = array<i32>} : memref<56x512xi32, #tpu.memory_space<vmem>>, vector<16xi32>,
        %shift_right_logical3A_1462 = arith.constant 1 : i32
        %shift_right_logical3A_1463 = vector.broadcast %shift_right_logical3A_1462 : i32 to vector<16xi32>
        %shift_right_logical3A_1464 = arith.shrui %get3A_1461, %shift_right_logical3A_1463 : vector<16xi32>
        %swap3A_1465 = arith.constant 2 : i32
        %swap3A_1466 = arith.index_cast %swap3A_1465 : i32 to index
        %swap3A_1467 = arith.constant 96 : index
        %swap3A_1468 = tpu.vector_load %arg6[%swap3A_1466, %swap3A_1467] {strides = array<i32>} : memref<4x128xi32, #tpu.memory_space<vmem>>, vector<16xi32>,
        tpu.vector_store %arg6[%swap3A_1466, %swap3A_1467], %shift_right_logical3A_1464 {strides = array<i32>} : memref<4x128xi32, #tpu.memory_space<vmem>>, vector<16xi32>,
        %mul3A_1469 = arith.constant 128 : i32
        %mul3A_1470 = arith.muli %mul3A_1469, %select_n3A_1370 : i32
        %add3A_1471 = arith.constant 112 : i32
        %add3A_1472 = arith.addi %mul3A_1470, %add3A_1471 : i32
        %get3A_1473 = arith.index_cast %select_n3A_1354 : i32 to index
        %get3A_1474 = arith.index_cast %add3A_1472 : i32 to index
        %get3A_1475 = tpu.vector_load %arg5[%get3A_1473, %get3A_1474] {strides = array<i32>} : memref<56x512xi32, #tpu.memory_space<vmem>>, vector<16xi32>,
        %shift_right_logical3A_1476 = arith.constant 1 : i32
        %shift_right_logical3A_1477 = vector.broadcast %shift_right_logical3A_1476 : i32 to vector<16xi32>
        %shift_right_logical3A_1478 = arith.shrui %get3A_1475, %shift_right_logical3A_1477 : vector<16xi32>
        %swap3A_1479 = arith.constant 2 : i32
        %swap3A_1480 = arith.index_cast %swap3A_1479 : i32 to index
        %swap3A_1481 = arith.constant 112 : index
        %swap3A_1482 = tpu.vector_load %arg6[%swap3A_1480, %swap3A_1481] {strides = array<i32>} : memref<4x128xi32, #tpu.memory_space<vmem>>, vector<16xi32>,
        tpu.vector_store %arg6[%swap3A_1480, %swap3A_1481], %shift_right_logical3A_1478 {strides = array<i32>} : memref<4x128xi32, #tpu.memory_space<vmem>>, vector<16xi32>,
        %dma_start3A_1483 = arith.constant 2 : i32
        %dma_start3A_1484 = arith.constant 2 : i32
        %dma_start3A_1485 = arith.constant 0 : i32
        %dma_start3A_1486 = arith.constant 0 : i32
        %dma_start3A_1487 = tpu.memref_slice %arg7[%dma_start3A_1484, %dma_start3A_1485, %dma_start3A_1486] : memref<4x128x128xf32, #tpu.memory_space<vmem>> -> memref<1x128x128xf32, #tpu.memory_space<vmem>>
        %dma_start3A_1488 = tpu.memref_squeeze %dma_start3A_1487 : memref<1x128x128xf32, #tpu.memory_space<vmem>> -> memref<128x128xf32, #tpu.memory_space<vmem>>
        %dma_start3A_1489 = arith.constant 0 : i32
        %dma_start3A_1490 = tpu.memref_slice %arg6[%dma_start3A_1483, %dma_start3A_1489] : memref<4x128xi32, #tpu.memory_space<vmem>> -> memref<1x128xi32, #tpu.memory_space<vmem>>
        %dma_start3A_1491 = tpu.memref_squeeze %dma_start3A_1490 : memref<1x128xi32, #tpu.memory_space<vmem>> -> memref<128xi32, #tpu.memory_space<vmem>>
        %dma_start3A_1492 = arith.constant 0 : i32
        %dma_start3A_1493 = arith.constant 0 : i32
        %dma_start3A_1494 = tpu.memref_slice %arg3[%dma_start3A_1492, %dma_start3A_1493] : memref<500032x128xf32, #tpu.memory_space<hbm>> -> memref<500032x128xf32, #tpu.memory_space<hbm>>
        tpu.enqueue_indirect_dma source(%dma_start3A_1494 : memref<500032x128xf32, #tpu.memory_space<hbm>>) target(%dma_start3A_1488 : memref<128x128xf32, #tpu.memory_space<vmem>>) offsets(%dma_start3A_1491 : memref<128xi32, #tpu.memory_space<vmem>>) semaphore(%arg11 : memref<!tpu.dma_semaphore, #tpu.memory_space<semaphore_mem>>)
      } else {
      }
      %mul3A_1106 = arith.constant 4 : i32
      %mul3A_1107 = arith.muli %mul3A_1106, %scan3A_451 : i32
      %add3A_1108 = arith.constant 3 : i32
      %add3A_1109 = arith.addi %mul3A_1107, %add3A_1108 : i32
      %dma_wait3A_1110 = arith.constant 3 : i32
      %dma_wait3A_1111 = arith.constant 3 : i32
      %dma_wait3A_1112 = arith.constant 0 : i32
      %dma_wait3A_1113 = arith.constant 0 : i32
      %dma_wait3A_1114 = tpu.memref_slice %arg7[%dma_wait3A_1111, %dma_wait3A_1112, %dma_wait3A_1113] : memref<4x128x128xf32, #tpu.memory_space<vmem>> -> memref<1x128x128xf32, #tpu.memory_space<vmem>>
      %dma_wait3A_1115 = tpu.memref_squeeze %dma_wait3A_1114 : memref<1x128x128xf32, #tpu.memory_space<vmem>> -> memref<128x128xf32, #tpu.memory_space<vmem>>
      %dma_wait3A_1116 = arith.constant 0 : i32
      %dma_wait3A_1117 = tpu.memref_slice %arg6[%dma_wait3A_1110, %dma_wait3A_1116] : memref<4x128xi32, #tpu.memory_space<vmem>> -> memref<1x128xi32, #tpu.memory_space<vmem>>
      %dma_wait3A_1118 = tpu.memref_squeeze %dma_wait3A_1117 : memref<1x128xi32, #tpu.memory_space<vmem>> -> memref<128xi32, #tpu.memory_space<vmem>>
      %dma_wait3A_1119 = arith.constant 0 : i32
      %dma_wait3A_1120 = arith.constant 0 : i32
      %dma_wait3A_1121 = tpu.memref_slice %arg3[%dma_wait3A_1119, %dma_wait3A_1120] : memref<500032x128xf32, #tpu.memory_space<hbm>> -> memref<500032x128xf32, #tpu.memory_space<hbm>>
      tpu.wait_indirect_dma semaphore(%arg12 : memref<!tpu.dma_semaphore, #tpu.memory_space<semaphore_mem>>) src(%dma_wait3A_1121 : memref<500032x128xf32, #tpu.memory_space<hbm>>) dst(%dma_wait3A_1115 : memref<128x128xf32, #tpu.memory_space<vmem>>)
      %ge3A_1122 = arith.constant 2 : i32
      %ge3A_1123 = arith.cmpi sge, %add3A_1109, %ge3A_1122 : i32
      %convert_element_type3A_1124 = arith.extui %ge3A_1123 : i1 to i32
      %cond3A_1125 = arith.constant 0 : i32
      %cond3A_1126 = arith.cmpi ne, %convert_element_type3A_1124, %cond3A_1125 : i32
      scf.if %cond3A_1126 {
        %sub3A_1329 = arith.constant 2 : i32
        %sub3A_1330 = arith.subi %add3A_1109, %sub3A_1329 : i32
        %jit3A_1331 = arith.constant 4 : i32
        %div3A_1332 = arith.divsi %sub3A_1330, %jit3A_1331 : i32
        %sign3A_1333 = arith.constant 0 : i32
        %sign3A_1334 = arith.cmpi sgt, %sub3A_1330, %sign3A_1333 : i32
        %sign3A_1335 = arith.extui %sign3A_1334 : i1 to i32
        %sign3A_1336 = arith.constant 0 : i32
        %sign3A_1337 = arith.cmpi slt, %sub3A_1330, %sign3A_1336 : i32
        %sign3A_1338 = arith.extui %sign3A_1337 : i1 to i32
        %sign3A_1339 = arith.subi %sign3A_1335, %sign3A_1338 : i32
        %sign3A_1340 = arith.constant 0 : i32
        %sign3A_1341 = arith.cmpi sgt, %jit3A_1331, %sign3A_1340 : i32
        %sign3A_1342 = arith.extui %sign3A_1341 : i1 to i32
        %sign3A_1343 = arith.constant 0 : i32
        %sign3A_1344 = arith.cmpi slt, %jit3A_1331, %sign3A_1343 : i32
        %sign3A_1345 = arith.extui %sign3A_1344 : i1 to i32
        %sign3A_1346 = arith.subi %sign3A_1342, %sign3A_1345 : i32
        %ne3A_1347 = arith.cmpi ne, %sign3A_1339, %sign3A_1346 : i32
        %rem3A_1348 = arith.remsi %sub3A_1330, %jit3A_1331 : i32
        %ne3A_1349 = arith.constant 0 : i32
        %ne3A_1350 = arith.cmpi ne, %rem3A_1348, %ne3A_1349 : i32
        %and3A_1351 = arith.andi %ne3A_1347, %ne3A_1350 : i1
        %sub3A_1352 = arith.constant 1 : i32
        %sub3A_1353 = arith.subi %div3A_1332, %sub3A_1352 : i32
        %select_n3A_1354 = arith.select %and3A_1351, %sub3A_1353, %div3A_1332 : i32
        %jit3A_1355 = arith.constant 4 : i32
        %eq3A_1356 = arith.constant 0 : i32
        %eq3A_1357 = arith.cmpi eq, %jit3A_1355, %eq3A_1356 : i32
        %jit3A_1358 = arith.constant 1 : i32
        %select_n3A_1359 = arith.select %eq3A_1357, %jit3A_1358, %jit3A_1355 : i32
        %rem3A_1360 = arith.remsi %sub3A_1330, %select_n3A_1359 : i32
        %ne3A_1361 = arith.constant 0 : i32
        %ne3A_1362 = arith.cmpi ne, %rem3A_1360, %ne3A_1361 : i32
        %lt3A_1363 = arith.constant 0 : i32
        %lt3A_1364 = arith.cmpi slt, %rem3A_1360, %lt3A_1363 : i32
        %lt3A_1365 = arith.constant 0 : i32
        %lt3A_1366 = arith.cmpi slt, %select_n3A_1359, %lt3A_1365 : i32
        %ne3A_1367 = arith.xori %lt3A_1364, %lt3A_1366 : i1
        %and3A_1368 = arith.andi %ne3A_1367, %ne3A_1362 : i1
        %add3A_1369 = arith.addi %rem3A_1360, %select_n3A_1359 : i32
        %select_n3A_1370 = arith.select %and3A_1368, %add3A_1369, %rem3A_1360 : i32
        %mul3A_1371 = arith.constant 128 : i32
        %mul3A_1372 = arith.muli %mul3A_1371, %select_n3A_1370 : i32
        %add3A_1373 = arith.addi %mul3A_2, %mul3A_1372 : i32
        %dma_wait3A_1374 = arith.constant 1 : i32
        %dma_wait3A_1375 = arith.constant 0 : i32
        %dma_wait3A_1376 = arith.constant 0 : i32
        %dma_wait3A_1377 = tpu.memref_slice %arg8[%dma_wait3A_1374, %dma_wait3A_1375, %dma_wait3A_1376] : memref<2x64x128xf32, #tpu.memory_space<vmem>> -> memref<1x64x128xf32, #tpu.memory_space<vmem>>
        %dma_wait3A_1378 = tpu.memref_squeeze %dma_wait3A_1377 : memref<1x64x128xf32, #tpu.memory_space<vmem>> -> memref<64x128xf32, #tpu.memory_space<vmem>>
        %dma_wait3A_1379 = arith.constant 0 : i32
        %dma_wait3A_1380 = arith.constant 0 : i32
        %dma_wait3A_1381 = tpu.memref_slice %arg4[%select_n3A_1354, %dma_wait3A_1379, %dma_wait3A_1380] : memref<50x64x16384xf32, #tpu.memory_space<hbm>> -> memref<1x64x16384xf32, #tpu.memory_space<hbm>>
        %dma_wait3A_1382 = tpu.memref_squeeze %dma_wait3A_1381 : memref<1x64x16384xf32, #tpu.memory_space<hbm>> -> memref<64x16384xf32, #tpu.memory_space<hbm>>
        %dma_wait3A_1383 = arith.constant 0 : i32
        %dma_wait3A_1384 = tpu.memref_slice %dma_wait3A_1382[%dma_wait3A_1383, %add3A_1373] : memref<64x16384xf32, #tpu.memory_space<hbm>> -> memref<64x128xf32, #tpu.memory_space<hbm>>
        %dma_wait3A_1385 = arith.constant 0 : i32
        %dma_wait3A_1386 = arith.constant 0 : i32
        %dma_wait3A_1387 = tpu.memref_slice %arg4[%select_n3A_1354, %dma_wait3A_1385, %dma_wait3A_1386] : memref<50x64x16384xf32, #tpu.memory_space<hbm>> -> memref<1x64x16384xf32, #tpu.memory_space<hbm>>
        %dma_wait3A_1388 = tpu.memref_squeeze %dma_wait3A_1387 : memref<1x64x16384xf32, #tpu.memory_space<hbm>> -> memref<64x16384xf32, #tpu.memory_space<hbm>>
        %dma_wait3A_1389 = arith.constant 0 : i32
        %dma_wait3A_1390 = tpu.memref_slice %dma_wait3A_1388[%dma_wait3A_1389, %add3A_1373] : memref<64x16384xf32, #tpu.memory_space<hbm>> -> memref<64x128xf32, #tpu.memory_space<hbm>>
        %dma_wait3A_1391 = arith.constant 0 : i32
        %dma_wait3A_1392 = arith.constant 0 : i32
        %dma_wait3A_1393 = tpu.memref_slice %arg8[%dma_wait3A_1374, %dma_wait3A_1391, %dma_wait3A_1392] : memref<2x64x128xf32, #tpu.memory_space<vmem>> -> memref<1x64x128xf32, #tpu.memory_space<vmem>>
        %dma_wait3A_1394 = tpu.memref_squeeze %dma_wait3A_1393 : memref<1x64x128xf32, #tpu.memory_space<vmem>> -> memref<64x128xf32, #tpu.memory_space<vmem>>
        tpu.wait_dma2 semaphore(%arg14 : memref<!tpu.dma_semaphore, #tpu.memory_space<semaphore_mem>>) src(%dma_wait3A_1394 : memref<64x128xf32, #tpu.memory_space<vmem>>) dst(%dma_wait3A_1390 : memref<64x128xf32, #tpu.memory_space<hbm>>)
      } else {
      }
      %jit3A_1127 = arith.constant 4 : i32
      %div3A_1128 = arith.divsi %add3A_1109, %jit3A_1127 : i32
      %sign3A_1129 = arith.constant 0 : i32
      %sign3A_1130 = arith.cmpi sgt, %add3A_1109, %sign3A_1129 : i32
      %sign3A_1131 = arith.extui %sign3A_1130 : i1 to i32
      %sign3A_1132 = arith.constant 0 : i32
      %sign3A_1133 = arith.cmpi slt, %add3A_1109, %sign3A_1132 : i32
      %sign3A_1134 = arith.extui %sign3A_1133 : i1 to i32
      %sign3A_1135 = arith.subi %sign3A_1131, %sign3A_1134 : i32
      %sign3A_1136 = arith.constant 0 : i32
      %sign3A_1137 = arith.cmpi sgt, %jit3A_1127, %sign3A_1136 : i32
      %sign3A_1138 = arith.extui %sign3A_1137 : i1 to i32
      %sign3A_1139 = arith.constant 0 : i32
      %sign3A_1140 = arith.cmpi slt, %jit3A_1127, %sign3A_1139 : i32
      %sign3A_1141 = arith.extui %sign3A_1140 : i1 to i32
      %sign3A_1142 = arith.subi %sign3A_1138, %sign3A_1141 : i32
      %ne3A_1143 = arith.cmpi ne, %sign3A_1135, %sign3A_1142 : i32
      %rem3A_1144 = arith.remsi %add3A_1109, %jit3A_1127 : i32
      %ne3A_1145 = arith.constant 0 : i32
      %ne3A_1146 = arith.cmpi ne, %rem3A_1144, %ne3A_1145 : i32
      %and3A_1147 = arith.andi %ne3A_1143, %ne3A_1146 : i1
      %sub3A_1148 = arith.constant 1 : i32
      %sub3A_1149 = arith.subi %div3A_1128, %sub3A_1148 : i32
      %select_n3A_1150 = arith.select %and3A_1147, %sub3A_1149, %div3A_1128 : i32
      %jit3A_1151 = arith.constant 4 : i32
      %eq3A_1152 = arith.constant 0 : i32
      %eq3A_1153 = arith.cmpi eq, %jit3A_1151, %eq3A_1152 : i32
      %jit3A_1154 = arith.constant 1 : i32
      %select_n3A_1155 = arith.select %eq3A_1153, %jit3A_1154, %jit3A_1151 : i32
      %rem3A_1156 = arith.remsi %add3A_1109, %select_n3A_1155 : i32
      %ne3A_1157 = arith.constant 0 : i32
      %ne3A_1158 = arith.cmpi ne, %rem3A_1156, %ne3A_1157 : i32
      %lt3A_1159 = arith.constant 0 : i32
      %lt3A_1160 = arith.cmpi slt, %rem3A_1156, %lt3A_1159 : i32
      %lt3A_1161 = arith.constant 0 : i32
      %lt3A_1162 = arith.cmpi slt, %select_n3A_1155, %lt3A_1161 : i32
      %ne3A_1163 = arith.xori %lt3A_1160, %lt3A_1162 : i1
      %and3A_1164 = arith.andi %ne3A_1163, %ne3A_1158 : i1
      %add3A_1165 = arith.addi %rem3A_1156, %select_n3A_1155 : i32
      %select_n3A_1166 = arith.select %and3A_1164, %add3A_1165, %rem3A_1156 : i32
      %mul3A_1167 = arith.constant 128 : i32
      %mul3A_1168 = arith.muli %mul3A_1167, %select_n3A_1166 : i32
      %add3A_1169 = arith.constant 0 : i32
      %add3A_1170 = arith.addi %mul3A_1168, %add3A_1169 : i32
      %get3A_1171 = arith.index_cast %select_n3A_1150 : i32 to index
      %get3A_1172 = arith.index_cast %add3A_1170 : i32 to index
      %get3A_1173 = tpu.vector_load %arg5[%get3A_1171, %get3A_1172] {strides = array<i32>} : memref<56x512xi32, #tpu.memory_space<vmem>>, vector<16xi32>,
      %and3A_1174 = arith.constant 1 : i32
      %and3A_1175 = vector.broadcast %and3A_1174 : i32 to vector<16xi32>
      %and3A_1176 = arith.andi %get3A_1173, %and3A_1175 : vector<16xi32>
      %shift_left3A_1177 = arith.constant 6 : i32
      %shift_left3A_1178 = vector.broadcast %shift_left3A_1177 : i32 to vector<16xi32>
      %shift_left3A_1179 = arith.shli %and3A_1176, %shift_left3A_1178 : vector<16xi32>
      %add3A_1180 = arith.constant 0 : i32
      %add3A_1181 = vector.broadcast %add3A_1180 : i32 to vector<16xi32>
      %add3A_1182 = arith.addi %add3A_1181, %iota3A : vector<16xi32>
      %mul3A_1183 = arith.constant 128 : i32
      %mul3A_1184 = arith.muli %mul3A_1183, %select_n3A_1166 : i32
      %add3A_1185 = arith.constant 16 : i32
      %add3A_1186 = arith.addi %mul3A_1184, %add3A_1185 : i32
      %get3A_1187 = arith.index_cast %select_n3A_1150 : i32 to index
      %get3A_1188 = arith.index_cast %add3A_1186 : i32 to index
      %get3A_1189 = tpu.vector_load %arg5[%get3A_1187, %get3A_1188] {strides = array<i32>} : memref<56x512xi32, #tpu.memory_space<vmem>>, vector<16xi32>,
      %and3A_1190 = arith.constant 1 : i32
      %and3A_1191 = vector.broadcast %and3A_1190 : i32 to vector<16xi32>
      %and3A_1192 = arith.andi %get3A_1189, %and3A_1191 : vector<16xi32>
      %shift_left3A_1193 = arith.constant 6 : i32
      %shift_left3A_1194 = vector.broadcast %shift_left3A_1193 : i32 to vector<16xi32>
      %shift_left3A_1195 = arith.shli %and3A_1192, %shift_left3A_1194 : vector<16xi32>
      %add3A_1196 = arith.constant 16 : i32
      %add3A_1197 = vector.broadcast %add3A_1196 : i32 to vector<16xi32>
      %add3A_1198 = arith.addi %add3A_1197, %iota3A : vector<16xi32>
      %mul3A_1199 = arith.constant 128 : i32
      %mul3A_1200 = arith.muli %mul3A_1199, %select_n3A_1166 : i32
      %add3A_1201 = arith.constant 32 : i32
      %add3A_1202 = arith.addi %mul3A_1200, %add3A_1201 : i32
      %get3A_1203 = arith.index_cast %select_n3A_1150 : i32 to index
      %get3A_1204 = arith.index_cast %add3A_1202 : i32 to index
      %get3A_1205 = tpu.vector_load %arg5[%get3A_1203, %get3A_1204] {strides = array<i32>} : memref<56x512xi32, #tpu.memory_space<vmem>>, vector<16xi32>,
      %and3A_1206 = arith.constant 1 : i32
      %and3A_1207 = vector.broadcast %and3A_1206 : i32 to vector<16xi32>
      %and3A_1208 = arith.andi %get3A_1205, %and3A_1207 : vector<16xi32>
      %shift_left3A_1209 = arith.constant 6 : i32
      %shift_left3A_1210 = vector.broadcast %shift_left3A_1209 : i32 to vector<16xi32>
      %shift_left3A_1211 = arith.shli %and3A_1208, %shift_left3A_1210 : vector<16xi32>
      %add3A_1212 = arith.constant 32 : i32
      %add3A_1213 = vector.broadcast %add3A_1212 : i32 to vector<16xi32>
      %add3A_1214 = arith.addi %add3A_1213, %iota3A : vector<16xi32>
      %mul3A_1215 = arith.constant 128 : i32
      %mul3A_1216 = arith.muli %mul3A_1215, %select_n3A_1166 : i32
      %add3A_1217 = arith.constant 48 : i32
      %add3A_1218 = arith.addi %mul3A_1216, %add3A_1217 : i32
      %get3A_1219 = arith.index_cast %select_n3A_1150 : i32 to index
      %get3A_1220 = arith.index_cast %add3A_1218 : i32 to index
      %get3A_1221 = tpu.vector_load %arg5[%get3A_1219, %get3A_1220] {strides = array<i32>} : memref<56x512xi32, #tpu.memory_space<vmem>>, vector<16xi32>,
      %and3A_1222 = arith.constant 1 : i32
      %and3A_1223 = vector.broadcast %and3A_1222 : i32 to vector<16xi32>
      %and3A_1224 = arith.andi %get3A_1221, %and3A_1223 : vector<16xi32>
      %shift_left3A_1225 = arith.constant 6 : i32
      %shift_left3A_1226 = vector.broadcast %shift_left3A_1225 : i32 to vector<16xi32>
      %shift_left3A_1227 = arith.shli %and3A_1224, %shift_left3A_1226 : vector<16xi32>
      %add3A_1228 = arith.constant 48 : i32
      %add3A_1229 = vector.broadcast %add3A_1228 : i32 to vector<16xi32>
      %add3A_1230 = arith.addi %add3A_1229, %iota3A : vector<16xi32>
      %mul3A_1231 = arith.constant 128 : i32
      %mul3A_1232 = arith.muli %mul3A_1231, %select_n3A_1166 : i32
      %add3A_1233 = arith.constant 64 : i32
      %add3A_1234 = arith.addi %mul3A_1232, %add3A_1233 : i32
      %get3A_1235 = arith.index_cast %select_n3A_1150 : i32 to index
      %get3A_1236 = arith.index_cast %add3A_1234 : i32 to index
      %get3A_1237 = tpu.vector_load %arg5[%get3A_1235, %get3A_1236] {strides = array<i32>} : memref<56x512xi32, #tpu.memory_space<vmem>>, vector<16xi32>,
      %and3A_1238 = arith.constant 1 : i32
      %and3A_1239 = vector.broadcast %and3A_1238 : i32 to vector<16xi32>
      %and3A_1240 = arith.andi %get3A_1237, %and3A_1239 : vector<16xi32>
      %shift_left3A_1241 = arith.constant 6 : i32
      %shift_left3A_1242 = vector.broadcast %shift_left3A_1241 : i32 to vector<16xi32>
      %shift_left3A_1243 = arith.shli %and3A_1240, %shift_left3A_1242 : vector<16xi32>
      %add3A_1244 = arith.constant 64 : i32
      %add3A_1245 = vector.broadcast %add3A_1244 : i32 to vector<16xi32>
      %add3A_1246 = arith.addi %add3A_1245, %iota3A : vector<16xi32>
      %mul3A_1247 = arith.constant 128 : i32
      %mul3A_1248 = arith.muli %mul3A_1247, %select_n3A_1166 : i32
      %add3A_1249 = arith.constant 80 : i32
      %add3A_1250 = arith.addi %mul3A_1248, %add3A_1249 : i32
      %get3A_1251 = arith.index_cast %select_n3A_1150 : i32 to index
      %get3A_1252 = arith.index_cast %add3A_1250 : i32 to index
      %get3A_1253 = tpu.vector_load %arg5[%get3A_1251, %get3A_1252] {strides = array<i32>} : memref<56x512xi32, #tpu.memory_space<vmem>>, vector<16xi32>,
      %and3A_1254 = arith.constant 1 : i32
      %and3A_1255 = vector.broadcast %and3A_1254 : i32 to vector<16xi32>
      %and3A_1256 = arith.andi %get3A_1253, %and3A_1255 : vector<16xi32>
      %shift_left3A_1257 = arith.constant 6 : i32
      %shift_left3A_1258 = vector.broadcast %shift_left3A_1257 : i32 to vector<16xi32>
      %shift_left3A_1259 = arith.shli %and3A_1256, %shift_left3A_1258 : vector<16xi32>
      %add3A_1260 = arith.constant 80 : i32
      %add3A_1261 = vector.broadcast %add3A_1260 : i32 to vector<16xi32>
      %add3A_1262 = arith.addi %add3A_1261, %iota3A : vector<16xi32>
      %mul3A_1263 = arith.constant 128 : i32
      %mul3A_1264 = arith.muli %mul3A_1263, %select_n3A_1166 : i32
      %add3A_1265 = arith.constant 96 : i32
      %add3A_1266 = arith.addi %mul3A_1264, %add3A_1265 : i32
      %get3A_1267 = arith.index_cast %select_n3A_1150 : i32 to index
      %get3A_1268 = arith.index_cast %add3A_1266 : i32 to index
      %get3A_1269 = tpu.vector_load %arg5[%get3A_1267, %get3A_1268] {strides = array<i32>} : memref<56x512xi32, #tpu.memory_space<vmem>>, vector<16xi32>,
      %and3A_1270 = arith.constant 1 : i32
      %and3A_1271 = vector.broadcast %and3A_1270 : i32 to vector<16xi32>
      %and3A_1272 = arith.andi %get3A_1269, %and3A_1271 : vector<16xi32>
      %shift_left3A_1273 = arith.constant 6 : i32
      %shift_left3A_1274 = vector.broadcast %shift_left3A_1273 : i32 to vector<16xi32>
      %shift_left3A_1275 = arith.shli %and3A_1272, %shift_left3A_1274 : vector<16xi32>
      %add3A_1276 = arith.constant 96 : i32
      %add3A_1277 = vector.broadcast %add3A_1276 : i32 to vector<16xi32>
      %add3A_1278 = arith.addi %add3A_1277, %iota3A : vector<16xi32>
      %mul3A_1279 = arith.constant 128 : i32
      %mul3A_1280 = arith.muli %mul3A_1279, %select_n3A_1166 : i32
      %add3A_1281 = arith.constant 112 : i32
      %add3A_1282 = arith.addi %mul3A_1280, %add3A_1281 : i32
      %get3A_1283 = arith.index_cast %select_n3A_1150 : i32 to index
      %get3A_1284 = arith.index_cast %add3A_1282 : i32 to index
      %get3A_1285 = tpu.vector_load %arg5[%get3A_1283, %get3A_1284] {strides = array<i32>} : memref<56x512xi32, #tpu.memory_space<vmem>>, vector<16xi32>,
      %and3A_1286 = arith.constant 1 : i32
      %and3A_1287 = vector.broadcast %and3A_1286 : i32 to vector<16xi32>
      %and3A_1288 = arith.andi %get3A_1285, %and3A_1287 : vector<16xi32>
      %shift_left3A_1289 = arith.constant 6 : i32
      %shift_left3A_1290 = vector.broadcast %shift_left3A_1289 : i32 to vector<16xi32>
      %shift_left3A_1291 = arith.shli %and3A_1288, %shift_left3A_1290 : vector<16xi32>
      %add3A_1292 = arith.constant 112 : i32
      %add3A_1293 = vector.broadcast %add3A_1292 : i32 to vector<16xi32>
      %add3A_1294 = arith.addi %add3A_1293, %iota3A : vector<16xi32>
      %parallel_loop3A_1295 = arith.constant 0 : i32
      %parallel_loop3A_1296 = arith.constant 64 : i32
      %parallel_loop3A_1297 = arith.constant 1 : i32
      scf.for %parallel_loop3A_1329 = %parallel_loop3A_1295 to %parallel_loop3A_1296 step %parallel_loop3A_1297  : i32 {
        %parallel_loop3A_1330 = vector.broadcast %parallel_loop3A_1329 : i32 to vector<16xi32>
        %parallel_loop3A_1331 = arith.addi %shift_left3A_1179, %parallel_loop3A_1330 : vector<16xi32>
        %parallel_loop3A_1332 = arith.constant 3 : i32
        %parallel_loop3A_1333 = arith.constant 0 : i32
        %parallel_loop3A_1334 = arith.constant 0 : i32
        %parallel_loop3A_1335 = tpu.memref_slice %arg7[%parallel_loop3A_1332, %parallel_loop3A_1333, %parallel_loop3A_1334] : memref<4x128x128xf32, #tpu.memory_space<vmem>> -> memref<1x128x128xf32, #tpu.memory_space<vmem>>
        %parallel_loop3A_1336 = tpu.memref_squeeze %parallel_loop3A_1335 : memref<1x128x128xf32, #tpu.memory_space<vmem>> -> memref<128x128xf32, #tpu.memory_space<vmem>>
        %parallel_loop3A_1337 = tpu.vector_load_idx %parallel_loop3A_1336[%add3A_1182, %parallel_loop3A_1331] : memref<128x128xf32, #tpu.memory_space<vmem>>[vector<16xi32>, vector<16xi32>], vector<16xf32>,
        %parallel_loop3A_1338 = arith.constant 1 : i32
        %parallel_loop3A_1339 = arith.index_cast %parallel_loop3A_1338 : i32 to index
        %parallel_loop3A_1340 = arith.index_cast %parallel_loop3A_1329 : i32 to index
        %parallel_loop3A_1341 = arith.constant 0 : index
        %parallel_loop3A_1342 = tpu.vector_load %arg8[%parallel_loop3A_1339, %parallel_loop3A_1340, %parallel_loop3A_1341] {strides = array<i32>} : memref<2x64x128xf32, #tpu.memory_space<vmem>>, vector<16xf32>,
        tpu.vector_store %arg8[%parallel_loop3A_1339, %parallel_loop3A_1340, %parallel_loop3A_1341], %parallel_loop3A_1337 {strides = array<i32>} : memref<2x64x128xf32, #tpu.memory_space<vmem>>, vector<16xf32>,
        %parallel_loop3A_1343 = vector.broadcast %parallel_loop3A_1329 : i32 to vector<16xi32>
        %parallel_loop3A_1344 = arith.addi %shift_left3A_1195, %parallel_loop3A_1343 : vector<16xi32>
        %parallel_loop3A_1345 = arith.constant 3 : i32
        %parallel_loop3A_1346 = arith.constant 0 : i32
        %parallel_loop3A_1347 = arith.constant 0 : i32
        %parallel_loop3A_1348 = tpu.memref_slice %arg7[%parallel_loop3A_1345, %parallel_loop3A_1346, %parallel_loop3A_1347] : memref<4x128x128xf32, #tpu.memory_space<vmem>> -> memref<1x128x128xf32, #tpu.memory_space<vmem>>
        %parallel_loop3A_1349 = tpu.memref_squeeze %parallel_loop3A_1348 : memref<1x128x128xf32, #tpu.memory_space<vmem>> -> memref<128x128xf32, #tpu.memory_space<vmem>>
        %parallel_loop3A_1350 = tpu.vector_load_idx %parallel_loop3A_1349[%add3A_1198, %parallel_loop3A_1344] : memref<128x128xf32, #tpu.memory_space<vmem>>[vector<16xi32>, vector<16xi32>], vector<16xf32>,
        %parallel_loop3A_1351 = arith.constant 1 : i32
        %parallel_loop3A_1352 = arith.index_cast %parallel_loop3A_1351 : i32 to index
        %parallel_loop3A_1353 = arith.index_cast %parallel_loop3A_1329 : i32 to index
        %parallel_loop3A_1354 = arith.constant 16 : index
        %parallel_loop3A_1355 = tpu.vector_load %arg8[%parallel_loop3A_1352, %parallel_loop3A_1353, %parallel_loop3A_1354] {strides = array<i32>} : memref<2x64x128xf32, #tpu.memory_space<vmem>>, vector<16xf32>,
        tpu.vector_store %arg8[%parallel_loop3A_1352, %parallel_loop3A_1353, %parallel_loop3A_1354], %parallel_loop3A_1350 {strides = array<i32>} : memref<2x64x128xf32, #tpu.memory_space<vmem>>, vector<16xf32>,
        %parallel_loop3A_1356 = vector.broadcast %parallel_loop3A_1329 : i32 to vector<16xi32>
        %parallel_loop3A_1357 = arith.addi %shift_left3A_1211, %parallel_loop3A_1356 : vector<16xi32>
        %parallel_loop3A_1358 = arith.constant 3 : i32
        %parallel_loop3A_1359 = arith.constant 0 : i32
        %parallel_loop3A_1360 = arith.constant 0 : i32
        %parallel_loop3A_1361 = tpu.memref_slice %arg7[%parallel_loop3A_1358, %parallel_loop3A_1359, %parallel_loop3A_1360] : memref<4x128x128xf32, #tpu.memory_space<vmem>> -> memref<1x128x128xf32, #tpu.memory_space<vmem>>
        %parallel_loop3A_1362 = tpu.memref_squeeze %parallel_loop3A_1361 : memref<1x128x128xf32, #tpu.memory_space<vmem>> -> memref<128x128xf32, #tpu.memory_space<vmem>>
        %parallel_loop3A_1363 = tpu.vector_load_idx %parallel_loop3A_1362[%add3A_1214, %parallel_loop3A_1357] : memref<128x128xf32, #tpu.memory_space<vmem>>[vector<16xi32>, vector<16xi32>], vector<16xf32>,
        %parallel_loop3A_1364 = arith.constant 1 : i32
        %parallel_loop3A_1365 = arith.index_cast %parallel_loop3A_1364 : i32 to index
        %parallel_loop3A_1366 = arith.index_cast %parallel_loop3A_1329 : i32 to index
        %parallel_loop3A_1367 = arith.constant 32 : index
        %parallel_loop3A_1368 = tpu.vector_load %arg8[%parallel_loop3A_1365, %parallel_loop3A_1366, %parallel_loop3A_1367] {strides = array<i32>} : memref<2x64x128xf32, #tpu.memory_space<vmem>>, vector<16xf32>,
        tpu.vector_store %arg8[%parallel_loop3A_1365, %parallel_loop3A_1366, %parallel_loop3A_1367], %parallel_loop3A_1363 {strides = array<i32>} : memref<2x64x128xf32, #tpu.memory_space<vmem>>, vector<16xf32>,
        %parallel_loop3A_1369 = vector.broadcast %parallel_loop3A_1329 : i32 to vector<16xi32>
        %parallel_loop3A_1370 = arith.addi %shift_left3A_1227, %parallel_loop3A_1369 : vector<16xi32>
        %parallel_loop3A_1371 = arith.constant 3 : i32
        %parallel_loop3A_1372 = arith.constant 0 : i32
        %parallel_loop3A_1373 = arith.constant 0 : i32
        %parallel_loop3A_1374 = tpu.memref_slice %arg7[%parallel_loop3A_1371, %parallel_loop3A_1372, %parallel_loop3A_1373] : memref<4x128x128xf32, #tpu.memory_space<vmem>> -> memref<1x128x128xf32, #tpu.memory_space<vmem>>
        %parallel_loop3A_1375 = tpu.memref_squeeze %parallel_loop3A_1374 : memref<1x128x128xf32, #tpu.memory_space<vmem>> -> memref<128x128xf32, #tpu.memory_space<vmem>>
        %parallel_loop3A_1376 = tpu.vector_load_idx %parallel_loop3A_1375[%add3A_1230, %parallel_loop3A_1370] : memref<128x128xf32, #tpu.memory_space<vmem>>[vector<16xi32>, vector<16xi32>], vector<16xf32>,
        %parallel_loop3A_1377 = arith.constant 1 : i32
        %parallel_loop3A_1378 = arith.index_cast %parallel_loop3A_1377 : i32 to index
        %parallel_loop3A_1379 = arith.index_cast %parallel_loop3A_1329 : i32 to index
        %parallel_loop3A_1380 = arith.constant 48 : index
        %parallel_loop3A_1381 = tpu.vector_load %arg8[%parallel_loop3A_1378, %parallel_loop3A_1379, %parallel_loop3A_1380] {strides = array<i32>} : memref<2x64x128xf32, #tpu.memory_space<vmem>>, vector<16xf32>,
        tpu.vector_store %arg8[%parallel_loop3A_1378, %parallel_loop3A_1379, %parallel_loop3A_1380], %parallel_loop3A_1376 {strides = array<i32>} : memref<2x64x128xf32, #tpu.memory_space<vmem>>, vector<16xf32>,
        %parallel_loop3A_1382 = vector.broadcast %parallel_loop3A_1329 : i32 to vector<16xi32>
        %parallel_loop3A_1383 = arith.addi %shift_left3A_1243, %parallel_loop3A_1382 : vector<16xi32>
        %parallel_loop3A_1384 = arith.constant 3 : i32
        %parallel_loop3A_1385 = arith.constant 0 : i32
        %parallel_loop3A_1386 = arith.constant 0 : i32
        %parallel_loop3A_1387 = tpu.memref_slice %arg7[%parallel_loop3A_1384, %parallel_loop3A_1385, %parallel_loop3A_1386] : memref<4x128x128xf32, #tpu.memory_space<vmem>> -> memref<1x128x128xf32, #tpu.memory_space<vmem>>
        %parallel_loop3A_1388 = tpu.memref_squeeze %parallel_loop3A_1387 : memref<1x128x128xf32, #tpu.memory_space<vmem>> -> memref<128x128xf32, #tpu.memory_space<vmem>>
        %parallel_loop3A_1389 = tpu.vector_load_idx %parallel_loop3A_1388[%add3A_1246, %parallel_loop3A_1383] : memref<128x128xf32, #tpu.memory_space<vmem>>[vector<16xi32>, vector<16xi32>], vector<16xf32>,
        %parallel_loop3A_1390 = arith.constant 1 : i32
        %parallel_loop3A_1391 = arith.index_cast %parallel_loop3A_1390 : i32 to index
        %parallel_loop3A_1392 = arith.index_cast %parallel_loop3A_1329 : i32 to index
        %parallel_loop3A_1393 = arith.constant 64 : index
        %parallel_loop3A_1394 = tpu.vector_load %arg8[%parallel_loop3A_1391, %parallel_loop3A_1392, %parallel_loop3A_1393] {strides = array<i32>} : memref<2x64x128xf32, #tpu.memory_space<vmem>>, vector<16xf32>,
        tpu.vector_store %arg8[%parallel_loop3A_1391, %parallel_loop3A_1392, %parallel_loop3A_1393], %parallel_loop3A_1389 {strides = array<i32>} : memref<2x64x128xf32, #tpu.memory_space<vmem>>, vector<16xf32>,
        %parallel_loop3A_1395 = vector.broadcast %parallel_loop3A_1329 : i32 to vector<16xi32>
        %parallel_loop3A_1396 = arith.addi %shift_left3A_1259, %parallel_loop3A_1395 : vector<16xi32>
        %parallel_loop3A_1397 = arith.constant 3 : i32
        %parallel_loop3A_1398 = arith.constant 0 : i32
        %parallel_loop3A_1399 = arith.constant 0 : i32
        %parallel_loop3A_1400 = tpu.memref_slice %arg7[%parallel_loop3A_1397, %parallel_loop3A_1398, %parallel_loop3A_1399] : memref<4x128x128xf32, #tpu.memory_space<vmem>> -> memref<1x128x128xf32, #tpu.memory_space<vmem>>
        %parallel_loop3A_1401 = tpu.memref_squeeze %parallel_loop3A_1400 : memref<1x128x128xf32, #tpu.memory_space<vmem>> -> memref<128x128xf32, #tpu.memory_space<vmem>>
        %parallel_loop3A_1402 = tpu.vector_load_idx %parallel_loop3A_1401[%add3A_1262, %parallel_loop3A_1396] : memref<128x128xf32, #tpu.memory_space<vmem>>[vector<16xi32>, vector<16xi32>], vector<16xf32>,
        %parallel_loop3A_1403 = arith.constant 1 : i32
        %parallel_loop3A_1404 = arith.index_cast %parallel_loop3A_1403 : i32 to index
        %parallel_loop3A_1405 = arith.index_cast %parallel_loop3A_1329 : i32 to index
        %parallel_loop3A_1406 = arith.constant 80 : index
        %parallel_loop3A_1407 = tpu.vector_load %arg8[%parallel_loop3A_1404, %parallel_loop3A_1405, %parallel_loop3A_1406] {strides = array<i32>} : memref<2x64x128xf32, #tpu.memory_space<vmem>>, vector<16xf32>,
        tpu.vector_store %arg8[%parallel_loop3A_1404, %parallel_loop3A_1405, %parallel_loop3A_1406], %parallel_loop3A_1402 {strides = array<i32>} : memref<2x64x128xf32, #tpu.memory_space<vmem>>, vector<16xf32>,
        %parallel_loop3A_1408 = vector.broadcast %parallel_loop3A_1329 : i32 to vector<16xi32>
        %parallel_loop3A_1409 = arith.addi %shift_left3A_1275, %parallel_loop3A_1408 : vector<16xi32>
        %parallel_loop3A_1410 = arith.constant 3 : i32
        %parallel_loop3A_1411 = arith.constant 0 : i32
        %parallel_loop3A_1412 = arith.constant 0 : i32
        %parallel_loop3A_1413 = tpu.memref_slice %arg7[%parallel_loop3A_1410, %parallel_loop3A_1411, %parallel_loop3A_1412] : memref<4x128x128xf32, #tpu.memory_space<vmem>> -> memref<1x128x128xf32, #tpu.memory_space<vmem>>
        %parallel_loop3A_1414 = tpu.memref_squeeze %parallel_loop3A_1413 : memref<1x128x128xf32, #tpu.memory_space<vmem>> -> memref<128x128xf32, #tpu.memory_space<vmem>>
        %parallel_loop3A_1415 = tpu.vector_load_idx %parallel_loop3A_1414[%add3A_1278, %parallel_loop3A_1409] : memref<128x128xf32, #tpu.memory_space<vmem>>[vector<16xi32>, vector<16xi32>], vector<16xf32>,
        %parallel_loop3A_1416 = arith.constant 1 : i32
        %parallel_loop3A_1417 = arith.index_cast %parallel_loop3A_1416 : i32 to index
        %parallel_loop3A_1418 = arith.index_cast %parallel_loop3A_1329 : i32 to index
        %parallel_loop3A_1419 = arith.constant 96 : index
        %parallel_loop3A_1420 = tpu.vector_load %arg8[%parallel_loop3A_1417, %parallel_loop3A_1418, %parallel_loop3A_1419] {strides = array<i32>} : memref<2x64x128xf32, #tpu.memory_space<vmem>>, vector<16xf32>,
        tpu.vector_store %arg8[%parallel_loop3A_1417, %parallel_loop3A_1418, %parallel_loop3A_1419], %parallel_loop3A_1415 {strides = array<i32>} : memref<2x64x128xf32, #tpu.memory_space<vmem>>, vector<16xf32>,
        %parallel_loop3A_1421 = vector.broadcast %parallel_loop3A_1329 : i32 to vector<16xi32>
        %parallel_loop3A_1422 = arith.addi %shift_left3A_1291, %parallel_loop3A_1421 : vector<16xi32>
        %parallel_loop3A_1423 = arith.constant 3 : i32
        %parallel_loop3A_1424 = arith.constant 0 : i32
        %parallel_loop3A_1425 = arith.constant 0 : i32
        %parallel_loop3A_1426 = tpu.memref_slice %arg7[%parallel_loop3A_1423, %parallel_loop3A_1424, %parallel_loop3A_1425] : memref<4x128x128xf32, #tpu.memory_space<vmem>> -> memref<1x128x128xf32, #tpu.memory_space<vmem>>
        %parallel_loop3A_1427 = tpu.memref_squeeze %parallel_loop3A_1426 : memref<1x128x128xf32, #tpu.memory_space<vmem>> -> memref<128x128xf32, #tpu.memory_space<vmem>>
        %parallel_loop3A_1428 = tpu.vector_load_idx %parallel_loop3A_1427[%add3A_1294, %parallel_loop3A_1422] : memref<128x128xf32, #tpu.memory_space<vmem>>[vector<16xi32>, vector<16xi32>], vector<16xf32>,
        %parallel_loop3A_1429 = arith.constant 1 : i32
        %parallel_loop3A_1430 = arith.index_cast %parallel_loop3A_1429 : i32 to index
        %parallel_loop3A_1431 = arith.index_cast %parallel_loop3A_1329 : i32 to index
        %parallel_loop3A_1432 = arith.constant 112 : index
        %parallel_loop3A_1433 = tpu.vector_load %arg8[%parallel_loop3A_1430, %parallel_loop3A_1431, %parallel_loop3A_1432] {strides = array<i32>} : memref<2x64x128xf32, #tpu.memory_space<vmem>>, vector<16xf32>,
        tpu.vector_store %arg8[%parallel_loop3A_1430, %parallel_loop3A_1431, %parallel_loop3A_1432], %parallel_loop3A_1428 {strides = array<i32>} : memref<2x64x128xf32, #tpu.memory_space<vmem>>, vector<16xf32>,
      } {sc.loop_unroll_factor = 8 : i64, sc.parallel_access}
      %mul3A_1298 = arith.constant 128 : i32
      %mul3A_1299 = arith.muli %mul3A_1298, %select_n3A_1166 : i32
      %add3A_1300 = arith.addi %mul3A_2, %mul3A_1299 : i32
      %dma_start3A_1301 = arith.constant 1 : i32
      %dma_start3A_1302 = arith.constant 0 : i32
      %dma_start3A_1303 = arith.constant 0 : i32
      %dma_start3A_1304 = tpu.memref_slice %arg8[%dma_start3A_1301, %dma_start3A_1302, %dma_start3A_1303] : memref<2x64x128xf32, #tpu.memory_space<vmem>> -> memref<1x64x128xf32, #tpu.memory_space<vmem>>
      %dma_start3A_1305 = tpu.memref_squeeze %dma_start3A_1304 : memref<1x64x128xf32, #tpu.memory_space<vmem>> -> memref<64x128xf32, #tpu.memory_space<vmem>>
      %dma_start3A_1306 = arith.constant 0 : i32
      %dma_start3A_1307 = arith.constant 0 : i32
      %dma_start3A_1308 = tpu.memref_slice %arg4[%select_n3A_1150, %dma_start3A_1306, %dma_start3A_1307] : memref<50x64x16384xf32, #tpu.memory_space<hbm>> -> memref<1x64x16384xf32, #tpu.memory_space<hbm>>
      %dma_start3A_1309 = tpu.memref_squeeze %dma_start3A_1308 : memref<1x64x16384xf32, #tpu.memory_space<hbm>> -> memref<64x16384xf32, #tpu.memory_space<hbm>>
      %dma_start3A_1310 = arith.constant 0 : i32
      %dma_start3A_1311 = tpu.memref_slice %dma_start3A_1309[%dma_start3A_1310, %add3A_1300] : memref<64x16384xf32, #tpu.memory_space<hbm>> -> memref<64x128xf32, #tpu.memory_space<hbm>>
      %dma_start3A_1312 = arith.constant 0 : i32
      %dma_start3A_1313 = arith.constant 0 : i32
      %dma_start3A_1314 = tpu.memref_slice %arg4[%select_n3A_1150, %dma_start3A_1312, %dma_start3A_1313] : memref<50x64x16384xf32, #tpu.memory_space<hbm>> -> memref<1x64x16384xf32, #tpu.memory_space<hbm>>
      %dma_start3A_1315 = tpu.memref_squeeze %dma_start3A_1314 : memref<1x64x16384xf32, #tpu.memory_space<hbm>> -> memref<64x16384xf32, #tpu.memory_space<hbm>>
      %dma_start3A_1316 = arith.constant 0 : i32
      %dma_start3A_1317 = tpu.memref_slice %dma_start3A_1315[%dma_start3A_1316, %add3A_1300] : memref<64x16384xf32, #tpu.memory_space<hbm>> -> memref<64x128xf32, #tpu.memory_space<hbm>>
      %dma_start3A_1318 = arith.constant 0 : i32
      %dma_start3A_1319 = arith.constant 0 : i32
      %dma_start3A_1320 = tpu.memref_slice %arg8[%dma_start3A_1301, %dma_start3A_1318, %dma_start3A_1319] : memref<2x64x128xf32, #tpu.memory_space<vmem>> -> memref<1x64x128xf32, #tpu.memory_space<vmem>>
      %dma_start3A_1321 = tpu.memref_squeeze %dma_start3A_1320 : memref<1x64x128xf32, #tpu.memory_space<vmem>> -> memref<64x128xf32, #tpu.memory_space<vmem>>
      tpu.enqueue_dma source(%dma_start3A_1321 : memref<64x128xf32, #tpu.memory_space<vmem>>) target(%dma_start3A_1317 : memref<64x128xf32, #tpu.memory_space<hbm>>) target_semaphore(%arg14 : memref<!tpu.dma_semaphore, #tpu.memory_space<semaphore_mem>>)
      %add3A_1322 = arith.constant 4 : i32
      %add3A_1323 = arith.addi %add3A_1109, %add3A_1322 : i32
      %lt3A_1324 = arith.constant 200 : i32
      %lt3A_1325 = arith.cmpi slt, %add3A_1323, %lt3A_1324 : i32
      %convert_element_type3A_1326 = arith.extui %lt3A_1325 : i1 to i32
      %cond3A_1327 = arith.constant 0 : i32
      %cond3A_1328 = arith.cmpi ne, %convert_element_type3A_1326, %cond3A_1327 : i32
      scf.if %cond3A_1328 {
        %add3A_1329 = arith.constant 4 : i32
        %add3A_1330 = arith.addi %add3A_1109, %add3A_1329 : i32
        %jit3A_1331 = arith.constant 4 : i32
        %div3A_1332 = arith.divsi %add3A_1330, %jit3A_1331 : i32
        %sign3A_1333 = arith.constant 0 : i32
        %sign3A_1334 = arith.cmpi sgt, %add3A_1330, %sign3A_1333 : i32
        %sign3A_1335 = arith.extui %sign3A_1334 : i1 to i32
        %sign3A_1336 = arith.constant 0 : i32
        %sign3A_1337 = arith.cmpi slt, %add3A_1330, %sign3A_1336 : i32
        %sign3A_1338 = arith.extui %sign3A_1337 : i1 to i32
        %sign3A_1339 = arith.subi %sign3A_1335, %sign3A_1338 : i32
        %sign3A_1340 = arith.constant 0 : i32
        %sign3A_1341 = arith.cmpi sgt, %jit3A_1331, %sign3A_1340 : i32
        %sign3A_1342 = arith.extui %sign3A_1341 : i1 to i32
        %sign3A_1343 = arith.constant 0 : i32
        %sign3A_1344 = arith.cmpi slt, %jit3A_1331, %sign3A_1343 : i32
        %sign3A_1345 = arith.extui %sign3A_1344 : i1 to i32
        %sign3A_1346 = arith.subi %sign3A_1342, %sign3A_1345 : i32
        %ne3A_1347 = arith.cmpi ne, %sign3A_1339, %sign3A_1346 : i32
        %rem3A_1348 = arith.remsi %add3A_1330, %jit3A_1331 : i32
        %ne3A_1349 = arith.constant 0 : i32
        %ne3A_1350 = arith.cmpi ne, %rem3A_1348, %ne3A_1349 : i32
        %and3A_1351 = arith.andi %ne3A_1347, %ne3A_1350 : i1
        %sub3A_1352 = arith.constant 1 : i32
        %sub3A_1353 = arith.subi %div3A_1332, %sub3A_1352 : i32
        %select_n3A_1354 = arith.select %and3A_1351, %sub3A_1353, %div3A_1332 : i32
        %jit3A_1355 = arith.constant 4 : i32
        %eq3A_1356 = arith.constant 0 : i32
        %eq3A_1357 = arith.cmpi eq, %jit3A_1355, %eq3A_1356 : i32
        %jit3A_1358 = arith.constant 1 : i32
        %select_n3A_1359 = arith.select %eq3A_1357, %jit3A_1358, %jit3A_1355 : i32
        %rem3A_1360 = arith.remsi %add3A_1330, %select_n3A_1359 : i32
        %ne3A_1361 = arith.constant 0 : i32
        %ne3A_1362 = arith.cmpi ne, %rem3A_1360, %ne3A_1361 : i32
        %lt3A_1363 = arith.constant 0 : i32
        %lt3A_1364 = arith.cmpi slt, %rem3A_1360, %lt3A_1363 : i32
        %lt3A_1365 = arith.constant 0 : i32
        %lt3A_1366 = arith.cmpi slt, %select_n3A_1359, %lt3A_1365 : i32
        %ne3A_1367 = arith.xori %lt3A_1364, %lt3A_1366 : i1
        %and3A_1368 = arith.andi %ne3A_1367, %ne3A_1362 : i1
        %add3A_1369 = arith.addi %rem3A_1360, %select_n3A_1359 : i32
        %select_n3A_1370 = arith.select %and3A_1368, %add3A_1369, %rem3A_1360 : i32
        %mul3A_1371 = arith.constant 128 : i32
        %mul3A_1372 = arith.muli %mul3A_1371, %select_n3A_1370 : i32
        %add3A_1373 = arith.constant 0 : i32
        %add3A_1374 = arith.addi %mul3A_1372, %add3A_1373 : i32
        %get3A_1375 = arith.index_cast %select_n3A_1354 : i32 to index
        %get3A_1376 = arith.index_cast %add3A_1374 : i32 to index
        %get3A_1377 = tpu.vector_load %arg5[%get3A_1375, %get3A_1376] {strides = array<i32>} : memref<56x512xi32, #tpu.memory_space<vmem>>, vector<16xi32>,
        %shift_right_logical3A_1378 = arith.constant 1 : i32
        %shift_right_logical3A_1379 = vector.broadcast %shift_right_logical3A_1378 : i32 to vector<16xi32>
        %shift_right_logical3A_1380 = arith.shrui %get3A_1377, %shift_right_logical3A_1379 : vector<16xi32>
        %swap3A_1381 = arith.constant 3 : i32
        %swap3A_1382 = arith.index_cast %swap3A_1381 : i32 to index
        %swap3A_1383 = arith.constant 0 : index
        %swap3A_1384 = tpu.vector_load %arg6[%swap3A_1382, %swap3A_1383] {strides = array<i32>} : memref<4x128xi32, #tpu.memory_space<vmem>>, vector<16xi32>,
        tpu.vector_store %arg6[%swap3A_1382, %swap3A_1383], %shift_right_logical3A_1380 {strides = array<i32>} : memref<4x128xi32, #tpu.memory_space<vmem>>, vector<16xi32>,
        %mul3A_1385 = arith.constant 128 : i32
        %mul3A_1386 = arith.muli %mul3A_1385, %select_n3A_1370 : i32
        %add3A_1387 = arith.constant 16 : i32
        %add3A_1388 = arith.addi %mul3A_1386, %add3A_1387 : i32
        %get3A_1389 = arith.index_cast %select_n3A_1354 : i32 to index
        %get3A_1390 = arith.index_cast %add3A_1388 : i32 to index
        %get3A_1391 = tpu.vector_load %arg5[%get3A_1389, %get3A_1390] {strides = array<i32>} : memref<56x512xi32, #tpu.memory_space<vmem>>, vector<16xi32>,
        %shift_right_logical3A_1392 = arith.constant 1 : i32
        %shift_right_logical3A_1393 = vector.broadcast %shift_right_logical3A_1392 : i32 to vector<16xi32>
        %shift_right_logical3A_1394 = arith.shrui %get3A_1391, %shift_right_logical3A_1393 : vector<16xi32>
        %swap3A_1395 = arith.constant 3 : i32
        %swap3A_1396 = arith.index_cast %swap3A_1395 : i32 to index
        %swap3A_1397 = arith.constant 16 : index
        %swap3A_1398 = tpu.vector_load %arg6[%swap3A_1396, %swap3A_1397] {strides = array<i32>} : memref<4x128xi32, #tpu.memory_space<vmem>>, vector<16xi32>,
        tpu.vector_store %arg6[%swap3A_1396, %swap3A_1397], %shift_right_logical3A_1394 {strides = array<i32>} : memref<4x128xi32, #tpu.memory_space<vmem>>, vector<16xi32>,
        %mul3A_1399 = arith.constant 128 : i32
        %mul3A_1400 = arith.muli %mul3A_1399, %select_n3A_1370 : i32
        %add3A_1401 = arith.constant 32 : i32
        %add3A_1402 = arith.addi %mul3A_1400, %add3A_1401 : i32
        %get3A_1403 = arith.index_cast %select_n3A_1354 : i32 to index
        %get3A_1404 = arith.index_cast %add3A_1402 : i32 to index
        %get3A_1405 = tpu.vector_load %arg5[%get3A_1403, %get3A_1404] {strides = array<i32>} : memref<56x512xi32, #tpu.memory_space<vmem>>, vector<16xi32>,
        %shift_right_logical3A_1406 = arith.constant 1 : i32
        %shift_right_logical3A_1407 = vector.broadcast %shift_right_logical3A_1406 : i32 to vector<16xi32>
        %shift_right_logical3A_1408 = arith.shrui %get3A_1405, %shift_right_logical3A_1407 : vector<16xi32>
        %swap3A_1409 = arith.constant 3 : i32
        %swap3A_1410 = arith.index_cast %swap3A_1409 : i32 to index
        %swap3A_1411 = arith.constant 32 : index
        %swap3A_1412 = tpu.vector_load %arg6[%swap3A_1410, %swap3A_1411] {strides = array<i32>} : memref<4x128xi32, #tpu.memory_space<vmem>>, vector<16xi32>,
        tpu.vector_store %arg6[%swap3A_1410, %swap3A_1411], %shift_right_logical3A_1408 {strides = array<i32>} : memref<4x128xi32, #tpu.memory_space<vmem>>, vector<16xi32>,
        %mul3A_1413 = arith.constant 128 : i32
        %mul3A_1414 = arith.muli %mul3A_1413, %select_n3A_1370 : i32
        %add3A_1415 = arith.constant 48 : i32
        %add3A_1416 = arith.addi %mul3A_1414, %add3A_1415 : i32
        %get3A_1417 = arith.index_cast %select_n3A_1354 : i32 to index
        %get3A_1418 = arith.index_cast %add3A_1416 : i32 to index
        %get3A_1419 = tpu.vector_load %arg5[%get3A_1417, %get3A_1418] {strides = array<i32>} : memref<56x512xi32, #tpu.memory_space<vmem>>, vector<16xi32>,
        %shift_right_logical3A_1420 = arith.constant 1 : i32
        %shift_right_logical3A_1421 = vector.broadcast %shift_right_logical3A_1420 : i32 to vector<16xi32>
        %shift_right_logical3A_1422 = arith.shrui %get3A_1419, %shift_right_logical3A_1421 : vector<16xi32>
        %swap3A_1423 = arith.constant 3 : i32
        %swap3A_1424 = arith.index_cast %swap3A_1423 : i32 to index
        %swap3A_1425 = arith.constant 48 : index
        %swap3A_1426 = tpu.vector_load %arg6[%swap3A_1424, %swap3A_1425] {strides = array<i32>} : memref<4x128xi32, #tpu.memory_space<vmem>>, vector<16xi32>,
        tpu.vector_store %arg6[%swap3A_1424, %swap3A_1425], %shift_right_logical3A_1422 {strides = array<i32>} : memref<4x128xi32, #tpu.memory_space<vmem>>, vector<16xi32>,
        %mul3A_1427 = arith.constant 128 : i32
        %mul3A_1428 = arith.muli %mul3A_1427, %select_n3A_1370 : i32
        %add3A_1429 = arith.constant 64 : i32
        %add3A_1430 = arith.addi %mul3A_1428, %add3A_1429 : i32
        %get3A_1431 = arith.index_cast %select_n3A_1354 : i32 to index
        %get3A_1432 = arith.index_cast %add3A_1430 : i32 to index
        %get3A_1433 = tpu.vector_load %arg5[%get3A_1431, %get3A_1432] {strides = array<i32>} : memref<56x512xi32, #tpu.memory_space<vmem>>, vector<16xi32>,
        %shift_right_logical3A_1434 = arith.constant 1 : i32
        %shift_right_logical3A_1435 = vector.broadcast %shift_right_logical3A_1434 : i32 to vector<16xi32>
        %shift_right_logical3A_1436 = arith.shrui %get3A_1433, %shift_right_logical3A_1435 : vector<16xi32>
        %swap3A_1437 = arith.constant 3 : i32
        %swap3A_1438 = arith.index_cast %swap3A_1437 : i32 to index
        %swap3A_1439 = arith.constant 64 : index
        %swap3A_1440 = tpu.vector_load %arg6[%swap3A_1438, %swap3A_1439] {strides = array<i32>} : memref<4x128xi32, #tpu.memory_space<vmem>>, vector<16xi32>,
        tpu.vector_store %arg6[%swap3A_1438, %swap3A_1439], %shift_right_logical3A_1436 {strides = array<i32>} : memref<4x128xi32, #tpu.memory_space<vmem>>, vector<16xi32>,
        %mul3A_1441 = arith.constant 128 : i32
        %mul3A_1442 = arith.muli %mul3A_1441, %select_n3A_1370 : i32
        %add3A_1443 = arith.constant 80 : i32
        %add3A_1444 = arith.addi %mul3A_1442, %add3A_1443 : i32
        %get3A_1445 = arith.index_cast %select_n3A_1354 : i32 to index
        %get3A_1446 = arith.index_cast %add3A_1444 : i32 to index
        %get3A_1447 = tpu.vector_load %arg5[%get3A_1445, %get3A_1446] {strides = array<i32>} : memref<56x512xi32, #tpu.memory_space<vmem>>, vector<16xi32>,
        %shift_right_logical3A_1448 = arith.constant 1 : i32
        %shift_right_logical3A_1449 = vector.broadcast %shift_right_logical3A_1448 : i32 to vector<16xi32>
        %shift_right_logical3A_1450 = arith.shrui %get3A_1447, %shift_right_logical3A_1449 : vector<16xi32>
        %swap3A_1451 = arith.constant 3 : i32
        %swap3A_1452 = arith.index_cast %swap3A_1451 : i32 to index
        %swap3A_1453 = arith.constant 80 : index
        %swap3A_1454 = tpu.vector_load %arg6[%swap3A_1452, %swap3A_1453] {strides = array<i32>} : memref<4x128xi32, #tpu.memory_space<vmem>>, vector<16xi32>,
        tpu.vector_store %arg6[%swap3A_1452, %swap3A_1453], %shift_right_logical3A_1450 {strides = array<i32>} : memref<4x128xi32, #tpu.memory_space<vmem>>, vector<16xi32>,
        %mul3A_1455 = arith.constant 128 : i32
        %mul3A_1456 = arith.muli %mul3A_1455, %select_n3A_1370 : i32
        %add3A_1457 = arith.constant 96 : i32
        %add3A_1458 = arith.addi %mul3A_1456, %add3A_1457 : i32
        %get3A_1459 = arith.index_cast %select_n3A_1354 : i32 to index
        %get3A_1460 = arith.index_cast %add3A_1458 : i32 to index
        %get3A_1461 = tpu.vector_load %arg5[%get3A_1459, %get3A_1460] {strides = array<i32>} : memref<56x512xi32, #tpu.memory_space<vmem>>, vector<16xi32>,
        %shift_right_logical3A_1462 = arith.constant 1 : i32
        %shift_right_logical3A_1463 = vector.broadcast %shift_right_logical3A_1462 : i32 to vector<16xi32>
        %shift_right_logical3A_1464 = arith.shrui %get3A_1461, %shift_right_logical3A_1463 : vector<16xi32>
        %swap3A_1465 = arith.constant 3 : i32
        %swap3A_1466 = arith.index_cast %swap3A_1465 : i32 to index
        %swap3A_1467 = arith.constant 96 : index
        %swap3A_1468 = tpu.vector_load %arg6[%swap3A_1466, %swap3A_1467] {strides = array<i32>} : memref<4x128xi32, #tpu.memory_space<vmem>>, vector<16xi32>,
        tpu.vector_store %arg6[%swap3A_1466, %swap3A_1467], %shift_right_logical3A_1464 {strides = array<i32>} : memref<4x128xi32, #tpu.memory_space<vmem>>, vector<16xi32>,
        %mul3A_1469 = arith.constant 128 : i32
        %mul3A_1470 = arith.muli %mul3A_1469, %select_n3A_1370 : i32
        %add3A_1471 = arith.constant 112 : i32
        %add3A_1472 = arith.addi %mul3A_1470, %add3A_1471 : i32
        %get3A_1473 = arith.index_cast %select_n3A_1354 : i32 to index
        %get3A_1474 = arith.index_cast %add3A_1472 : i32 to index
        %get3A_1475 = tpu.vector_load %arg5[%get3A_1473, %get3A_1474] {strides = array<i32>} : memref<56x512xi32, #tpu.memory_space<vmem>>, vector<16xi32>,
        %shift_right_logical3A_1476 = arith.constant 1 : i32
        %shift_right_logical3A_1477 = vector.broadcast %shift_right_logical3A_1476 : i32 to vector<16xi32>
        %shift_right_logical3A_1478 = arith.shrui %get3A_1475, %shift_right_logical3A_1477 : vector<16xi32>
        %swap3A_1479 = arith.constant 3 : i32
        %swap3A_1480 = arith.index_cast %swap3A_1479 : i32 to index
        %swap3A_1481 = arith.constant 112 : index
        %swap3A_1482 = tpu.vector_load %arg6[%swap3A_1480, %swap3A_1481] {strides = array<i32>} : memref<4x128xi32, #tpu.memory_space<vmem>>, vector<16xi32>,
        tpu.vector_store %arg6[%swap3A_1480, %swap3A_1481], %shift_right_logical3A_1478 {strides = array<i32>} : memref<4x128xi32, #tpu.memory_space<vmem>>, vector<16xi32>,
        %dma_start3A_1483 = arith.constant 3 : i32
        %dma_start3A_1484 = arith.constant 3 : i32
        %dma_start3A_1485 = arith.constant 0 : i32
        %dma_start3A_1486 = arith.constant 0 : i32
        %dma_start3A_1487 = tpu.memref_slice %arg7[%dma_start3A_1484, %dma_start3A_1485, %dma_start3A_1486] : memref<4x128x128xf32, #tpu.memory_space<vmem>> -> memref<1x128x128xf32, #tpu.memory_space<vmem>>
        %dma_start3A_1488 = tpu.memref_squeeze %dma_start3A_1487 : memref<1x128x128xf32, #tpu.memory_space<vmem>> -> memref<128x128xf32, #tpu.memory_space<vmem>>
        %dma_start3A_1489 = arith.constant 0 : i32
        %dma_start3A_1490 = tpu.memref_slice %arg6[%dma_start3A_1483, %dma_start3A_1489] : memref<4x128xi32, #tpu.memory_space<vmem>> -> memref<1x128xi32, #tpu.memory_space<vmem>>
        %dma_start3A_1491 = tpu.memref_squeeze %dma_start3A_1490 : memref<1x128xi32, #tpu.memory_space<vmem>> -> memref<128xi32, #tpu.memory_space<vmem>>
        %dma_start3A_1492 = arith.constant 0 : i32
        %dma_start3A_1493 = arith.constant 0 : i32
        %dma_start3A_1494 = tpu.memref_slice %arg3[%dma_start3A_1492, %dma_start3A_1493] : memref<500032x128xf32, #tpu.memory_space<hbm>> -> memref<500032x128xf32, #tpu.memory_space<hbm>>
        tpu.enqueue_indirect_dma source(%dma_start3A_1494 : memref<500032x128xf32, #tpu.memory_space<hbm>>) target(%dma_start3A_1488 : memref<128x128xf32, #tpu.memory_space<vmem>>) offsets(%dma_start3A_1491 : memref<128xi32, #tpu.memory_space<vmem>>) semaphore(%arg12 : memref<!tpu.dma_semaphore, #tpu.memory_space<semaphore_mem>>)
      } else {
      }
    }
    %scan3A_403 = arith.constant 50 : i32
    %add3A_404 = arith.constant 256 : i32
    %add3A_405 = arith.addi %mul3A_2, %add3A_404 : i32
    %dma_wait3A = arith.constant 0 : i32
    %dma_wait3A_406 = arith.constant 49 : i32
    %dma_wait3A_407 = arith.constant 0 : i32
    %dma_wait3A_408 = arith.constant 0 : i32
    %dma_wait3A_409 = tpu.memref_slice %arg8[%dma_wait3A, %dma_wait3A_407, %dma_wait3A_408] : memref<2x64x128xf32, #tpu.memory_space<vmem>> -> memref<1x64x128xf32, #tpu.memory_space<vmem>>
    %dma_wait3A_410 = tpu.memref_squeeze %dma_wait3A_409 : memref<1x64x128xf32, #tpu.memory_space<vmem>> -> memref<64x128xf32, #tpu.memory_space<vmem>>
    %dma_wait3A_411 = arith.constant 0 : i32
    %dma_wait3A_412 = arith.constant 0 : i32
    %dma_wait3A_413 = tpu.memref_slice %arg4[%dma_wait3A_406, %dma_wait3A_411, %dma_wait3A_412] : memref<50x64x16384xf32, #tpu.memory_space<hbm>> -> memref<1x64x16384xf32, #tpu.memory_space<hbm>>
    %dma_wait3A_414 = tpu.memref_squeeze %dma_wait3A_413 : memref<1x64x16384xf32, #tpu.memory_space<hbm>> -> memref<64x16384xf32, #tpu.memory_space<hbm>>
    %dma_wait3A_415 = arith.constant 0 : i32
    %dma_wait3A_416 = tpu.memref_slice %dma_wait3A_414[%dma_wait3A_415, %add3A_405] : memref<64x16384xf32, #tpu.memory_space<hbm>> -> memref<64x128xf32, #tpu.memory_space<hbm>>
    %dma_wait3A_417 = arith.constant 0 : i32
    %dma_wait3A_418 = arith.constant 0 : i32
    %dma_wait3A_419 = tpu.memref_slice %arg4[%dma_wait3A_406, %dma_wait3A_417, %dma_wait3A_418] : memref<50x64x16384xf32, #tpu.memory_space<hbm>> -> memref<1x64x16384xf32, #tpu.memory_space<hbm>>
    %dma_wait3A_420 = tpu.memref_squeeze %dma_wait3A_419 : memref<1x64x16384xf32, #tpu.memory_space<hbm>> -> memref<64x16384xf32, #tpu.memory_space<hbm>>
    %dma_wait3A_421 = arith.constant 0 : i32
    %dma_wait3A_422 = tpu.memref_slice %dma_wait3A_420[%dma_wait3A_421, %add3A_405] : memref<64x16384xf32, #tpu.memory_space<hbm>> -> memref<64x128xf32, #tpu.memory_space<hbm>>
    %dma_wait3A_423 = arith.constant 0 : i32
    %dma_wait3A_424 = arith.constant 0 : i32
    %dma_wait3A_425 = tpu.memref_slice %arg8[%dma_wait3A, %dma_wait3A_423, %dma_wait3A_424] : memref<2x64x128xf32, #tpu.memory_space<vmem>> -> memref<1x64x128xf32, #tpu.memory_space<vmem>>
    %dma_wait3A_426 = tpu.memref_squeeze %dma_wait3A_425 : memref<1x64x128xf32, #tpu.memory_space<vmem>> -> memref<64x128xf32, #tpu.memory_space<vmem>>
    tpu.wait_dma2 semaphore(%arg13 : memref<!tpu.dma_semaphore, #tpu.memory_space<semaphore_mem>>) src(%dma_wait3A_426 : memref<64x128xf32, #tpu.memory_space<vmem>>) dst(%dma_wait3A_422 : memref<64x128xf32, #tpu.memory_space<hbm>>)
    %add3A_427 = arith.constant 384 : i32
    %add3A_428 = arith.addi %mul3A_2, %add3A_427 : i32
    %dma_wait3A_429 = arith.constant 1 : i32
    %dma_wait3A_430 = arith.constant 49 : i32
    %dma_wait3A_431 = arith.constant 0 : i32
    %dma_wait3A_432 = arith.constant 0 : i32
    %dma_wait3A_433 = tpu.memref_slice %arg8[%dma_wait3A_429, %dma_wait3A_431, %dma_wait3A_432] : memref<2x64x128xf32, #tpu.memory_space<vmem>> -> memref<1x64x128xf32, #tpu.memory_space<vmem>>
    %dma_wait3A_434 = tpu.memref_squeeze %dma_wait3A_433 : memref<1x64x128xf32, #tpu.memory_space<vmem>> -> memref<64x128xf32, #tpu.memory_space<vmem>>
    %dma_wait3A_435 = arith.constant 0 : i32
    %dma_wait3A_436 = arith.constant 0 : i32
    %dma_wait3A_437 = tpu.memref_slice %arg4[%dma_wait3A_430, %dma_wait3A_435, %dma_wait3A_436] : memref<50x64x16384xf32, #tpu.memory_space<hbm>> -> memref<1x64x16384xf32, #tpu.memory_space<hbm>>
    %dma_wait3A_438 = tpu.memref_squeeze %dma_wait3A_437 : memref<1x64x16384xf32, #tpu.memory_space<hbm>> -> memref<64x16384xf32, #tpu.memory_space<hbm>>
    %dma_wait3A_439 = arith.constant 0 : i32
    %dma_wait3A_440 = tpu.memref_slice %dma_wait3A_438[%dma_wait3A_439, %add3A_428] : memref<64x16384xf32, #tpu.memory_space<hbm>> -> memref<64x128xf32, #tpu.memory_space<hbm>>
    %dma_wait3A_441 = arith.constant 0 : i32
    %dma_wait3A_442 = arith.constant 0 : i32
    %dma_wait3A_443 = tpu.memref_slice %arg4[%dma_wait3A_430, %dma_wait3A_441, %dma_wait3A_442] : memref<50x64x16384xf32, #tpu.memory_space<hbm>> -> memref<1x64x16384xf32, #tpu.memory_space<hbm>>
    %dma_wait3A_444 = tpu.memref_squeeze %dma_wait3A_443 : memref<1x64x16384xf32, #tpu.memory_space<hbm>> -> memref<64x16384xf32, #tpu.memory_space<hbm>>
    %dma_wait3A_445 = arith.constant 0 : i32
    %dma_wait3A_446 = tpu.memref_slice %dma_wait3A_444[%dma_wait3A_445, %add3A_428] : memref<64x16384xf32, #tpu.memory_space<hbm>> -> memref<64x128xf32, #tpu.memory_space<hbm>>
    %dma_wait3A_447 = arith.constant 0 : i32
    %dma_wait3A_448 = arith.constant 0 : i32
    %dma_wait3A_449 = tpu.memref_slice %arg8[%dma_wait3A_429, %dma_wait3A_447, %dma_wait3A_448] : memref<2x64x128xf32, #tpu.memory_space<vmem>> -> memref<1x64x128xf32, #tpu.memory_space<vmem>>
    %dma_wait3A_450 = tpu.memref_squeeze %dma_wait3A_449 : memref<1x64x128xf32, #tpu.memory_space<vmem>> -> memref<64x128xf32, #tpu.memory_space<vmem>>
    tpu.wait_dma2 semaphore(%arg14 : memref<!tpu.dma_semaphore, #tpu.memory_space<semaphore_mem>>) src(%dma_wait3A_450 : memref<64x128xf32, #tpu.memory_space<vmem>>) dst(%dma_wait3A_446 : memref<64x128xf32, #tpu.memory_space<hbm>>)
    return
  }
}

</mosaic_0001>

<sc_bundles>
// kernel: kernel.4.cloned.1.call-start
scs
__scs_entry_jumppad:
0x0: {  	(pc) =	sbr.rel $0x88, $3  }
0x1: {  	(tag) =	ssettag $0x0;
	lr =	simm.s32 $0x1  }
0x2: {  	[smem:$0x3F9F] =	sst lr;
	_ =	strace $0xD0000000  }
0x3: {  	_ = 	snop  }
0x4: {  	_ = 	snop  }
0x5: {  	_ = 	snop  }
0x6: {  	_ = 	snop  }
0x7: {  	_ = 	snop  }
__scs_overlays_trampoline_lowered:
0x8: {  	[smem:$0x3FAE] =	sst s0  }
0x9: {  	[smem:$0x3FAF] =	sst s1  }
0xa: {  	[smem:$0x3FB0] =	sst s2  }
0xb: {  	[smem:$0x3FB1] =	sst s3  }
0xc: {  	[smem:$0x3FB2] =	sst s4  }
0xd: {  	[smem:$0x3FB3] =	sst s5  }
0xe: {  	[smem:$0x3FB4] =	sst s6  }
0xf: {  	[smem:$0x3FB5] =	sst s7  }
0x10: {  	[smem:$0x3FB6] =	sst s8  }
0x11: {  	[smem:$0x3FB7] =	sst s9;
	s0 =	simm.s32 @!p0 $0x0  }
0x12: {  	s1 =	sld [smem:$0x3F9D];
	s0 =	simm.s32 @p0 $0x1  }
0x13: {  	[smem:$0x3FB8] =	sst s0;
	s0 =	simm.s32 @!p1 $0x0  }
0x14: {  	s2 =	sld [smem:$0x3F9C];
	s0 =	simm.s32 @p1 $0x1  }
0x15: {  	[smem:$0x3FB9] =	sst s0;
	s0 =	simm.s32 @!p2 $0x0  }
0x16: {  	s3 =	sld [smem:$0x3FDB];
	s0 =	simm.s32 @p2 $0x1  }
0x17: {  	s4 =	simm.s32 $0x1BF5;
	[smem:$0x3FBB] =	sst s0  }
0x18: {  	s0 =	sld [smem:$0x3F9E];
	_ =	swait.ge [sflag:s4], $0x0  }
0x19: {  	s7 =	sld [smem:$0x3F9F]  }
0x1a: {  	s8 =	sadd.s32 $0xFFFFE003, lr  }
0x1b: {  	s9 =	sadd.s32 $0xFFFFFEF7, lr;
	s5 =	simm.s32 $0xFFFFFFFF;
	p2 =	slt.u32 s8, $0xFFFFF086  }
0x1c: {  	p1 =	slt.u32 s9, $0xF7A;
	s5 =	simm.s32 @!p2 $0x0  }
0x1d: {  	s5 =	simm.s32 @p1 $0x1;
	p0 =	seq.s32 s7, s2  }
0x1e: {  	s7 =	smul.u32 @!p0 $0xF7A, s2;
	p2 =	seq.s32 @!p0 s5, $0x0  }
0x1f: {  	s9 =	smul.u32 $0xF7A, s1;
	s8 =	simm.s32 @!p0 $0x1BF5;
	p2 =	por !p2, p0  }
0x20: {  	[sflag:s8] =	ssyncset.s32 @!p0 $0xFFFFF086;
	s6 =	sadd.s32 @!p0 s3, s7;
	s7 =	simm.s32 @!p0 $0x108  }
0x21: {  	s3 =	sadd.s32 s3, s9;
	s6 =	sadd.s32 @!p0 $0x88, s6;
	s7 =	simm.s32 @p2 $0x1082  }
0x22: {  	[simem:s7], [sflag:s8] =	dma.local @!p0 [hbm:s6], $0xF7A  }
0x23: {  	s9 =	sor.u32 $0xD0000000, s2;
	s6 =	simm.s32 $0x108;
	_ =	swait.ge @!p0 [sflag:s8], $0x0  }
0x24: {  	s3 =	sadd.s32 $0x88, s3;
	s6 =	simm.s32 @!p1 $0x1082;
	[sflag:s4] =	ssyncset.s32 $0xFFFFF086  }
0x25: {  	[simem:s6], [sflag:s4] =	dma.local [hbm:s3], $0xF7A  }
0x26: {  	[smem:$0x3F9F] =	sst s1;
	(tag) =	ssettag s2;
	_ =	strace s9  }
0x27: {  	s1 =	sld [smem:$0x3FAF]  }
0x28: {  	s2 =	sld [smem:$0x3FB0]  }
0x29: {  	s4 =	sld [smem:$0x3FB2]  }
0x2a: {  	p0 =	seq.s32 s5, $0x0;
	s5 =	sld [smem:$0x3FB3]  }
0x2b: {  	s6 =	sld [smem:$0x3FB4]  }
0x2c: {  	s7 =	sld [smem:$0x3FB5]  }
0x2d: {  	s3 =	simm.s32 $0x108;
	s8 =	sld [smem:$0x3FB6]  }
0x2e: {  	s3 =	simm.s32 @!p0 $0x1082;
	s9 =	sld [smem:$0x3FB7]  }
0x2f: {  	lr =	sadd.s32 s0, s3;
	s0 =	sld [smem:$0x3FAE]  }
0x30: {  	s3 =	sld [smem:$0x3FB1]  }
0x31: {  	[smem:$0x3FBA] =	sst s10  }
0x32: {  	s10 =	sld [smem:$0x3FB8];
	_ =	sdelay $0x3  }
0x33: {  	p0 =	seq.s32 s10, $0x1;
	s10 =	sld [smem:$0x3FBA];
	_ =	sdelay $0x3  }
0x34: {  	[smem:$0x3FBA] =	sst s10  }
0x35: {  	s10 =	sld [smem:$0x3FB9];
	_ =	sdelay $0x3  }
0x36: {  	p1 =	seq.s32 s10, $0x1;
	s10 =	sld [smem:$0x3FBA];
	_ =	sdelay $0x3  }
0x37: {  	[smem:$0x3FBA] =	sst s10  }
0x38: {  	s10 =	sld [smem:$0x3FBB]  }
0x39: {  	_ = 	snop;
	(pc) =	sbr.ind lr, $3  }
0x3a: {  	_ = 	snop  }
0x3b: {  	_ = 	snop  }
0x3c: {  	p2 =	seq.s32 s10, $0x1;
	s10 =	sld [smem:$0x3FBA]  }
0x3d: {  	_ =	shalt  }
0x3e: {  	_ =	shalt  }
0x3f: {  	_ =	shalt  }
0x40: {  	_ =	shalt  }
0x41: {  	_ =	shalt  }
0x42: {  	_ =	shalt  }
0x43: {  	_ =	shalt  }
0x44: {  	_ =	shalt  }
0x45: {  	_ =	shalt  }
0x46: {  	_ =	shalt  }
0x47: {  	_ =	shalt  }
0x48: {  	_ =	shalt  }
0x49: {  	_ =	shalt  }
0x4a: {  	_ =	shalt  }
0x4b: {  	_ =	shalt  }
0x4c: {  	_ =	shalt  }
0x4d: {  	_ =	shalt  }
0x4e: {  	_ =	shalt  }
0x4f: {  	_ =	shalt  }
0x50: {  	_ =	shalt  }
0x51: {  	_ =	shalt  }
0x52: {  	_ =	shalt  }
0x53: {  	_ =	shalt  }
0x54: {  	_ =	shalt  }
0x55: {  	_ =	shalt  }
0x56: {  	_ =	shalt  }
0x57: {  	_ =	shalt  }
0x58: {  	_ =	shalt  }
0x59: {  	_ =	shalt  }
0x5a: {  	_ =	shalt  }
0x5b: {  	_ =	shalt  }
0x5c: {  	_ =	shalt  }
0x5d: {  	_ =	shalt  }
0x5e: {  	_ =	shalt  }
0x5f: {  	_ =	shalt  }
0x60: {  	_ =	shalt  }
0x61: {  	_ =	shalt  }
0x62: {  	_ =	shalt  }
0x63: {  	_ =	shalt  }
0x64: {  	_ =	shalt  }
0x65: {  	_ =	shalt  }
0x66: {  	_ =	shalt  }
0x67: {  	_ =	shalt  }
0x68: {  	_ =	shalt  }
0x69: {  	_ =	shalt  }
0x6a: {  	_ =	shalt  }
0x6b: {  	_ =	shalt  }
0x6c: {  	_ =	shalt  }
0x6d: {  	_ =	shalt  }
0x6e: {  	_ =	shalt  }
0x6f: {  	_ =	shalt  }
0x70: {  	_ =	shalt  }
0x71: {  	_ =	shalt  }
0x72: {  	_ =	shalt  }
0x73: {  	_ =	shalt  }
0x74: {  	_ =	shalt  }
0x75: {  	_ =	shalt  }
0x76: {  	_ =	shalt  }
0x77: {  	_ =	shalt  }
0x78: {  	_ =	shalt  }
0x79: {  	_ =	shalt  }
0x7a: {  	_ =	shalt  }
0x7b: {  	_ =	shalt  }
0x7c: {  	_ =	shalt  }
0x7d: {  	_ =	shalt  }
0x7e: {  	_ =	shalt  }
0x7f: {  	_ =	shalt  }
0x80: {  	_ =	shalt  }
0x81: {  	_ =	shalt  }
0x82: {  	_ =	shalt  }
0x83: {  	_ =	shalt  }
0x84: {  	_ =	shalt  }
0x85: {  	_ =	shalt  }
0x86: {  	_ =	shalt  }
0x87: {  	_ =	shalt  }
.Lfunc_end0:
.L_simem_size_0:
called_computation_lowered:
.L_overlay_start_0:
0x88: {  	s2 =	sld [smem:$0x3FD9]  }
0x89: {  	s3 =	sld [smem:$0x3FFE];
	_ =	sdelay $0x1  }
0x8a: {  	s1 =	srdreg.scid  }
0x8b: {  	s0 =	sand.u32 $0x1, s1  }
0x8c: {  	s17 =	sshll.u32 s0, $0xA;
	s2 =	sadd.s32 s3, s2  }
0x8d: {  	s2 =	sadd.s32 s2, s17  }
0x8e: {  	[smem:$0x3FC6] =	sst s2  }
0x8f: {  	_ = 	snop  }
0x90: {  	s2 =	sld [smem:$0x3FC8]  }
0x91: {  	s18 =	sld [smem:$0x3FD0];
	(tm) =	ssettm $0x1  }
0x92: {  	s4 =	sld [smem:$0x3FFB];
	_ =	sdelay $0x3  }
0x93: {  	_ =	strace s4  }
0x94: {  	s4 =	sld [smem:$0x3FFC];
	_ =	sdelay $0x3  }
0x95: {  	_ =	strace s4  }
0x96: {  	s4 =	sld [smem:$0x3FFD];
	_ =	sdelay $0x3  }
0x97: {  	_ =	strace s4  }
0x98: {  	_ =	strace $0x8FFFFFFF  }
0x99: {  	s19 =	sld [smem:$0x3FDB];
	_ =	sdelay $0x1  }
0x9a: {  	s5 =	simm.s32 $_scs_section_size  }
0x9b: {  	s6 =	simm.s32 $_size__tile_overlayer_lowered;
	s7 =	simm.s32 $_tile_overlayer_lowered  }
0x9c: {  	s22 =	simm.s32 $0x1BFF;
	s21 =	sshll.u32 s7, $0x1;
	s4 =	sadd.s32 s5, s19  }
0x9d: {  	s8 =	simm.s32 $0x0;
	s20 =	sshll.u32 s6, $0x1;
	s6 =	sadd.s32 s21, s4  }
0x9e: {  	[timem:s8], [sflag:s22] =	dma.local [hbm:s6], s20  }
0x9f: {  	_ =	swait.ge [sflag:s22], s20  }
0xa0: {  	s5 =	ssub.s32 $0x0, s20;
	[sflag:s22] =	ssyncset.done $0x0  }
0xa1: {  	[sflag:s22] =	ssyncadd.s32 s5;
	_ =	sdelay $0x1  }
0xa2: {  	s23 =	simm.s32 $0x1B8B  }
0xa3: {  	_ =	swait.ge [sflag:s23], $0x1  }
0xa4: {  	[sflag:s23] =	ssyncset.done $0x0  }
0xa5: {  	s25 =	simm.s32 $0x1B8E;
	s24 =	sld [smem:$0x3FFE];
	[sflag:s23] =	ssyncadd.s32 $0xFFFFFFFF  }
0xa6: {  	s26 =	simm.s32 $execute0_lowered;
	[smem:$0x3FD2] =	sst s25  }
0xa7: {  	s6 =	sshll.u32 s26, $0x1;
	_ =	strace $0x80000046;
	[dreg:$0x1] =	wrdreg $0xFFFFFFFF  }
0xa8: {  	s28 =	simm.s32 $_size_execute0_lowered;
	s4 =	sadd.s32 s4, s6;
	[dreg:$0x0] =	wrdreg $0x0  }
0xa9: {  	s6 =	sshll.u32 s28, $0x1;
	[dreg:$0x2] =	wrdreg s4  }
0xaa: {  	[dreg:$0x3] =	wrdreg s6  }
0xab: {  	[dreg:$0x4] =	wrdreg $0xC0  }
0xac: {  	_ =	task [dreg:s8], $0x5FFFF  }
0xad: {  	[dreg:$0x1] =	wrdreg $0xFFFFFFFF  }
0xae: {  	[dreg:$0x0] =	wrdreg $0x60  }
0xaf: {  	[dreg:$0x2] =	wrdreg s2  }
0xb0: {  	[dreg:$0x3] =	wrdreg s18  }
0xb1: {  	[dreg:$0x4] =	wrdreg s24  }
0xb2: {  	[dreg:$0x5] =	wrdreg $0x9  }
0xb3: {  	_ =	task.clear_ibuf [dreg:s8], $0x6FFFF;
	_ =	strace $0x90000046  }
0xb4: {  	s29 =	simm.s32 $0x9;
	_ =	strace $0x80000048  }
0xb5: {  	_ =	swait.ge [sflag:s29], $0x1  }
0xb6: {  	[sflag:s29] =	ssyncadd.s32 $0xFFFFFFFF  }
0xb7: {  	_ =	strace $0x90000048  }
0xb8: {  	_ =	sfence  }
0xb9: {  	s30 =	sld [smem:$0x0];
	_ =	sdelay $0x2  }
0xba: {  	s31 =	sshll.u32 s1, $0xD;
	s1 =	sshrl.u32 s1, $0x2  }
0xbb: {  	s3 =	sand.u32 $0x4000, s31;
	s1 =	sadd.s32 s1, s30  }
0xbc: {  	s0 =	sor.u32 s3, s0;
	s1 =	sshll.u32 s1, $0x11  }
0xbd: {  	s0 =	sor.u32 s1, s0  }
0xbe: {  	s0 =	sadd.s32 $0x8F2B, s0  }
0xbf: {  	[sflag:s0] =	ssyncadd.remote.s32 $0x1  }
0xc0: {  	_ =	sfence.sel $0xFFFF  }
0xc1: {  	[dreg:$0x0] =	wrdreg $0xFFFFFFFF;
	(pc) =	sbr.abs _section_cstart, $3  }
0xc2: {  	[dreg:$0x1] =	wrdreg $0xFFFFFFFF  }
0xc3: {  	_ =	task.clear_ibuf [dreg:s8], $0x2FFFF;
	_ =	strace $0x9FFFFFFF  }
0xc4: {  	(tm) =	ssettm $0x7FFFFFFF  }
0xc5: {  	_ =	shalt  }
tec
execute0_lowered:
.L_overlay_start_1:
0x0: {  	(tag) =	ssettag $0x1  }
0x1: {  	s1 =	rddreg [dreg:$0x0]  }
0x2: {  	s8 =	rddreg [dreg:$0x2];
	s5 =	srdreg.scid  }
0x3: {  	s0 =	stileid.u32;
	s4 =	simm.s32 $0x0;
	s13 =	simm.s32 $0x400  }
0x4: {  	s14 =	simm.s32 $0x7A1400;
	s15 =	simm.s32 $0x2000;
	s16 =	simm.s32 $0x1  }
0x5: {  	s17 =	simm.s32 $0x4000;
	s18 =	simm.s32 $0x2;
	s19 =	simm.s32 $0x6000  }
0x6: {  	v0 =	vimm.s32 $0x4B0A4908;
	s20 =	simm.s32 $0x3;
	s21 =	simm.s32 $0x4;
	s22 =	simm.s32 $0x0  }
0x7: {  	v1 =	vimm.s32 $0x4F0E4D0C;
	v2 =	vimm.s32 $0x43024100;
	s7 =	sand.u32 $0x1, s5;
	s31 =	sshll.u32 s0, $0x1;
	[smem:$0x7FF] =	sst s4  }
.Ltmp0:
0x8: {  	v3 =	vimm.s32 $0x47064504;
	s6 =	sadd.s32 $0xA00, s8;
	s8 =	sadd.s32 $0x7A1A00, s8;
	v0 =	vunpack.c.0.s8.s32 v0;
	(pc) =	sbr.rel .LBB2_1-.Ltmp0, $4  }
0x9: {  	v1 =	vunpack.c.0.s8.s32 v1;
	v2 =	vunpack.c.0.s8.s32 v2;
	v3 =	vunpack.c.0.s8.s32 v3;
	s5 =	sor.u32 s7, s31;
	_ =	strace $0x80000047;
	s10 =	ssub.s32 $0x2, s7  }
0xa: {  	vm0 =	vcmask $0x1F10;
	s9 =	sshll.u32 s5, $0x7;
	s11 =	sshrl.u32 s10, $0x1;
	p0 =	sne.s32 s5, $0x0  }
0xb: {  	v1 =	vsel vm0, v1, v0;
	v2 =	vsel vm0, v3, v2;
	s7 =	sadd.s32 s1, s9;
	s12 =	ssub.s32 s10, s11;
	s10 =	sor.u32 $0x40, s5  }
0xc: {  	v0 =	vlaneseq.u32;
	s11 =	sor.u32 $0x60, s5;
	v1 =	vcombine.low v2, v1;
	s9 =	sadd.s32 $0x1000, s7;
	s12 =	smax.u32 s12, $0x1  }
.LBB2_11:
0xd: {  	s22 =	sadd.s32 $0x1, s22  }
0xe: {  	_ =	swait.ge [sflag:s20], $0x2000;
	p1 =	sne.s32 s22, s12  }
.Ltmp1:
0xf: {  	[sflag:s20] =	ssyncset.done $0x0;
	(pc) =	sbr.rel @!p1 .LBB2_12-.Ltmp1, $4  }
0x10: {  	[sflag:s20] =	ssyncadd.s32 $0xFFFFE000  }
0x11: {  	_ =	swait.ge [sflag:s21], $0x2000  }
0x12: {  	[sflag:s21] =	ssyncset.done $0x0  }
0x13: {  	[sflag:s21] =	ssyncadd.s32 $0xFFFFE000  }
.LBB2_1:
0x14: {  	s23 =	simm.s32 @!p0 $0x0  }
0x15: {  	s24 =	simm.s32 @!p0 $0x8000;
	s0 =	rddreg [dreg:$0x1];
	s25 =	simm.s32 @!p0 $0x5  }
0x16: {  	[tilespmem:s24], [sflag:$0x5] =	stream.linear.gather @!p0 [hbm4b:s0+s23], $0x1000, $0x38;
	[tilespmem:$0x9000] =	vst v63  }
0x17: {  	_ =	swait.ge @!p0 [sflag:s25], $0x1000  }
0x18: {  	[sflag:s25] =	ssyncset.done @!p0 $0x0  }
0x19: {  	[sflag:s25] =	ssyncadd.s32 @!p0 $0xFFFFF000  }
0x1a: {  	[hbm4b:s8+s23] =	stream.linear.scatter @!p0 [tilespmem:s24], [sflag:$0x5], $0x1000, $0x38;
	[tilespmem:$0x9000] =	vst v63  }
0x1b: {  	_ =	swait.ge @!p0 [sflag:s25], $0x1000  }
.Ltmp2:
0x1c: {  	[sflag:s25] =	ssyncset.done @!p0 $0x0;
	(pc) =	sbr.rel .LBB2_2-.Ltmp2, $4  }
0x1d: {  	[sflag:s25] =	ssyncadd.s32 @!p0 $0xFFFFF000  }
0x1e: {  	[tilespmem:s4], [sflag:$0x1] =	stream.strided.gather [hbm4b:s7+s13], $0x2000, s14, s13, $0x38;
	[tilespmem:$0x9000] =	vst v63  }
0x1f: {  	s23 =	simm.s32 $0x0  }
0x20: {  	[tilespmem:s15], [sflag:$0x2] =	stream.strided.gather [hbm4b:s9+s13], $0x2000, s14, s13, $0x38;
	[tilespmem:$0x9000] =	vst v63  }
.LBB2_10:
0x21: {  	s23 =	sadd.s32 $0x1, s23  }
0x22: {  	p1 =	sne.s32 s23, $0x7B  }
.Ltmp3:
0x23: {  	_ = 	snop;
	(pc) =	sbr.rel @!p1 .LBB2_11-.Ltmp3, $1  }
0x24: {  	_ =	sdelay $0x3  }
.LBB2_2:
0x25: {  	s24 =	sshll.u32 s23, $0x6  }
0x26: {  	s25 =	sor.u32 s5, s24  }
0x27: {  	p2 =	sgt.u32 s25, $0x1E83  }
.Ltmp4:
0x28: {  	_ = 	snop;
	(pc) =	sbr.rel @p2 .LBB2_6-.Ltmp4, $2  }
0x29: {  	_ =	sdelay $0x2  }
0x2a: {  	p1 =	seq.s32 s23, $0x0  }
0x2b: {  	s26 =	simm.s32 $0x0  }
0x2c: {  	s28 =	simm.s32 $0x0;
	s30 =	sand.u32 $0x8, s26  }
0x2d: {  	s29 =	sand.u32 $0x30, s28;
	v2 =	vadd.s32 s30, v0;
	s31 =	sor.u32 $0x1, s30  }
0x2e: {  	s0 =	sor.u32 $0x7, s30;
	s3 =	sor.u32 $0x2, s30;
	v5 =	vor.u32 s29, v0;
	v2 =	vand.u32 $0xF, v2;
	v3 =	vadd.s32 s31, v0  }
0x2f: {  	v4 =	vadd.s32 s0, v0;
	s0 =	sor.u32 $0x3, s30;
	v6 =	vadd.s32 s3, v0;
	s31 =	sor.u32 $0x4, s30;
	v8 =	vshll.u32 v5, $0x7  }
0x30: {  	s3 =	sor.u32 $0x5, s30;
	v7 =	vand.u32 $0xF, v4;
	v9 =	vadd.s32 s0, v0;
	v10 =	vadd.s32 s31, v0  }
0x31: {  	s30 =	sor.u32 $0x6, s30;
	v11 =	vadd.s32 s3, v0;
	v13 =	vand.u32 $0xF, v3;
	v6 =	vand.u32 $0xF, v6  }
0x32: {  	s2 =	sand.u32 $0x70, s26;
	v14 =	vadd.s32 s30, v0;
	v4 =	vshll.u32 v4, $0x6;
	v3 =	vshll.u32 v3, $0x6  }
0x33: {  	v7 =	vor.u32 s2, v7;
	v15 =	vand.u32 $0xF, v9;
	v10 =	vand.u32 $0xF, v10  }
0x34: {  	v16 =	vand.u32 $0xF, v11;
	v13 =	vor.u32 s2, v13;
	v14 =	vand.u32 $0xF, v14  }
0x35: {  	v17 =	vor.u32 s2, v6;
	v4 =	vor.u32 v4, v5;
	v9 =	vshll.u32 v9, $0x6  }
0x36: {  	_ =	swait.ge [sflag:s16], $0x2000;
	v22 =	vshll.u32 v11, $0x6;
	v25 =	vor.u32 v3, v5;
	v12 =	vor.u32 v8, v7  }
0x37: {  	[sflag:s16] =	ssyncset.done $0x0;
	v6 =	vshll.u32 v7, $0x6;
	v7 =	vor.u32 s2, v15;
	v4 =	vand.u32 $0x7F, v4  }
0x38: {  	[sflag:s16] =	ssyncadd.s32 $0xFFFFE000;
	s0 =	simm.s32 @!p1 $0x3;
	v10 =	vor.u32 s2, v10;
	v15 =	vor.u32 s2, v16;
	v16 =	vor.u32 v8, v17  }
0x39: {  	_ =	swait.ge @!p1 [sflag:s0], $0x2000;
	v14 =	vor.u32 s2, v14;
	v11 =	vshll.u32 v13, $0x6;
	v19 =	vor.u32 v8, v7  }
0x3a: {  	[sflag:s0] =	ssyncset.done @!p1 $0x0;
	v26 =	vor.u32 v9, v5;
	v22 =	vor.u32 v22, v5;
	v20 =	vor.u32 v8, v10  }
0x3b: {  	v6 =	vand.u32 $0x1F80, v6;
	v21 =	vor.u32 v8, v15;
	[sflag:s0] =	ssyncadd.s32 @!p1 $0xFFFFE000;
	v7 =	vshll.u32 v7, $0x6  }
0x3c: {  	v18 =	vor.u32 v4, v6;
	v4 =	vor.u32 s2, v2;
	v2 =	vor.u32 v8, v13;
	v23 =	vld.idx.msk [tilespmem:v12+s4+$0x0], $0xffff  }
0x3d: {  	v15 =	vshll.u32 v15, $0x6;
	v6 =	vor.u32 v4, v8;
	v8 =	vor.u32 v8, v14;
	v3 =	vld.idx.msk [tilespmem:v16+s4+$0x0], $0xffff  }
0x3e: {  	v24 =	vshll.u32 v14, $0x6;
	v12 =	vshll.u32 v17, $0x6;
	v17 =	vshll.u32 v4, $0x6;
	v4 =	vld.idx.msk [tilespmem:v19+s4+$0x0], $0xffff  }
0x3f: {  	v13 =	vshll.u32 v10, $0x6;
	v10 =	vand.u32 $0x1F80, v11;
	v14 =	vand.u32 $0x1F80, v7;
	v5 =	vld.idx.msk [tilespmem:v20+s4+$0x0], $0xffff  }
0x40: {  	v16 =	vand.u32 $0x1F80, v24;
	v11 =	vand.u32 $0x1F80, v12;
	v12 =	vand.u32 $0x1F80, v13;
	v7 =	vld.idx.msk [tilespmem:v21+s4+$0x0], $0xffff  }
0x41: {  	v13 =	vand.u32 $0x1F80, v15;
	v9 =	vand.u32 $0x1F80, v17;
	v17 =	vand.u32 $0x7F, v25;
	v2 =	vld.idx.msk [tilespmem:v2+s4+$0x0], $0xffff  }
0x42: {  	v15 =	vor.u32 s29, v1;
	v19 =	vand.u32 $0x7F, v26;
	v8 =	vld.idx.msk [tilespmem:v8+s4+$0x0], $0xffff;
	[tilespmem:v18+s17+$0x0] =	vst.idx.msk $0xffff, v23;
	v18 =	vand.u32 $0x7F, v22  }
.LBB2_4:
0x43: {  	s26 =	sadd.s32 $0x8, s26;
	v6 =	vld.idx.msk [tilespmem:v6+s4+$0x0], $0xffff;
	v10 =	vor.u32 v17, v10;
	v11 =	vor.u32 v15, v11;
	v14 =	vor.u32 v19, v14  }
0x44: {  	v12 =	vor.u32 v15, v12;
	v13 =	vor.u32 v18, v13;
	v16 =	vor.u32 v15, v16;
	s0 =	sand.u32 $0x8, s26;
	p2 =	slt.u32 s26, $0x1F8  }
0x45: {  	v9 =	vor.u32 v15, v9;
	s28 =	sadd.s32 $0x1, s28;
	v17 =	vadd.s32 s0, v0;
	s2 =	sor.u32 $0x1, s0;
	s3 =	sor.u32 $0x7, s0  }
0x46: {  	s29 =	sand.u32 $0x30, s28;
	s30 =	sor.u32 $0x3, s0;
	v15 =	vand.u32 $0xF, v17;
	v17 =	vadd.s32 s2, v0;
	s2 =	sor.u32 $0x2, s0;
	v18 =	vadd.s32 s3, v0  }
0x47: {  	v19 =	vor.u32 s29, v0;
	s31 =	sor.u32 $0x5, s0;
	s3 =	sand.u32 $0x70, s26;
	v20 =	vadd.s32 s2, v0;
	s2 =	sor.u32 $0x4, s0;
	v21 =	vand.u32 $0xF, v18  }
0x48: {  	v22 =	vshll.u32 v19, $0x7;
	v23 =	vadd.s32 s30, v0;
	s0 =	sor.u32 $0x6, s0;
	v21 =	vor.u32 s3, v21;
	[tilespmem:v10+s17+$0x0] =	vst.idx.msk $0xffff, v2  }
0x49: {  	v2 =	vadd.s32 s2, v0;
	v10 =	vadd.s32 s31, v0;
	v24 =	vor.u32 v22, v21;
	[tilespmem:v11+s17+$0x0] =	vst.idx.msk $0xffff, v3  }
0x4a: {  	v3 =	vand.u32 $0xF, v17;
	v11 =	vand.u32 $0xF, v20;
	v20 =	vadd.s32 s0, v0;
	[tilespmem:v14+s17+$0x0] =	vst.idx.msk $0xffff, v4  }
0x4b: {  	v2 =	vand.u32 $0xF, v2;
	v4 =	vand.u32 $0xF, v23;
	v14 =	vand.u32 $0xF, v10;
	[tilespmem:v12+s17+$0x0] =	vst.idx.msk $0xffff, v5  }
0x4c: {  	v3 =	vor.u32 s3, v3;
	v5 =	vand.u32 $0xF, v20;
	v12 =	vshll.u32 v18, $0x6;
	[tilespmem:v13+s17+$0x0] =	vst.idx.msk $0xffff, v7  }
0x4d: {  	v7 =	vor.u32 s3, v11;
	v11 =	vor.u32 v12, v19;
	v12 =	vshll.u32 v21, $0x6;
	[tilespmem:v16+s17+$0x0] =	vst.idx.msk $0xffff, v8  }
0x4e: {  	v4 =	vor.u32 s3, v4;
	v11 =	vand.u32 $0x7F, v11;
	v12 =	vand.u32 $0x1F80, v12;
	v8 =	vld.idx.msk [tilespmem:v24+s4+$0x0], $0xffff;
	[tilespmem:v9+s17+$0x0] =	vst.idx.msk $0xffff, v6  }
0x4f: {  	v13 =	vor.u32 s3, v14;
	v9 =	vor.u32 s3, v2;
	v2 =	vor.u32 v11, v12  }
0x50: {  	v5 =	vor.u32 s3, v5;
	v11 =	vor.u32 s3, v15;
	v12 =	vor.u32 v22, v3  }
0x51: {  	v14 =	vor.u32 v22, v7;
	v15 =	vor.u32 v22, v4;
	v16 =	vor.u32 v22, v9  }
0x52: {  	v18 =	vor.u32 v22, v13;
	v20 =	vor.u32 v22, v5;
	v6 =	vor.u32 v11, v22  }
0x53: {  	v17 =	vshll.u32 v17, $0x6;
	v21 =	vshll.u32 v23, $0x6;
	v22 =	vshll.u32 v10, $0x6  }
0x54: {  	v23 =	vshll.u32 v4, $0x6;
	v7 =	vshll.u32 v7, $0x6;
	v10 =	vshll.u32 v3, $0x6;
	[tilespmem:v2+s17+$0x0] =	vst.idx.msk $0xffff, v8  }
0x55: {  	v24 =	vshll.u32 v5, $0x6;
	v8 =	vshll.u32 v9, $0x6;
	v9 =	vshll.u32 v13, $0x6;
	v2 =	vld.idx.msk [tilespmem:v12+s4+$0x0], $0xffff  }
.Ltmp5:
0x56: {  	v17 =	vor.u32 v17, v19;
	v21 =	vor.u32 v21, v19;
	v25 =	vshll.u32 v11, $0x6;
	v3 =	vld.idx.msk [tilespmem:v14+s4+$0x0], $0xffff;
	(pc) =	sbr.rel @p2 .LBB2_4-.Ltmp5, $4  }
0x57: {  	v11 =	vand.u32 $0x1F80, v7;
	v10 =	vand.u32 $0x1F80, v10;
	v22 =	vor.u32 v22, v19;
	v4 =	vld.idx.msk [tilespmem:v15+s4+$0x0], $0xffff  }
0x58: {  	v12 =	vand.u32 $0x1F80, v8;
	v13 =	vand.u32 $0x1F80, v9;
	v14 =	vand.u32 $0x1F80, v23;
	v5 =	vld.idx.msk [tilespmem:v16+s4+$0x0], $0xffff  }
0x59: {  	v17 =	vand.u32 $0x7F, v17;
	v9 =	vand.u32 $0x1F80, v25;
	v16 =	vand.u32 $0x1F80, v24;
	v7 =	vld.idx.msk [tilespmem:v18+s4+$0x0], $0xffff  }
0x5a: {  	v19 =	vand.u32 $0x7F, v21;
	v15 =	vor.u32 s29, v1;
	v18 =	vand.u32 $0x7F, v22;
	v8 =	vld.idx.msk [tilespmem:v20+s4+$0x0], $0xffff  }
0x5b: {  	v10 =	vor.u32 v17, v10  }
0x5c: {  	v11 =	vor.u32 v15, v11  }
0x5d: {  	v14 =	vor.u32 v19, v14  }
0x5e: {  	v12 =	vor.u32 v15, v12  }
0x5f: {  	v13 =	vor.u32 v18, v13  }
0x60: {  	v16 =	vor.u32 v15, v16;
	[tilespmem:v10+s17+$0x0] =	vst.idx.msk $0xffff, v2  }
0x61: {  	v63 =	vor.u32 v15, v9;
	v2 =	vld.idx.msk [tilespmem:v6+s4+$0x0], $0xffff;
	[tilespmem:v11+s17+$0x0] =	vst.idx.msk $0xffff, v3  }
0x62: {  	[tilespmem:v14+s17+$0x0] =	vst.idx.msk $0xffff, v4  }
0x63: {  	[tilespmem:v12+s17+$0x0] =	vst.idx.msk $0xffff, v5  }
0x64: {  	[tilespmem:v13+s17+$0x0] =	vst.idx.msk $0xffff, v7  }
0x65: {  	s0 =	sshll.u32 s25, $0xA;
	[tilespmem:v16+s17+$0x0] =	vst.idx.msk $0xffff, v8  }
0x66: {  	s0 =	sadd.s32 s6, s0;
	[tilespmem:v63+s17+$0x0] =	vst.idx.msk $0xffff, v2  }
0x67: {  	[hbm4b:s0+s4] =	stream.linear.scatter [tilespmem:s17], [sflag:$0x3], $0x2000, $0x38;
	[tilespmem:$0x9000] =	vst v63  }
0x68: {  	s0 =	sadd.s32 s10, s24  }
0x69: {  	p2 =	sgt.u32 s0, $0x1E83  }
0x6a: {  	s0 =	sshll.u32 @!p2 s0, $0x7;
	s2 =	simm.s32 @!p2 $0x400  }
0x6b: {  	s3 =	simm.s32 @!p2 $0x7A1400;
	s26 =	simm.s32 @!p2 $0x0;
	s0 =	sadd.s32 @!p2 s1, s0  }
0x6c: {  	[tilespmem:s26], [sflag:$0x1] =	stream.strided.gather @!p2 [hbm4b:s0+s2], $0x2000, s3, s2, $0x38;
	[tilespmem:$0x9000] =	vst v63  }
.LBB2_6:
0x6d: {  	s25 =	sor.u32 $0x20, s25  }
0x6e: {  	p2 =	sgt.u32 s25, $0x1E83  }
.Ltmp6:
0x6f: {  	_ = 	snop;
	(pc) =	sbr.rel @p2 .LBB2_10-.Ltmp6, $1  }
0x70: {  	_ =	sdelay $0x3  }
0x71: {  	s26 =	simm.s32 $0x0  }
0x72: {  	s28 =	simm.s32 $0x0;
	s0 =	sand.u32 $0x8, s26  }
0x73: {  	s29 =	sand.u32 $0x30, s28;
	v2 =	vadd.s32 s0, v0;
	s2 =	sor.u32 $0x1, s0  }
0x74: {  	s3 =	sor.u32 $0x7, s0;
	s31 =	sor.u32 $0x2, s0;
	v5 =	vor.u32 s29, v0;
	v2 =	vand.u32 $0xF, v2;
	v3 =	vadd.s32 s2, v0  }
0x75: {  	v4 =	vadd.s32 s3, v0;
	s3 =	sor.u32 $0x3, s0;
	v6 =	vadd.s32 s31, v0;
	s2 =	sor.u32 $0x4, s0;
	v8 =	vshll.u32 v5, $0x7  }
0x76: {  	s31 =	sor.u32 $0x5, s0;
	v7 =	vand.u32 $0xF, v4;
	v9 =	vadd.s32 s3, v0;
	v10 =	vadd.s32 s2, v0  }
0x77: {  	s0 =	sor.u32 $0x6, s0;
	v11 =	vadd.s32 s31, v0;
	v13 =	vand.u32 $0xF, v3;
	v6 =	vand.u32 $0xF, v6  }
0x78: {  	s30 =	sand.u32 $0x70, s26;
	v14 =	vadd.s32 s0, v0;
	v4 =	vshll.u32 v4, $0x6;
	v3 =	vshll.u32 v3, $0x6  }
0x79: {  	v7 =	vor.u32 s30, v7;
	v15 =	vand.u32 $0xF, v9;
	v10 =	vand.u32 $0xF, v10  }
0x7a: {  	v16 =	vand.u32 $0xF, v11;
	v13 =	vor.u32 s30, v13;
	v14 =	vand.u32 $0xF, v14  }
0x7b: {  	v17 =	vor.u32 s30, v6;
	v4 =	vor.u32 v4, v5;
	v9 =	vshll.u32 v9, $0x6  }
0x7c: {  	_ =	swait.ge [sflag:s18], $0x2000;
	v22 =	vshll.u32 v11, $0x6;
	v25 =	vor.u32 v3, v5;
	v12 =	vor.u32 v8, v7  }
0x7d: {  	[sflag:s18] =	ssyncset.done $0x0;
	v6 =	vshll.u32 v7, $0x6;
	v7 =	vor.u32 s30, v15;
	v4 =	vand.u32 $0x7F, v4  }
0x7e: {  	[sflag:s18] =	ssyncadd.s32 $0xFFFFE000;
	s0 =	simm.s32 @!p1 $0x4;
	v10 =	vor.u32 s30, v10;
	v15 =	vor.u32 s30, v16;
	v16 =	vor.u32 v8, v17  }
0x7f: {  	_ =	swait.ge @!p1 [sflag:s0], $0x2000;
	v14 =	vor.u32 s30, v14;
	v11 =	vshll.u32 v13, $0x6;
	v19 =	vor.u32 v8, v7  }
0x80: {  	[sflag:s0] =	ssyncset.done @!p1 $0x0;
	v26 =	vor.u32 v9, v5;
	v22 =	vor.u32 v22, v5;
	v20 =	vor.u32 v8, v10  }
0x81: {  	v6 =	vand.u32 $0x1F80, v6;
	v21 =	vor.u32 v8, v15;
	[sflag:s0] =	ssyncadd.s32 @!p1 $0xFFFFE000;
	v7 =	vshll.u32 v7, $0x6  }
0x82: {  	v18 =	vor.u32 v4, v6;
	v4 =	vor.u32 s30, v2;
	v2 =	vor.u32 v8, v13;
	v23 =	vld.idx.msk [tilespmem:v12+s15+$0x0], $0xffff  }
0x83: {  	v15 =	vshll.u32 v15, $0x6;
	v6 =	vor.u32 v4, v8;
	v8 =	vor.u32 v8, v14;
	v3 =	vld.idx.msk [tilespmem:v16+s15+$0x0], $0xffff  }
0x84: {  	v24 =	vshll.u32 v14, $0x6;
	v12 =	vshll.u32 v17, $0x6;
	v17 =	vshll.u32 v4, $0x6;
	v4 =	vld.idx.msk [tilespmem:v19+s15+$0x0], $0xffff  }
0x85: {  	v13 =	vshll.u32 v10, $0x6;
	v10 =	vand.u32 $0x1F80, v11;
	v14 =	vand.u32 $0x1F80, v7;
	v5 =	vld.idx.msk [tilespmem:v20+s15+$0x0], $0xffff  }
0x86: {  	v16 =	vand.u32 $0x1F80, v24;
	v11 =	vand.u32 $0x1F80, v12;
	v12 =	vand.u32 $0x1F80, v13;
	v7 =	vld.idx.msk [tilespmem:v21+s15+$0x0], $0xffff  }
0x87: {  	v13 =	vand.u32 $0x1F80, v15;
	v9 =	vand.u32 $0x1F80, v17;
	v17 =	vand.u32 $0x7F, v25;
	v2 =	vld.idx.msk [tilespmem:v2+s15+$0x0], $0xffff  }
0x88: {  	v15 =	vor.u32 s29, v1;
	v19 =	vand.u32 $0x7F, v26;
	v8 =	vld.idx.msk [tilespmem:v8+s15+$0x0], $0xffff;
	[tilespmem:v18+s19+$0x0] =	vst.idx.msk $0xffff, v23;
	v18 =	vand.u32 $0x7F, v22  }
.LBB2_8:
0x89: {  	s26 =	sadd.s32 $0x8, s26;
	v6 =	vld.idx.msk [tilespmem:v6+s15+$0x0], $0xffff;
	v10 =	vor.u32 v17, v10;
	v11 =	vor.u32 v15, v11;
	v14 =	vor.u32 v19, v14  }
0x8a: {  	v12 =	vor.u32 v15, v12;
	v13 =	vor.u32 v18, v13;
	v16 =	vor.u32 v15, v16;
	s0 =	sand.u32 $0x8, s26;
	p1 =	slt.u32 s26, $0x1F8  }
0x8b: {  	v9 =	vor.u32 v15, v9;
	s28 =	sadd.s32 $0x1, s28;
	v17 =	vadd.s32 s0, v0;
	s2 =	sor.u32 $0x1, s0;
	s3 =	sor.u32 $0x7, s0  }
0x8c: {  	s29 =	sand.u32 $0x30, s28;
	s30 =	sor.u32 $0x3, s0;
	v15 =	vand.u32 $0xF, v17;
	v17 =	vadd.s32 s2, v0;
	s2 =	sor.u32 $0x2, s0;
	v18 =	vadd.s32 s3, v0  }
0x8d: {  	v19 =	vor.u32 s29, v0;
	s31 =	sor.u32 $0x5, s0;
	s3 =	sand.u32 $0x70, s26;
	v20 =	vadd.s32 s2, v0;
	s2 =	sor.u32 $0x4, s0;
	v21 =	vand.u32 $0xF, v18  }
0x8e: {  	v22 =	vshll.u32 v19, $0x7;
	v23 =	vadd.s32 s30, v0;
	s0 =	sor.u32 $0x6, s0;
	v21 =	vor.u32 s3, v21;
	[tilespmem:v10+s19+$0x0] =	vst.idx.msk $0xffff, v2  }
0x8f: {  	v2 =	vadd.s32 s2, v0;
	v10 =	vadd.s32 s31, v0;
	v24 =	vor.u32 v22, v21;
	[tilespmem:v11+s19+$0x0] =	vst.idx.msk $0xffff, v3  }
0x90: {  	v3 =	vand.u32 $0xF, v17;
	v11 =	vand.u32 $0xF, v20;
	v20 =	vadd.s32 s0, v0;
	[tilespmem:v14+s19+$0x0] =	vst.idx.msk $0xffff, v4  }
0x91: {  	v2 =	vand.u32 $0xF, v2;
	v4 =	vand.u32 $0xF, v23;
	v14 =	vand.u32 $0xF, v10;
	[tilespmem:v12+s19+$0x0] =	vst.idx.msk $0xffff, v5  }
0x92: {  	v3 =	vor.u32 s3, v3;
	v5 =	vand.u32 $0xF, v20;
	v12 =	vshll.u32 v18, $0x6;
	[tilespmem:v13+s19+$0x0] =	vst.idx.msk $0xffff, v7  }
0x93: {  	v7 =	vor.u32 s3, v11;
	v11 =	vor.u32 v12, v19;
	v12 =	vshll.u32 v21, $0x6;
	[tilespmem:v16+s19+$0x0] =	vst.idx.msk $0xffff, v8  }
0x94: {  	v4 =	vor.u32 s3, v4;
	v11 =	vand.u32 $0x7F, v11;
	v12 =	vand.u32 $0x1F80, v12;
	v8 =	vld.idx.msk [tilespmem:v24+s15+$0x0], $0xffff;
	[tilespmem:v9+s19+$0x0] =	vst.idx.msk $0xffff, v6  }
0x95: {  	v13 =	vor.u32 s3, v14;
	v9 =	vor.u32 s3, v2;
	v2 =	vor.u32 v11, v12  }
0x96: {  	v5 =	vor.u32 s3, v5;
	v11 =	vor.u32 s3, v15;
	v12 =	vor.u32 v22, v3  }
0x97: {  	v14 =	vor.u32 v22, v7;
	v15 =	vor.u32 v22, v4;
	v16 =	vor.u32 v22, v9  }
0x98: {  	v18 =	vor.u32 v22, v13;
	v20 =	vor.u32 v22, v5;
	v6 =	vor.u32 v11, v22  }
0x99: {  	v17 =	vshll.u32 v17, $0x6;
	v21 =	vshll.u32 v23, $0x6;
	v22 =	vshll.u32 v10, $0x6  }
0x9a: {  	v23 =	vshll.u32 v4, $0x6;
	v7 =	vshll.u32 v7, $0x6;
	v10 =	vshll.u32 v3, $0x6;
	[tilespmem:v2+s19+$0x0] =	vst.idx.msk $0xffff, v8  }
0x9b: {  	v24 =	vshll.u32 v5, $0x6;
	v8 =	vshll.u32 v9, $0x6;
	v9 =	vshll.u32 v13, $0x6;
	v2 =	vld.idx.msk [tilespmem:v12+s15+$0x0], $0xffff  }
.Ltmp7:
0x9c: {  	v17 =	vor.u32 v17, v19;
	v21 =	vor.u32 v21, v19;
	v25 =	vshll.u32 v11, $0x6;
	v3 =	vld.idx.msk [tilespmem:v14+s15+$0x0], $0xffff;
	(pc) =	sbr.rel @p1 .LBB2_8-.Ltmp7, $4  }
0x9d: {  	v11 =	vand.u32 $0x1F80, v7;
	v10 =	vand.u32 $0x1F80, v10;
	v22 =	vor.u32 v22, v19;
	v4 =	vld.idx.msk [tilespmem:v15+s15+$0x0], $0xffff  }
0x9e: {  	v12 =	vand.u32 $0x1F80, v8;
	v13 =	vand.u32 $0x1F80, v9;
	v14 =	vand.u32 $0x1F80, v23;
	v5 =	vld.idx.msk [tilespmem:v16+s15+$0x0], $0xffff  }
0x9f: {  	v17 =	vand.u32 $0x7F, v17;
	v9 =	vand.u32 $0x1F80, v25;
	v16 =	vand.u32 $0x1F80, v24;
	v7 =	vld.idx.msk [tilespmem:v18+s15+$0x0], $0xffff  }
0xa0: {  	v19 =	vand.u32 $0x7F, v21;
	v15 =	vor.u32 s29, v1;
	v18 =	vand.u32 $0x7F, v22;
	v8 =	vld.idx.msk [tilespmem:v20+s15+$0x0], $0xffff  }
0xa1: {  	v10 =	vor.u32 v17, v10  }
0xa2: {  	v11 =	vor.u32 v15, v11  }
0xa3: {  	v14 =	vor.u32 v19, v14  }
0xa4: {  	v12 =	vor.u32 v15, v12  }
0xa5: {  	v13 =	vor.u32 v18, v13  }
0xa6: {  	v16 =	vor.u32 v15, v16;
	[tilespmem:v10+s19+$0x0] =	vst.idx.msk $0xffff, v2  }
0xa7: {  	v63 =	vor.u32 v15, v9;
	v2 =	vld.idx.msk [tilespmem:v6+s15+$0x0], $0xffff;
	[tilespmem:v11+s19+$0x0] =	vst.idx.msk $0xffff, v3  }
0xa8: {  	[tilespmem:v14+s19+$0x0] =	vst.idx.msk $0xffff, v4  }
0xa9: {  	[tilespmem:v12+s19+$0x0] =	vst.idx.msk $0xffff, v5  }
0xaa: {  	[tilespmem:v13+s19+$0x0] =	vst.idx.msk $0xffff, v7  }
0xab: {  	s0 =	sshll.u32 s25, $0xA;
	[tilespmem:v16+s19+$0x0] =	vst.idx.msk $0xffff, v8  }
0xac: {  	s0 =	sadd.s32 s6, s0;
	[tilespmem:v63+s19+$0x0] =	vst.idx.msk $0xffff, v2  }
0xad: {  	[hbm4b:s0+s4] =	stream.linear.scatter [tilespmem:s19], [sflag:$0x4], $0x2000, $0x38;
	[tilespmem:$0x9000] =	vst v63  }
.Ltmp8:
0xae: {  	s0 =	sadd.s32 s11, s24;
	(pc) =	sbr.rel .LBB2_10-.Ltmp8, $4  }
0xaf: {  	p1 =	sgt.u32 s0, $0x1E83  }
0xb0: {  	s0 =	sshll.u32 @!p1 s0, $0x7;
	s2 =	simm.s32 @!p1 $0x400  }
0xb1: {  	s3 =	simm.s32 @!p1 $0x7A1400;
	s24 =	simm.s32 @!p1 $0x2000;
	s0 =	sadd.s32 @!p1 s1, s0  }
0xb2: {  	[tilespmem:s24], [sflag:$0x2] =	stream.strided.gather @!p1 [hbm4b:s0+s2], $0x2000, s3, s2, $0x38;
	[tilespmem:$0x9000] =	vst v63  }
.LBB2_12:
0xb3: {  	_ =	sfence.sel $0x180000  }
0xb4: {  	[bflag:$0x0] =	sbarrier.arrive $0xFFFF  }
0xb5: {  	_ =	strace $0x90000047  }
0xb6: {  	s0 =	stileid.u32;
	[bflag:$0x2] =	sbarrier.arrive $0xFFFF  }
0xb7: {  	p0 =	sne.s32 s0, $0x0;
	s0 =	rddreg [dreg:$0x3]  }
0xb8: {  	s0 =	sadd.s32 @!p0 $0x100000, s0  }
0xb9: {  	[sflag:s0] =	ssyncadd.tile.s32 @!p0 $0x1;
	_ =	shalt  }
.Lfunc_end2:
_tile_overlayer_lowered:
.L_overlay_start_2:
0xba: {  	(tag) =	ssettag $0x2  }
0xbb: {  	s0 =	rddreg [dreg:$0x0];
	s2 =	stileid.u32  }
0xbc: {  	s1 =	rddreg [dreg:$0x1];
	p0 =	sne.s32 s2, $0x0  }
0xbd: {  	s3 =	rddreg [dreg:$0x2];
	[bflag:$0x3] =	sbarrier.arrive $0xFFFF;
	s2 =	simm.s32 @!p0 $0x1C05  }
0xbe: {  	[timem:s3], [sflag:s2] =	dma.local @!p0 [hbm:s0], s1  }
0xbf: {  	s0 =	simm.s32 @!p0 $0x5  }
0xc0: {  	_ =	swait.ge @!p0 [sflag:s0], s1  }
0xc1: {  	s1 =	ssub.s32 @!p0 $0x0, s1;
	[sflag:s0] =	ssyncset.done @!p0 $0x0  }
0xc2: {  	[sflag:s0] =	ssyncadd.s32 @!p0 s1  }
0xc3: {  	[bflag:$0x3] =	sbarrier.arrive $0xFFFF  }
0xc4: {  	_ =	shalt  }

// kernel: kernel.7.cloned.1.call-start
scs
__scs_entry_jumppad:
0x0: {  	(pc) =	sbr.rel $0x88, $3  }
0x1: {  	(tag) =	ssettag $0x0;
	lr =	simm.s32 $0x1  }
0x2: {  	[smem:$0x3F9F] =	sst lr;
	_ =	strace $0xD0000000  }
0x3: {  	_ = 	snop  }
0x4: {  	_ = 	snop  }
0x5: {  	_ = 	snop  }
0x6: {  	_ = 	snop  }
0x7: {  	_ = 	snop  }
__scs_overlays_trampoline_lowered:
0x8: {  	[smem:$0x3FAE] =	sst s0  }
0x9: {  	[smem:$0x3FAF] =	sst s1  }
0xa: {  	[smem:$0x3FB0] =	sst s2  }
0xb: {  	[smem:$0x3FB1] =	sst s3  }
0xc: {  	[smem:$0x3FB2] =	sst s4  }
0xd: {  	[smem:$0x3FB3] =	sst s5  }
0xe: {  	[smem:$0x3FB4] =	sst s6  }
0xf: {  	[smem:$0x3FB5] =	sst s7  }
0x10: {  	[smem:$0x3FB6] =	sst s8  }
0x11: {  	[smem:$0x3FB7] =	sst s9;
	s0 =	simm.s32 @!p0 $0x0  }
0x12: {  	s1 =	sld [smem:$0x3F9D];
	s0 =	simm.s32 @p0 $0x1  }
0x13: {  	[smem:$0x3FB8] =	sst s0;
	s0 =	simm.s32 @!p1 $0x0  }
0x14: {  	s2 =	sld [smem:$0x3F9C];
	s0 =	simm.s32 @p1 $0x1  }
0x15: {  	[smem:$0x3FB9] =	sst s0;
	s0 =	simm.s32 @!p2 $0x0  }
0x16: {  	s3 =	sld [smem:$0x3FDB];
	s0 =	simm.s32 @p2 $0x1  }
0x17: {  	s4 =	simm.s32 $0x1BF5;
	[smem:$0x3FBB] =	sst s0  }
0x18: {  	s0 =	sld [smem:$0x3F9E];
	_ =	swait.ge [sflag:s4], $0x0  }
0x19: {  	s7 =	sld [smem:$0x3F9F]  }
0x1a: {  	s8 =	sadd.s32 $0xFFFFE003, lr  }
0x1b: {  	s9 =	sadd.s32 $0xFFFFFEF7, lr;
	s5 =	simm.s32 $0xFFFFFFFF;
	p2 =	slt.u32 s8, $0xFFFFF086  }
0x1c: {  	p1 =	slt.u32 s9, $0xF7A;
	s5 =	simm.s32 @!p2 $0x0  }
0x1d: {  	s5 =	simm.s32 @p1 $0x1;
	p0 =	seq.s32 s7, s2  }
0x1e: {  	s7 =	smul.u32 @!p0 $0xF7A, s2;
	p2 =	seq.s32 @!p0 s5, $0x0  }
0x1f: {  	s9 =	smul.u32 $0xF7A, s1;
	s8 =	simm.s32 @!p0 $0x1BF5;
	p2 =	por !p2, p0  }
0x20: {  	[sflag:s8] =	ssyncset.s32 @!p0 $0xFFFFF086;
	s6 =	sadd.s32 @!p0 s3, s7;
	s7 =	simm.s32 @!p0 $0x108  }
0x21: {  	s3 =	sadd.s32 s3, s9;
	s6 =	sadd.s32 @!p0 $0x88, s6;
	s7 =	simm.s32 @p2 $0x1082  }
0x22: {  	[simem:s7], [sflag:s8] =	dma.local @!p0 [hbm:s6], $0xF7A  }
0x23: {  	s9 =	sor.u32 $0xD0000000, s2;
	s6 =	simm.s32 $0x108;
	_ =	swait.ge @!p0 [sflag:s8], $0x0  }
0x24: {  	s3 =	sadd.s32 $0x88, s3;
	s6 =	simm.s32 @!p1 $0x1082;
	[sflag:s4] =	ssyncset.s32 $0xFFFFF086  }
0x25: {  	[simem:s6], [sflag:s4] =	dma.local [hbm:s3], $0xF7A  }
0x26: {  	[smem:$0x3F9F] =	sst s1;
	(tag) =	ssettag s2;
	_ =	strace s9  }
0x27: {  	s1 =	sld [smem:$0x3FAF]  }
0x28: {  	s2 =	sld [smem:$0x3FB0]  }
0x29: {  	s4 =	sld [smem:$0x3FB2]  }
0x2a: {  	p0 =	seq.s32 s5, $0x0;
	s5 =	sld [smem:$0x3FB3]  }
0x2b: {  	s6 =	sld [smem:$0x3FB4]  }
0x2c: {  	s7 =	sld [smem:$0x3FB5]  }
0x2d: {  	s3 =	simm.s32 $0x108;
	s8 =	sld [smem:$0x3FB6]  }
0x2e: {  	s3 =	simm.s32 @!p0 $0x1082;
	s9 =	sld [smem:$0x3FB7]  }
0x2f: {  	lr =	sadd.s32 s0, s3;
	s0 =	sld [smem:$0x3FAE]  }
0x30: {  	s3 =	sld [smem:$0x3FB1]  }
0x31: {  	[smem:$0x3FBA] =	sst s10  }
0x32: {  	s10 =	sld [smem:$0x3FB8];
	_ =	sdelay $0x3  }
0x33: {  	p0 =	seq.s32 s10, $0x1;
	s10 =	sld [smem:$0x3FBA];
	_ =	sdelay $0x3  }
0x34: {  	[smem:$0x3FBA] =	sst s10  }
0x35: {  	s10 =	sld [smem:$0x3FB9];
	_ =	sdelay $0x3  }
0x36: {  	p1 =	seq.s32 s10, $0x1;
	s10 =	sld [smem:$0x3FBA];
	_ =	sdelay $0x3  }
0x37: {  	[smem:$0x3FBA] =	sst s10  }
0x38: {  	s10 =	sld [smem:$0x3FBB]  }
0x39: {  	_ = 	snop;
	(pc) =	sbr.ind lr, $3  }
0x3a: {  	_ = 	snop  }
0x3b: {  	_ = 	snop  }
0x3c: {  	p2 =	seq.s32 s10, $0x1;
	s10 =	sld [smem:$0x3FBA]  }
0x3d: {  	_ =	shalt  }
0x3e: {  	_ =	shalt  }
0x3f: {  	_ =	shalt  }
0x40: {  	_ =	shalt  }
0x41: {  	_ =	shalt  }
0x42: {  	_ =	shalt  }
0x43: {  	_ =	shalt  }
0x44: {  	_ =	shalt  }
0x45: {  	_ =	shalt  }
0x46: {  	_ =	shalt  }
0x47: {  	_ =	shalt  }
0x48: {  	_ =	shalt  }
0x49: {  	_ =	shalt  }
0x4a: {  	_ =	shalt  }
0x4b: {  	_ =	shalt  }
0x4c: {  	_ =	shalt  }
0x4d: {  	_ =	shalt  }
0x4e: {  	_ =	shalt  }
0x4f: {  	_ =	shalt  }
0x50: {  	_ =	shalt  }
0x51: {  	_ =	shalt  }
0x52: {  	_ =	shalt  }
0x53: {  	_ =	shalt  }
0x54: {  	_ =	shalt  }
0x55: {  	_ =	shalt  }
0x56: {  	_ =	shalt  }
0x57: {  	_ =	shalt  }
0x58: {  	_ =	shalt  }
0x59: {  	_ =	shalt  }
0x5a: {  	_ =	shalt  }
0x5b: {  	_ =	shalt  }
0x5c: {  	_ =	shalt  }
0x5d: {  	_ =	shalt  }
0x5e: {  	_ =	shalt  }
0x5f: {  	_ =	shalt  }
0x60: {  	_ =	shalt  }
0x61: {  	_ =	shalt  }
0x62: {  	_ =	shalt  }
0x63: {  	_ =	shalt  }
0x64: {  	_ =	shalt  }
0x65: {  	_ =	shalt  }
0x66: {  	_ =	shalt  }
0x67: {  	_ =	shalt  }
0x68: {  	_ =	shalt  }
0x69: {  	_ =	shalt  }
0x6a: {  	_ =	shalt  }
0x6b: {  	_ =	shalt  }
0x6c: {  	_ =	shalt  }
0x6d: {  	_ =	shalt  }
0x6e: {  	_ =	shalt  }
0x6f: {  	_ =	shalt  }
0x70: {  	_ =	shalt  }
0x71: {  	_ =	shalt  }
0x72: {  	_ =	shalt  }
0x73: {  	_ =	shalt  }
0x74: {  	_ =	shalt  }
0x75: {  	_ =	shalt  }
0x76: {  	_ =	shalt  }
0x77: {  	_ =	shalt  }
0x78: {  	_ =	shalt  }
0x79: {  	_ =	shalt  }
0x7a: {  	_ =	shalt  }
0x7b: {  	_ =	shalt  }
0x7c: {  	_ =	shalt  }
0x7d: {  	_ =	shalt  }
0x7e: {  	_ =	shalt  }
0x7f: {  	_ =	shalt  }
0x80: {  	_ =	shalt  }
0x81: {  	_ =	shalt  }
0x82: {  	_ =	shalt  }
0x83: {  	_ =	shalt  }
0x84: {  	_ =	shalt  }
0x85: {  	_ =	shalt  }
0x86: {  	_ =	shalt  }
0x87: {  	_ =	shalt  }
.Lfunc_end0:
.L_simem_size_0:
called_computation.1_lowered:
.L_overlay_start_0:
0x88: {  	s2 =	sld [smem:$0x3FD9]  }
0x89: {  	s3 =	sld [smem:$0x3FFE];
	_ =	sdelay $0x1  }
0x8a: {  	s1 =	srdreg.scid  }
0x8b: {  	s0 =	sand.u32 $0x1, s1  }
0x8c: {  	s17 =	sshll.u32 s0, $0xA;
	s2 =	sadd.s32 s3, s2  }
0x8d: {  	s2 =	sadd.s32 s2, s17  }
0x8e: {  	[smem:$0x3FC6] =	sst s2  }
0x8f: {  	_ = 	snop  }
0x90: {  	s2 =	sld [smem:$0x3FD0];
	(tm) =	ssettm $0x1  }
0x91: {  	s18 =	sld [smem:$0x3FFB];
	_ =	sdelay $0x3  }
0x92: {  	_ =	strace s18  }
0x93: {  	s3 =	sld [smem:$0x3FFC];
	_ =	sdelay $0x3  }
0x94: {  	_ =	strace s3  }
0x95: {  	s3 =	sld [smem:$0x3FFD];
	_ =	sdelay $0x3  }
0x96: {  	_ =	strace s3  }
0x97: {  	_ =	strace $0x8FFFFFFF  }
0x98: {  	s19 =	sld [smem:$0x3FDB];
	_ =	sdelay $0x1  }
0x99: {  	s4 =	simm.s32 $_scs_section_size  }
0x9a: {  	s5 =	simm.s32 $_size__tile_overlayer_lowered;
	s6 =	simm.s32 $_tile_overlayer_lowered  }
0x9b: {  	s22 =	simm.s32 $0x1BFF;
	s21 =	sshll.u32 s6, $0x1;
	s3 =	sadd.s32 s4, s19  }
0x9c: {  	s7 =	simm.s32 $0x0;
	s20 =	sshll.u32 s5, $0x1;
	s5 =	sadd.s32 s21, s3  }
0x9d: {  	[timem:s7], [sflag:s22] =	dma.local [hbm:s5], s20  }
0x9e: {  	_ =	swait.ge [sflag:s22], s20  }
0x9f: {  	s4 =	ssub.s32 $0x0, s20;
	[sflag:s22] =	ssyncset.done $0x0  }
0xa0: {  	[sflag:s22] =	ssyncadd.s32 s4;
	_ =	sdelay $0x1  }
0xa1: {  	s23 =	simm.s32 $0x1B8B  }
0xa2: {  	_ =	swait.ge [sflag:s23], $0x1  }
0xa3: {  	[sflag:s23] =	ssyncset.done $0x0  }
0xa4: {  	s25 =	simm.s32 $0x1B8E;
	s24 =	sld [smem:$0x3FFE];
	[sflag:s23] =	ssyncadd.s32 $0xFFFFFFFF  }
0xa5: {  	s26 =	simm.s32 $execute0_lowered;
	[smem:$0x3FD2] =	sst s25  }
0xa6: {  	s5 =	sshll.u32 s26, $0x1;
	_ =	strace $0x80000049;
	[dreg:$0x1] =	wrdreg $0xFFFFFFFF  }
0xa7: {  	s28 =	simm.s32 $_size_execute0_lowered;
	s3 =	sadd.s32 s3, s5;
	[dreg:$0x0] =	wrdreg $0x0  }
0xa8: {  	s5 =	sshll.u32 s28, $0x1;
	[dreg:$0x2] =	wrdreg s3  }
0xa9: {  	[dreg:$0x3] =	wrdreg s5  }
0xaa: {  	[dreg:$0x4] =	wrdreg $0xC0  }
0xab: {  	_ =	task [dreg:s7], $0x5FFFF  }
0xac: {  	[dreg:$0x1] =	wrdreg $0xFFFFFFFF  }
0xad: {  	[dreg:$0x0] =	wrdreg $0x60  }
0xae: {  	[dreg:$0x2] =	wrdreg s24  }
0xaf: {  	[dreg:$0x3] =	wrdreg s2  }
0xb0: {  	[dreg:$0x4] =	wrdreg $0x9  }
0xb1: {  	_ =	task.clear_ibuf [dreg:s7], $0x5FFFF;
	_ =	strace $0x90000049  }
0xb2: {  	s29 =	simm.s32 $0x9;
	_ =	strace $0x8000004B  }
0xb3: {  	_ =	swait.ge [sflag:s29], $0x1  }
0xb4: {  	[sflag:s29] =	ssyncadd.s32 $0xFFFFFFFF  }
0xb5: {  	_ =	strace $0x9000004B  }
0xb6: {  	_ =	sfence  }
0xb7: {  	s30 =	sld [smem:$0x0];
	_ =	sdelay $0x2  }
0xb8: {  	s31 =	sshll.u32 s1, $0xD;
	s1 =	sshrl.u32 s1, $0x2  }
0xb9: {  	s3 =	sand.u32 $0x4000, s31;
	s1 =	sadd.s32 s1, s30  }
0xba: {  	s0 =	sor.u32 s3, s0;
	s1 =	sshll.u32 s1, $0x11  }
0xbb: {  	s0 =	sor.u32 s1, s0  }
0xbc: {  	s0 =	sadd.s32 $0x8F2B, s0  }
0xbd: {  	[sflag:s0] =	ssyncadd.remote.s32 $0x1  }
0xbe: {  	_ =	sfence.sel $0xFFFF  }
0xbf: {  	[dreg:$0x0] =	wrdreg $0xFFFFFFFF;
	(pc) =	sbr.abs _section_cstart, $3  }
0xc0: {  	[dreg:$0x1] =	wrdreg $0xFFFFFFFF  }
0xc1: {  	_ =	task.clear_ibuf [dreg:s7], $0x2FFFF;
	_ =	strace $0x9FFFFFFF  }
0xc2: {  	(tm) =	ssettm $0x7FFFFFFF  }
0xc3: {  	_ =	shalt  }
tec
execute0_lowered:
.L_overlay_start_1:
0x0: {  	(tag) =	ssettag $0x1  }
0x1: {  	s0 =	rddreg [dreg:$0x0]  }
0x2: {  	s2 =	simm.s32 $0x0;
	s1 =	srdreg.scid;
	s21 =	stileid.u32  }
0x3: {  	s12 =	simm.s32 $0x20000;
	s16 =	simm.s32 $0x7200;
	s18 =	simm.s32 $0xB200  }
0x4: {  	s20 =	simm.s32 $0xF200;
	s28 =	simm.s32 $0x6;
	s29 =	simm.s32 $0x19200  }
0x5: {  	s30 =	simm.s32 $0x3;
	s31 =	simm.s32 $0x5;
	[smem:$0x7FF] =	sst s2  }
0x6: {  	s1 =	sand.u32 $0x1, s1;
	s2 =	sshll.u32 s21, $0xA;
	s5 =	sadd.s32 $0xA00, s0  }
0x7: {  	s3 =	sshll.u32 s1, $0x9;
	s1 =	ssub.s32 $0x2, s1;
	_ =	strace $0x8000004A  }
0x8: {  	s4 =	sor.u32 s3, s2;
	s22 =	sshrl.u32 s1, $0x1;
	s2 =	simm.s32 $0x0  }
0x9: {  	v0 =	vlaneseq.u32;
	s3 =	sadd.s32 s4, s0;
	s23 =	ssub.s32 s1, s22;
	s25 =	sor.u32 $0x80, s4  }
.Ltmp0:
0xa: {  	v0 =	vmul.u32 $0x80, v0;
	s26 =	sor.u32 $0x100, s4;
	s9 =	sor.u32 $0x180, s4;
	(pc) =	sbr.rel .LBB2_1-.Ltmp0, $4  }
0xb: {  	s22 =	simm.s32 $0x13200;
	s24 =	sadd.s32 $0x7A1E00, s3;
	[dreg:$0x4] =	wrdreg s25  }
0xc: {  	v1 =	vor.u32 $0x800, v0;
	[dreg:$0x5] =	wrdreg s26;
	s0 =	smax.u32 s23, $0x1;
	s23 =	simm.s32 $0x1  }
0xd: {  	v2 =	vor.u32 $0x1000, v0;
	v3 =	vor.u32 $0x1800, v0;
	v4 =	vor.u32 $0x2000, v0;
	s25 =	simm.s32 $0x17200;
	s26 =	simm.s32 $0x2;
	[dreg:$0x3] =	wrdreg s24  }
0xe: {  	v5 =	vor.u32 $0x2800, v0;
	v6 =	vor.u32 $0x3000, v0;
	v7 =	vor.u32 $0x3800, v0;
	[dreg:$0x6] =	wrdreg s0;
	s24 =	simm.s32 $0x400;
	s0 =	simm.s32 $0x4  }
.LBB2_16:
0xf: {  	_ =	swait.ge [sflag:s31], $0x2000  }
0x10: {  	[sflag:s31] =	ssyncset.done $0x0  }
0x11: {  	[sflag:s31] =	ssyncadd.s32 $0xFFFFE000  }
0x12: {  	_ =	swait.ge [sflag:s28], $0x2000  }
0x13: {  	s2 =	rddreg [dreg:$0x7]  }
0x14: {  	s1 =	rddreg [dreg:$0x6];
	s2 =	sadd.s32 $0x1, s2  }
0x15: {  	p0 =	sne.s32 s2, s1  }
.Ltmp1:
0x16: {  	_ = 	snop;
	(pc) =	sbr.rel @!p0 .LBB2_17-.Ltmp1, $3  }
0x17: {  	_ =	sdelay $0x1  }
0x18: {  	[sflag:s28] =	ssyncset.done $0x0  }
0x19: {  	[sflag:s28] =	ssyncadd.s32 $0xFFFFE000  }
.LBB2_1:
0x1a: {  	[dreg:$0x7] =	wrdreg s2;
	s1 =	simm.s32 $0x0  }
0x1b: {  	s13 =	rddreg [dreg:$0x3];
	s3 =	simm.s32 $0x1000;
	s14 =	simm.s32 $0x7  }
0x1c: {  	[tilespmem:s1], [sflag:$0x7] =	stream.strided.gather [hbm4b:s13+s3], $0x7000, s12, s3, $0x38;
	[tilespmem:$0x1B200] =	vst v63  }
0x1d: {  	_ =	swait.ge [sflag:s14], $0x7000  }
0x1e: {  	[sflag:s14] =	ssyncset.done $0x0  }
0x1f: {  	[sflag:s14] =	ssyncadd.s32 $0xFFFF9000  }
0x20: {  	v8 =	vld [tilespmem:$0x0]  }
0x21: {  	v9 =	vld [tilespmem:$0x10]  }
0x22: {  	v10 =	vld [tilespmem:$0x20]  }
0x23: {  	v11 =	vld [tilespmem:$0x30]  }
0x24: {  	v12 =	vld [tilespmem:$0x40]  }
0x25: {  	v13 =	vld [tilespmem:$0x50];
	v8 =	vshrl.u32 v8, $0x1  }
0x26: {  	v48 =	vld [tilespmem:$0x60];
	[tilespmem:$0x7000] =	vst v8;
	v8 =	vshrl.u32 v9, $0x1  }
0x27: {  	v49 =	vld [tilespmem:$0x70];
	[tilespmem:$0x7010] =	vst v8;
	v8 =	vshrl.u32 v10, $0x1  }
0x28: {  	[tilespmem:$0x7020] =	vst v8;
	v8 =	vshrl.u32 v11, $0x1  }
0x29: {  	[tilespmem:$0x7030] =	vst v8;
	v8 =	vshrl.u32 v12, $0x1  }
0x2a: {  	[tilespmem:$0x7040] =	vst v8;
	v8 =	vshrl.u32 v13, $0x1  }
0x2b: {  	[tilespmem:$0x7050] =	vst v8;
	v8 =	vshrl.u32 v48, $0x1  }
0x2c: {  	[tilespmem:$0x7060] =	vst v8;
	v8 =	vshrl.u32 v49, $0x1  }
0x2d: {  	s15 =	simm.s32 $0x80;
	s17 =	simm.s32 $0x7000;
	[tilespmem:$0x7070] =	vst v8  }
0x2e: {  	[tilespmem:s16], [sflag:$0x1] =	stream.indirect.gather [hbm4b:s5+s15], $0x80, s17, s15, $0xb8;
	[tilespmem:$0x1B200] =	vst v63  }
0x2f: {  	v8 =	vld [tilespmem:$0x400]  }
0x30: {  	v50 =	vld [tilespmem:$0x410]  }
0x31: {  	v51 =	vld [tilespmem:$0x420]  }
0x32: {  	v52 =	vld [tilespmem:$0x430]  }
0x33: {  	v53 =	vld [tilespmem:$0x440]  }
0x34: {  	v54 =	vld [tilespmem:$0x450];
	v8 =	vshrl.u32 v8, $0x1  }
0x35: {  	v55 =	vld [tilespmem:$0x460];
	[tilespmem:$0x7080] =	vst v8;
	v8 =	vshrl.u32 v50, $0x1  }
0x36: {  	v56 =	vld [tilespmem:$0x470];
	[tilespmem:$0x7090] =	vst v8;
	v8 =	vshrl.u32 v51, $0x1  }
0x37: {  	[tilespmem:$0x70A0] =	vst v8;
	v8 =	vshrl.u32 v52, $0x1  }
0x38: {  	[tilespmem:$0x70B0] =	vst v8;
	v8 =	vshrl.u32 v53, $0x1  }
0x39: {  	[tilespmem:$0x70C0] =	vst v8;
	v8 =	vshrl.u32 v54, $0x1  }
0x3a: {  	[tilespmem:$0x70D0] =	vst v8;
	v8 =	vshrl.u32 v55, $0x1  }
0x3b: {  	[tilespmem:$0x70E0] =	vst v8;
	v8 =	vshrl.u32 v56, $0x1  }
0x3c: {  	s19 =	simm.s32 $0x7080;
	[tilespmem:$0x70F0] =	vst v8  }
0x3d: {  	[tilespmem:s18], [sflag:$0x2] =	stream.indirect.gather [hbm4b:s5+s15], $0x80, s19, s15, $0xb8;
	[tilespmem:$0x1B200] =	vst v63  }
0x3e: {  	v8 =	vld [tilespmem:$0x800]  }
0x3f: {  	v57 =	vld [tilespmem:$0x810]  }
0x40: {  	v58 =	vld [tilespmem:$0x820]  }
0x41: {  	v59 =	vld [tilespmem:$0x830]  }
0x42: {  	v60 =	vld [tilespmem:$0x840]  }
0x43: {  	v61 =	vld [tilespmem:$0x850];
	v8 =	vshrl.u32 v8, $0x1  }
0x44: {  	v62 =	vld [tilespmem:$0x860];
	[tilespmem:$0x7100] =	vst v8;
	v8 =	vshrl.u32 v57, $0x1  }
0x45: {  	v63 =	vld [tilespmem:$0x870];
	[tilespmem:$0x7110] =	vst v8;
	v8 =	vshrl.u32 v58, $0x1  }
0x46: {  	[tilespmem:$0x7120] =	vst v8;
	v8 =	vshrl.u32 v59, $0x1  }
0x47: {  	[tilespmem:$0x7130] =	vst v8;
	v8 =	vshrl.u32 v60, $0x1  }
0x48: {  	[tilespmem:$0x7140] =	vst v8;
	v8 =	vshrl.u32 v61, $0x1  }
0x49: {  	[tilespmem:$0x7150] =	vst v8;
	v8 =	vshrl.u32 v62, $0x1  }
0x4a: {  	[tilespmem:$0x7160] =	vst v8;
	v8 =	vshrl.u32 v63, $0x1  }
0x4b: {  	s21 =	simm.s32 $0x7100;
	s11 =	simm.s32 $0x0;
	s1 =	simm.s32 $0x0;
	[tilespmem:$0x7170] =	vst v8  }
0x4c: {  	[tilespmem:s20], [sflag:$0x3] =	stream.indirect.gather [hbm4b:s5+s15], $0x80, s21, s15, $0xb8;
	[tilespmem:$0x1B200] =	vst v63  }
.LBB2_2:
0x4d: {  	v8 =	vld [tilespmem:s1+$0xC00];
	_ =	sdelay $0x4  }
0x4e: {  	v8 =	vshrl.u32 v8, $0x1  }
0x4f: {  	[tilespmem:$0x7180] =	vst v8  }
0x50: {  	v8 =	vld [tilespmem:s1+$0xC10];
	_ =	sdelay $0x4  }
0x51: {  	v8 =	vshrl.u32 v8, $0x1  }
0x52: {  	[tilespmem:$0x7190] =	vst v8  }
0x53: {  	v8 =	vld [tilespmem:s1+$0xC20];
	_ =	sdelay $0x4  }
0x54: {  	v8 =	vshrl.u32 v8, $0x1  }
0x55: {  	[tilespmem:$0x71A0] =	vst v8  }
0x56: {  	v8 =	vld [tilespmem:s1+$0xC30];
	_ =	sdelay $0x4  }
0x57: {  	v8 =	vshrl.u32 v8, $0x1  }
0x58: {  	[tilespmem:$0x71B0] =	vst v8  }
0x59: {  	v8 =	vld [tilespmem:s1+$0xC40];
	_ =	sdelay $0x4  }
0x5a: {  	v8 =	vshrl.u32 v8, $0x1  }
0x5b: {  	[tilespmem:$0x71C0] =	vst v8  }
0x5c: {  	v8 =	vld [tilespmem:s1+$0xC50];
	_ =	sdelay $0x4  }
0x5d: {  	v8 =	vshrl.u32 v8, $0x1  }
0x5e: {  	[tilespmem:$0x71D0] =	vst v8  }
0x5f: {  	v8 =	vld [tilespmem:s1+$0xC60];
	_ =	sdelay $0x4  }
0x60: {  	v8 =	vshrl.u32 v8, $0x1  }
0x61: {  	[tilespmem:$0x71E0] =	vst v8  }
0x62: {  	v8 =	vld [tilespmem:s1+$0xC70];
	_ =	sdelay $0x4  }
0x63: {  	v8 =	vshrl.u32 v8, $0x1  }
0x64: {  	s13 =	simm.s32 $0x80;
	s2 =	simm.s32 $0x7180;
	[tilespmem:$0x71F0] =	vst v8  }
0x65: {  	[tilespmem:s22], [sflag:$0x4] =	stream.indirect.gather [hbm4b:s5+s13], $0x80, s2, s13, $0xb8;
	[tilespmem:$0x1B200] =	vst v63  }
0x66: {  	_ =	swait.ge [sflag:s23], $0x4000  }
0x67: {  	p0 =	seq.s32 s11, $0x0;
	[sflag:s23] =	ssyncset.done $0x0  }
0x68: {  	s1 =	simm.s32 @!p0 $0x5;
	[sflag:s23] =	ssyncadd.s32 $0xFFFFC000  }
0x69: {  	s14 =	sshll.u32 s11, $0x9;
	s3 =	sshll.u32 s11, $0x7;
	_ =	swait.ge @!p0 [sflag:s1], $0x2000  }
0x6a: {  	s3 =	sand.u32 $0x380, s3;
	s2 =	sand.u32 $0x7000, s14;
	[sflag:s1] =	ssyncset.done @!p0 $0x0  }
0x6b: {  	s17 =	sor.u32 s3, s2;
	[sflag:s1] =	ssyncadd.s32 @!p0 $0xFFFFE000  }
0x6c: {  	v8 =	vld [tilespmem:s17+$0x0];
	_ =	sdelay $0x4  }
0x6d: {  	v8 =	vshll.u32 v8, $0x6  }
0x6e: {  	v9 =	vld [tilespmem:s17+$0x10];
	v8 =	vand.u32 $0x40, v8  }
0x6f: {  	s1 =	simm.s32 $0x0;
	v10 =	vld [tilespmem:s17+$0x20];
	v15 =	vor.u32 v0, v8  }
0x70: {  	s14 =	simm.s32 $0x7;
	v12 =	vld [tilespmem:s17+$0x40];
	v11 =	vor.u32 s1, v15  }
0x71: {  	s8 =	simm.s32 $0x1;
	v16 =	vld [tilespmem:s17+$0x50];
	v14 =	vor.u32 s14, v15  }
0x72: {  	s13 =	simm.s32 $0x2;
	v18 =	vld [tilespmem:s17+$0x60];
	v17 =	vor.u32 s8, v15  }
0x73: {  	s15 =	simm.s32 $0x3;
	v13 =	vld [tilespmem:s17+$0x70];
	v19 =	vor.u32 s13, v15  }
0x74: {  	s21 =	simm.s32 $0x4;
	v8 =	vld [tilespmem:s17+$0x30];
	v20 =	vor.u32 s15, v15  }
0x75: {  	s10 =	simm.s32 $0x5;
	v9 =	vshll.u32 v9, $0x6;
	v21 =	vor.u32 s21, v15;
	v11 =	vld.idx.msk [tilespmem:v11+s16+$0x0], $0xffff  }
0x76: {  	s7 =	simm.s32 $0x6;
	v9 =	vand.u32 $0x40, v9;
	v22 =	vor.u32 s10, v15;
	v23 =	vld.idx.msk [tilespmem:v14+s16+$0x0], $0xffff  }
0x77: {  	v14 =	vor.u32 v1, v9;
	v9 =	vld.idx.msk [tilespmem:v17+s16+$0x0], $0xffff;
	v17 =	vor.u32 s7, v15  }
0x78: {  	v19 =	vld.idx.msk [tilespmem:v19+s16+$0x0], $0xffff;
	v24 =	vor.u32 s14, v14  }
0x79: {  	v20 =	vld.idx.msk [tilespmem:v20+s16+$0x0], $0xffff;
	v25 =	vor.u32 s8, v14  }
0x7a: {  	s6 =	simm.s32 $0x17400;
	v21 =	vld.idx.msk [tilespmem:v21+s16+$0x0], $0xffff;
	v26 =	vor.u32 s13, v14  }
0x7b: {  	v22 =	vld.idx.msk [tilespmem:v22+s16+$0x0], $0xffff;
	v27 =	vor.u32 s15, v14;
	[tilespmem:s6+$0x180] =	vst v23  }
0x7c: {  	v10 =	vshll.u32 v10, $0x6;
	v28 =	vor.u32 s21, v14;
	v17 =	vld.idx.msk [tilespmem:v17+s16+$0x0], $0xffff;
	[tilespmem:s6+$0xFFFFFE80] =	vst v9  }
0x7d: {  	v10 =	vand.u32 $0x40, v10;
	v23 =	vor.u32 s10, v14;
	[tilespmem:s6+$0xFFFFFF00] =	vst v19;
	v24 =	vld.idx.msk [tilespmem:v24+s16+$0x0], $0xffff  }
0x7e: {  	v9 =	vor.u32 v2, v10;
	v10 =	vor.u32 s7, v14;
	[tilespmem:s6+$0xFFFFFF80] =	vst v20;
	v25 =	vld.idx.msk [tilespmem:v25+s16+$0x0], $0xffff  }
0x7f: {  	[tilespmem:s6+$0x0] =	vst v21;
	v19 =	vld.idx.msk [tilespmem:v26+s16+$0x0], $0xffff;
	v26 =	vor.u32 s1, v14  }
0x80: {  	[tilespmem:s6+$0x80] =	vst v22;
	v20 =	vor.u32 s14, v9;
	v27 =	vld.idx.msk [tilespmem:v27+s16+$0x0], $0xffff  }
0x81: {  	[tilespmem:s6+$0xFFFFFE00] =	vst v11;
	v21 =	vor.u32 s8, v9;
	v28 =	vld.idx.msk [tilespmem:v28+s16+$0x0], $0xffff  }
0x82: {  	v8 =	vshll.u32 v8, $0x6;
	v22 =	vor.u32 s13, v9;
	v23 =	vld.idx.msk [tilespmem:v23+s16+$0x0], $0xffff;
	[tilespmem:s6+$0x100] =	vst v17  }
0x83: {  	v8 =	vand.u32 $0x40, v8;
	v11 =	vor.u32 s21, v9;
	v29 =	vld.idx.msk [tilespmem:v10+s16+$0x0], $0xffff;
	[tilespmem:s6+$0x190] =	vst v24  }
0x84: {  	v17 =	vor.u32 s15, v9;
	v10 =	vor.u32 v3, v8;
	v8 =	vld.idx.msk [tilespmem:v26+s16+$0x0], $0xffff;
	[tilespmem:s6+$0xFFFFFE90] =	vst v25  }
0x85: {  	v24 =	vor.u32 s10, v9;
	[tilespmem:s6+$0xFFFFFF10] =	vst v19;
	v20 =	vld.idx.msk [tilespmem:v20+s16+$0x0], $0xffff  }
0x86: {  	[tilespmem:s6+$0xFFFFFF90] =	vst v27;
	v25 =	vor.u32 s7, v9;
	v21 =	vld.idx.msk [tilespmem:v21+s16+$0x0], $0xffff  }
0x87: {  	v26 =	vor.u32 s1, v9;
	[tilespmem:s6+$0x10] =	vst v28;
	v22 =	vld.idx.msk [tilespmem:v22+s16+$0x0], $0xffff  }
0x88: {  	v19 =	vor.u32 s14, v10;
	v28 =	vld.idx.msk [tilespmem:v11+s16+$0x0], $0xffff;
	[tilespmem:s6+$0x90] =	vst v23  }
0x89: {  	v27 =	vor.u32 s8, v10;
	v17 =	vld.idx.msk [tilespmem:v17+s16+$0x0], $0xffff;
	[tilespmem:s6+$0x110] =	vst v29  }
0x8a: {  	v11 =	vshll.u32 v12, $0x6;
	v12 =	vor.u32 s13, v10;
	v23 =	vld.idx.msk [tilespmem:v24+s16+$0x0], $0xffff;
	[tilespmem:s6+$0xFFFFFE10] =	vst v8  }
0x8b: {  	v8 =	vor.u32 s21, v10;
	[tilespmem:s6+$0x1A0] =	vst v20;
	v24 =	vld.idx.msk [tilespmem:v25+s16+$0x0], $0xffff  }
0x8c: {  	v20 =	vor.u32 s15, v10;
	v25 =	vld.idx.msk [tilespmem:v26+s16+$0x0], $0xffff;
	[tilespmem:s6+$0xFFFFFEA0] =	vst v21  }
0x8d: {  	v11 =	vand.u32 $0x40, v11;
	[tilespmem:s6+$0xFFFFFF20] =	vst v22;
	v22 =	vor.u32 s10, v10;
	v19 =	vld.idx.msk [tilespmem:v19+s16+$0x0], $0xffff  }
0x8e: {  	v11 =	vor.u32 v4, v11;
	[tilespmem:s6+$0x20] =	vst v28;
	v26 =	vld.idx.msk [tilespmem:v27+s16+$0x0], $0xffff;
	v27 =	vor.u32 s1, v10  }
0x8f: {  	v21 =	vor.u32 s14, v11;
	v12 =	vld.idx.msk [tilespmem:v12+s16+$0x0], $0xffff;
	[tilespmem:s6+$0xFFFFFFA0] =	vst v17  }
0x90: {  	v28 =	vor.u32 s8, v11;
	v29 =	vld.idx.msk [tilespmem:v8+s16+$0x0], $0xffff;
	[tilespmem:s6+$0xA0] =	vst v23  }
0x91: {  	v16 =	vshll.u32 v16, $0x6;
	v17 =	vor.u32 s7, v10;
	v20 =	vld.idx.msk [tilespmem:v20+s16+$0x0], $0xffff;
	[tilespmem:s6+$0x120] =	vst v24  }
0x92: {  	v8 =	vand.u32 $0x40, v16;
	v16 =	vor.u32 s13, v11;
	v22 =	vld.idx.msk [tilespmem:v22+s16+$0x0], $0xffff;
	[tilespmem:s6+$0xFFFFFE20] =	vst v25  }
0x93: {  	v25 =	vor.u32 s21, v11;
	[tilespmem:s6+$0x1B0] =	vst v19;
	v24 =	vld.idx.msk [tilespmem:v27+s16+$0x0], $0xffff  }
0x94: {  	[tilespmem:s6+$0xFFFFFEB0] =	vst v26;
	v27 =	vor.u32 s10, v11;
	v19 =	vld.idx.msk [tilespmem:v21+s16+$0x0], $0xffff  }
0x95: {  	v8 =	vor.u32 v5, v8;
	[tilespmem:s6+$0xFFFFFF30] =	vst v12;
	v21 =	vor.u32 s15, v11;
	v26 =	vld.idx.msk [tilespmem:v28+s16+$0x0], $0xffff  }
0x96: {  	v23 =	vor.u32 s14, v8;
	v17 =	vld.idx.msk [tilespmem:v17+s16+$0x0], $0xffff;
	[tilespmem:s6+$0x30] =	vst v29  }
0x97: {  	v12 =	vshll.u32 v18, $0x6;
	v18 =	vor.u32 s1, v11;
	v16 =	vld.idx.msk [tilespmem:v16+s16+$0x0], $0xffff;
	[tilespmem:s6+$0xFFFFFFB0] =	vst v20  }
0x98: {  	v20 =	vor.u32 s7, v11;
	v25 =	vld.idx.msk [tilespmem:v25+s16+$0x0], $0xffff;
	[tilespmem:s6+$0xB0] =	vst v22  }
0x99: {  	v28 =	vor.u32 s13, v8;
	v22 =	vld.idx.msk [tilespmem:v27+s16+$0x0], $0xffff;
	[tilespmem:s6+$0xFFFFFE30] =	vst v24  }
0x9a: {  	v12 =	vand.u32 $0x40, v12;
	v21 =	vld.idx.msk [tilespmem:v21+s16+$0x0], $0xffff;
	[tilespmem:s6+$0x1C0] =	vst v19;
	v19 =	vor.u32 s8, v8  }
0x9b: {  	v12 =	vor.u32 v6, v12;
	[tilespmem:s6+$0xFFFFFEC0] =	vst v26;
	v26 =	vor.u32 s21, v8;
	v23 =	vld.idx.msk [tilespmem:v23+s16+$0x0], $0xffff  }
0x9c: {  	v18 =	vld.idx.msk [tilespmem:v18+s16+$0x0], $0xffff;
	[tilespmem:s6+$0x130] =	vst v17;
	v17 =	vor.u32 s14, v12  }
0x9d: {  	v24 =	vor.u32 s15, v8;
	[tilespmem:s6+$0xFFFFFF40] =	vst v16;
	v20 =	vld.idx.msk [tilespmem:v20+s16+$0x0], $0xffff  }
0x9e: {  	v16 =	vor.u32 s10, v8;
	v27 =	vld.idx.msk [tilespmem:v28+s16+$0x0], $0xffff;
	[tilespmem:s6+$0x40] =	vst v25  }
0x9f: {  	v28 =	vor.u32 s7, v8;
	[tilespmem:s6+$0xC0] =	vst v22;
	v19 =	vld.idx.msk [tilespmem:v19+s16+$0x0], $0xffff  }
0xa0: {  	v25 =	vld.idx.msk [tilespmem:v26+s16+$0x0], $0xffff;
	v26 =	vor.u32 s13, v12;
	[tilespmem:s6+$0x1D0] =	vst v23  }
0xa1: {  	v13 =	vshll.u32 v13, $0x6;
	[tilespmem:s6+$0xFFFFFFC0] =	vst v21;
	v23 =	vor.u32 s1, v8;
	v17 =	vld.idx.msk [tilespmem:v17+s16+$0x0], $0xffff  }
0xa2: {  	v13 =	vand.u32 $0x40, v13;
	v21 =	vor.u32 s8, v12;
	[tilespmem:s6+$0xFFFFFE40] =	vst v18;
	v24 =	vld.idx.msk [tilespmem:v24+s16+$0x0], $0xffff  }
0xa3: {  	v13 =	vor.u32 v7, v13;
	v18 =	vor.u32 s15, v12;
	v16 =	vld.idx.msk [tilespmem:v16+s16+$0x0], $0xffff;
	[tilespmem:s6+$0x140] =	vst v20  }
0xa4: {  	v22 =	vor.u32 s14, v13;
	[tilespmem:s6+$0xFFFFFF50] =	vst v27;
	v28 =	vld.idx.msk [tilespmem:v28+s16+$0x0], $0xffff  }
0xa5: {  	[tilespmem:s6+$0xFFFFFED0] =	vst v19;
	v19 =	vor.u32 s21, v12;
	v30 =	vld.idx.msk [tilespmem:v26+s16+$0x0], $0xffff  }
0xa6: {  	v23 =	vld.idx.msk [tilespmem:v23+s16+$0x0], $0xffff;
	[tilespmem:s6+$0x1E0] =	vst v17;
	v17 =	vor.u32 s7, v12  }
0xa7: {  	v27 =	vor.u32 s1, v12;
	v29 =	vld.idx.msk [tilespmem:v21+s16+$0x0], $0xffff;
	[tilespmem:s6+$0xFFFFFFD0] =	vst v24  }
0xa8: {  	s19 =	simm.s32 $0x8;
	v20 =	vor.u32 s10, v12;
	v31 =	vld.idx.msk [tilespmem:v18+s16+$0x0], $0xffff  }
0xa9: {  	[tilespmem:s6+$0x50] =	vst v25;
	v24 =	vor.u32 s19, v15;
	v22 =	vld.idx.msk [tilespmem:v22+s16+$0x0], $0xffff  }
0xaa: {  	v32 =	vor.u32 s8, v13;
	[tilespmem:s6+$0x150] =	vst v28;
	v21 =	vld.idx.msk [tilespmem:v19+s16+$0x0], $0xffff  }
0xab: {  	v33 =	vor.u32 s13, v13;
	[tilespmem:s6+$0xFFFFFE50] =	vst v23;
	v18 =	vld.idx.msk [tilespmem:v17+s16+$0x0], $0xffff  }
0xac: {  	[tilespmem:s6+$0xD0] =	vst v16;
	v17 =	vld.idx.msk [tilespmem:v27+s16+$0x0], $0xffff;
	v27 =	vor.u32 s15, v13  }
0xad: {  	v26 =	vor.u32 s21, v13;
	v20 =	vld.idx.msk [tilespmem:v20+s16+$0x0], $0xffff;
	[tilespmem:s6+$0xFFFFFF60] =	vst v30  }
0xae: {  	v25 =	vor.u32 s10, v13;
	v16 =	vld.idx.msk [tilespmem:v24+s16+$0x0], $0xffff;
	[tilespmem:s6+$0xFFFFFEE0] =	vst v29  }
0xaf: {  	v24 =	vor.u32 s7, v13;
	v19 =	vld.idx.msk [tilespmem:v32+s16+$0x0], $0xffff;
	[tilespmem:s6+$0xFFFFFFE0] =	vst v31  }
0xb0: {  	s3 =	sshll.u32 s11, $0x2;
	s13 =	simm.s32 $0x10;
	s10 =	simm.s32 $0xF;
	v23 =	vor.u32 s1, v13;
	[tilespmem:s6+$0x1F0] =	vst v22;
	v22 =	vld.idx.msk [tilespmem:v33+s16+$0x0], $0xffff  }
.LBB2_3:
0xb1: {  	p1 =	slt.u32 s13, $0x38;
	s2 =	sadd.s32 $0x1, s19;
	v28 =	vor.u32 s10, v15;
	v27 =	vld.idx.msk [tilespmem:v27+s16+$0x0], $0xffff;
	[tilespmem:s6+$0x60] =	vst v21  }
0xb2: {  	s15 =	sadd.s32 $0x2, s19;
	v21 =	vor.u32 s2, v15;
	v26 =	vld.idx.msk [tilespmem:v26+s16+$0x0], $0xffff;
	[tilespmem:s6+$0xE0] =	vst v20  }
0xb3: {  	s1 =	sadd.s32 $0x3, s19;
	v20 =	vor.u32 s15, v15;
	v25 =	vld.idx.msk [tilespmem:v25+s16+$0x0], $0xffff;
	[tilespmem:s6+$0x160] =	vst v18  }
0xb4: {  	s21 =	sadd.s32 $0x4, s19;
	v18 =	vor.u32 s1, v15;
	[tilespmem:s6+$0xFFFFFE60] =	vst v17;
	v17 =	vld.idx.msk [tilespmem:v24+s16+$0x0], $0xffff  }
0xb5: {  	s14 =	sadd.s32 $0x5, s19;
	v24 =	vor.u32 s21, v15;
	v23 =	vld.idx.msk [tilespmem:v23+s16+$0x0], $0xffff;
	[tilespmem:s6+$0xFFFFFEF0] =	vst v19  }
0xb6: {  	s7 =	sadd.s32 $0x6, s19;
	v19 =	vor.u32 s14, v15;
	v28 =	vld.idx.msk [tilespmem:v28+s16+$0x0], $0xffff;
	[tilespmem:s6+$0xFFFFFF70] =	vst v22  }
0xb7: {  	v22 =	vor.u32 s7, v15;
	v21 =	vld.idx.msk [tilespmem:v21+s16+$0x0], $0xffff;
	[tilespmem:s6+$0xFFFFFFF0] =	vst v27  }
0xb8: {  	v27 =	vor.u32 s10, v14;
	v20 =	vld.idx.msk [tilespmem:v20+s16+$0x0], $0xffff;
	[tilespmem:s6+$0x70] =	vst v26  }
0xb9: {  	v26 =	vor.u32 s2, v14;
	v18 =	vld.idx.msk [tilespmem:v18+s16+$0x0], $0xffff;
	[tilespmem:s6+$0xF0] =	vst v25  }
0xba: {  	v25 =	vor.u32 s15, v14;
	v24 =	vld.idx.msk [tilespmem:v24+s16+$0x0], $0xffff;
	[tilespmem:s6+$0x170] =	vst v17  }
0xbb: {  	v17 =	vor.u32 s1, v14;
	v19 =	vld.idx.msk [tilespmem:v19+s16+$0x0], $0xffff;
	[tilespmem:s6+$0xFFFFFE70] =	vst v23;
	s6 =	sadd.s32 $0x400, s6  }
0xbc: {  	v23 =	vor.u32 s21, v14;
	v22 =	vld.idx.msk [tilespmem:v22+s16+$0x0], $0xffff;
	[tilespmem:s6+$0x180] =	vst v28  }
0xbd: {  	[tilespmem:s6+$0xFFFFFE80] =	vst v21;
	v21 =	vor.u32 s14, v14;
	v27 =	vld.idx.msk [tilespmem:v27+s16+$0x0], $0xffff  }
0xbe: {  	v26 =	vld.idx.msk [tilespmem:v26+s16+$0x0], $0xffff;
	[tilespmem:s6+$0xFFFFFF00] =	vst v20;
	v20 =	vor.u32 s7, v14  }
0xbf: {  	v25 =	vld.idx.msk [tilespmem:v25+s16+$0x0], $0xffff;
	[tilespmem:s6+$0xFFFFFF80] =	vst v18;
	v18 =	vor.u32 s10, v9  }
0xc0: {  	v28 =	vor.u32 s19, v14;
	v17 =	vld.idx.msk [tilespmem:v17+s16+$0x0], $0xffff;
	[tilespmem:s6+$0x0] =	vst v24  }
0xc1: {  	v24 =	vor.u32 s2, v9;
	v23 =	vld.idx.msk [tilespmem:v23+s16+$0x0], $0xffff;
	[tilespmem:s6+$0x80] =	vst v19  }
0xc2: {  	v19 =	vor.u32 s15, v9;
	v21 =	vld.idx.msk [tilespmem:v21+s16+$0x0], $0xffff;
	[tilespmem:s6+$0x100] =	vst v22  }
0xc3: {  	v22 =	vor.u32 s1, v9;
	v20 =	vld.idx.msk [tilespmem:v20+s16+$0x0], $0xffff;
	[tilespmem:s6+$0x190] =	vst v27  }
0xc4: {  	[tilespmem:s6+$0xFFFFFE00] =	vst v16;
	v16 =	vor.u32 s21, v9;
	v18 =	vld.idx.msk [tilespmem:v18+s16+$0x0], $0xffff  }
0xc5: {  	v27 =	vld.idx.msk [tilespmem:v28+s16+$0x0], $0xffff;
	[tilespmem:s6+$0xFFFFFE90] =	vst v26;
	v26 =	vor.u32 s14, v9  }
0xc6: {  	v24 =	vld.idx.msk [tilespmem:v24+s16+$0x0], $0xffff;
	[tilespmem:s6+$0xFFFFFF10] =	vst v25;
	v25 =	vor.u32 s10, v10  }
0xc7: {  	v19 =	vld.idx.msk [tilespmem:v19+s16+$0x0], $0xffff;
	[tilespmem:s6+$0xFFFFFF90] =	vst v17;
	v17 =	vor.u32 s7, v9  }
0xc8: {  	v28 =	vor.u32 s19, v9;
	v22 =	vld.idx.msk [tilespmem:v22+s16+$0x0], $0xffff;
	[tilespmem:s6+$0x10] =	vst v23  }
0xc9: {  	v23 =	vor.u32 s2, v10;
	v16 =	vld.idx.msk [tilespmem:v16+s16+$0x0], $0xffff;
	[tilespmem:s6+$0x90] =	vst v21  }
0xca: {  	v21 =	vor.u32 s15, v10;
	v26 =	vld.idx.msk [tilespmem:v26+s16+$0x0], $0xffff;
	[tilespmem:s6+$0x1A0] =	vst v18  }
0xcb: {  	v18 =	vor.u32 s1, v10;
	[tilespmem:s6+$0x110] =	vst v20;
	v20 =	vld.idx.msk [tilespmem:v25+s16+$0x0], $0xffff  }
0xcc: {  	v25 =	vor.u32 s21, v10;
	[tilespmem:s6+$0xFFFFFE10] =	vst v27;
	v17 =	vld.idx.msk [tilespmem:v17+s16+$0x0], $0xffff  }
0xcd: {  	v27 =	vld.idx.msk [tilespmem:v28+s16+$0x0], $0xffff;
	[tilespmem:s6+$0xFFFFFEA0] =	vst v24;
	v24 =	vor.u32 s10, v11  }
0xce: {  	v23 =	vld.idx.msk [tilespmem:v23+s16+$0x0], $0xffff;
	[tilespmem:s6+$0xFFFFFF20] =	vst v19;
	v19 =	vor.u32 s14, v10  }
0xcf: {  	v21 =	vld.idx.msk [tilespmem:v21+s16+$0x0], $0xffff;
	[tilespmem:s6+$0xFFFFFFA0] =	vst v22;
	v22 =	vor.u32 s7, v10  }
0xd0: {  	v28 =	vor.u32 s19, v10;
	v18 =	vld.idx.msk [tilespmem:v18+s16+$0x0], $0xffff;
	[tilespmem:s6+$0x20] =	vst v16  }
0xd1: {  	v16 =	vor.u32 s2, v11;
	v25 =	vld.idx.msk [tilespmem:v25+s16+$0x0], $0xffff;
	[tilespmem:s6+$0x1B0] =	vst v20  }
0xd2: {  	v20 =	vor.u32 s15, v11;
	[tilespmem:s6+$0xA0] =	vst v26;
	v24 =	vld.idx.msk [tilespmem:v24+s16+$0x0], $0xffff  }
0xd3: {  	v26 =	vor.u32 s1, v11;
	v19 =	vld.idx.msk [tilespmem:v19+s16+$0x0], $0xffff;
	[tilespmem:s6+$0x120] =	vst v17  }
0xd4: {  	[tilespmem:s6+$0xFFFFFE20] =	vst v27;
	v17 =	vld.idx.msk [tilespmem:v22+s16+$0x0], $0xffff;
	v22 =	vor.u32 s10, v8  }
0xd5: {  	v27 =	vld.idx.msk [tilespmem:v28+s16+$0x0], $0xffff;
	[tilespmem:s6+$0xFFFFFEB0] =	vst v23;
	v23 =	vor.u32 s21, v11  }
0xd6: {  	v16 =	vld.idx.msk [tilespmem:v16+s16+$0x0], $0xffff;
	[tilespmem:s6+$0xFFFFFF30] =	vst v21;
	v21 =	vor.u32 s14, v11  }
0xd7: {  	v20 =	vld.idx.msk [tilespmem:v20+s16+$0x0], $0xffff;
	[tilespmem:s6+$0xFFFFFFB0] =	vst v18;
	v18 =	vor.u32 s7, v11  }
0xd8: {  	v28 =	vor.u32 s19, v11;
	v26 =	vld.idx.msk [tilespmem:v26+s16+$0x0], $0xffff;
	[tilespmem:s6+$0x1C0] =	vst v24  }
0xd9: {  	v24 =	vor.u32 s2, v8;
	[tilespmem:s6+$0x30] =	vst v25;
	v22 =	vld.idx.msk [tilespmem:v22+s16+$0x0], $0xffff  }
0xda: {  	v25 =	vor.u32 s15, v8;
	v23 =	vld.idx.msk [tilespmem:v23+s16+$0x0], $0xffff;
	[tilespmem:s6+$0xB0] =	vst v19  }
0xdb: {  	v19 =	vld.idx.msk [tilespmem:v21+s16+$0x0], $0xffff;
	[tilespmem:s6+$0x130] =	vst v17;
	v17 =	vor.u32 s10, v12  }
0xdc: {  	v21 =	vor.u32 s1, v8;
	[tilespmem:s6+$0xFFFFFE30] =	vst v27;
	v18 =	vld.idx.msk [tilespmem:v18+s16+$0x0], $0xffff  }
0xdd: {  	v27 =	vld.idx.msk [tilespmem:v28+s16+$0x0], $0xffff;
	[tilespmem:s6+$0xFFFFFEC0] =	vst v16;
	v16 =	vor.u32 s21, v8  }
0xde: {  	v24 =	vld.idx.msk [tilespmem:v24+s16+$0x0], $0xffff;
	[tilespmem:s6+$0xFFFFFF40] =	vst v20;
	v20 =	vor.u32 s14, v8  }
0xdf: {  	v28 =	vor.u32 s7, v8;
	v25 =	vld.idx.msk [tilespmem:v25+s16+$0x0], $0xffff;
	[tilespmem:s6+$0x1D0] =	vst v22  }
0xe0: {  	v22 =	vor.u32 s19, v8;
	[tilespmem:s6+$0xFFFFFFC0] =	vst v26;
	v17 =	vld.idx.msk [tilespmem:v17+s16+$0x0], $0xffff  }
0xe1: {  	v26 =	vor.u32 s2, v12;
	v21 =	vld.idx.msk [tilespmem:v21+s16+$0x0], $0xffff;
	[tilespmem:s6+$0x40] =	vst v23  }
0xe2: {  	v16 =	vld.idx.msk [tilespmem:v16+s16+$0x0], $0xffff;
	[tilespmem:s6+$0xC0] =	vst v19;
	v19 =	vor.u32 s10, v13  }
0xe3: {  	v23 =	vor.u32 s15, v12;
	v20 =	vld.idx.msk [tilespmem:v20+s16+$0x0], $0xffff;
	[tilespmem:s6+$0x140] =	vst v18  }
0xe4: {  	v18 =	vor.u32 s1, v12;
	[tilespmem:s6+$0xFFFFFE40] =	vst v27;
	v27 =	vld.idx.msk [tilespmem:v28+s16+$0x0], $0xffff  }
0xe5: {  	v22 =	vld.idx.msk [tilespmem:v22+s16+$0x0], $0xffff;
	[tilespmem:s6+$0xFFFFFED0] =	vst v24;
	v24 =	vor.u32 s21, v12  }
0xe6: {  	v28 =	vld.idx.msk [tilespmem:v26+s16+$0x0], $0xffff;
	v26 =	vor.u32 s14, v12;
	[tilespmem:s6+$0x1E0] =	vst v17  }
0xe7: {  	v17 =	vor.u32 s7, v12;
	[tilespmem:s6+$0xFFFFFF50] =	vst v25;
	v19 =	vld.idx.msk [tilespmem:v19+s16+$0x0], $0xffff  }
0xe8: {  	v25 =	vor.u32 s19, v12;
	v23 =	vld.idx.msk [tilespmem:v23+s16+$0x0], $0xffff;
	[tilespmem:s6+$0xFFFFFFD0] =	vst v21  }
0xe9: {  	v29 =	vor.u32 s13, v15;
	v30 =	vld.idx.msk [tilespmem:v18+s16+$0x0], $0xffff;
	[tilespmem:s6+$0x50] =	vst v16  }
0xea: {  	v31 =	vor.u32 s2, v13;
	v21 =	vld.idx.msk [tilespmem:v24+s16+$0x0], $0xffff;
	[tilespmem:s6+$0xD0] =	vst v20  }
0xeb: {  	v32 =	vor.u32 s15, v13;
	v20 =	vld.idx.msk [tilespmem:v26+s16+$0x0], $0xffff;
	[tilespmem:s6+$0x150] =	vst v27  }
.Ltmp2:
0xec: {  	v27 =	vor.u32 s1, v13;
	[tilespmem:s6+$0xFFFFFE50] =	vst v22;
	v18 =	vld.idx.msk [tilespmem:v17+s16+$0x0], $0xffff;
	(pc) =	sbr.rel @p1 .LBB2_3-.Ltmp2, $4  }
0xed: {  	v26 =	vor.u32 s21, v13;
	v17 =	vld.idx.msk [tilespmem:v25+s16+$0x0], $0xffff;
	[tilespmem:s6+$0x1F0] =	vst v19  }
0xee: {  	v25 =	vor.u32 s14, v13;
	v16 =	vld.idx.msk [tilespmem:v29+s16+$0x0], $0xffff;
	[tilespmem:s6+$0xFFFFFEE0] =	vst v28  }
0xef: {  	v24 =	vor.u32 s7, v13;
	v19 =	vld.idx.msk [tilespmem:v31+s16+$0x0], $0xffff;
	[tilespmem:s6+$0xFFFFFF60] =	vst v23  }
0xf0: {  	s10 =	sadd.s32 $0x7, s13;
	v23 =	vor.u32 s19, v13;
	s19 =	smov.u32 s13;
	s13 =	sadd.s32 $0x8, s13;
	v22 =	vld.idx.msk [tilespmem:v32+s16+$0x0], $0xffff;
	[tilespmem:s6+$0xFFFFFFE0] =	vst v30  }
0xf1: {  	_ =	sdelay $0x1  }
0xf2: {  	[tilespmem:s6+$0x60] =	vst v21  }
0xf3: {  	[tilespmem:s6+$0xE0] =	vst v20  }
0xf4: {  	v55 =	vor.u32 s10, v15;
	v27 =	vld.idx.msk [tilespmem:v27+s16+$0x0], $0xffff;
	[tilespmem:s6+$0x160] =	vst v18  }
0xf5: {  	s2 =	sadd.s32 $0x1, s19;
	s1 =	sadd.s32 $0x400, s6;
	v36 =	vor.u32 s19, v14;
	v26 =	vld.idx.msk [tilespmem:v26+s16+$0x0], $0xffff;
	[tilespmem:s6+$0xFFFFFE60] =	vst v17  }
0xf6: {  	s7 =	sadd.s32 $0x2, s19;
	s8 =	sadd.s32 $0x3, s19;
	v62 =	vor.u32 s10, v14;
	v56 =	vor.u32 s2, v15;
	v25 =	vld.idx.msk [tilespmem:v25+s16+$0x0], $0xffff;
	[tilespmem:s1+$0xFFFFFE00] =	vst v16  }
0xf7: {  	v57 =	vor.u32 s7, v15;
	v58 =	vor.u32 s8, v15;
	v24 =	vld.idx.msk [tilespmem:v24+s16+$0x0], $0xffff;
	[tilespmem:s6+$0xFFFFFEF0] =	vst v19  }
0xf8: {  	s13 =	sadd.s32 $0x4, s19;
	v63 =	vor.u32 s2, v14;
	v28 =	vor.u32 s7, v14;
	v23 =	vld.idx.msk [tilespmem:v23+s16+$0x0], $0xffff;
	[tilespmem:s6+$0xFFFFFF70] =	vst v22  }
0xf9: {  	s14 =	sadd.s32 $0x5, s19;
	s15 =	sadd.s32 $0x6, s19;
	v59 =	vor.u32 s13, v15;
	v29 =	vor.u32 s8, v14;
	v30 =	vor.u32 s13, v14;
	v21 =	vld.idx.msk [tilespmem:v55+s16+$0x0], $0xffff;
	[tilespmem:s6+$0xFFFFFFF0] =	vst v27  }
0xfa: {  	v60 =	vor.u32 s14, v15;
	v32 =	vor.u32 s14, v14;
	v35 =	vor.u32 s15, v14;
	v14 =	vld.idx.msk [tilespmem:v36+s16+$0x0], $0xffff;
	[tilespmem:s6+$0x70] =	vst v26  }
0xfb: {  	v61 =	vor.u32 s15, v15;
	v20 =	vld.idx.msk [tilespmem:v56+s16+$0x0], $0xffff;
	[tilespmem:s6+$0xF0] =	vst v25  }
0xfc: {  	v18 =	vld.idx.msk [tilespmem:v57+s16+$0x0], $0xffff;
	[tilespmem:s6+$0x170] =	vst v24  }
0xfd: {  	v46 =	vor.u32 s19, v9;
	v17 =	vld.idx.msk [tilespmem:v58+s16+$0x0], $0xffff;
	[tilespmem:s6+$0xFFFFFE70] =	vst v23  }
0xfe: {  	v19 =	vld.idx.msk [tilespmem:v59+s16+$0x0], $0xffff;
	[tilespmem:s1+$0x180] =	vst v21  }
0xff: {  	v34 =	vor.u32 s10, v9;
	v22 =	vld.idx.msk [tilespmem:v60+s16+$0x0], $0xffff;
	[tilespmem:s1+$0xFFFFFE10] =	vst v14  }
0x100: {  	v37 =	vor.u32 s2, v9;
	v38 =	vor.u32 s7, v9;
	v15 =	vld.idx.msk [tilespmem:v61+s16+$0x0], $0xffff;
	[tilespmem:s1+$0xFFFFFE80] =	vst v20  }
0x101: {  	v39 =	vor.u32 s8, v9;
	v41 =	vor.u32 s13, v9;
	v31 =	vld.idx.msk [tilespmem:v62+s16+$0x0], $0xffff;
	[tilespmem:s1+$0xFFFFFF00] =	vst v18  }
0x102: {  	v43 =	vor.u32 s14, v9;
	v45 =	vor.u32 s15, v9;
	[tilespmem:s1+$0xFFFFFF80] =	vst v17;
	v9 =	vld.idx.msk [tilespmem:v46+s16+$0x0], $0xffff  }
0x103: {  	[tilespmem:s1+$0x0] =	vst v19;
	v33 =	vld.idx.msk [tilespmem:v63+s16+$0x0], $0xffff  }
0x104: {  	[tilespmem:s1+$0x80] =	vst v22;
	v23 =	vld.idx.msk [tilespmem:v28+s16+$0x0], $0xffff  }
0x105: {  	v57 =	vor.u32 s19, v10;
	[tilespmem:s1+$0x100] =	vst v15;
	v21 =	vld.idx.msk [tilespmem:v29+s16+$0x0], $0xffff  }
0x106: {  	v20 =	vld.idx.msk [tilespmem:v30+s16+$0x0], $0xffff;
	[tilespmem:s1+$0x190] =	vst v31  }
0x107: {  	v42 =	vor.u32 s10, v10;
	v18 =	vld.idx.msk [tilespmem:v32+s16+$0x0], $0xffff;
	[tilespmem:s1+$0xFFFFFE20] =	vst v9  }
0x108: {  	v47 =	vor.u32 s2, v10;
	v48 =	vor.u32 s7, v10;
	v40 =	vld.idx.msk [tilespmem:v35+s16+$0x0], $0xffff;
	[tilespmem:s1+$0xFFFFFE90] =	vst v33  }
0x109: {  	v50 =	vor.u32 s8, v10;
	v53 =	vor.u32 s13, v10;
	v24 =	vld.idx.msk [tilespmem:v34+s16+$0x0], $0xffff;
	[tilespmem:s1+$0xFFFFFF10] =	vst v23  }
0x10a: {  	v55 =	vor.u32 s14, v10;
	v56 =	vor.u32 s15, v10;
	[tilespmem:s1+$0xFFFFFF90] =	vst v21;
	v10 =	vld.idx.msk [tilespmem:v57+s16+$0x0], $0xffff  }
0x10b: {  	[tilespmem:s1+$0x10] =	vst v20;
	v15 =	vld.idx.msk [tilespmem:v37+s16+$0x0], $0xffff  }
0x10c: {  	[tilespmem:s1+$0x90] =	vst v18;
	v44 =	vld.idx.msk [tilespmem:v38+s16+$0x0], $0xffff  }
0x10d: {  	v27 =	vor.u32 s19, v11;
	[tilespmem:s1+$0x110] =	vst v40;
	v16 =	vld.idx.msk [tilespmem:v39+s16+$0x0], $0xffff  }
0x10e: {  	v19 =	vld.idx.msk [tilespmem:v41+s16+$0x0], $0xffff;
	[tilespmem:s1+$0x1A0] =	vst v24  }
0x10f: {  	v58 =	vor.u32 s2, v11;
	v49 =	vld.idx.msk [tilespmem:v43+s16+$0x0], $0xffff;
	[tilespmem:s1+$0xFFFFFE30] =	vst v10  }
0x110: {  	v60 =	vor.u32 s7, v11;
	v25 =	vor.u32 s14, v11;
	v51 =	vld.idx.msk [tilespmem:v45+s16+$0x0], $0xffff;
	[tilespmem:s1+$0xFFFFFEA0] =	vst v15  }
0x111: {  	v52 =	vor.u32 s10, v11;
	v26 =	vor.u32 s15, v11;
	v62 =	vor.u32 s10, v8;
	v23 =	vld.idx.msk [tilespmem:v42+s16+$0x0], $0xffff;
	[tilespmem:s1+$0xFFFFFF20] =	vst v44  }
0x112: {  	v36 =	vor.u32 s13, v8;
	v63 =	vor.u32 s8, v11;
	v24 =	vor.u32 s13, v11;
	[tilespmem:s1+$0xFFFFFFA0] =	vst v16;
	v11 =	vld.idx.msk [tilespmem:v27+s16+$0x0], $0xffff  }
0x113: {  	v30 =	vor.u32 s2, v8;
	v32 =	vor.u32 s7, v8;
	[tilespmem:s1+$0x20] =	vst v19;
	v54 =	vld.idx.msk [tilespmem:v47+s16+$0x0], $0xffff  }
0x114: {  	v34 =	vor.u32 s8, v8;
	v38 =	vor.u32 s14, v8;
	[tilespmem:s1+$0xA0] =	vst v49;
	v17 =	vld.idx.msk [tilespmem:v48+s16+$0x0], $0xffff  }
0x115: {  	v39 =	vor.u32 s15, v8;
	v8 =	vor.u32 s19, v8;
	[tilespmem:s1+$0x120] =	vst v51;
	v21 =	vld.idx.msk [tilespmem:v50+s16+$0x0], $0xffff  }
0x116: {  	v59 =	vld.idx.msk [tilespmem:v53+s16+$0x0], $0xffff;
	[tilespmem:s1+$0x1B0] =	vst v23  }
0x117: {  	v61 =	vld.idx.msk [tilespmem:v55+s16+$0x0], $0xffff;
	[tilespmem:s1+$0xFFFFFE40] =	vst v11  }
0x118: {  	v19 =	vld.idx.msk [tilespmem:v56+s16+$0x0], $0xffff;
	[tilespmem:s1+$0xFFFFFEB0] =	vst v54  }
0x119: {  	v22 =	vld.idx.msk [tilespmem:v52+s16+$0x0], $0xffff;
	[tilespmem:s1+$0xFFFFFF30] =	vst v17  }
0x11a: {  	[tilespmem:s1+$0xFFFFFFB0] =	vst v21;
	v8 =	vld.idx.msk [tilespmem:v8+s16+$0x0], $0xffff  }
0x11b: {  	[tilespmem:s1+$0x30] =	vst v59;
	v14 =	vld.idx.msk [tilespmem:v58+s16+$0x0], $0xffff  }
0x11c: {  	[tilespmem:s1+$0xB0] =	vst v61;
	v20 =	vld.idx.msk [tilespmem:v60+s16+$0x0], $0xffff  }
0x11d: {  	v48 =	vor.u32 s19, v12;
	[tilespmem:s1+$0x130] =	vst v19;
	v29 =	vld.idx.msk [tilespmem:v63+s16+$0x0], $0xffff  }
0x11e: {  	v17 =	vld.idx.msk [tilespmem:v24+s16+$0x0], $0xffff;
	[tilespmem:s1+$0x1C0] =	vst v22  }
0x11f: {  	v31 =	vor.u32 s10, v12;
	v33 =	vld.idx.msk [tilespmem:v25+s16+$0x0], $0xffff;
	[tilespmem:s1+$0xFFFFFE50] =	vst v8  }
0x120: {  	v41 =	vor.u32 s2, v12;
	v43 =	vor.u32 s8, v12;
	v35 =	vld.idx.msk [tilespmem:v26+s16+$0x0], $0xffff;
	[tilespmem:s1+$0xFFFFFEC0] =	vst v14  }
0x121: {  	v45 =	vor.u32 s14, v12;
	v42 =	vor.u32 s7, v12;
	v28 =	vld.idx.msk [tilespmem:v62+s16+$0x0], $0xffff;
	[tilespmem:s1+$0xFFFFFF40] =	vst v20  }
0x122: {  	v44 =	vor.u32 s13, v12;
	v47 =	vor.u32 s15, v12;
	[tilespmem:s1+$0xFFFFFFC0] =	vst v29;
	v12 =	vld.idx.msk [tilespmem:v48+s16+$0x0], $0xffff  }
0x123: {  	[tilespmem:s1+$0x40] =	vst v17;
	v37 =	vld.idx.msk [tilespmem:v30+s16+$0x0], $0xffff  }
0x124: {  	[tilespmem:s1+$0xC0] =	vst v33;
	v10 =	vld.idx.msk [tilespmem:v32+s16+$0x0], $0xffff  }
0x125: {  	v58 =	vor.u32 s19, v13;
	[tilespmem:s1+$0x140] =	vst v35;
	v14 =	vld.idx.msk [tilespmem:v34+s16+$0x0], $0xffff  }
0x126: {  	v20 =	vld.idx.msk [tilespmem:v36+s16+$0x0], $0xffff;
	[tilespmem:s1+$0x1D0] =	vst v28  }
0x127: {  	v16 =	vld.idx.msk [tilespmem:v38+s16+$0x0], $0xffff;
	[tilespmem:s1+$0xFFFFFE60] =	vst v12  }
0x128: {  	v9 =	vld.idx.msk [tilespmem:v39+s16+$0x0], $0xffff;
	[tilespmem:s1+$0xFFFFFED0] =	vst v37  }
0x129: {  	v18 =	vld.idx.msk [tilespmem:v31+s16+$0x0], $0xffff;
	[tilespmem:s1+$0xFFFFFF50] =	vst v10  }
0x12a: {  	[tilespmem:s1+$0xFFFFFFD0] =	vst v14;
	v63 =	vld.idx.msk [tilespmem:v58+s16+$0x0], $0xffff  }
0x12b: {  	[tilespmem:s1+$0x50] =	vst v20;
	v46 =	vld.idx.msk [tilespmem:v41+s16+$0x0], $0xffff  }
0x12c: {  	v40 =	vor.u32 s10, v13;
	[tilespmem:s1+$0xD0] =	vst v16;
	v11 =	vld.idx.msk [tilespmem:v42+s16+$0x0], $0xffff  }
0x12d: {  	v49 =	vor.u32 s2, v13;
	[tilespmem:s1+$0x150] =	vst v9;
	v15 =	vld.idx.msk [tilespmem:v43+s16+$0x0], $0xffff  }
0x12e: {  	v51 =	vor.u32 s7, v13;
	v50 =	vld.idx.msk [tilespmem:v44+s16+$0x0], $0xffff;
	[tilespmem:s1+$0x1E0] =	vst v18  }
0x12f: {  	v52 =	vor.u32 s8, v13;
	v8 =	vld.idx.msk [tilespmem:v45+s16+$0x0], $0xffff;
	[tilespmem:s1+$0xFFFFFE70] =	vst v63  }
0x130: {  	v54 =	vor.u32 s13, v13;
	v53 =	vld.idx.msk [tilespmem:v47+s16+$0x0], $0xffff;
	[tilespmem:s1+$0xFFFFFEE0] =	vst v46  }
0x131: {  	v55 =	vor.u32 s14, v13;
	v17 =	vld.idx.msk [tilespmem:v40+s16+$0x0], $0xffff;
	[tilespmem:s1+$0xFFFFFF60] =	vst v11  }
0x132: {  	v57 =	vor.u32 s15, v13;
	[tilespmem:s1+$0xFFFFFFE0] =	vst v15;
	v56 =	vld.idx.msk [tilespmem:v49+s16+$0x0], $0xffff  }
0x133: {  	[tilespmem:s1+$0x60] =	vst v50;
	v59 =	vld.idx.msk [tilespmem:v51+s16+$0x0], $0xffff  }
0x134: {  	[tilespmem:s1+$0xE0] =	vst v8;
	v60 =	vld.idx.msk [tilespmem:v52+s16+$0x0], $0xffff  }
0x135: {  	[tilespmem:s1+$0x160] =	vst v53;
	v8 =	vld.idx.msk [tilespmem:v54+s16+$0x0], $0xffff  }
0x136: {  	v61 =	vld.idx.msk [tilespmem:v55+s16+$0x0], $0xffff;
	[tilespmem:s1+$0x1F0] =	vst v17  }
0x137: {  	v62 =	vld.idx.msk [tilespmem:v57+s16+$0x0], $0xffff;
	[tilespmem:s1+$0xFFFFFEF0] =	vst v56  }
0x138: {  	p1 =	sne.s32 s11, $0x31;
	[tilespmem:s1+$0xFFFFFF70] =	vst v59  }
.Ltmp3:
0x139: {  	[tilespmem:s1+$0xFFFFFFF0] =	vst v60;
	(pc) =	sbr.rel @p1 .LBB2_6-.Ltmp3, $4  }
0x13a: {  	s15 =	sshll.u32 s11, $0x11;
	s19 =	rddreg [dreg:$0x1];
	[tilespmem:s1+$0x70] =	vst v8  }
0x13b: {  	s19 =	sadd.s32 s19, s15;
	[tilespmem:s1+$0xF0] =	vst v61  }
0x13c: {  	s21 =	sadd.s32 s4, s19;
	[tilespmem:s1+$0x170] =	vst v62  }
0x13d: {  	[hbm4b:s21+s24] =	stream.strided.scatter [tilespmem:s25], [sflag:$0x5], $0x2000, s12, s24, $0x38;
	[tilespmem:$0x1B200] =	vst v63  }
.Ltmp4:
0x13e: {  	(pc) =	sbr.rel .LBB2_7-.Ltmp4, $4  }
0x13f: {  	_ = 	snop  }
0x140: {  	_ =	swait.ge [sflag:s26], $0x4000  }
0x141: {  	[sflag:s26] =	ssyncset.done $0x0  }
0x142: {  	[sflag:s26] =	ssyncadd.s32 $0xFFFFC000  }
.LBB2_6:
0x143: {  	s1 =	sadd.s32 $0x4, s3  }
0x144: {  	s2 =	sshll.u32 s1, $0x7;
	s1 =	sshll.u32 s1, $0x5  }
0x145: {  	s2 =	sand.u32 $0xF000, s2;
	s1 =	sand.u32 $0x380, s1  }
0x146: {  	s1 =	sor.u32 s1, s2  }
0x147: {  	v8 =	vld [tilespmem:s1+$0x0];
	_ =	sdelay $0x4  }
0x148: {  	v8 =	vshrl.u32 v8, $0x1  }
0x149: {  	[tilespmem:$0x7000] =	vst v8  }
0x14a: {  	v8 =	vld [tilespmem:s1+$0x10];
	_ =	sdelay $0x4  }
0x14b: {  	v8 =	vshrl.u32 v8, $0x1  }
0x14c: {  	[tilespmem:$0x7010] =	vst v8  }
0x14d: {  	v8 =	vld [tilespmem:s1+$0x20];
	_ =	sdelay $0x4  }
0x14e: {  	v8 =	vshrl.u32 v8, $0x1  }
0x14f: {  	[tilespmem:$0x7020] =	vst v8  }
0x150: {  	v8 =	vld [tilespmem:s1+$0x30];
	_ =	sdelay $0x4  }
0x151: {  	v8 =	vshrl.u32 v8, $0x1  }
0x152: {  	[tilespmem:$0x7030] =	vst v8  }
0x153: {  	v8 =	vld [tilespmem:s1+$0x40];
	_ =	sdelay $0x4  }
0x154: {  	v8 =	vshrl.u32 v8, $0x1  }
0x155: {  	[tilespmem:$0x7040] =	vst v8  }
0x156: {  	v8 =	vld [tilespmem:s1+$0x50];
	_ =	sdelay $0x4  }
0x157: {  	v8 =	vshrl.u32 v8, $0x1  }
0x158: {  	[tilespmem:$0x7050] =	vst v8  }
0x159: {  	v8 =	vld [tilespmem:s1+$0x60];
	_ =	sdelay $0x4  }
0x15a: {  	v8 =	vshrl.u32 v8, $0x1  }
0x15b: {  	[tilespmem:$0x7060] =	vst v8  }
0x15c: {  	v8 =	vld [tilespmem:s1+$0x70];
	_ =	sdelay $0x4  }
0x15d: {  	v8 =	vshrl.u32 v8, $0x1  }
.Ltmp5:
0x15e: {  	s15 =	simm.s32 $0x80;
	s21 =	simm.s32 $0x7000;
	[tilespmem:$0x7070] =	vst v8;
	(pc) =	sbr.rel @p0 .LBB2_8-.Ltmp5, $4  }
0x15f: {  	[tilespmem:s16], [sflag:$0x1] =	stream.indirect.gather [hbm4b:s5+s15], $0x80, s21, s15, $0xb8;
	[tilespmem:$0x1B200] =	vst v63  }
0x160: {  	_ =	swait.ge [sflag:s26], $0x4000  }
0x161: {  	[sflag:s26] =	ssyncset.done $0x0  }
0x162: {  	[sflag:s26] =	ssyncadd.s32 $0xFFFFC000  }
.LBB2_7:
0x163: {  	_ =	swait.ge [sflag:s28], $0x2000  }
0x164: {  	[sflag:s28] =	ssyncset.done $0x0  }
0x165: {  	[sflag:s28] =	ssyncadd.s32 $0xFFFFE000  }
.LBB2_8:
0x166: {  	v8 =	vld [tilespmem:s17+$0x400];
	_ =	sdelay $0x4  }
0x167: {  	v8 =	vshll.u32 v8, $0x6  }
0x168: {  	v9 =	vld [tilespmem:s17+$0x410];
	v8 =	vand.u32 $0x40, v8  }
0x169: {  	v10 =	vld [tilespmem:s17+$0x420];
	s1 =	simm.s32 $0x0;
	v15 =	vor.u32 v0, v8  }
0x16a: {  	s3 =	simm.s32 $0x7;
	v12 =	vld [tilespmem:s17+$0x440];
	v11 =	vor.u32 s1, v15  }
0x16b: {  	s8 =	simm.s32 $0x1;
	v16 =	vld [tilespmem:s17+$0x450];
	v14 =	vor.u32 s3, v15  }
0x16c: {  	s14 =	simm.s32 $0x2;
	v18 =	vld [tilespmem:s17+$0x460];
	v17 =	vor.u32 s8, v15  }
0x16d: {  	s2 =	simm.s32 $0x3;
	v13 =	vld [tilespmem:s17+$0x470];
	v19 =	vor.u32 s14, v15  }
0x16e: {  	s7 =	simm.s32 $0x4;
	v8 =	vld [tilespmem:s17+$0x430];
	v20 =	vor.u32 s2, v15  }
0x16f: {  	s10 =	simm.s32 $0x5;
	v9 =	vshll.u32 v9, $0x6;
	v21 =	vor.u32 s7, v15;
	v11 =	vld.idx.msk [tilespmem:v11+s18+$0x0], $0xffff  }
0x170: {  	s13 =	simm.s32 $0x6;
	v9 =	vand.u32 $0x40, v9;
	v22 =	vor.u32 s10, v15;
	v23 =	vld.idx.msk [tilespmem:v14+s18+$0x0], $0xffff  }
0x171: {  	v14 =	vor.u32 v1, v9;
	v9 =	vld.idx.msk [tilespmem:v17+s18+$0x0], $0xffff;
	v17 =	vor.u32 s13, v15  }
0x172: {  	v19 =	vld.idx.msk [tilespmem:v19+s18+$0x0], $0xffff;
	v24 =	vor.u32 s3, v14  }
0x173: {  	v20 =	vld.idx.msk [tilespmem:v20+s18+$0x0], $0xffff;
	v25 =	vor.u32 s8, v14  }
0x174: {  	s6 =	simm.s32 $0x195F0;
	v21 =	vld.idx.msk [tilespmem:v21+s18+$0x0], $0xffff;
	v26 =	vor.u32 s14, v14  }
0x175: {  	v22 =	vld.idx.msk [tilespmem:v22+s18+$0x0], $0xffff;
	v27 =	vor.u32 s2, v14;
	[tilespmem:s6+$0xFFFFFF90] =	vst v23  }
0x176: {  	v10 =	vshll.u32 v10, $0x6;
	v28 =	vor.u32 s7, v14;
	v17 =	vld.idx.msk [tilespmem:v17+s18+$0x0], $0xffff;
	[tilespmem:s6+$0xFFFFFC90] =	vst v9  }
0x177: {  	v10 =	vand.u32 $0x40, v10;
	v23 =	vor.u32 s10, v14;
	[tilespmem:s6+$0xFFFFFD10] =	vst v19;
	v24 =	vld.idx.msk [tilespmem:v24+s18+$0x0], $0xffff  }
0x178: {  	v9 =	vor.u32 v2, v10;
	v10 =	vor.u32 s13, v14;
	[tilespmem:s6+$0xFFFFFD90] =	vst v20;
	v25 =	vld.idx.msk [tilespmem:v25+s18+$0x0], $0xffff  }
0x179: {  	[tilespmem:s6+$0xFFFFFE10] =	vst v21;
	v19 =	vld.idx.msk [tilespmem:v26+s18+$0x0], $0xffff;
	v26 =	vor.u32 s1, v14  }
0x17a: {  	[tilespmem:s6+$0xFFFFFE90] =	vst v22;
	v20 =	vor.u32 s3, v9;
	v27 =	vld.idx.msk [tilespmem:v27+s18+$0x0], $0xffff  }
0x17b: {  	[tilespmem:s6+$0xFFFFFC10] =	vst v11;
	v21 =	vor.u32 s8, v9;
	v28 =	vld.idx.msk [tilespmem:v28+s18+$0x0], $0xffff  }
0x17c: {  	v8 =	vshll.u32 v8, $0x6;
	v22 =	vor.u32 s14, v9;
	v23 =	vld.idx.msk [tilespmem:v23+s18+$0x0], $0xffff;
	[tilespmem:s6+$0xFFFFFF10] =	vst v17  }
0x17d: {  	v8 =	vand.u32 $0x40, v8;
	v11 =	vor.u32 s7, v9;
	v29 =	vld.idx.msk [tilespmem:v10+s18+$0x0], $0xffff;
	[tilespmem:s6+$0xFFFFFFA0] =	vst v24  }
0x17e: {  	v17 =	vor.u32 s2, v9;
	v10 =	vor.u32 v3, v8;
	v8 =	vld.idx.msk [tilespmem:v26+s18+$0x0], $0xffff;
	[tilespmem:s6+$0xFFFFFCA0] =	vst v25  }
0x17f: {  	v24 =	vor.u32 s10, v9;
	[tilespmem:s6+$0xFFFFFD20] =	vst v19;
	v20 =	vld.idx.msk [tilespmem:v20+s18+$0x0], $0xffff  }
0x180: {  	[tilespmem:s6+$0xFFFFFDA0] =	vst v27;
	v25 =	vor.u32 s13, v9;
	v21 =	vld.idx.msk [tilespmem:v21+s18+$0x0], $0xffff  }
0x181: {  	v26 =	vor.u32 s1, v9;
	[tilespmem:s6+$0xFFFFFE20] =	vst v28;
	v22 =	vld.idx.msk [tilespmem:v22+s18+$0x0], $0xffff  }
0x182: {  	v19 =	vor.u32 s3, v10;
	v28 =	vld.idx.msk [tilespmem:v11+s18+$0x0], $0xffff;
	[tilespmem:s6+$0xFFFFFEA0] =	vst v23  }
0x183: {  	v27 =	vor.u32 s8, v10;
	v17 =	vld.idx.msk [tilespmem:v17+s18+$0x0], $0xffff;
	[tilespmem:s6+$0xFFFFFF20] =	vst v29  }
0x184: {  	v11 =	vshll.u32 v12, $0x6;
	v12 =	vor.u32 s14, v10;
	v23 =	vld.idx.msk [tilespmem:v24+s18+$0x0], $0xffff;
	[tilespmem:s6+$0xFFFFFC20] =	vst v8  }
0x185: {  	v8 =	vor.u32 s7, v10;
	[tilespmem:s6+$0xFFFFFFB0] =	vst v20;
	v24 =	vld.idx.msk [tilespmem:v25+s18+$0x0], $0xffff  }
0x186: {  	v20 =	vor.u32 s2, v10;
	v25 =	vld.idx.msk [tilespmem:v26+s18+$0x0], $0xffff;
	[tilespmem:s6+$0xFFFFFCB0] =	vst v21  }
0x187: {  	v11 =	vand.u32 $0x40, v11;
	[tilespmem:s6+$0xFFFFFD30] =	vst v22;
	v22 =	vor.u32 s10, v10;
	v19 =	vld.idx.msk [tilespmem:v19+s18+$0x0], $0xffff  }
0x188: {  	v11 =	vor.u32 v4, v11;
	[tilespmem:s6+$0xFFFFFE30] =	vst v28;
	v26 =	vld.idx.msk [tilespmem:v27+s18+$0x0], $0xffff;
	v27 =	vor.u32 s1, v10  }
0x189: {  	v21 =	vor.u32 s3, v11;
	v12 =	vld.idx.msk [tilespmem:v12+s18+$0x0], $0xffff;
	[tilespmem:s6+$0xFFFFFDB0] =	vst v17  }
0x18a: {  	v28 =	vor.u32 s8, v11;
	v29 =	vld.idx.msk [tilespmem:v8+s18+$0x0], $0xffff;
	[tilespmem:s6+$0xFFFFFEB0] =	vst v23  }
0x18b: {  	v16 =	vshll.u32 v16, $0x6;
	v17 =	vor.u32 s13, v10;
	v20 =	vld.idx.msk [tilespmem:v20+s18+$0x0], $0xffff;
	[tilespmem:s6+$0xFFFFFF30] =	vst v24  }
0x18c: {  	v8 =	vand.u32 $0x40, v16;
	v16 =	vor.u32 s14, v11;
	v22 =	vld.idx.msk [tilespmem:v22+s18+$0x0], $0xffff;
	[tilespmem:s6+$0xFFFFFC30] =	vst v25  }
0x18d: {  	v25 =	vor.u32 s7, v11;
	[tilespmem:s6+$0xFFFFFFC0] =	vst v19;
	v24 =	vld.idx.msk [tilespmem:v27+s18+$0x0], $0xffff  }
0x18e: {  	[tilespmem:s6+$0xFFFFFCC0] =	vst v26;
	v27 =	vor.u32 s10, v11;
	v19 =	vld.idx.msk [tilespmem:v21+s18+$0x0], $0xffff  }
0x18f: {  	v8 =	vor.u32 v5, v8;
	[tilespmem:s6+$0xFFFFFD40] =	vst v12;
	v21 =	vor.u32 s2, v11;
	v26 =	vld.idx.msk [tilespmem:v28+s18+$0x0], $0xffff  }
0x190: {  	v23 =	vor.u32 s3, v8;
	v17 =	vld.idx.msk [tilespmem:v17+s18+$0x0], $0xffff;
	[tilespmem:s6+$0xFFFFFE40] =	vst v29  }
0x191: {  	v12 =	vshll.u32 v18, $0x6;
	v18 =	vor.u32 s1, v11;
	v16 =	vld.idx.msk [tilespmem:v16+s18+$0x0], $0xffff;
	[tilespmem:s6+$0xFFFFFDC0] =	vst v20  }
0x192: {  	v20 =	vor.u32 s13, v11;
	v25 =	vld.idx.msk [tilespmem:v25+s18+$0x0], $0xffff;
	[tilespmem:s6+$0xFFFFFEC0] =	vst v22  }
0x193: {  	v28 =	vor.u32 s14, v8;
	v22 =	vld.idx.msk [tilespmem:v27+s18+$0x0], $0xffff;
	[tilespmem:s6+$0xFFFFFC40] =	vst v24  }
0x194: {  	v12 =	vand.u32 $0x40, v12;
	v21 =	vld.idx.msk [tilespmem:v21+s18+$0x0], $0xffff;
	[tilespmem:s6+$0xFFFFFFD0] =	vst v19;
	v19 =	vor.u32 s8, v8  }
0x195: {  	v12 =	vor.u32 v6, v12;
	[tilespmem:s6+$0xFFFFFCD0] =	vst v26;
	v26 =	vor.u32 s7, v8;
	v23 =	vld.idx.msk [tilespmem:v23+s18+$0x0], $0xffff  }
0x196: {  	v18 =	vld.idx.msk [tilespmem:v18+s18+$0x0], $0xffff;
	[tilespmem:s6+$0xFFFFFF40] =	vst v17;
	v17 =	vor.u32 s3, v12  }
0x197: {  	v24 =	vor.u32 s2, v8;
	[tilespmem:s6+$0xFFFFFD50] =	vst v16;
	v20 =	vld.idx.msk [tilespmem:v20+s18+$0x0], $0xffff  }
0x198: {  	v16 =	vor.u32 s10, v8;
	v27 =	vld.idx.msk [tilespmem:v28+s18+$0x0], $0xffff;
	[tilespmem:s6+$0xFFFFFE50] =	vst v25  }
0x199: {  	v28 =	vor.u32 s13, v8;
	[tilespmem:s6+$0xFFFFFED0] =	vst v22;
	v19 =	vld.idx.msk [tilespmem:v19+s18+$0x0], $0xffff  }
0x19a: {  	v25 =	vld.idx.msk [tilespmem:v26+s18+$0x0], $0xffff;
	v26 =	vor.u32 s14, v12;
	[tilespmem:s6+$0xFFFFFFE0] =	vst v23  }
0x19b: {  	v13 =	vshll.u32 v13, $0x6;
	[tilespmem:s6+$0xFFFFFDD0] =	vst v21;
	v23 =	vor.u32 s1, v8;
	v17 =	vld.idx.msk [tilespmem:v17+s18+$0x0], $0xffff  }
0x19c: {  	v13 =	vand.u32 $0x40, v13;
	v21 =	vor.u32 s8, v12;
	[tilespmem:s6+$0xFFFFFC50] =	vst v18;
	v24 =	vld.idx.msk [tilespmem:v24+s18+$0x0], $0xffff  }
0x19d: {  	v13 =	vor.u32 v7, v13;
	v18 =	vor.u32 s2, v12;
	v16 =	vld.idx.msk [tilespmem:v16+s18+$0x0], $0xffff;
	[tilespmem:s6+$0xFFFFFF50] =	vst v20  }
0x19e: {  	v22 =	vor.u32 s3, v13;
	[tilespmem:s6+$0xFFFFFD60] =	vst v27;
	v28 =	vld.idx.msk [tilespmem:v28+s18+$0x0], $0xffff  }
0x19f: {  	[tilespmem:s6+$0xFFFFFCE0] =	vst v19;
	v19 =	vor.u32 s7, v12;
	v30 =	vld.idx.msk [tilespmem:v26+s18+$0x0], $0xffff  }
0x1a0: {  	v23 =	vld.idx.msk [tilespmem:v23+s18+$0x0], $0xffff;
	[tilespmem:s6+$0xFFFFFFF0] =	vst v17;
	v17 =	vor.u32 s13, v12  }
0x1a1: {  	v27 =	vor.u32 s1, v12;
	v29 =	vld.idx.msk [tilespmem:v21+s18+$0x0], $0xffff;
	[tilespmem:s6+$0xFFFFFDE0] =	vst v24  }
0x1a2: {  	s3 =	simm.s32 $0x8;
	v20 =	vor.u32 s10, v12;
	v31 =	vld.idx.msk [tilespmem:v18+s18+$0x0], $0xffff  }
0x1a3: {  	[tilespmem:s6+$0xFFFFFE60] =	vst v25;
	v24 =	vor.u32 s3, v15;
	v22 =	vld.idx.msk [tilespmem:v22+s18+$0x0], $0xffff  }
0x1a4: {  	v32 =	vor.u32 s8, v13;
	[tilespmem:s6+$0xFFFFFF60] =	vst v28;
	v21 =	vld.idx.msk [tilespmem:v19+s18+$0x0], $0xffff  }
0x1a5: {  	v33 =	vor.u32 s14, v13;
	[tilespmem:s6+$0xFFFFFC60] =	vst v23;
	v18 =	vld.idx.msk [tilespmem:v17+s18+$0x0], $0xffff  }
0x1a6: {  	[tilespmem:s6+$0xFFFFFEE0] =	vst v16;
	v17 =	vld.idx.msk [tilespmem:v27+s18+$0x0], $0xffff;
	v27 =	vor.u32 s2, v13  }
0x1a7: {  	v26 =	vor.u32 s7, v13;
	v20 =	vld.idx.msk [tilespmem:v20+s18+$0x0], $0xffff;
	[tilespmem:s6+$0xFFFFFD70] =	vst v30  }
0x1a8: {  	v25 =	vor.u32 s10, v13;
	v16 =	vld.idx.msk [tilespmem:v24+s18+$0x0], $0xffff;
	[tilespmem:s6+$0xFFFFFCF0] =	vst v29  }
0x1a9: {  	v24 =	vor.u32 s13, v13;
	v19 =	vld.idx.msk [tilespmem:v32+s18+$0x0], $0xffff;
	[tilespmem:s6+$0xFFFFFDF0] =	vst v31  }
0x1aa: {  	s10 =	simm.s32 $0xF;
	s13 =	simm.s32 $0x10;
	v23 =	vor.u32 s1, v13;
	[tilespmem:s6+$0x0] =	vst v22;
	v22 =	vld.idx.msk [tilespmem:v33+s18+$0x0], $0xffff  }
.LBB2_9:
0x1ab: {  	p0 =	slt.u32 s13, $0x38;
	s2 =	sadd.s32 $0x1, s3;
	v28 =	vor.u32 s10, v15;
	v27 =	vld.idx.msk [tilespmem:v27+s18+$0x0], $0xffff;
	[tilespmem:s6+$0xFFFFFE70] =	vst v21  }
0x1ac: {  	s1 =	sadd.s32 $0x2, s3;
	v21 =	vor.u32 s2, v15;
	v26 =	vld.idx.msk [tilespmem:v26+s18+$0x0], $0xffff;
	[tilespmem:s6+$0xFFFFFEF0] =	vst v20  }
0x1ad: {  	s15 =	sadd.s32 $0x3, s3;
	v20 =	vor.u32 s1, v15;
	v25 =	vld.idx.msk [tilespmem:v25+s18+$0x0], $0xffff;
	[tilespmem:s6+$0xFFFFFF70] =	vst v18  }
0x1ae: {  	s14 =	sadd.s32 $0x4, s3;
	v18 =	vor.u32 s15, v15;
	[tilespmem:s6+$0xFFFFFC70] =	vst v17;
	v17 =	vld.idx.msk [tilespmem:v24+s18+$0x0], $0xffff  }
0x1af: {  	s21 =	sadd.s32 $0x5, s3;
	v24 =	vor.u32 s14, v15;
	v23 =	vld.idx.msk [tilespmem:v23+s18+$0x0], $0xffff;
	[tilespmem:s6+$0xFFFFFD00] =	vst v19  }
0x1b0: {  	s7 =	sadd.s32 $0x6, s3;
	v19 =	vor.u32 s21, v15;
	v28 =	vld.idx.msk [tilespmem:v28+s18+$0x0], $0xffff;
	[tilespmem:s6+$0xFFFFFD80] =	vst v22  }
0x1b1: {  	v22 =	vor.u32 s7, v15;
	v21 =	vld.idx.msk [tilespmem:v21+s18+$0x0], $0xffff;
	[tilespmem:s6+$0xFFFFFE00] =	vst v27  }
0x1b2: {  	v27 =	vor.u32 s10, v14;
	v20 =	vld.idx.msk [tilespmem:v20+s18+$0x0], $0xffff;
	[tilespmem:s6+$0xFFFFFE80] =	vst v26  }
0x1b3: {  	v26 =	vor.u32 s2, v14;
	v18 =	vld.idx.msk [tilespmem:v18+s18+$0x0], $0xffff;
	[tilespmem:s6+$0xFFFFFF00] =	vst v25  }
0x1b4: {  	v25 =	vor.u32 s1, v14;
	v24 =	vld.idx.msk [tilespmem:v24+s18+$0x0], $0xffff;
	[tilespmem:s6+$0xFFFFFF80] =	vst v17  }
0x1b5: {  	v17 =	vor.u32 s15, v14;
	v19 =	vld.idx.msk [tilespmem:v19+s18+$0x0], $0xffff;
	[tilespmem:s6+$0xFFFFFC80] =	vst v23;
	s6 =	sadd.s32 $0x400, s6  }
0x1b6: {  	v23 =	vor.u32 s14, v14;
	v22 =	vld.idx.msk [tilespmem:v22+s18+$0x0], $0xffff;
	[tilespmem:s6+$0xFFFFFF90] =	vst v28  }
0x1b7: {  	[tilespmem:s6+$0xFFFFFC90] =	vst v21;
	v21 =	vor.u32 s21, v14;
	v27 =	vld.idx.msk [tilespmem:v27+s18+$0x0], $0xffff  }
0x1b8: {  	v26 =	vld.idx.msk [tilespmem:v26+s18+$0x0], $0xffff;
	[tilespmem:s6+$0xFFFFFD10] =	vst v20;
	v20 =	vor.u32 s7, v14  }
0x1b9: {  	v25 =	vld.idx.msk [tilespmem:v25+s18+$0x0], $0xffff;
	[tilespmem:s6+$0xFFFFFD90] =	vst v18;
	v18 =	vor.u32 s10, v9  }
0x1ba: {  	v28 =	vor.u32 s3, v14;
	v17 =	vld.idx.msk [tilespmem:v17+s18+$0x0], $0xffff;
	[tilespmem:s6+$0xFFFFFE10] =	vst v24  }
0x1bb: {  	v24 =	vor.u32 s2, v9;
	v23 =	vld.idx.msk [tilespmem:v23+s18+$0x0], $0xffff;
	[tilespmem:s6+$0xFFFFFE90] =	vst v19  }
0x1bc: {  	v19 =	vor.u32 s1, v9;
	v21 =	vld.idx.msk [tilespmem:v21+s18+$0x0], $0xffff;
	[tilespmem:s6+$0xFFFFFF10] =	vst v22  }
0x1bd: {  	v22 =	vor.u32 s15, v9;
	v20 =	vld.idx.msk [tilespmem:v20+s18+$0x0], $0xffff;
	[tilespmem:s6+$0xFFFFFFA0] =	vst v27  }
0x1be: {  	[tilespmem:s6+$0xFFFFFC10] =	vst v16;
	v16 =	vor.u32 s14, v9;
	v18 =	vld.idx.msk [tilespmem:v18+s18+$0x0], $0xffff  }
0x1bf: {  	v27 =	vld.idx.msk [tilespmem:v28+s18+$0x0], $0xffff;
	[tilespmem:s6+$0xFFFFFCA0] =	vst v26;
	v26 =	vor.u32 s21, v9  }
0x1c0: {  	v24 =	vld.idx.msk [tilespmem:v24+s18+$0x0], $0xffff;
	[tilespmem:s6+$0xFFFFFD20] =	vst v25;
	v25 =	vor.u32 s10, v10  }
0x1c1: {  	v19 =	vld.idx.msk [tilespmem:v19+s18+$0x0], $0xffff;
	[tilespmem:s6+$0xFFFFFDA0] =	vst v17;
	v17 =	vor.u32 s7, v9  }
0x1c2: {  	v28 =	vor.u32 s3, v9;
	v22 =	vld.idx.msk [tilespmem:v22+s18+$0x0], $0xffff;
	[tilespmem:s6+$0xFFFFFE20] =	vst v23  }
0x1c3: {  	v23 =	vor.u32 s2, v10;
	v16 =	vld.idx.msk [tilespmem:v16+s18+$0x0], $0xffff;
	[tilespmem:s6+$0xFFFFFEA0] =	vst v21  }
0x1c4: {  	v21 =	vor.u32 s1, v10;
	v26 =	vld.idx.msk [tilespmem:v26+s18+$0x0], $0xffff;
	[tilespmem:s6+$0xFFFFFFB0] =	vst v18  }
0x1c5: {  	v18 =	vor.u32 s15, v10;
	[tilespmem:s6+$0xFFFFFF20] =	vst v20;
	v20 =	vld.idx.msk [tilespmem:v25+s18+$0x0], $0xffff  }
0x1c6: {  	v25 =	vor.u32 s14, v10;
	[tilespmem:s6+$0xFFFFFC20] =	vst v27;
	v17 =	vld.idx.msk [tilespmem:v17+s18+$0x0], $0xffff  }
0x1c7: {  	v27 =	vld.idx.msk [tilespmem:v28+s18+$0x0], $0xffff;
	[tilespmem:s6+$0xFFFFFCB0] =	vst v24;
	v24 =	vor.u32 s10, v11  }
0x1c8: {  	v23 =	vld.idx.msk [tilespmem:v23+s18+$0x0], $0xffff;
	[tilespmem:s6+$0xFFFFFD30] =	vst v19;
	v19 =	vor.u32 s21, v10  }
0x1c9: {  	v21 =	vld.idx.msk [tilespmem:v21+s18+$0x0], $0xffff;
	[tilespmem:s6+$0xFFFFFDB0] =	vst v22;
	v22 =	vor.u32 s7, v10  }
0x1ca: {  	v28 =	vor.u32 s3, v10;
	v18 =	vld.idx.msk [tilespmem:v18+s18+$0x0], $0xffff;
	[tilespmem:s6+$0xFFFFFE30] =	vst v16  }
0x1cb: {  	v16 =	vor.u32 s2, v11;
	v25 =	vld.idx.msk [tilespmem:v25+s18+$0x0], $0xffff;
	[tilespmem:s6+$0xFFFFFFC0] =	vst v20  }
0x1cc: {  	v20 =	vor.u32 s1, v11;
	[tilespmem:s6+$0xFFFFFEB0] =	vst v26;
	v24 =	vld.idx.msk [tilespmem:v24+s18+$0x0], $0xffff  }
0x1cd: {  	v26 =	vor.u32 s15, v11;
	v19 =	vld.idx.msk [tilespmem:v19+s18+$0x0], $0xffff;
	[tilespmem:s6+$0xFFFFFF30] =	vst v17  }
0x1ce: {  	[tilespmem:s6+$0xFFFFFC30] =	vst v27;
	v17 =	vld.idx.msk [tilespmem:v22+s18+$0x0], $0xffff;
	v22 =	vor.u32 s10, v8  }
0x1cf: {  	v27 =	vld.idx.msk [tilespmem:v28+s18+$0x0], $0xffff;
	[tilespmem:s6+$0xFFFFFCC0] =	vst v23;
	v23 =	vor.u32 s14, v11  }
0x1d0: {  	v16 =	vld.idx.msk [tilespmem:v16+s18+$0x0], $0xffff;
	[tilespmem:s6+$0xFFFFFD40] =	vst v21;
	v21 =	vor.u32 s21, v11  }
0x1d1: {  	v20 =	vld.idx.msk [tilespmem:v20+s18+$0x0], $0xffff;
	[tilespmem:s6+$0xFFFFFDC0] =	vst v18;
	v18 =	vor.u32 s7, v11  }
0x1d2: {  	v28 =	vor.u32 s3, v11;
	v26 =	vld.idx.msk [tilespmem:v26+s18+$0x0], $0xffff;
	[tilespmem:s6+$0xFFFFFFD0] =	vst v24  }
0x1d3: {  	v24 =	vor.u32 s2, v8;
	[tilespmem:s6+$0xFFFFFE40] =	vst v25;
	v22 =	vld.idx.msk [tilespmem:v22+s18+$0x0], $0xffff  }
0x1d4: {  	v25 =	vor.u32 s1, v8;
	v23 =	vld.idx.msk [tilespmem:v23+s18+$0x0], $0xffff;
	[tilespmem:s6+$0xFFFFFEC0] =	vst v19  }
0x1d5: {  	v19 =	vld.idx.msk [tilespmem:v21+s18+$0x0], $0xffff;
	[tilespmem:s6+$0xFFFFFF40] =	vst v17;
	v17 =	vor.u32 s10, v12  }
0x1d6: {  	v21 =	vor.u32 s15, v8;
	[tilespmem:s6+$0xFFFFFC40] =	vst v27;
	v18 =	vld.idx.msk [tilespmem:v18+s18+$0x0], $0xffff  }
0x1d7: {  	v27 =	vld.idx.msk [tilespmem:v28+s18+$0x0], $0xffff;
	[tilespmem:s6+$0xFFFFFCD0] =	vst v16;
	v16 =	vor.u32 s14, v8  }
0x1d8: {  	v24 =	vld.idx.msk [tilespmem:v24+s18+$0x0], $0xffff;
	[tilespmem:s6+$0xFFFFFD50] =	vst v20;
	v20 =	vor.u32 s21, v8  }
0x1d9: {  	v28 =	vor.u32 s7, v8;
	v25 =	vld.idx.msk [tilespmem:v25+s18+$0x0], $0xffff;
	[tilespmem:s6+$0xFFFFFFE0] =	vst v22  }
0x1da: {  	v22 =	vor.u32 s3, v8;
	[tilespmem:s6+$0xFFFFFDD0] =	vst v26;
	v17 =	vld.idx.msk [tilespmem:v17+s18+$0x0], $0xffff  }
0x1db: {  	v26 =	vor.u32 s2, v12;
	v21 =	vld.idx.msk [tilespmem:v21+s18+$0x0], $0xffff;
	[tilespmem:s6+$0xFFFFFE50] =	vst v23  }
0x1dc: {  	v16 =	vld.idx.msk [tilespmem:v16+s18+$0x0], $0xffff;
	[tilespmem:s6+$0xFFFFFED0] =	vst v19;
	v19 =	vor.u32 s10, v13  }
0x1dd: {  	v23 =	vor.u32 s1, v12;
	v20 =	vld.idx.msk [tilespmem:v20+s18+$0x0], $0xffff;
	[tilespmem:s6+$0xFFFFFF50] =	vst v18  }
0x1de: {  	v18 =	vor.u32 s15, v12;
	[tilespmem:s6+$0xFFFFFC50] =	vst v27;
	v27 =	vld.idx.msk [tilespmem:v28+s18+$0x0], $0xffff  }
0x1df: {  	v22 =	vld.idx.msk [tilespmem:v22+s18+$0x0], $0xffff;
	[tilespmem:s6+$0xFFFFFCE0] =	vst v24;
	v24 =	vor.u32 s14, v12  }
0x1e0: {  	v28 =	vld.idx.msk [tilespmem:v26+s18+$0x0], $0xffff;
	v26 =	vor.u32 s21, v12;
	[tilespmem:s6+$0xFFFFFFF0] =	vst v17  }
0x1e1: {  	v17 =	vor.u32 s7, v12;
	[tilespmem:s6+$0xFFFFFD60] =	vst v25;
	v19 =	vld.idx.msk [tilespmem:v19+s18+$0x0], $0xffff  }
0x1e2: {  	v25 =	vor.u32 s3, v12;
	v23 =	vld.idx.msk [tilespmem:v23+s18+$0x0], $0xffff;
	[tilespmem:s6+$0xFFFFFDE0] =	vst v21  }
0x1e3: {  	v29 =	vor.u32 s13, v15;
	v30 =	vld.idx.msk [tilespmem:v18+s18+$0x0], $0xffff;
	[tilespmem:s6+$0xFFFFFE60] =	vst v16  }
0x1e4: {  	v31 =	vor.u32 s2, v13;
	v21 =	vld.idx.msk [tilespmem:v24+s18+$0x0], $0xffff;
	[tilespmem:s6+$0xFFFFFEE0] =	vst v20  }
0x1e5: {  	v32 =	vor.u32 s1, v13;
	v20 =	vld.idx.msk [tilespmem:v26+s18+$0x0], $0xffff;
	[tilespmem:s6+$0xFFFFFF60] =	vst v27  }
.Ltmp6:
0x1e6: {  	v27 =	vor.u32 s15, v13;
	[tilespmem:s6+$0xFFFFFC60] =	vst v22;
	v18 =	vld.idx.msk [tilespmem:v17+s18+$0x0], $0xffff;
	(pc) =	sbr.rel @p0 .LBB2_9-.Ltmp6, $4  }
0x1e7: {  	v26 =	vor.u32 s14, v13;
	v17 =	vld.idx.msk [tilespmem:v25+s18+$0x0], $0xffff;
	[tilespmem:s6+$0x0] =	vst v19  }
0x1e8: {  	v25 =	vor.u32 s21, v13;
	v16 =	vld.idx.msk [tilespmem:v29+s18+$0x0], $0xffff;
	[tilespmem:s6+$0xFFFFFCF0] =	vst v28  }
0x1e9: {  	v24 =	vor.u32 s7, v13;
	v19 =	vld.idx.msk [tilespmem:v31+s18+$0x0], $0xffff;
	[tilespmem:s6+$0xFFFFFD70] =	vst v23  }
0x1ea: {  	s10 =	sadd.s32 $0x7, s13;
	v23 =	vor.u32 s3, v13;
	s3 =	smov.u32 s13;
	s13 =	sadd.s32 $0x8, s13;
	v22 =	vld.idx.msk [tilespmem:v32+s18+$0x0], $0xffff;
	[tilespmem:s6+$0xFFFFFDF0] =	vst v30  }
0x1eb: {  	_ =	sdelay $0x1  }
0x1ec: {  	[tilespmem:s6+$0xFFFFFE70] =	vst v21  }
0x1ed: {  	[tilespmem:s6+$0xFFFFFEF0] =	vst v20  }
0x1ee: {  	s1 =	sadd.s32 $0x1, s3;
	v21 =	vor.u32 s10, v15;
	v27 =	vld.idx.msk [tilespmem:v27+s18+$0x0], $0xffff;
	[tilespmem:s6+$0xFFFFFF70] =	vst v18  }
0x1ef: {  	s7 =	sadd.s32 $0x2, s3;
	s2 =	sadd.s32 $0x400, s6;
	v20 =	vor.u32 s1, v15;
	v26 =	vld.idx.msk [tilespmem:v26+s18+$0x0], $0xffff;
	[tilespmem:s6+$0xFFFFFC70] =	vst v17  }
0x1f0: {  	s8 =	sadd.s32 $0x3, s3;
	v18 =	vor.u32 s7, v15;
	v25 =	vld.idx.msk [tilespmem:v25+s18+$0x0], $0xffff;
	[tilespmem:s2+$0xFFFFFC10] =	vst v16  }
0x1f1: {  	s13 =	sadd.s32 $0x4, s3;
	v17 =	vor.u32 s8, v15;
	v24 =	vld.idx.msk [tilespmem:v24+s18+$0x0], $0xffff;
	[tilespmem:s6+$0xFFFFFD00] =	vst v19  }
0x1f2: {  	s14 =	sadd.s32 $0x5, s3;
	v23 =	vld.idx.msk [tilespmem:v23+s18+$0x0], $0xffff;
	v19 =	vor.u32 s13, v15;
	[tilespmem:s6+$0xFFFFFD80] =	vst v22  }
0x1f3: {  	s15 =	sadd.s32 $0x6, s3;
	v22 =	vor.u32 s14, v15;
	v21 =	vld.idx.msk [tilespmem:v21+s18+$0x0], $0xffff;
	[tilespmem:s6+$0xFFFFFE00] =	vst v27  }
0x1f4: {  	v15 =	vor.u32 s15, v15;
	v20 =	vld.idx.msk [tilespmem:v20+s18+$0x0], $0xffff;
	[tilespmem:s6+$0xFFFFFE80] =	vst v26  }
0x1f5: {  	v18 =	vld.idx.msk [tilespmem:v18+s18+$0x0], $0xffff;
	v26 =	vor.u32 s10, v14;
	[tilespmem:s6+$0xFFFFFF00] =	vst v25  }
0x1f6: {  	v17 =	vld.idx.msk [tilespmem:v17+s18+$0x0], $0xffff;
	[tilespmem:s6+$0xFFFFFF80] =	vst v24;
	v24 =	vor.u32 s1, v14  }
0x1f7: {  	[tilespmem:s6+$0xFFFFFC80] =	vst v23;
	v23 =	vor.u32 s7, v14;
	v19 =	vld.idx.msk [tilespmem:v19+s18+$0x0], $0xffff  }
0x1f8: {  	v22 =	vld.idx.msk [tilespmem:v22+s18+$0x0], $0xffff;
	[tilespmem:s2+$0xFFFFFF90] =	vst v21;
	v21 =	vor.u32 s8, v14  }
0x1f9: {  	v15 =	vld.idx.msk [tilespmem:v15+s18+$0x0], $0xffff;
	[tilespmem:s2+$0xFFFFFC90] =	vst v20;
	v20 =	vor.u32 s13, v14  }
0x1fa: {  	v25 =	vld.idx.msk [tilespmem:v26+s18+$0x0], $0xffff;
	[tilespmem:s2+$0xFFFFFD10] =	vst v18;
	v18 =	vor.u32 s14, v14  }
0x1fb: {  	[tilespmem:s2+$0xFFFFFD90] =	vst v17;
	v17 =	vld.idx.msk [tilespmem:v24+s18+$0x0], $0xffff;
	v24 =	vor.u32 s10, v9  }
0x1fc: {  	v23 =	vld.idx.msk [tilespmem:v23+s18+$0x0], $0xffff;
	[tilespmem:s2+$0xFFFFFE10] =	vst v19;
	v19 =	vor.u32 s15, v14  }
0x1fd: {  	v14 =	vor.u32 s3, v14;
	[tilespmem:s2+$0xFFFFFE90] =	vst v22;
	v21 =	vld.idx.msk [tilespmem:v21+s18+$0x0], $0xffff  }
0x1fe: {  	[tilespmem:s2+$0xFFFFFF10] =	vst v15;
	v15 =	vor.u32 s1, v9;
	v20 =	vld.idx.msk [tilespmem:v20+s18+$0x0], $0xffff  }
0x1ff: {  	v22 =	vor.u32 s7, v9;
	[tilespmem:s2+$0xFFFFFFA0] =	vst v25;
	v18 =	vld.idx.msk [tilespmem:v18+s18+$0x0], $0xffff  }
0x200: {  	v16 =	vor.u32 s8, v9;
	v24 =	vld.idx.msk [tilespmem:v24+s18+$0x0], $0xffff;
	[tilespmem:s2+$0xFFFFFCA0] =	vst v17  }
0x201: {  	[tilespmem:s2+$0xFFFFFD20] =	vst v23;
	v17 =	vld.idx.msk [tilespmem:v19+s18+$0x0], $0xffff;
	v19 =	vor.u32 s13, v9  }
0x202: {  	v23 =	vor.u32 s10, v10;
	v14 =	vld.idx.msk [tilespmem:v14+s18+$0x0], $0xffff;
	[tilespmem:s2+$0xFFFFFDA0] =	vst v21  }
0x203: {  	v15 =	vld.idx.msk [tilespmem:v15+s18+$0x0], $0xffff;
	v21 =	vor.u32 s14, v9;
	[tilespmem:s2+$0xFFFFFE20] =	vst v20  }
0x204: {  	v20 =	vld.idx.msk [tilespmem:v22+s18+$0x0], $0xffff;
	v22 =	vor.u32 s15, v9;
	[tilespmem:s2+$0xFFFFFEA0] =	vst v18  }
0x205: {  	v9 =	vor.u32 s3, v9;
	v16 =	vld.idx.msk [tilespmem:v16+s18+$0x0], $0xffff;
	[tilespmem:s2+$0xFFFFFFB0] =	vst v24  }
0x206: {  	v18 =	vor.u32 s1, v10;
	v19 =	vld.idx.msk [tilespmem:v19+s18+$0x0], $0xffff;
	[tilespmem:s2+$0xFFFFFF20] =	vst v17  }
0x207: {  	v17 =	vor.u32 s7, v10;
	v23 =	vld.idx.msk [tilespmem:v23+s18+$0x0], $0xffff;
	[tilespmem:s2+$0xFFFFFC20] =	vst v14  }
0x208: {  	[tilespmem:s2+$0xFFFFFCB0] =	vst v15;
	v14 =	vld.idx.msk [tilespmem:v21+s18+$0x0], $0xffff;
	v21 =	vor.u32 s8, v10  }
0x209: {  	v15 =	vld.idx.msk [tilespmem:v22+s18+$0x0], $0xffff;
	v22 =	vor.u32 s10, v11;
	[tilespmem:s2+$0xFFFFFD30] =	vst v20  }
0x20a: {  	v20 =	vor.u32 s13, v10;
	v9 =	vld.idx.msk [tilespmem:v9+s18+$0x0], $0xffff;
	[tilespmem:s2+$0xFFFFFDB0] =	vst v16  }
0x20b: {  	v16 =	vld.idx.msk [tilespmem:v18+s18+$0x0], $0xffff;
	v18 =	vor.u32 s14, v10;
	[tilespmem:s2+$0xFFFFFE30] =	vst v19  }
0x20c: {  	v17 =	vld.idx.msk [tilespmem:v17+s18+$0x0], $0xffff;
	v19 =	vor.u32 s15, v10;
	[tilespmem:s2+$0xFFFFFFC0] =	vst v23  }
0x20d: {  	v10 =	vor.u32 s3, v10;
	v21 =	vld.idx.msk [tilespmem:v21+s18+$0x0], $0xffff;
	[tilespmem:s2+$0xFFFFFEB0] =	vst v14  }
0x20e: {  	v14 =	vor.u32 s1, v11;
	v22 =	vld.idx.msk [tilespmem:v22+s18+$0x0], $0xffff;
	[tilespmem:s2+$0xFFFFFF30] =	vst v15  }
0x20f: {  	v15 =	vld.idx.msk [tilespmem:v20+s18+$0x0], $0xffff;
	v20 =	vor.u32 s7, v11;
	[tilespmem:s2+$0xFFFFFC30] =	vst v9  }
0x210: {  	v9 =	vld.idx.msk [tilespmem:v18+s18+$0x0], $0xffff;
	[tilespmem:s2+$0xFFFFFCC0] =	vst v16;
	v16 =	vor.u32 s8, v11  }
0x211: {  	v18 =	vor.u32 s10, v8;
	v19 =	vld.idx.msk [tilespmem:v19+s18+$0x0], $0xffff;
	[tilespmem:s2+$0xFFFFFD40] =	vst v17  }
0x212: {  	v10 =	vld.idx.msk [tilespmem:v10+s18+$0x0], $0xffff;
	v17 =	vor.u32 s13, v11;
	[tilespmem:s2+$0xFFFFFDC0] =	vst v21  }
0x213: {  	v14 =	vld.idx.msk [tilespmem:v14+s18+$0x0], $0xffff;
	v21 =	vor.u32 s14, v11;
	[tilespmem:s2+$0xFFFFFFD0] =	vst v22  }
0x214: {  	v20 =	vld.idx.msk [tilespmem:v20+s18+$0x0], $0xffff;
	v22 =	vor.u32 s15, v11;
	[tilespmem:s2+$0xFFFFFE40] =	vst v15  }
0x215: {  	v11 =	vor.u32 s3, v11;
	[tilespmem:s2+$0xFFFFFEC0] =	vst v9;
	v9 =	vld.idx.msk [tilespmem:v16+s18+$0x0], $0xffff  }
0x216: {  	v16 =	vor.u32 s1, v8;
	v15 =	vld.idx.msk [tilespmem:v18+s18+$0x0], $0xffff;
	[tilespmem:s2+$0xFFFFFF40] =	vst v19  }
0x217: {  	v18 =	vor.u32 s10, v12;
	v17 =	vld.idx.msk [tilespmem:v17+s18+$0x0], $0xffff;
	[tilespmem:s2+$0xFFFFFC40] =	vst v10  }
0x218: {  	v10 =	vor.u32 s7, v8;
	v19 =	vld.idx.msk [tilespmem:v21+s18+$0x0], $0xffff;
	[tilespmem:s2+$0xFFFFFCD0] =	vst v14  }
0x219: {  	v14 =	vor.u32 s8, v8;
	v21 =	vld.idx.msk [tilespmem:v22+s18+$0x0], $0xffff;
	[tilespmem:s2+$0xFFFFFD50] =	vst v20  }
0x21a: {  	v11 =	vld.idx.msk [tilespmem:v11+s18+$0x0], $0xffff;
	v20 =	vor.u32 s13, v8;
	[tilespmem:s2+$0xFFFFFDD0] =	vst v9  }
0x21b: {  	[tilespmem:s2+$0xFFFFFFE0] =	vst v15;
	v15 =	vld.idx.msk [tilespmem:v16+s18+$0x0], $0xffff;
	v16 =	vor.u32 s14, v8  }
0x21c: {  	v9 =	vor.u32 s15, v8;
	v18 =	vld.idx.msk [tilespmem:v18+s18+$0x0], $0xffff;
	[tilespmem:s2+$0xFFFFFE50] =	vst v17  }
0x21d: {  	v8 =	vor.u32 s3, v8;
	v10 =	vld.idx.msk [tilespmem:v10+s18+$0x0], $0xffff;
	[tilespmem:s2+$0xFFFFFED0] =	vst v19  }
0x21e: {  	v17 =	vor.u32 s10, v13;
	v14 =	vld.idx.msk [tilespmem:v14+s18+$0x0], $0xffff;
	[tilespmem:s2+$0xFFFFFF50] =	vst v21  }
0x21f: {  	v19 =	vor.u32 s1, v12;
	v20 =	vld.idx.msk [tilespmem:v20+s18+$0x0], $0xffff;
	[tilespmem:s2+$0xFFFFFC50] =	vst v11  }
0x220: {  	v11 =	vor.u32 s7, v12;
	v16 =	vld.idx.msk [tilespmem:v16+s18+$0x0], $0xffff;
	[tilespmem:s2+$0xFFFFFCE0] =	vst v15  }
0x221: {  	v15 =	vor.u32 s8, v12;
	v9 =	vld.idx.msk [tilespmem:v9+s18+$0x0], $0xffff;
	[tilespmem:s2+$0xFFFFFFF0] =	vst v18  }
0x222: {  	v8 =	vld.idx.msk [tilespmem:v8+s18+$0x0], $0xffff;
	v18 =	vor.u32 s13, v12;
	[tilespmem:s2+$0xFFFFFD60] =	vst v10  }
0x223: {  	v10 =	vor.u32 s14, v12;
	v17 =	vld.idx.msk [tilespmem:v17+s18+$0x0], $0xffff;
	[tilespmem:s2+$0xFFFFFDE0] =	vst v14  }
0x224: {  	v14 =	vld.idx.msk [tilespmem:v19+s18+$0x0], $0xffff;
	v19 =	vor.u32 s15, v12;
	[tilespmem:s2+$0xFFFFFE60] =	vst v20  }
0x225: {  	v12 =	vor.u32 s3, v12;
	v11 =	vld.idx.msk [tilespmem:v11+s18+$0x0], $0xffff;
	[tilespmem:s2+$0xFFFFFEE0] =	vst v16  }
0x226: {  	v15 =	vld.idx.msk [tilespmem:v15+s18+$0x0], $0xffff;
	v16 =	vor.u32 s1, v13;
	[tilespmem:s2+$0xFFFFFF60] =	vst v9  }
0x227: {  	[tilespmem:s2+$0xFFFFFC60] =	vst v8;
	v9 =	vld.idx.msk [tilespmem:v18+s18+$0x0], $0xffff;
	v18 =	vor.u32 s7, v13  }
0x228: {  	v8 =	vld.idx.msk [tilespmem:v10+s18+$0x0], $0xffff;
	v10 =	vor.u32 s8, v13;
	[tilespmem:s2+$0x0] =	vst v17  }
0x229: {  	v17 =	vld.idx.msk [tilespmem:v19+s18+$0x0], $0xffff;
	v19 =	vor.u32 s13, v13;
	[tilespmem:s2+$0xFFFFFCF0] =	vst v14  }
0x22a: {  	v12 =	vld.idx.msk [tilespmem:v12+s18+$0x0], $0xffff;
	v14 =	vor.u32 s14, v13;
	[tilespmem:s2+$0xFFFFFD70] =	vst v11  }
0x22b: {  	v11 =	vld.idx.msk [tilespmem:v16+s18+$0x0], $0xffff;
	v16 =	vor.u32 s15, v13;
	[tilespmem:s2+$0xFFFFFDF0] =	vst v15  }
0x22c: {  	v13 =	vor.u32 s3, v13;
	v15 =	vld.idx.msk [tilespmem:v18+s18+$0x0], $0xffff;
	[tilespmem:s2+$0xFFFFFE70] =	vst v9  }
0x22d: {  	v9 =	vld.idx.msk [tilespmem:v10+s18+$0x0], $0xffff;
	[tilespmem:s2+$0xFFFFFEF0] =	vst v8  }
0x22e: {  	v8 =	vld.idx.msk [tilespmem:v19+s18+$0x0], $0xffff;
	[tilespmem:s2+$0xFFFFFF70] =	vst v17  }
0x22f: {  	v10 =	vld.idx.msk [tilespmem:v14+s18+$0x0], $0xffff;
	[tilespmem:s2+$0xFFFFFC70] =	vst v12  }
0x230: {  	v12 =	vld.idx.msk [tilespmem:v16+s18+$0x0], $0xffff;
	[tilespmem:s2+$0xFFFFFD00] =	vst v11  }
0x231: {  	v11 =	vld.idx.msk [tilespmem:v13+s18+$0x0], $0xffff;
	[tilespmem:s2+$0xFFFFFD80] =	vst v15  }
0x232: {  	[tilespmem:s2+$0xFFFFFE00] =	vst v9  }
0x233: {  	[tilespmem:s2+$0xFFFFFE80] =	vst v8  }
0x234: {  	[tilespmem:s2+$0xFFFFFF00] =	vst v10  }
0x235: {  	[tilespmem:s2+$0xFFFFFF80] =	vst v12  }
0x236: {  	[tilespmem:s2+$0xFFFFFC80] =	vst v11  }
0x237: {  	s7 =	rddreg [dreg:$0x4]  }
0x238: {  	p0 =	seq.s32 s11, $0x31;
	s1 =	sadd.s32 s19, s7  }
0x239: {  	[hbm4b:s1+s24] =	stream.strided.scatter [tilespmem:s29], [sflag:$0x6], $0x2000, s12, s24, $0x38;
	[tilespmem:$0x1B200] =	vst v63  }
0x23a: {  	s1 =	sadd.s32 @!p0 $0x1, s11  }
0x23b: {  	s2 =	sshll.u32 @!p0 s1, $0x9;
	s1 =	sshll.u32 @!p0 s1, $0x7  }
0x23c: {  	s2 =	sand.u32 @!p0 $0xF000, s2;
	s1 =	sand.u32 @!p0 $0x380, s1  }
0x23d: {  	s3 =	sor.u32 @!p0 s1, s2  }
0x23e: {  	v8 =	vld @!p0 [tilespmem:s3+$0x400];
	_ =	sdelay $0x4  }
0x23f: {  	v8 =	vshrl.u32 @!p0 v8, $0x1  }
0x240: {  	[tilespmem:$0x7080] =	vst @!p0 v8  }
0x241: {  	v8 =	vld @!p0 [tilespmem:s3+$0x410];
	_ =	sdelay $0x4  }
0x242: {  	v8 =	vshrl.u32 @!p0 v8, $0x1  }
0x243: {  	[tilespmem:$0x7090] =	vst @!p0 v8  }
0x244: {  	v8 =	vld @!p0 [tilespmem:s3+$0x420];
	_ =	sdelay $0x4  }
0x245: {  	v8 =	vshrl.u32 @!p0 v8, $0x1  }
0x246: {  	[tilespmem:$0x70A0] =	vst @!p0 v8  }
0x247: {  	v8 =	vld @!p0 [tilespmem:s3+$0x430];
	_ =	sdelay $0x4  }
0x248: {  	v8 =	vshrl.u32 @!p0 v8, $0x1  }
0x249: {  	[tilespmem:$0x70B0] =	vst @!p0 v8  }
0x24a: {  	v8 =	vld @!p0 [tilespmem:s3+$0x440];
	_ =	sdelay $0x4  }
0x24b: {  	v8 =	vshrl.u32 @!p0 v8, $0x1  }
0x24c: {  	[tilespmem:$0x70C0] =	vst @!p0 v8  }
0x24d: {  	v8 =	vld @!p0 [tilespmem:s3+$0x450];
	_ =	sdelay $0x4  }
0x24e: {  	v8 =	vshrl.u32 @!p0 v8, $0x1  }
0x24f: {  	[tilespmem:$0x70D0] =	vst @!p0 v8  }
0x250: {  	v8 =	vld @!p0 [tilespmem:s3+$0x460];
	_ =	sdelay $0x4  }
0x251: {  	v8 =	vshrl.u32 @!p0 v8, $0x1  }
0x252: {  	[tilespmem:$0x70E0] =	vst @!p0 v8  }
0x253: {  	v8 =	vld @!p0 [tilespmem:s3+$0x470];
	_ =	sdelay $0x4  }
0x254: {  	v8 =	vshrl.u32 @!p0 v8, $0x1  }
0x255: {  	s6 =	simm.s32 @!p0 $0xB200;
	s1 =	simm.s32 @!p0 $0x80;
	s2 =	simm.s32 @!p0 $0x7080;
	[tilespmem:$0x70F0] =	vst @!p0 v8  }
0x256: {  	[tilespmem:s6], [sflag:$0x2] =	stream.indirect.gather @!p0 [hbm4b:s5+s1], $0x80, s2, s1, $0xb8;
	[tilespmem:$0x1B200] =	vst v63  }
0x257: {  	_ =	swait.ge [sflag:s30], $0x4000  }
0x258: {  	[sflag:s30] =	ssyncset.done $0x0  }
0x259: {  	[sflag:s30] =	ssyncadd.s32 $0xFFFFC000  }
0x25a: {  	_ =	swait.ge [sflag:s31], $0x2000  }
0x25b: {  	[sflag:s31] =	ssyncset.done $0x0  }
0x25c: {  	[sflag:s31] =	ssyncadd.s32 $0xFFFFE000  }
0x25d: {  	v8 =	vld [tilespmem:s17+$0x800];
	_ =	sdelay $0x4  }
0x25e: {  	v8 =	vshll.u32 v8, $0x6  }
0x25f: {  	v9 =	vld [tilespmem:s17+$0x810];
	v8 =	vand.u32 $0x40, v8  }
0x260: {  	s1 =	simm.s32 $0x0;
	v10 =	vld [tilespmem:s17+$0x820];
	v15 =	vor.u32 v0, v8  }
0x261: {  	s8 =	simm.s32 $0x7;
	v12 =	vld [tilespmem:s17+$0x840];
	v11 =	vor.u32 s1, v15  }
0x262: {  	s15 =	simm.s32 $0x1;
	v16 =	vld [tilespmem:s17+$0x850];
	v14 =	vor.u32 s8, v15  }
0x263: {  	s2 =	simm.s32 $0x2;
	v18 =	vld [tilespmem:s17+$0x860];
	v17 =	vor.u32 s15, v15  }
0x264: {  	s7 =	simm.s32 $0x3;
	v13 =	vld [tilespmem:s17+$0x870];
	v19 =	vor.u32 s2, v15  }
0x265: {  	s13 =	simm.s32 $0x4;
	v8 =	vld [tilespmem:s17+$0x830];
	v20 =	vor.u32 s7, v15  }
0x266: {  	s14 =	simm.s32 $0x5;
	v9 =	vshll.u32 v9, $0x6;
	v21 =	vor.u32 s13, v15;
	v11 =	vld.idx.msk [tilespmem:v11+s20+$0x0], $0xffff  }
0x267: {  	s21 =	simm.s32 $0x6;
	v9 =	vand.u32 $0x40, v9;
	v22 =	vor.u32 s14, v15;
	v23 =	vld.idx.msk [tilespmem:v14+s20+$0x0], $0xffff  }
0x268: {  	v14 =	vor.u32 v1, v9;
	v9 =	vld.idx.msk [tilespmem:v17+s20+$0x0], $0xffff;
	v17 =	vor.u32 s21, v15  }
0x269: {  	v19 =	vld.idx.msk [tilespmem:v19+s20+$0x0], $0xffff;
	v24 =	vor.u32 s8, v14  }
0x26a: {  	v20 =	vld.idx.msk [tilespmem:v20+s20+$0x0], $0xffff;
	v25 =	vor.u32 s15, v14  }
0x26b: {  	s10 =	simm.s32 $0x17400;
	v21 =	vld.idx.msk [tilespmem:v21+s20+$0x0], $0xffff;
	v26 =	vor.u32 s2, v14  }
0x26c: {  	v22 =	vld.idx.msk [tilespmem:v22+s20+$0x0], $0xffff;
	v27 =	vor.u32 s7, v14;
	[tilespmem:s10+$0x180] =	vst v23  }
0x26d: {  	v10 =	vshll.u32 v10, $0x6;
	v28 =	vor.u32 s13, v14;
	v17 =	vld.idx.msk [tilespmem:v17+s20+$0x0], $0xffff;
	[tilespmem:s10+$0xFFFFFE80] =	vst v9  }
0x26e: {  	v10 =	vand.u32 $0x40, v10;
	v23 =	vor.u32 s14, v14;
	[tilespmem:s10+$0xFFFFFF00] =	vst v19;
	v24 =	vld.idx.msk [tilespmem:v24+s20+$0x0], $0xffff  }
0x26f: {  	v9 =	vor.u32 v2, v10;
	v10 =	vor.u32 s21, v14;
	[tilespmem:s10+$0xFFFFFF80] =	vst v20;
	v25 =	vld.idx.msk [tilespmem:v25+s20+$0x0], $0xffff  }
0x270: {  	[tilespmem:s10+$0x0] =	vst v21;
	v19 =	vld.idx.msk [tilespmem:v26+s20+$0x0], $0xffff;
	v26 =	vor.u32 s1, v14  }
0x271: {  	[tilespmem:s10+$0x80] =	vst v22;
	v20 =	vor.u32 s8, v9;
	v27 =	vld.idx.msk [tilespmem:v27+s20+$0x0], $0xffff  }
0x272: {  	[tilespmem:s10+$0xFFFFFE00] =	vst v11;
	v21 =	vor.u32 s15, v9;
	v28 =	vld.idx.msk [tilespmem:v28+s20+$0x0], $0xffff  }
0x273: {  	v8 =	vshll.u32 v8, $0x6;
	v22 =	vor.u32 s2, v9;
	v23 =	vld.idx.msk [tilespmem:v23+s20+$0x0], $0xffff;
	[tilespmem:s10+$0x100] =	vst v17  }
0x274: {  	v8 =	vand.u32 $0x40, v8;
	v11 =	vor.u32 s13, v9;
	v29 =	vld.idx.msk [tilespmem:v10+s20+$0x0], $0xffff;
	[tilespmem:s10+$0x190] =	vst v24  }
0x275: {  	v17 =	vor.u32 s7, v9;
	v10 =	vor.u32 v3, v8;
	v8 =	vld.idx.msk [tilespmem:v26+s20+$0x0], $0xffff;
	[tilespmem:s10+$0xFFFFFE90] =	vst v25  }
0x276: {  	v24 =	vor.u32 s14, v9;
	[tilespmem:s10+$0xFFFFFF10] =	vst v19;
	v20 =	vld.idx.msk [tilespmem:v20+s20+$0x0], $0xffff  }
0x277: {  	[tilespmem:s10+$0xFFFFFF90] =	vst v27;
	v25 =	vor.u32 s21, v9;
	v21 =	vld.idx.msk [tilespmem:v21+s20+$0x0], $0xffff  }
0x278: {  	v26 =	vor.u32 s1, v9;
	[tilespmem:s10+$0x10] =	vst v28;
	v22 =	vld.idx.msk [tilespmem:v22+s20+$0x0], $0xffff  }
0x279: {  	v19 =	vor.u32 s8, v10;
	v28 =	vld.idx.msk [tilespmem:v11+s20+$0x0], $0xffff;
	[tilespmem:s10+$0x90] =	vst v23  }
0x27a: {  	v27 =	vor.u32 s15, v10;
	v17 =	vld.idx.msk [tilespmem:v17+s20+$0x0], $0xffff;
	[tilespmem:s10+$0x110] =	vst v29  }
0x27b: {  	v11 =	vshll.u32 v12, $0x6;
	v12 =	vor.u32 s2, v10;
	v23 =	vld.idx.msk [tilespmem:v24+s20+$0x0], $0xffff;
	[tilespmem:s10+$0xFFFFFE10] =	vst v8  }
0x27c: {  	v8 =	vor.u32 s13, v10;
	[tilespmem:s10+$0x1A0] =	vst v20;
	v24 =	vld.idx.msk [tilespmem:v25+s20+$0x0], $0xffff  }
0x27d: {  	v20 =	vor.u32 s7, v10;
	v25 =	vld.idx.msk [tilespmem:v26+s20+$0x0], $0xffff;
	[tilespmem:s10+$0xFFFFFEA0] =	vst v21  }
0x27e: {  	v11 =	vand.u32 $0x40, v11;
	[tilespmem:s10+$0xFFFFFF20] =	vst v22;
	v22 =	vor.u32 s14, v10;
	v19 =	vld.idx.msk [tilespmem:v19+s20+$0x0], $0xffff  }
0x27f: {  	v11 =	vor.u32 v4, v11;
	[tilespmem:s10+$0x20] =	vst v28;
	v26 =	vld.idx.msk [tilespmem:v27+s20+$0x0], $0xffff;
	v27 =	vor.u32 s1, v10  }
0x280: {  	v21 =	vor.u32 s8, v11;
	v12 =	vld.idx.msk [tilespmem:v12+s20+$0x0], $0xffff;
	[tilespmem:s10+$0xFFFFFFA0] =	vst v17  }
0x281: {  	v28 =	vor.u32 s15, v11;
	v29 =	vld.idx.msk [tilespmem:v8+s20+$0x0], $0xffff;
	[tilespmem:s10+$0xA0] =	vst v23  }
0x282: {  	v16 =	vshll.u32 v16, $0x6;
	v17 =	vor.u32 s21, v10;
	v20 =	vld.idx.msk [tilespmem:v20+s20+$0x0], $0xffff;
	[tilespmem:s10+$0x120] =	vst v24  }
0x283: {  	v8 =	vand.u32 $0x40, v16;
	v16 =	vor.u32 s2, v11;
	v22 =	vld.idx.msk [tilespmem:v22+s20+$0x0], $0xffff;
	[tilespmem:s10+$0xFFFFFE20] =	vst v25  }
0x284: {  	v25 =	vor.u32 s13, v11;
	[tilespmem:s10+$0x1B0] =	vst v19;
	v24 =	vld.idx.msk [tilespmem:v27+s20+$0x0], $0xffff  }
0x285: {  	[tilespmem:s10+$0xFFFFFEB0] =	vst v26;
	v27 =	vor.u32 s14, v11;
	v19 =	vld.idx.msk [tilespmem:v21+s20+$0x0], $0xffff  }
0x286: {  	v8 =	vor.u32 v5, v8;
	[tilespmem:s10+$0xFFFFFF30] =	vst v12;
	v21 =	vor.u32 s7, v11;
	v26 =	vld.idx.msk [tilespmem:v28+s20+$0x0], $0xffff  }
0x287: {  	v23 =	vor.u32 s8, v8;
	v17 =	vld.idx.msk [tilespmem:v17+s20+$0x0], $0xffff;
	[tilespmem:s10+$0x30] =	vst v29  }
0x288: {  	v12 =	vshll.u32 v18, $0x6;
	v18 =	vor.u32 s1, v11;
	v16 =	vld.idx.msk [tilespmem:v16+s20+$0x0], $0xffff;
	[tilespmem:s10+$0xFFFFFFB0] =	vst v20  }
0x289: {  	v20 =	vor.u32 s21, v11;
	v25 =	vld.idx.msk [tilespmem:v25+s20+$0x0], $0xffff;
	[tilespmem:s10+$0xB0] =	vst v22  }
0x28a: {  	v28 =	vor.u32 s2, v8;
	v22 =	vld.idx.msk [tilespmem:v27+s20+$0x0], $0xffff;
	[tilespmem:s10+$0xFFFFFE30] =	vst v24  }
0x28b: {  	v12 =	vand.u32 $0x40, v12;
	v21 =	vld.idx.msk [tilespmem:v21+s20+$0x0], $0xffff;
	[tilespmem:s10+$0x1C0] =	vst v19;
	v19 =	vor.u32 s15, v8  }
0x28c: {  	v12 =	vor.u32 v6, v12;
	[tilespmem:s10+$0xFFFFFEC0] =	vst v26;
	v26 =	vor.u32 s13, v8;
	v23 =	vld.idx.msk [tilespmem:v23+s20+$0x0], $0xffff  }
0x28d: {  	v18 =	vld.idx.msk [tilespmem:v18+s20+$0x0], $0xffff;
	[tilespmem:s10+$0x130] =	vst v17;
	v17 =	vor.u32 s8, v12  }
0x28e: {  	v24 =	vor.u32 s7, v8;
	[tilespmem:s10+$0xFFFFFF40] =	vst v16;
	v20 =	vld.idx.msk [tilespmem:v20+s20+$0x0], $0xffff  }
0x28f: {  	v16 =	vor.u32 s14, v8;
	v27 =	vld.idx.msk [tilespmem:v28+s20+$0x0], $0xffff;
	[tilespmem:s10+$0x40] =	vst v25  }
0x290: {  	v28 =	vor.u32 s21, v8;
	[tilespmem:s10+$0xC0] =	vst v22;
	v19 =	vld.idx.msk [tilespmem:v19+s20+$0x0], $0xffff  }
0x291: {  	v25 =	vld.idx.msk [tilespmem:v26+s20+$0x0], $0xffff;
	v26 =	vor.u32 s2, v12;
	[tilespmem:s10+$0x1D0] =	vst v23  }
0x292: {  	v13 =	vshll.u32 v13, $0x6;
	[tilespmem:s10+$0xFFFFFFC0] =	vst v21;
	v23 =	vor.u32 s1, v8;
	v17 =	vld.idx.msk [tilespmem:v17+s20+$0x0], $0xffff  }
0x293: {  	v13 =	vand.u32 $0x40, v13;
	v21 =	vor.u32 s15, v12;
	[tilespmem:s10+$0xFFFFFE40] =	vst v18;
	v24 =	vld.idx.msk [tilespmem:v24+s20+$0x0], $0xffff  }
0x294: {  	v13 =	vor.u32 v7, v13;
	v18 =	vor.u32 s7, v12;
	v16 =	vld.idx.msk [tilespmem:v16+s20+$0x0], $0xffff;
	[tilespmem:s10+$0x140] =	vst v20  }
0x295: {  	v22 =	vor.u32 s8, v13;
	[tilespmem:s10+$0xFFFFFF50] =	vst v27;
	v28 =	vld.idx.msk [tilespmem:v28+s20+$0x0], $0xffff  }
0x296: {  	[tilespmem:s10+$0xFFFFFED0] =	vst v19;
	v19 =	vor.u32 s13, v12;
	v30 =	vld.idx.msk [tilespmem:v26+s20+$0x0], $0xffff  }
0x297: {  	v23 =	vld.idx.msk [tilespmem:v23+s20+$0x0], $0xffff;
	[tilespmem:s10+$0x1E0] =	vst v17;
	v17 =	vor.u32 s21, v12  }
0x298: {  	v27 =	vor.u32 s1, v12;
	v29 =	vld.idx.msk [tilespmem:v21+s20+$0x0], $0xffff;
	[tilespmem:s10+$0xFFFFFFD0] =	vst v24  }
0x299: {  	s6 =	simm.s32 $0x8;
	v20 =	vor.u32 s14, v12;
	v31 =	vld.idx.msk [tilespmem:v18+s20+$0x0], $0xffff  }
0x29a: {  	[tilespmem:s10+$0x50] =	vst v25;
	v24 =	vor.u32 s6, v15;
	v22 =	vld.idx.msk [tilespmem:v22+s20+$0x0], $0xffff  }
0x29b: {  	v32 =	vor.u32 s15, v13;
	[tilespmem:s10+$0x150] =	vst v28;
	v21 =	vld.idx.msk [tilespmem:v19+s20+$0x0], $0xffff  }
0x29c: {  	v33 =	vor.u32 s2, v13;
	[tilespmem:s10+$0xFFFFFE50] =	vst v23;
	v18 =	vld.idx.msk [tilespmem:v17+s20+$0x0], $0xffff  }
0x29d: {  	[tilespmem:s10+$0xD0] =	vst v16;
	v17 =	vld.idx.msk [tilespmem:v27+s20+$0x0], $0xffff;
	v27 =	vor.u32 s7, v13  }
0x29e: {  	v26 =	vor.u32 s13, v13;
	v20 =	vld.idx.msk [tilespmem:v20+s20+$0x0], $0xffff;
	[tilespmem:s10+$0xFFFFFF60] =	vst v30  }
0x29f: {  	v25 =	vor.u32 s14, v13;
	v16 =	vld.idx.msk [tilespmem:v24+s20+$0x0], $0xffff;
	[tilespmem:s10+$0xFFFFFEE0] =	vst v29  }
0x2a0: {  	v24 =	vor.u32 s21, v13;
	v19 =	vld.idx.msk [tilespmem:v32+s20+$0x0], $0xffff;
	[tilespmem:s10+$0xFFFFFFE0] =	vst v31  }
0x2a1: {  	s2 =	simm.s32 $0x10;
	s13 =	simm.s32 $0xF;
	v23 =	vor.u32 s1, v13;
	[tilespmem:s10+$0x1F0] =	vst v22;
	v22 =	vld.idx.msk [tilespmem:v33+s20+$0x0], $0xffff  }
.LBB2_11:
0x2a2: {  	p1 =	slt.u32 s2, $0x38;
	s15 =	sadd.s32 $0x1, s6;
	v28 =	vor.u32 s13, v15;
	v27 =	vld.idx.msk [tilespmem:v27+s20+$0x0], $0xffff;
	[tilespmem:s10+$0x60] =	vst v21  }
0x2a3: {  	s1 =	sadd.s32 $0x2, s6;
	v21 =	vor.u32 s15, v15;
	v26 =	vld.idx.msk [tilespmem:v26+s20+$0x0], $0xffff;
	[tilespmem:s10+$0xE0] =	vst v20  }
0x2a4: {  	s21 =	sadd.s32 $0x3, s6;
	v20 =	vor.u32 s1, v15;
	v25 =	vld.idx.msk [tilespmem:v25+s20+$0x0], $0xffff;
	[tilespmem:s10+$0x160] =	vst v18  }
0x2a5: {  	s14 =	sadd.s32 $0x4, s6;
	v18 =	vor.u32 s21, v15;
	[tilespmem:s10+$0xFFFFFE60] =	vst v17;
	v17 =	vld.idx.msk [tilespmem:v24+s20+$0x0], $0xffff  }
0x2a6: {  	s7 =	sadd.s32 $0x5, s6;
	v24 =	vor.u32 s14, v15;
	v23 =	vld.idx.msk [tilespmem:v23+s20+$0x0], $0xffff;
	[tilespmem:s10+$0xFFFFFEF0] =	vst v19  }
0x2a7: {  	s8 =	sadd.s32 $0x6, s6;
	v19 =	vor.u32 s7, v15;
	v28 =	vld.idx.msk [tilespmem:v28+s20+$0x0], $0xffff;
	[tilespmem:s10+$0xFFFFFF70] =	vst v22  }
0x2a8: {  	v22 =	vor.u32 s8, v15;
	v21 =	vld.idx.msk [tilespmem:v21+s20+$0x0], $0xffff;
	[tilespmem:s10+$0xFFFFFFF0] =	vst v27  }
0x2a9: {  	v27 =	vor.u32 s13, v14;
	v20 =	vld.idx.msk [tilespmem:v20+s20+$0x0], $0xffff;
	[tilespmem:s10+$0x70] =	vst v26  }
0x2aa: {  	v26 =	vor.u32 s15, v14;
	v18 =	vld.idx.msk [tilespmem:v18+s20+$0x0], $0xffff;
	[tilespmem:s10+$0xF0] =	vst v25  }
0x2ab: {  	v25 =	vor.u32 s1, v14;
	v24 =	vld.idx.msk [tilespmem:v24+s20+$0x0], $0xffff;
	[tilespmem:s10+$0x170] =	vst v17  }
0x2ac: {  	v17 =	vor.u32 s21, v14;
	v19 =	vld.idx.msk [tilespmem:v19+s20+$0x0], $0xffff;
	[tilespmem:s10+$0xFFFFFE70] =	vst v23;
	s10 =	sadd.s32 $0x400, s10  }
0x2ad: {  	v23 =	vor.u32 s14, v14;
	v22 =	vld.idx.msk [tilespmem:v22+s20+$0x0], $0xffff;
	[tilespmem:s10+$0x180] =	vst v28  }
0x2ae: {  	[tilespmem:s10+$0xFFFFFE80] =	vst v21;
	v21 =	vor.u32 s7, v14;
	v27 =	vld.idx.msk [tilespmem:v27+s20+$0x0], $0xffff  }
0x2af: {  	v26 =	vld.idx.msk [tilespmem:v26+s20+$0x0], $0xffff;
	[tilespmem:s10+$0xFFFFFF00] =	vst v20;
	v20 =	vor.u32 s8, v14  }
0x2b0: {  	v25 =	vld.idx.msk [tilespmem:v25+s20+$0x0], $0xffff;
	[tilespmem:s10+$0xFFFFFF80] =	vst v18;
	v18 =	vor.u32 s13, v9  }
0x2b1: {  	v28 =	vor.u32 s6, v14;
	v17 =	vld.idx.msk [tilespmem:v17+s20+$0x0], $0xffff;
	[tilespmem:s10+$0x0] =	vst v24  }
0x2b2: {  	v24 =	vor.u32 s15, v9;
	v23 =	vld.idx.msk [tilespmem:v23+s20+$0x0], $0xffff;
	[tilespmem:s10+$0x80] =	vst v19  }
0x2b3: {  	v19 =	vor.u32 s1, v9;
	v21 =	vld.idx.msk [tilespmem:v21+s20+$0x0], $0xffff;
	[tilespmem:s10+$0x100] =	vst v22  }
0x2b4: {  	v22 =	vor.u32 s21, v9;
	v20 =	vld.idx.msk [tilespmem:v20+s20+$0x0], $0xffff;
	[tilespmem:s10+$0x190] =	vst v27  }
0x2b5: {  	[tilespmem:s10+$0xFFFFFE00] =	vst v16;
	v16 =	vor.u32 s14, v9;
	v18 =	vld.idx.msk [tilespmem:v18+s20+$0x0], $0xffff  }
0x2b6: {  	v27 =	vld.idx.msk [tilespmem:v28+s20+$0x0], $0xffff;
	[tilespmem:s10+$0xFFFFFE90] =	vst v26;
	v26 =	vor.u32 s7, v9  }
0x2b7: {  	v24 =	vld.idx.msk [tilespmem:v24+s20+$0x0], $0xffff;
	[tilespmem:s10+$0xFFFFFF10] =	vst v25;
	v25 =	vor.u32 s13, v10  }
0x2b8: {  	v19 =	vld.idx.msk [tilespmem:v19+s20+$0x0], $0xffff;
	[tilespmem:s10+$0xFFFFFF90] =	vst v17;
	v17 =	vor.u32 s8, v9  }
0x2b9: {  	v28 =	vor.u32 s6, v9;
	v22 =	vld.idx.msk [tilespmem:v22+s20+$0x0], $0xffff;
	[tilespmem:s10+$0x10] =	vst v23  }
0x2ba: {  	v23 =	vor.u32 s15, v10;
	v16 =	vld.idx.msk [tilespmem:v16+s20+$0x0], $0xffff;
	[tilespmem:s10+$0x90] =	vst v21  }
0x2bb: {  	v21 =	vor.u32 s1, v10;
	v26 =	vld.idx.msk [tilespmem:v26+s20+$0x0], $0xffff;
	[tilespmem:s10+$0x1A0] =	vst v18  }
0x2bc: {  	v18 =	vor.u32 s21, v10;
	[tilespmem:s10+$0x110] =	vst v20;
	v20 =	vld.idx.msk [tilespmem:v25+s20+$0x0], $0xffff  }
0x2bd: {  	v25 =	vor.u32 s14, v10;
	[tilespmem:s10+$0xFFFFFE10] =	vst v27;
	v17 =	vld.idx.msk [tilespmem:v17+s20+$0x0], $0xffff  }
0x2be: {  	v27 =	vld.idx.msk [tilespmem:v28+s20+$0x0], $0xffff;
	[tilespmem:s10+$0xFFFFFEA0] =	vst v24;
	v24 =	vor.u32 s13, v11  }
0x2bf: {  	v23 =	vld.idx.msk [tilespmem:v23+s20+$0x0], $0xffff;
	[tilespmem:s10+$0xFFFFFF20] =	vst v19;
	v19 =	vor.u32 s7, v10  }
0x2c0: {  	v21 =	vld.idx.msk [tilespmem:v21+s20+$0x0], $0xffff;
	[tilespmem:s10+$0xFFFFFFA0] =	vst v22;
	v22 =	vor.u32 s8, v10  }
0x2c1: {  	v28 =	vor.u32 s6, v10;
	v18 =	vld.idx.msk [tilespmem:v18+s20+$0x0], $0xffff;
	[tilespmem:s10+$0x20] =	vst v16  }
0x2c2: {  	v16 =	vor.u32 s15, v11;
	v25 =	vld.idx.msk [tilespmem:v25+s20+$0x0], $0xffff;
	[tilespmem:s10+$0x1B0] =	vst v20  }
0x2c3: {  	v20 =	vor.u32 s1, v11;
	[tilespmem:s10+$0xA0] =	vst v26;
	v24 =	vld.idx.msk [tilespmem:v24+s20+$0x0], $0xffff  }
0x2c4: {  	v26 =	vor.u32 s21, v11;
	v19 =	vld.idx.msk [tilespmem:v19+s20+$0x0], $0xffff;
	[tilespmem:s10+$0x120] =	vst v17  }
0x2c5: {  	[tilespmem:s10+$0xFFFFFE20] =	vst v27;
	v17 =	vld.idx.msk [tilespmem:v22+s20+$0x0], $0xffff;
	v22 =	vor.u32 s13, v8  }
0x2c6: {  	v27 =	vld.idx.msk [tilespmem:v28+s20+$0x0], $0xffff;
	[tilespmem:s10+$0xFFFFFEB0] =	vst v23;
	v23 =	vor.u32 s14, v11  }
0x2c7: {  	v16 =	vld.idx.msk [tilespmem:v16+s20+$0x0], $0xffff;
	[tilespmem:s10+$0xFFFFFF30] =	vst v21;
	v21 =	vor.u32 s7, v11  }
0x2c8: {  	v20 =	vld.idx.msk [tilespmem:v20+s20+$0x0], $0xffff;
	[tilespmem:s10+$0xFFFFFFB0] =	vst v18;
	v18 =	vor.u32 s8, v11  }
0x2c9: {  	v28 =	vor.u32 s6, v11;
	v26 =	vld.idx.msk [tilespmem:v26+s20+$0x0], $0xffff;
	[tilespmem:s10+$0x1C0] =	vst v24  }
0x2ca: {  	v24 =	vor.u32 s15, v8;
	[tilespmem:s10+$0x30] =	vst v25;
	v22 =	vld.idx.msk [tilespmem:v22+s20+$0x0], $0xffff  }
0x2cb: {  	v25 =	vor.u32 s1, v8;
	v23 =	vld.idx.msk [tilespmem:v23+s20+$0x0], $0xffff;
	[tilespmem:s10+$0xB0] =	vst v19  }
0x2cc: {  	v19 =	vld.idx.msk [tilespmem:v21+s20+$0x0], $0xffff;
	[tilespmem:s10+$0x130] =	vst v17;
	v17 =	vor.u32 s13, v12  }
0x2cd: {  	v21 =	vor.u32 s21, v8;
	[tilespmem:s10+$0xFFFFFE30] =	vst v27;
	v18 =	vld.idx.msk [tilespmem:v18+s20+$0x0], $0xffff  }
0x2ce: {  	v27 =	vld.idx.msk [tilespmem:v28+s20+$0x0], $0xffff;
	[tilespmem:s10+$0xFFFFFEC0] =	vst v16;
	v16 =	vor.u32 s14, v8  }
0x2cf: {  	v24 =	vld.idx.msk [tilespmem:v24+s20+$0x0], $0xffff;
	[tilespmem:s10+$0xFFFFFF40] =	vst v20;
	v20 =	vor.u32 s7, v8  }
0x2d0: {  	v28 =	vor.u32 s8, v8;
	v25 =	vld.idx.msk [tilespmem:v25+s20+$0x0], $0xffff;
	[tilespmem:s10+$0x1D0] =	vst v22  }
0x2d1: {  	v22 =	vor.u32 s6, v8;
	[tilespmem:s10+$0xFFFFFFC0] =	vst v26;
	v17 =	vld.idx.msk [tilespmem:v17+s20+$0x0], $0xffff  }
0x2d2: {  	v26 =	vor.u32 s15, v12;
	v21 =	vld.idx.msk [tilespmem:v21+s20+$0x0], $0xffff;
	[tilespmem:s10+$0x40] =	vst v23  }
0x2d3: {  	v16 =	vld.idx.msk [tilespmem:v16+s20+$0x0], $0xffff;
	[tilespmem:s10+$0xC0] =	vst v19;
	v19 =	vor.u32 s13, v13  }
0x2d4: {  	v23 =	vor.u32 s1, v12;
	v20 =	vld.idx.msk [tilespmem:v20+s20+$0x0], $0xffff;
	[tilespmem:s10+$0x140] =	vst v18  }
0x2d5: {  	v18 =	vor.u32 s21, v12;
	[tilespmem:s10+$0xFFFFFE40] =	vst v27;
	v27 =	vld.idx.msk [tilespmem:v28+s20+$0x0], $0xffff  }
0x2d6: {  	v22 =	vld.idx.msk [tilespmem:v22+s20+$0x0], $0xffff;
	[tilespmem:s10+$0xFFFFFED0] =	vst v24;
	v24 =	vor.u32 s14, v12  }
0x2d7: {  	v28 =	vld.idx.msk [tilespmem:v26+s20+$0x0], $0xffff;
	v26 =	vor.u32 s7, v12;
	[tilespmem:s10+$0x1E0] =	vst v17  }
0x2d8: {  	v17 =	vor.u32 s8, v12;
	[tilespmem:s10+$0xFFFFFF50] =	vst v25;
	v19 =	vld.idx.msk [tilespmem:v19+s20+$0x0], $0xffff  }
0x2d9: {  	v25 =	vor.u32 s6, v12;
	v23 =	vld.idx.msk [tilespmem:v23+s20+$0x0], $0xffff;
	[tilespmem:s10+$0xFFFFFFD0] =	vst v21  }
0x2da: {  	v29 =	vor.u32 s2, v15;
	v30 =	vld.idx.msk [tilespmem:v18+s20+$0x0], $0xffff;
	[tilespmem:s10+$0x50] =	vst v16  }
0x2db: {  	v31 =	vor.u32 s15, v13;
	v21 =	vld.idx.msk [tilespmem:v24+s20+$0x0], $0xffff;
	[tilespmem:s10+$0xD0] =	vst v20  }
0x2dc: {  	v32 =	vor.u32 s1, v13;
	v20 =	vld.idx.msk [tilespmem:v26+s20+$0x0], $0xffff;
	[tilespmem:s10+$0x150] =	vst v27  }
.Ltmp7:
0x2dd: {  	v27 =	vor.u32 s21, v13;
	[tilespmem:s10+$0xFFFFFE50] =	vst v22;
	v18 =	vld.idx.msk [tilespmem:v17+s20+$0x0], $0xffff;
	(pc) =	sbr.rel @p1 .LBB2_11-.Ltmp7, $4  }
0x2de: {  	v26 =	vor.u32 s14, v13;
	v17 =	vld.idx.msk [tilespmem:v25+s20+$0x0], $0xffff;
	[tilespmem:s10+$0x1F0] =	vst v19  }
0x2df: {  	v25 =	vor.u32 s7, v13;
	v16 =	vld.idx.msk [tilespmem:v29+s20+$0x0], $0xffff;
	[tilespmem:s10+$0xFFFFFEE0] =	vst v28  }
0x2e0: {  	v24 =	vor.u32 s8, v13;
	v19 =	vld.idx.msk [tilespmem:v31+s20+$0x0], $0xffff;
	[tilespmem:s10+$0xFFFFFF60] =	vst v23  }
0x2e1: {  	s13 =	sadd.s32 $0x7, s2;
	v23 =	vor.u32 s6, v13;
	s6 =	smov.u32 s2;
	s2 =	sadd.s32 $0x8, s2;
	v22 =	vld.idx.msk [tilespmem:v32+s20+$0x0], $0xffff;
	[tilespmem:s10+$0xFFFFFFE0] =	vst v30  }
0x2e2: {  	_ =	sdelay $0x1  }
0x2e3: {  	[tilespmem:s10+$0x60] =	vst v21  }
0x2e4: {  	[tilespmem:s10+$0xE0] =	vst v20  }
0x2e5: {  	s1 =	sadd.s32 $0x1, s6;
	v21 =	vor.u32 s13, v15;
	v27 =	vld.idx.msk [tilespmem:v27+s20+$0x0], $0xffff;
	[tilespmem:s10+$0x160] =	vst v18  }
0x2e6: {  	s7 =	sadd.s32 $0x2, s6;
	s2 =	sadd.s32 $0x400, s10;
	v20 =	vor.u32 s1, v15;
	v26 =	vld.idx.msk [tilespmem:v26+s20+$0x0], $0xffff;
	[tilespmem:s10+$0xFFFFFE60] =	vst v17  }
0x2e7: {  	s8 =	sadd.s32 $0x3, s6;
	v18 =	vor.u32 s7, v15;
	v25 =	vld.idx.msk [tilespmem:v25+s20+$0x0], $0xffff;
	[tilespmem:s2+$0xFFFFFE00] =	vst v16  }
0x2e8: {  	s14 =	sadd.s32 $0x4, s6;
	v17 =	vor.u32 s8, v15;
	v24 =	vld.idx.msk [tilespmem:v24+s20+$0x0], $0xffff;
	[tilespmem:s10+$0xFFFFFEF0] =	vst v19  }
0x2e9: {  	s15 =	sadd.s32 $0x5, s6;
	v23 =	vld.idx.msk [tilespmem:v23+s20+$0x0], $0xffff;
	v19 =	vor.u32 s14, v15;
	[tilespmem:s10+$0xFFFFFF70] =	vst v22  }
0x2ea: {  	s21 =	sadd.s32 $0x6, s6;
	v22 =	vor.u32 s15, v15;
	v21 =	vld.idx.msk [tilespmem:v21+s20+$0x0], $0xffff;
	[tilespmem:s10+$0xFFFFFFF0] =	vst v27  }
0x2eb: {  	v15 =	vor.u32 s21, v15;
	v20 =	vld.idx.msk [tilespmem:v20+s20+$0x0], $0xffff;
	[tilespmem:s10+$0x70] =	vst v26  }
0x2ec: {  	v18 =	vld.idx.msk [tilespmem:v18+s20+$0x0], $0xffff;
	v26 =	vor.u32 s13, v14;
	[tilespmem:s10+$0xF0] =	vst v25  }
0x2ed: {  	v17 =	vld.idx.msk [tilespmem:v17+s20+$0x0], $0xffff;
	[tilespmem:s10+$0x170] =	vst v24;
	v24 =	vor.u32 s1, v14  }
0x2ee: {  	[tilespmem:s10+$0xFFFFFE70] =	vst v23;
	v23 =	vor.u32 s7, v14;
	v19 =	vld.idx.msk [tilespmem:v19+s20+$0x0], $0xffff  }
0x2ef: {  	v22 =	vld.idx.msk [tilespmem:v22+s20+$0x0], $0xffff;
	[tilespmem:s2+$0x180] =	vst v21;
	v21 =	vor.u32 s8, v14  }
0x2f0: {  	v15 =	vld.idx.msk [tilespmem:v15+s20+$0x0], $0xffff;
	[tilespmem:s2+$0xFFFFFE80] =	vst v20;
	v20 =	vor.u32 s14, v14  }
0x2f1: {  	v25 =	vld.idx.msk [tilespmem:v26+s20+$0x0], $0xffff;
	[tilespmem:s2+$0xFFFFFF00] =	vst v18;
	v18 =	vor.u32 s15, v14  }
0x2f2: {  	[tilespmem:s2+$0xFFFFFF80] =	vst v17;
	v17 =	vld.idx.msk [tilespmem:v24+s20+$0x0], $0xffff;
	v24 =	vor.u32 s13, v9  }
0x2f3: {  	v23 =	vld.idx.msk [tilespmem:v23+s20+$0x0], $0xffff;
	[tilespmem:s2+$0x0] =	vst v19;
	v19 =	vor.u32 s21, v14  }
0x2f4: {  	v14 =	vor.u32 s6, v14;
	[tilespmem:s2+$0x80] =	vst v22;
	v21 =	vld.idx.msk [tilespmem:v21+s20+$0x0], $0xffff  }
0x2f5: {  	[tilespmem:s2+$0x100] =	vst v15;
	v15 =	vor.u32 s1, v9;
	v20 =	vld.idx.msk [tilespmem:v20+s20+$0x0], $0xffff  }
0x2f6: {  	v22 =	vor.u32 s7, v9;
	[tilespmem:s2+$0x190] =	vst v25;
	v18 =	vld.idx.msk [tilespmem:v18+s20+$0x0], $0xffff  }
0x2f7: {  	v16 =	vor.u32 s8, v9;
	v24 =	vld.idx.msk [tilespmem:v24+s20+$0x0], $0xffff;
	[tilespmem:s2+$0xFFFFFE90] =	vst v17  }
0x2f8: {  	[tilespmem:s2+$0xFFFFFF10] =	vst v23;
	v17 =	vld.idx.msk [tilespmem:v19+s20+$0x0], $0xffff;
	v19 =	vor.u32 s14, v9  }
0x2f9: {  	v23 =	vor.u32 s13, v10;
	v14 =	vld.idx.msk [tilespmem:v14+s20+$0x0], $0xffff;
	[tilespmem:s2+$0xFFFFFF90] =	vst v21  }
0x2fa: {  	v15 =	vld.idx.msk [tilespmem:v15+s20+$0x0], $0xffff;
	v21 =	vor.u32 s15, v9;
	[tilespmem:s2+$0x10] =	vst v20  }
0x2fb: {  	v20 =	vld.idx.msk [tilespmem:v22+s20+$0x0], $0xffff;
	v22 =	vor.u32 s21, v9;
	[tilespmem:s2+$0x90] =	vst v18  }
0x2fc: {  	v9 =	vor.u32 s6, v9;
	v16 =	vld.idx.msk [tilespmem:v16+s20+$0x0], $0xffff;
	[tilespmem:s2+$0x1A0] =	vst v24  }
0x2fd: {  	v18 =	vor.u32 s1, v10;
	v19 =	vld.idx.msk [tilespmem:v19+s20+$0x0], $0xffff;
	[tilespmem:s2+$0x110] =	vst v17  }
0x2fe: {  	v17 =	vor.u32 s7, v10;
	v23 =	vld.idx.msk [tilespmem:v23+s20+$0x0], $0xffff;
	[tilespmem:s2+$0xFFFFFE10] =	vst v14  }
0x2ff: {  	[tilespmem:s2+$0xFFFFFEA0] =	vst v15;
	v14 =	vld.idx.msk [tilespmem:v21+s20+$0x0], $0xffff;
	v21 =	vor.u32 s8, v10  }
0x300: {  	v15 =	vld.idx.msk [tilespmem:v22+s20+$0x0], $0xffff;
	v22 =	vor.u32 s13, v11;
	[tilespmem:s2+$0xFFFFFF20] =	vst v20  }
0x301: {  	v20 =	vor.u32 s14, v10;
	v9 =	vld.idx.msk [tilespmem:v9+s20+$0x0], $0xffff;
	[tilespmem:s2+$0xFFFFFFA0] =	vst v16  }
0x302: {  	v16 =	vld.idx.msk [tilespmem:v18+s20+$0x0], $0xffff;
	v18 =	vor.u32 s15, v10;
	[tilespmem:s2+$0x20] =	vst v19  }
0x303: {  	v17 =	vld.idx.msk [tilespmem:v17+s20+$0x0], $0xffff;
	v19 =	vor.u32 s21, v10;
	[tilespmem:s2+$0x1B0] =	vst v23  }
0x304: {  	v10 =	vor.u32 s6, v10;
	v21 =	vld.idx.msk [tilespmem:v21+s20+$0x0], $0xffff;
	[tilespmem:s2+$0xA0] =	vst v14  }
0x305: {  	v14 =	vor.u32 s1, v11;
	v22 =	vld.idx.msk [tilespmem:v22+s20+$0x0], $0xffff;
	[tilespmem:s2+$0x120] =	vst v15  }
0x306: {  	v15 =	vld.idx.msk [tilespmem:v20+s20+$0x0], $0xffff;
	v20 =	vor.u32 s7, v11;
	[tilespmem:s2+$0xFFFFFE20] =	vst v9  }
0x307: {  	v9 =	vld.idx.msk [tilespmem:v18+s20+$0x0], $0xffff;
	[tilespmem:s2+$0xFFFFFEB0] =	vst v16;
	v16 =	vor.u32 s8, v11  }
0x308: {  	v18 =	vor.u32 s13, v8;
	v19 =	vld.idx.msk [tilespmem:v19+s20+$0x0], $0xffff;
	[tilespmem:s2+$0xFFFFFF30] =	vst v17  }
0x309: {  	v10 =	vld.idx.msk [tilespmem:v10+s20+$0x0], $0xffff;
	v17 =	vor.u32 s14, v11;
	[tilespmem:s2+$0xFFFFFFB0] =	vst v21  }
0x30a: {  	v14 =	vld.idx.msk [tilespmem:v14+s20+$0x0], $0xffff;
	v21 =	vor.u32 s15, v11;
	[tilespmem:s2+$0x1C0] =	vst v22  }
0x30b: {  	v20 =	vld.idx.msk [tilespmem:v20+s20+$0x0], $0xffff;
	v22 =	vor.u32 s21, v11;
	[tilespmem:s2+$0x30] =	vst v15  }
0x30c: {  	v11 =	vor.u32 s6, v11;
	[tilespmem:s2+$0xB0] =	vst v9;
	v9 =	vld.idx.msk [tilespmem:v16+s20+$0x0], $0xffff  }
0x30d: {  	v16 =	vor.u32 s1, v8;
	v15 =	vld.idx.msk [tilespmem:v18+s20+$0x0], $0xffff;
	[tilespmem:s2+$0x130] =	vst v19  }
0x30e: {  	v18 =	vor.u32 s13, v12;
	v17 =	vld.idx.msk [tilespmem:v17+s20+$0x0], $0xffff;
	[tilespmem:s2+$0xFFFFFE30] =	vst v10  }
0x30f: {  	v10 =	vor.u32 s7, v8;
	v19 =	vld.idx.msk [tilespmem:v21+s20+$0x0], $0xffff;
	[tilespmem:s2+$0xFFFFFEC0] =	vst v14  }
0x310: {  	v14 =	vor.u32 s8, v8;
	v21 =	vld.idx.msk [tilespmem:v22+s20+$0x0], $0xffff;
	[tilespmem:s2+$0xFFFFFF40] =	vst v20  }
0x311: {  	v11 =	vld.idx.msk [tilespmem:v11+s20+$0x0], $0xffff;
	v20 =	vor.u32 s14, v8;
	[tilespmem:s2+$0xFFFFFFC0] =	vst v9  }
0x312: {  	[tilespmem:s2+$0x1D0] =	vst v15;
	v15 =	vld.idx.msk [tilespmem:v16+s20+$0x0], $0xffff;
	v16 =	vor.u32 s15, v8  }
0x313: {  	v9 =	vor.u32 s21, v8;
	v18 =	vld.idx.msk [tilespmem:v18+s20+$0x0], $0xffff;
	[tilespmem:s2+$0x40] =	vst v17  }
0x314: {  	v8 =	vor.u32 s6, v8;
	v10 =	vld.idx.msk [tilespmem:v10+s20+$0x0], $0xffff;
	[tilespmem:s2+$0xC0] =	vst v19  }
0x315: {  	v17 =	vor.u32 s13, v13;
	v14 =	vld.idx.msk [tilespmem:v14+s20+$0x0], $0xffff;
	[tilespmem:s2+$0x140] =	vst v21  }
0x316: {  	v19 =	vor.u32 s1, v12;
	v20 =	vld.idx.msk [tilespmem:v20+s20+$0x0], $0xffff;
	[tilespmem:s2+$0xFFFFFE40] =	vst v11  }
0x317: {  	v11 =	vor.u32 s7, v12;
	v16 =	vld.idx.msk [tilespmem:v16+s20+$0x0], $0xffff;
	[tilespmem:s2+$0xFFFFFED0] =	vst v15  }
0x318: {  	v15 =	vor.u32 s8, v12;
	v9 =	vld.idx.msk [tilespmem:v9+s20+$0x0], $0xffff;
	[tilespmem:s2+$0x1E0] =	vst v18  }
0x319: {  	v8 =	vld.idx.msk [tilespmem:v8+s20+$0x0], $0xffff;
	v18 =	vor.u32 s14, v12;
	[tilespmem:s2+$0xFFFFFF50] =	vst v10  }
0x31a: {  	v10 =	vor.u32 s15, v12;
	v17 =	vld.idx.msk [tilespmem:v17+s20+$0x0], $0xffff;
	[tilespmem:s2+$0xFFFFFFD0] =	vst v14  }
0x31b: {  	v14 =	vld.idx.msk [tilespmem:v19+s20+$0x0], $0xffff;
	v19 =	vor.u32 s21, v12;
	[tilespmem:s2+$0x50] =	vst v20  }
0x31c: {  	v12 =	vor.u32 s6, v12;
	v11 =	vld.idx.msk [tilespmem:v11+s20+$0x0], $0xffff;
	[tilespmem:s2+$0xD0] =	vst v16  }
0x31d: {  	v15 =	vld.idx.msk [tilespmem:v15+s20+$0x0], $0xffff;
	v16 =	vor.u32 s1, v13;
	[tilespmem:s2+$0x150] =	vst v9  }
0x31e: {  	[tilespmem:s2+$0xFFFFFE50] =	vst v8;
	v9 =	vld.idx.msk [tilespmem:v18+s20+$0x0], $0xffff;
	v18 =	vor.u32 s7, v13  }
0x31f: {  	v8 =	vld.idx.msk [tilespmem:v10+s20+$0x0], $0xffff;
	v10 =	vor.u32 s8, v13;
	[tilespmem:s2+$0x1F0] =	vst v17  }
0x320: {  	v17 =	vld.idx.msk [tilespmem:v19+s20+$0x0], $0xffff;
	v19 =	vor.u32 s14, v13;
	[tilespmem:s2+$0xFFFFFEE0] =	vst v14  }
0x321: {  	v12 =	vld.idx.msk [tilespmem:v12+s20+$0x0], $0xffff;
	v14 =	vor.u32 s15, v13;
	[tilespmem:s2+$0xFFFFFF60] =	vst v11  }
0x322: {  	v11 =	vld.idx.msk [tilespmem:v16+s20+$0x0], $0xffff;
	v16 =	vor.u32 s21, v13;
	[tilespmem:s2+$0xFFFFFFE0] =	vst v15  }
0x323: {  	v13 =	vor.u32 s6, v13;
	v15 =	vld.idx.msk [tilespmem:v18+s20+$0x0], $0xffff;
	[tilespmem:s2+$0x60] =	vst v9  }
0x324: {  	v9 =	vld.idx.msk [tilespmem:v10+s20+$0x0], $0xffff;
	[tilespmem:s2+$0xE0] =	vst v8  }
0x325: {  	v8 =	vld.idx.msk [tilespmem:v19+s20+$0x0], $0xffff;
	[tilespmem:s2+$0x160] =	vst v17  }
0x326: {  	v10 =	vld.idx.msk [tilespmem:v14+s20+$0x0], $0xffff;
	[tilespmem:s2+$0xFFFFFE60] =	vst v12  }
0x327: {  	v12 =	vld.idx.msk [tilespmem:v16+s20+$0x0], $0xffff;
	[tilespmem:s2+$0xFFFFFEF0] =	vst v11  }
0x328: {  	v11 =	vld.idx.msk [tilespmem:v13+s20+$0x0], $0xffff;
	[tilespmem:s2+$0xFFFFFF70] =	vst v15  }
0x329: {  	[tilespmem:s2+$0xFFFFFFF0] =	vst v9  }
0x32a: {  	[tilespmem:s2+$0x70] =	vst v8  }
0x32b: {  	[tilespmem:s2+$0xF0] =	vst v10  }
0x32c: {  	[tilespmem:s2+$0x170] =	vst v12  }
0x32d: {  	[tilespmem:s2+$0xFFFFFE70] =	vst v11  }
0x32e: {  	s21 =	rddreg [dreg:$0x5]  }
0x32f: {  	s1 =	sadd.s32 s19, s21  }
0x330: {  	[hbm4b:s1+s24] =	stream.strided.scatter [tilespmem:s25], [sflag:$0x5], $0x2000, s12, s24, $0x38;
	[tilespmem:$0x1B200] =	vst v63  }
0x331: {  	v8 =	vld @!p0 [tilespmem:s3+$0x800];
	_ =	sdelay $0x4  }
0x332: {  	v8 =	vshrl.u32 @!p0 v8, $0x1  }
0x333: {  	[tilespmem:$0x7100] =	vst @!p0 v8  }
0x334: {  	v8 =	vld @!p0 [tilespmem:s3+$0x810];
	_ =	sdelay $0x4  }
0x335: {  	v8 =	vshrl.u32 @!p0 v8, $0x1  }
0x336: {  	[tilespmem:$0x7110] =	vst @!p0 v8  }
0x337: {  	v8 =	vld @!p0 [tilespmem:s3+$0x820];
	_ =	sdelay $0x4  }
0x338: {  	v8 =	vshrl.u32 @!p0 v8, $0x1  }
0x339: {  	[tilespmem:$0x7120] =	vst @!p0 v8  }
0x33a: {  	v8 =	vld @!p0 [tilespmem:s3+$0x830];
	_ =	sdelay $0x4  }
0x33b: {  	v8 =	vshrl.u32 @!p0 v8, $0x1  }
0x33c: {  	[tilespmem:$0x7130] =	vst @!p0 v8  }
0x33d: {  	v8 =	vld @!p0 [tilespmem:s3+$0x840];
	_ =	sdelay $0x4  }
0x33e: {  	v8 =	vshrl.u32 @!p0 v8, $0x1  }
0x33f: {  	[tilespmem:$0x7140] =	vst @!p0 v8  }
0x340: {  	v8 =	vld @!p0 [tilespmem:s3+$0x850];
	_ =	sdelay $0x4  }
0x341: {  	v8 =	vshrl.u32 @!p0 v8, $0x1  }
0x342: {  	[tilespmem:$0x7150] =	vst @!p0 v8  }
0x343: {  	v8 =	vld @!p0 [tilespmem:s3+$0x860];
	_ =	sdelay $0x4  }
0x344: {  	v8 =	vshrl.u32 @!p0 v8, $0x1  }
0x345: {  	[tilespmem:$0x7160] =	vst @!p0 v8  }
0x346: {  	v8 =	vld @!p0 [tilespmem:s3+$0x870];
	_ =	sdelay $0x4  }
0x347: {  	v8 =	vshrl.u32 @!p0 v8, $0x1  }
0x348: {  	s2 =	simm.s32 @!p0 $0x7100;
	s1 =	simm.s32 @!p0 $0x80;
	s3 =	simm.s32 @!p0 $0xF200;
	[tilespmem:$0x7170] =	vst @!p0 v8  }
0x349: {  	[tilespmem:s3], [sflag:$0x3] =	stream.indirect.gather @!p0 [hbm4b:s5+s1], $0x80, s2, s1, $0xb8;
	[tilespmem:$0x1B200] =	vst v63  }
0x34a: {  	_ =	swait.ge [sflag:s0], $0x4000  }
0x34b: {  	[sflag:s0] =	ssyncset.done $0x0  }
0x34c: {  	[sflag:s0] =	ssyncadd.s32 $0xFFFFC000  }
0x34d: {  	_ =	swait.ge [sflag:s28], $0x2000  }
0x34e: {  	[sflag:s28] =	ssyncset.done $0x0  }
0x34f: {  	[sflag:s28] =	ssyncadd.s32 $0xFFFFE000  }
0x350: {  	v8 =	vld [tilespmem:s17+$0xC00];
	_ =	sdelay $0x4  }
0x351: {  	v8 =	vshll.u32 v8, $0x6  }
0x352: {  	v9 =	vld [tilespmem:s17+$0xC10];
	v8 =	vand.u32 $0x40, v8  }
0x353: {  	s1 =	simm.s32 $0x0;
	v10 =	vld [tilespmem:s17+$0xC20];
	v15 =	vor.u32 v0, v8  }
0x354: {  	s2 =	simm.s32 $0x7;
	v12 =	vld [tilespmem:s17+$0xC40];
	v11 =	vor.u32 s1, v15  }
0x355: {  	s7 =	simm.s32 $0x1;
	v16 =	vld [tilespmem:s17+$0xC50];
	v14 =	vor.u32 s2, v15  }
0x356: {  	s10 =	simm.s32 $0x2;
	v18 =	vld [tilespmem:s17+$0xC60];
	v17 =	vor.u32 s7, v15  }
0x357: {  	s13 =	simm.s32 $0x3;
	v13 =	vld [tilespmem:s17+$0xC70];
	v19 =	vor.u32 s10, v15  }
0x358: {  	s15 =	simm.s32 $0x4;
	v8 =	vld [tilespmem:s17+$0xC30];
	v20 =	vor.u32 s13, v15  }
0x359: {  	v9 =	vshll.u32 v9, $0x6;
	s17 =	simm.s32 $0x5;
	v21 =	vor.u32 s15, v15;
	v11 =	vld.idx.msk [tilespmem:v11+s22+$0x0], $0xffff  }
0x35a: {  	s21 =	simm.s32 $0x6;
	v9 =	vand.u32 $0x40, v9;
	v22 =	vor.u32 s17, v15;
	v23 =	vld.idx.msk [tilespmem:v14+s22+$0x0], $0xffff  }
0x35b: {  	v14 =	vor.u32 v1, v9;
	v9 =	vld.idx.msk [tilespmem:v17+s22+$0x0], $0xffff;
	v17 =	vor.u32 s21, v15  }
0x35c: {  	v19 =	vld.idx.msk [tilespmem:v19+s22+$0x0], $0xffff;
	v24 =	vor.u32 s2, v14  }
0x35d: {  	v20 =	vld.idx.msk [tilespmem:v20+s22+$0x0], $0xffff;
	v25 =	vor.u32 s7, v14  }
0x35e: {  	s6 =	simm.s32 $0x195F0;
	v21 =	vld.idx.msk [tilespmem:v21+s22+$0x0], $0xffff;
	v26 =	vor.u32 s10, v14  }
0x35f: {  	v22 =	vld.idx.msk [tilespmem:v22+s22+$0x0], $0xffff;
	v27 =	vor.u32 s13, v14;
	[tilespmem:s6+$0xFFFFFF90] =	vst v23  }
0x360: {  	v10 =	vshll.u32 v10, $0x6;
	v28 =	vor.u32 s15, v14;
	v17 =	vld.idx.msk [tilespmem:v17+s22+$0x0], $0xffff;
	[tilespmem:s6+$0xFFFFFC90] =	vst v9  }
0x361: {  	v10 =	vand.u32 $0x40, v10;
	v23 =	vor.u32 s17, v14;
	[tilespmem:s6+$0xFFFFFD10] =	vst v19;
	v24 =	vld.idx.msk [tilespmem:v24+s22+$0x0], $0xffff  }
0x362: {  	v9 =	vor.u32 v2, v10;
	v10 =	vor.u32 s21, v14;
	[tilespmem:s6+$0xFFFFFD90] =	vst v20;
	v25 =	vld.idx.msk [tilespmem:v25+s22+$0x0], $0xffff  }
0x363: {  	[tilespmem:s6+$0xFFFFFE10] =	vst v21;
	v19 =	vld.idx.msk [tilespmem:v26+s22+$0x0], $0xffff;
	v26 =	vor.u32 s1, v14  }
0x364: {  	[tilespmem:s6+$0xFFFFFE90] =	vst v22;
	v20 =	vor.u32 s2, v9;
	v27 =	vld.idx.msk [tilespmem:v27+s22+$0x0], $0xffff  }
0x365: {  	[tilespmem:s6+$0xFFFFFC10] =	vst v11;
	v21 =	vor.u32 s7, v9;
	v28 =	vld.idx.msk [tilespmem:v28+s22+$0x0], $0xffff  }
0x366: {  	v8 =	vshll.u32 v8, $0x6;
	v22 =	vor.u32 s10, v9;
	v23 =	vld.idx.msk [tilespmem:v23+s22+$0x0], $0xffff;
	[tilespmem:s6+$0xFFFFFF10] =	vst v17  }
0x367: {  	v8 =	vand.u32 $0x40, v8;
	v11 =	vor.u32 s15, v9;
	v29 =	vld.idx.msk [tilespmem:v10+s22+$0x0], $0xffff;
	[tilespmem:s6+$0xFFFFFFA0] =	vst v24  }
0x368: {  	v17 =	vor.u32 s13, v9;
	v10 =	vor.u32 v3, v8;
	v8 =	vld.idx.msk [tilespmem:v26+s22+$0x0], $0xffff;
	[tilespmem:s6+$0xFFFFFCA0] =	vst v25  }
0x369: {  	v24 =	vor.u32 s17, v9;
	[tilespmem:s6+$0xFFFFFD20] =	vst v19;
	v20 =	vld.idx.msk [tilespmem:v20+s22+$0x0], $0xffff  }
0x36a: {  	[tilespmem:s6+$0xFFFFFDA0] =	vst v27;
	v25 =	vor.u32 s21, v9;
	v21 =	vld.idx.msk [tilespmem:v21+s22+$0x0], $0xffff  }
0x36b: {  	v26 =	vor.u32 s1, v9;
	[tilespmem:s6+$0xFFFFFE20] =	vst v28;
	v22 =	vld.idx.msk [tilespmem:v22+s22+$0x0], $0xffff  }
0x36c: {  	v19 =	vor.u32 s2, v10;
	v28 =	vld.idx.msk [tilespmem:v11+s22+$0x0], $0xffff;
	[tilespmem:s6+$0xFFFFFEA0] =	vst v23  }
0x36d: {  	v27 =	vor.u32 s7, v10;
	v17 =	vld.idx.msk [tilespmem:v17+s22+$0x0], $0xffff;
	[tilespmem:s6+$0xFFFFFF20] =	vst v29  }
0x36e: {  	v11 =	vshll.u32 v12, $0x6;
	v12 =	vor.u32 s10, v10;
	v23 =	vld.idx.msk [tilespmem:v24+s22+$0x0], $0xffff;
	[tilespmem:s6+$0xFFFFFC20] =	vst v8  }
0x36f: {  	v8 =	vor.u32 s15, v10;
	[tilespmem:s6+$0xFFFFFFB0] =	vst v20;
	v24 =	vld.idx.msk [tilespmem:v25+s22+$0x0], $0xffff  }
0x370: {  	v20 =	vor.u32 s13, v10;
	v25 =	vld.idx.msk [tilespmem:v26+s22+$0x0], $0xffff;
	[tilespmem:s6+$0xFFFFFCB0] =	vst v21  }
0x371: {  	v11 =	vand.u32 $0x40, v11;
	[tilespmem:s6+$0xFFFFFD30] =	vst v22;
	v22 =	vor.u32 s17, v10;
	v19 =	vld.idx.msk [tilespmem:v19+s22+$0x0], $0xffff  }
0x372: {  	v11 =	vor.u32 v4, v11;
	[tilespmem:s6+$0xFFFFFE30] =	vst v28;
	v26 =	vld.idx.msk [tilespmem:v27+s22+$0x0], $0xffff;
	v27 =	vor.u32 s1, v10  }
0x373: {  	v21 =	vor.u32 s2, v11;
	v12 =	vld.idx.msk [tilespmem:v12+s22+$0x0], $0xffff;
	[tilespmem:s6+$0xFFFFFDB0] =	vst v17  }
0x374: {  	v28 =	vor.u32 s7, v11;
	v29 =	vld.idx.msk [tilespmem:v8+s22+$0x0], $0xffff;
	[tilespmem:s6+$0xFFFFFEB0] =	vst v23  }
0x375: {  	v16 =	vshll.u32 v16, $0x6;
	v17 =	vor.u32 s21, v10;
	v20 =	vld.idx.msk [tilespmem:v20+s22+$0x0], $0xffff;
	[tilespmem:s6+$0xFFFFFF30] =	vst v24  }
0x376: {  	v8 =	vand.u32 $0x40, v16;
	v16 =	vor.u32 s10, v11;
	v22 =	vld.idx.msk [tilespmem:v22+s22+$0x0], $0xffff;
	[tilespmem:s6+$0xFFFFFC30] =	vst v25  }
0x377: {  	v25 =	vor.u32 s15, v11;
	[tilespmem:s6+$0xFFFFFFC0] =	vst v19;
	v24 =	vld.idx.msk [tilespmem:v27+s22+$0x0], $0xffff  }
0x378: {  	[tilespmem:s6+$0xFFFFFCC0] =	vst v26;
	v27 =	vor.u32 s17, v11;
	v19 =	vld.idx.msk [tilespmem:v21+s22+$0x0], $0xffff  }
0x379: {  	v8 =	vor.u32 v5, v8;
	[tilespmem:s6+$0xFFFFFD40] =	vst v12;
	v21 =	vor.u32 s13, v11;
	v26 =	vld.idx.msk [tilespmem:v28+s22+$0x0], $0xffff  }
0x37a: {  	v23 =	vor.u32 s2, v8;
	v17 =	vld.idx.msk [tilespmem:v17+s22+$0x0], $0xffff;
	[tilespmem:s6+$0xFFFFFE40] =	vst v29  }
0x37b: {  	v12 =	vshll.u32 v18, $0x6;
	v18 =	vor.u32 s1, v11;
	v16 =	vld.idx.msk [tilespmem:v16+s22+$0x0], $0xffff;
	[tilespmem:s6+$0xFFFFFDC0] =	vst v20  }
0x37c: {  	v20 =	vor.u32 s21, v11;
	v25 =	vld.idx.msk [tilespmem:v25+s22+$0x0], $0xffff;
	[tilespmem:s6+$0xFFFFFEC0] =	vst v22  }
0x37d: {  	v28 =	vor.u32 s10, v8;
	v22 =	vld.idx.msk [tilespmem:v27+s22+$0x0], $0xffff;
	[tilespmem:s6+$0xFFFFFC40] =	vst v24  }
0x37e: {  	v12 =	vand.u32 $0x40, v12;
	v21 =	vld.idx.msk [tilespmem:v21+s22+$0x0], $0xffff;
	[tilespmem:s6+$0xFFFFFFD0] =	vst v19;
	v19 =	vor.u32 s7, v8  }
0x37f: {  	v12 =	vor.u32 v6, v12;
	[tilespmem:s6+$0xFFFFFCD0] =	vst v26;
	v26 =	vor.u32 s15, v8;
	v23 =	vld.idx.msk [tilespmem:v23+s22+$0x0], $0xffff  }
0x380: {  	v18 =	vld.idx.msk [tilespmem:v18+s22+$0x0], $0xffff;
	[tilespmem:s6+$0xFFFFFF40] =	vst v17;
	v17 =	vor.u32 s2, v12  }
0x381: {  	v24 =	vor.u32 s13, v8;
	[tilespmem:s6+$0xFFFFFD50] =	vst v16;
	v20 =	vld.idx.msk [tilespmem:v20+s22+$0x0], $0xffff  }
0x382: {  	v16 =	vor.u32 s17, v8;
	v27 =	vld.idx.msk [tilespmem:v28+s22+$0x0], $0xffff;
	[tilespmem:s6+$0xFFFFFE50] =	vst v25  }
0x383: {  	v28 =	vor.u32 s21, v8;
	[tilespmem:s6+$0xFFFFFED0] =	vst v22;
	v19 =	vld.idx.msk [tilespmem:v19+s22+$0x0], $0xffff  }
0x384: {  	v25 =	vld.idx.msk [tilespmem:v26+s22+$0x0], $0xffff;
	v26 =	vor.u32 s10, v12;
	[tilespmem:s6+$0xFFFFFFE0] =	vst v23  }
0x385: {  	v13 =	vshll.u32 v13, $0x6;
	[tilespmem:s6+$0xFFFFFDD0] =	vst v21;
	v23 =	vor.u32 s1, v8;
	v17 =	vld.idx.msk [tilespmem:v17+s22+$0x0], $0xffff  }
0x386: {  	v13 =	vand.u32 $0x40, v13;
	v21 =	vor.u32 s7, v12;
	[tilespmem:s6+$0xFFFFFC50] =	vst v18;
	v24 =	vld.idx.msk [tilespmem:v24+s22+$0x0], $0xffff  }
0x387: {  	v13 =	vor.u32 v7, v13;
	v18 =	vor.u32 s13, v12;
	v16 =	vld.idx.msk [tilespmem:v16+s22+$0x0], $0xffff;
	[tilespmem:s6+$0xFFFFFF50] =	vst v20  }
0x388: {  	v22 =	vor.u32 s2, v13;
	[tilespmem:s6+$0xFFFFFD60] =	vst v27;
	v28 =	vld.idx.msk [tilespmem:v28+s22+$0x0], $0xffff  }
0x389: {  	[tilespmem:s6+$0xFFFFFCE0] =	vst v19;
	v19 =	vor.u32 s15, v12;
	v30 =	vld.idx.msk [tilespmem:v26+s22+$0x0], $0xffff  }
0x38a: {  	v23 =	vld.idx.msk [tilespmem:v23+s22+$0x0], $0xffff;
	[tilespmem:s6+$0xFFFFFFF0] =	vst v17;
	v17 =	vor.u32 s21, v12  }
0x38b: {  	v27 =	vor.u32 s1, v12;
	v29 =	vld.idx.msk [tilespmem:v21+s22+$0x0], $0xffff;
	[tilespmem:s6+$0xFFFFFDE0] =	vst v24  }
0x38c: {  	s3 =	simm.s32 $0x8;
	v20 =	vor.u32 s17, v12;
	v31 =	vld.idx.msk [tilespmem:v18+s22+$0x0], $0xffff  }
0x38d: {  	[tilespmem:s6+$0xFFFFFE60] =	vst v25;
	v24 =	vor.u32 s3, v15;
	v22 =	vld.idx.msk [tilespmem:v22+s22+$0x0], $0xffff  }
0x38e: {  	v32 =	vor.u32 s7, v13;
	[tilespmem:s6+$0xFFFFFF60] =	vst v28;
	v21 =	vld.idx.msk [tilespmem:v19+s22+$0x0], $0xffff  }
0x38f: {  	v33 =	vor.u32 s10, v13;
	[tilespmem:s6+$0xFFFFFC60] =	vst v23;
	v18 =	vld.idx.msk [tilespmem:v17+s22+$0x0], $0xffff  }
0x390: {  	[tilespmem:s6+$0xFFFFFEE0] =	vst v16;
	v17 =	vld.idx.msk [tilespmem:v27+s22+$0x0], $0xffff;
	v27 =	vor.u32 s13, v13  }
0x391: {  	v26 =	vor.u32 s15, v13;
	v20 =	vld.idx.msk [tilespmem:v20+s22+$0x0], $0xffff;
	[tilespmem:s6+$0xFFFFFD70] =	vst v30  }
0x392: {  	v25 =	vor.u32 s17, v13;
	v16 =	vld.idx.msk [tilespmem:v24+s22+$0x0], $0xffff;
	[tilespmem:s6+$0xFFFFFCF0] =	vst v29  }
0x393: {  	v24 =	vor.u32 s21, v13;
	v19 =	vld.idx.msk [tilespmem:v32+s22+$0x0], $0xffff;
	[tilespmem:s6+$0xFFFFFDF0] =	vst v31  }
0x394: {  	s2 =	simm.s32 $0x10;
	s10 =	simm.s32 $0xF;
	v23 =	vor.u32 s1, v13;
	[tilespmem:s6+$0x0] =	vst v22;
	v22 =	vld.idx.msk [tilespmem:v33+s22+$0x0], $0xffff  }
.LBB2_13:
0x395: {  	p1 =	slt.u32 s2, $0x38;
	s13 =	sadd.s32 $0x1, s3;
	v28 =	vor.u32 s10, v15;
	v27 =	vld.idx.msk [tilespmem:v27+s22+$0x0], $0xffff;
	[tilespmem:s6+$0xFFFFFE70] =	vst v21  }
0x396: {  	s1 =	sadd.s32 $0x2, s3;
	v21 =	vor.u32 s13, v15;
	v26 =	vld.idx.msk [tilespmem:v26+s22+$0x0], $0xffff;
	[tilespmem:s6+$0xFFFFFEF0] =	vst v20  }
0x397: {  	s15 =	sadd.s32 $0x3, s3;
	v20 =	vor.u32 s1, v15;
	v25 =	vld.idx.msk [tilespmem:v25+s22+$0x0], $0xffff;
	[tilespmem:s6+$0xFFFFFF70] =	vst v18  }
0x398: {  	s7 =	sadd.s32 $0x4, s3;
	v18 =	vor.u32 s15, v15;
	[tilespmem:s6+$0xFFFFFC70] =	vst v17;
	v17 =	vld.idx.msk [tilespmem:v24+s22+$0x0], $0xffff  }
0x399: {  	s14 =	sadd.s32 $0x5, s3;
	v24 =	vor.u32 s7, v15;
	v23 =	vld.idx.msk [tilespmem:v23+s22+$0x0], $0xffff;
	[tilespmem:s6+$0xFFFFFD00] =	vst v19  }
0x39a: {  	s8 =	sadd.s32 $0x6, s3;
	v19 =	vor.u32 s14, v15;
	v28 =	vld.idx.msk [tilespmem:v28+s22+$0x0], $0xffff;
	[tilespmem:s6+$0xFFFFFD80] =	vst v22  }
0x39b: {  	v22 =	vor.u32 s8, v15;
	v21 =	vld.idx.msk [tilespmem:v21+s22+$0x0], $0xffff;
	[tilespmem:s6+$0xFFFFFE00] =	vst v27  }
0x39c: {  	v27 =	vor.u32 s10, v14;
	v20 =	vld.idx.msk [tilespmem:v20+s22+$0x0], $0xffff;
	[tilespmem:s6+$0xFFFFFE80] =	vst v26  }
0x39d: {  	v26 =	vor.u32 s13, v14;
	v18 =	vld.idx.msk [tilespmem:v18+s22+$0x0], $0xffff;
	[tilespmem:s6+$0xFFFFFF00] =	vst v25  }
0x39e: {  	v25 =	vor.u32 s1, v14;
	v24 =	vld.idx.msk [tilespmem:v24+s22+$0x0], $0xffff;
	[tilespmem:s6+$0xFFFFFF80] =	vst v17  }
0x39f: {  	v17 =	vor.u32 s15, v14;
	v19 =	vld.idx.msk [tilespmem:v19+s22+$0x0], $0xffff;
	[tilespmem:s6+$0xFFFFFC80] =	vst v23;
	s6 =	sadd.s32 $0x400, s6  }
0x3a0: {  	v23 =	vor.u32 s7, v14;
	v22 =	vld.idx.msk [tilespmem:v22+s22+$0x0], $0xffff;
	[tilespmem:s6+$0xFFFFFF90] =	vst v28  }
0x3a1: {  	[tilespmem:s6+$0xFFFFFC90] =	vst v21;
	v21 =	vor.u32 s14, v14;
	v27 =	vld.idx.msk [tilespmem:v27+s22+$0x0], $0xffff  }
0x3a2: {  	v26 =	vld.idx.msk [tilespmem:v26+s22+$0x0], $0xffff;
	[tilespmem:s6+$0xFFFFFD10] =	vst v20;
	v20 =	vor.u32 s8, v14  }
0x3a3: {  	v25 =	vld.idx.msk [tilespmem:v25+s22+$0x0], $0xffff;
	[tilespmem:s6+$0xFFFFFD90] =	vst v18;
	v18 =	vor.u32 s10, v9  }
0x3a4: {  	v28 =	vor.u32 s3, v14;
	v17 =	vld.idx.msk [tilespmem:v17+s22+$0x0], $0xffff;
	[tilespmem:s6+$0xFFFFFE10] =	vst v24  }
0x3a5: {  	v24 =	vor.u32 s13, v9;
	v23 =	vld.idx.msk [tilespmem:v23+s22+$0x0], $0xffff;
	[tilespmem:s6+$0xFFFFFE90] =	vst v19  }
0x3a6: {  	v19 =	vor.u32 s1, v9;
	v21 =	vld.idx.msk [tilespmem:v21+s22+$0x0], $0xffff;
	[tilespmem:s6+$0xFFFFFF10] =	vst v22  }
0x3a7: {  	v22 =	vor.u32 s15, v9;
	v20 =	vld.idx.msk [tilespmem:v20+s22+$0x0], $0xffff;
	[tilespmem:s6+$0xFFFFFFA0] =	vst v27  }
0x3a8: {  	[tilespmem:s6+$0xFFFFFC10] =	vst v16;
	v16 =	vor.u32 s7, v9;
	v18 =	vld.idx.msk [tilespmem:v18+s22+$0x0], $0xffff  }
0x3a9: {  	v27 =	vld.idx.msk [tilespmem:v28+s22+$0x0], $0xffff;
	[tilespmem:s6+$0xFFFFFCA0] =	vst v26;
	v26 =	vor.u32 s14, v9  }
0x3aa: {  	v24 =	vld.idx.msk [tilespmem:v24+s22+$0x0], $0xffff;
	[tilespmem:s6+$0xFFFFFD20] =	vst v25;
	v25 =	vor.u32 s10, v10  }
0x3ab: {  	v19 =	vld.idx.msk [tilespmem:v19+s22+$0x0], $0xffff;
	[tilespmem:s6+$0xFFFFFDA0] =	vst v17;
	v17 =	vor.u32 s8, v9  }
0x3ac: {  	v28 =	vor.u32 s3, v9;
	v22 =	vld.idx.msk [tilespmem:v22+s22+$0x0], $0xffff;
	[tilespmem:s6+$0xFFFFFE20] =	vst v23  }
0x3ad: {  	v23 =	vor.u32 s13, v10;
	v16 =	vld.idx.msk [tilespmem:v16+s22+$0x0], $0xffff;
	[tilespmem:s6+$0xFFFFFEA0] =	vst v21  }
0x3ae: {  	v21 =	vor.u32 s1, v10;
	v26 =	vld.idx.msk [tilespmem:v26+s22+$0x0], $0xffff;
	[tilespmem:s6+$0xFFFFFFB0] =	vst v18  }
0x3af: {  	v18 =	vor.u32 s15, v10;
	[tilespmem:s6+$0xFFFFFF20] =	vst v20;
	v20 =	vld.idx.msk [tilespmem:v25+s22+$0x0], $0xffff  }
0x3b0: {  	v25 =	vor.u32 s7, v10;
	[tilespmem:s6+$0xFFFFFC20] =	vst v27;
	v17 =	vld.idx.msk [tilespmem:v17+s22+$0x0], $0xffff  }
0x3b1: {  	v27 =	vld.idx.msk [tilespmem:v28+s22+$0x0], $0xffff;
	[tilespmem:s6+$0xFFFFFCB0] =	vst v24;
	v24 =	vor.u32 s10, v11  }
0x3b2: {  	v23 =	vld.idx.msk [tilespmem:v23+s22+$0x0], $0xffff;
	[tilespmem:s6+$0xFFFFFD30] =	vst v19;
	v19 =	vor.u32 s14, v10  }
0x3b3: {  	v21 =	vld.idx.msk [tilespmem:v21+s22+$0x0], $0xffff;
	[tilespmem:s6+$0xFFFFFDB0] =	vst v22;
	v22 =	vor.u32 s8, v10  }
0x3b4: {  	v28 =	vor.u32 s3, v10;
	v18 =	vld.idx.msk [tilespmem:v18+s22+$0x0], $0xffff;
	[tilespmem:s6+$0xFFFFFE30] =	vst v16  }
0x3b5: {  	v16 =	vor.u32 s13, v11;
	v25 =	vld.idx.msk [tilespmem:v25+s22+$0x0], $0xffff;
	[tilespmem:s6+$0xFFFFFFC0] =	vst v20  }
0x3b6: {  	v20 =	vor.u32 s1, v11;
	[tilespmem:s6+$0xFFFFFEB0] =	vst v26;
	v24 =	vld.idx.msk [tilespmem:v24+s22+$0x0], $0xffff  }
0x3b7: {  	v26 =	vor.u32 s15, v11;
	v19 =	vld.idx.msk [tilespmem:v19+s22+$0x0], $0xffff;
	[tilespmem:s6+$0xFFFFFF30] =	vst v17  }
0x3b8: {  	[tilespmem:s6+$0xFFFFFC30] =	vst v27;
	v17 =	vld.idx.msk [tilespmem:v22+s22+$0x0], $0xffff;
	v22 =	vor.u32 s10, v8  }
0x3b9: {  	v27 =	vld.idx.msk [tilespmem:v28+s22+$0x0], $0xffff;
	[tilespmem:s6+$0xFFFFFCC0] =	vst v23;
	v23 =	vor.u32 s7, v11  }
0x3ba: {  	v16 =	vld.idx.msk [tilespmem:v16+s22+$0x0], $0xffff;
	[tilespmem:s6+$0xFFFFFD40] =	vst v21;
	v21 =	vor.u32 s14, v11  }
0x3bb: {  	v20 =	vld.idx.msk [tilespmem:v20+s22+$0x0], $0xffff;
	[tilespmem:s6+$0xFFFFFDC0] =	vst v18;
	v18 =	vor.u32 s8, v11  }
0x3bc: {  	v28 =	vor.u32 s3, v11;
	v26 =	vld.idx.msk [tilespmem:v26+s22+$0x0], $0xffff;
	[tilespmem:s6+$0xFFFFFFD0] =	vst v24  }
0x3bd: {  	v24 =	vor.u32 s13, v8;
	[tilespmem:s6+$0xFFFFFE40] =	vst v25;
	v22 =	vld.idx.msk [tilespmem:v22+s22+$0x0], $0xffff  }
0x3be: {  	v25 =	vor.u32 s1, v8;
	v23 =	vld.idx.msk [tilespmem:v23+s22+$0x0], $0xffff;
	[tilespmem:s6+$0xFFFFFEC0] =	vst v19  }
0x3bf: {  	v19 =	vld.idx.msk [tilespmem:v21+s22+$0x0], $0xffff;
	[tilespmem:s6+$0xFFFFFF40] =	vst v17;
	v17 =	vor.u32 s10, v12  }
0x3c0: {  	v21 =	vor.u32 s15, v8;
	[tilespmem:s6+$0xFFFFFC40] =	vst v27;
	v18 =	vld.idx.msk [tilespmem:v18+s22+$0x0], $0xffff  }
0x3c1: {  	v27 =	vld.idx.msk [tilespmem:v28+s22+$0x0], $0xffff;
	[tilespmem:s6+$0xFFFFFCD0] =	vst v16;
	v16 =	vor.u32 s7, v8  }
0x3c2: {  	v24 =	vld.idx.msk [tilespmem:v24+s22+$0x0], $0xffff;
	[tilespmem:s6+$0xFFFFFD50] =	vst v20;
	v20 =	vor.u32 s14, v8  }
0x3c3: {  	v28 =	vor.u32 s8, v8;
	v25 =	vld.idx.msk [tilespmem:v25+s22+$0x0], $0xffff;
	[tilespmem:s6+$0xFFFFFFE0] =	vst v22  }
0x3c4: {  	v22 =	vor.u32 s3, v8;
	[tilespmem:s6+$0xFFFFFDD0] =	vst v26;
	v17 =	vld.idx.msk [tilespmem:v17+s22+$0x0], $0xffff  }
0x3c5: {  	v26 =	vor.u32 s13, v12;
	v21 =	vld.idx.msk [tilespmem:v21+s22+$0x0], $0xffff;
	[tilespmem:s6+$0xFFFFFE50] =	vst v23  }
0x3c6: {  	v16 =	vld.idx.msk [tilespmem:v16+s22+$0x0], $0xffff;
	[tilespmem:s6+$0xFFFFFED0] =	vst v19;
	v19 =	vor.u32 s10, v13  }
0x3c7: {  	v23 =	vor.u32 s1, v12;
	v20 =	vld.idx.msk [tilespmem:v20+s22+$0x0], $0xffff;
	[tilespmem:s6+$0xFFFFFF50] =	vst v18  }
0x3c8: {  	v18 =	vor.u32 s15, v12;
	[tilespmem:s6+$0xFFFFFC50] =	vst v27;
	v27 =	vld.idx.msk [tilespmem:v28+s22+$0x0], $0xffff  }
0x3c9: {  	v22 =	vld.idx.msk [tilespmem:v22+s22+$0x0], $0xffff;
	[tilespmem:s6+$0xFFFFFCE0] =	vst v24;
	v24 =	vor.u32 s7, v12  }
0x3ca: {  	v28 =	vld.idx.msk [tilespmem:v26+s22+$0x0], $0xffff;
	v26 =	vor.u32 s14, v12;
	[tilespmem:s6+$0xFFFFFFF0] =	vst v17  }
0x3cb: {  	v17 =	vor.u32 s8, v12;
	[tilespmem:s6+$0xFFFFFD60] =	vst v25;
	v19 =	vld.idx.msk [tilespmem:v19+s22+$0x0], $0xffff  }
0x3cc: {  	v25 =	vor.u32 s3, v12;
	v23 =	vld.idx.msk [tilespmem:v23+s22+$0x0], $0xffff;
	[tilespmem:s6+$0xFFFFFDE0] =	vst v21  }
0x3cd: {  	v29 =	vor.u32 s2, v15;
	v30 =	vld.idx.msk [tilespmem:v18+s22+$0x0], $0xffff;
	[tilespmem:s6+$0xFFFFFE60] =	vst v16  }
0x3ce: {  	v31 =	vor.u32 s13, v13;
	v21 =	vld.idx.msk [tilespmem:v24+s22+$0x0], $0xffff;
	[tilespmem:s6+$0xFFFFFEE0] =	vst v20  }
0x3cf: {  	v32 =	vor.u32 s1, v13;
	v20 =	vld.idx.msk [tilespmem:v26+s22+$0x0], $0xffff;
	[tilespmem:s6+$0xFFFFFF60] =	vst v27  }
.Ltmp8:
0x3d0: {  	v27 =	vor.u32 s15, v13;
	[tilespmem:s6+$0xFFFFFC60] =	vst v22;
	v18 =	vld.idx.msk [tilespmem:v17+s22+$0x0], $0xffff;
	(pc) =	sbr.rel @p1 .LBB2_13-.Ltmp8, $4  }
0x3d1: {  	v26 =	vor.u32 s7, v13;
	v17 =	vld.idx.msk [tilespmem:v25+s22+$0x0], $0xffff;
	[tilespmem:s6+$0x0] =	vst v19  }
0x3d2: {  	v25 =	vor.u32 s14, v13;
	v16 =	vld.idx.msk [tilespmem:v29+s22+$0x0], $0xffff;
	[tilespmem:s6+$0xFFFFFCF0] =	vst v28  }
0x3d3: {  	v24 =	vor.u32 s8, v13;
	v19 =	vld.idx.msk [tilespmem:v31+s22+$0x0], $0xffff;
	[tilespmem:s6+$0xFFFFFD70] =	vst v23  }
0x3d4: {  	s10 =	sadd.s32 $0x7, s2;
	v23 =	vor.u32 s3, v13;
	s3 =	smov.u32 s2;
	s2 =	sadd.s32 $0x8, s2;
	v22 =	vld.idx.msk [tilespmem:v32+s22+$0x0], $0xffff;
	[tilespmem:s6+$0xFFFFFDF0] =	vst v30  }
0x3d5: {  	_ =	sdelay $0x1  }
0x3d6: {  	[tilespmem:s6+$0xFFFFFE70] =	vst v21  }
0x3d7: {  	[tilespmem:s6+$0xFFFFFEF0] =	vst v20  }
0x3d8: {  	v55 =	vor.u32 s10, v15;
	v27 =	vld.idx.msk [tilespmem:v27+s22+$0x0], $0xffff;
	[tilespmem:s6+$0xFFFFFF70] =	vst v18  }
0x3d9: {  	s1 =	sadd.s32 $0x1, s3;
	s2 =	sadd.s32 $0x400, s6;
	v36 =	vor.u32 s3, v14;
	v26 =	vld.idx.msk [tilespmem:v26+s22+$0x0], $0xffff;
	[tilespmem:s6+$0xFFFFFC70] =	vst v17  }
0x3da: {  	s7 =	sadd.s32 $0x2, s3;
	s8 =	sadd.s32 $0x3, s3;
	v62 =	vor.u32 s10, v14;
	v56 =	vor.u32 s1, v15;
	v25 =	vld.idx.msk [tilespmem:v25+s22+$0x0], $0xffff;
	[tilespmem:s2+$0xFFFFFC10] =	vst v16  }
0x3db: {  	v57 =	vor.u32 s7, v15;
	v58 =	vor.u32 s8, v15;
	v24 =	vld.idx.msk [tilespmem:v24+s22+$0x0], $0xffff;
	[tilespmem:s6+$0xFFFFFD00] =	vst v19  }
0x3dc: {  	s13 =	sadd.s32 $0x4, s3;
	v63 =	vor.u32 s1, v14;
	v28 =	vor.u32 s7, v14;
	v23 =	vld.idx.msk [tilespmem:v23+s22+$0x0], $0xffff;
	[tilespmem:s6+$0xFFFFFD80] =	vst v22  }
0x3dd: {  	s14 =	sadd.s32 $0x5, s3;
	s15 =	sadd.s32 $0x6, s3;
	v59 =	vor.u32 s13, v15;
	v29 =	vor.u32 s8, v14;
	v30 =	vor.u32 s13, v14;
	v21 =	vld.idx.msk [tilespmem:v55+s22+$0x0], $0xffff;
	[tilespmem:s6+$0xFFFFFE00] =	vst v27  }
0x3de: {  	v60 =	vor.u32 s14, v15;
	v32 =	vor.u32 s14, v14;
	v35 =	vor.u32 s15, v14;
	v14 =	vld.idx.msk [tilespmem:v36+s22+$0x0], $0xffff;
	[tilespmem:s6+$0xFFFFFE80] =	vst v26  }
0x3df: {  	v61 =	vor.u32 s15, v15;
	v20 =	vld.idx.msk [tilespmem:v56+s22+$0x0], $0xffff;
	[tilespmem:s6+$0xFFFFFF00] =	vst v25  }
0x3e0: {  	v18 =	vld.idx.msk [tilespmem:v57+s22+$0x0], $0xffff;
	[tilespmem:s6+$0xFFFFFF80] =	vst v24  }
0x3e1: {  	v46 =	vor.u32 s3, v9;
	v17 =	vld.idx.msk [tilespmem:v58+s22+$0x0], $0xffff;
	[tilespmem:s6+$0xFFFFFC80] =	vst v23  }
0x3e2: {  	v19 =	vld.idx.msk [tilespmem:v59+s22+$0x0], $0xffff;
	[tilespmem:s2+$0xFFFFFF90] =	vst v21  }
0x3e3: {  	v34 =	vor.u32 s10, v9;
	v22 =	vld.idx.msk [tilespmem:v60+s22+$0x0], $0xffff;
	[tilespmem:s2+$0xFFFFFC20] =	vst v14  }
0x3e4: {  	v37 =	vor.u32 s1, v9;
	v38 =	vor.u32 s7, v9;
	v15 =	vld.idx.msk [tilespmem:v61+s22+$0x0], $0xffff;
	[tilespmem:s2+$0xFFFFFC90] =	vst v20  }
0x3e5: {  	v39 =	vor.u32 s8, v9;
	v41 =	vor.u32 s13, v9;
	v31 =	vld.idx.msk [tilespmem:v62+s22+$0x0], $0xffff;
	[tilespmem:s2+$0xFFFFFD10] =	vst v18  }
0x3e6: {  	v43 =	vor.u32 s14, v9;
	v45 =	vor.u32 s15, v9;
	[tilespmem:s2+$0xFFFFFD90] =	vst v17;
	v9 =	vld.idx.msk [tilespmem:v46+s22+$0x0], $0xffff  }
0x3e7: {  	[tilespmem:s2+$0xFFFFFE10] =	vst v19;
	v33 =	vld.idx.msk [tilespmem:v63+s22+$0x0], $0xffff  }
0x3e8: {  	[tilespmem:s2+$0xFFFFFE90] =	vst v22;
	v23 =	vld.idx.msk [tilespmem:v28+s22+$0x0], $0xffff  }
0x3e9: {  	v57 =	vor.u32 s3, v10;
	[tilespmem:s2+$0xFFFFFF10] =	vst v15;
	v21 =	vld.idx.msk [tilespmem:v29+s22+$0x0], $0xffff  }
0x3ea: {  	v20 =	vld.idx.msk [tilespmem:v30+s22+$0x0], $0xffff;
	[tilespmem:s2+$0xFFFFFFA0] =	vst v31  }
0x3eb: {  	v42 =	vor.u32 s10, v10;
	v18 =	vld.idx.msk [tilespmem:v32+s22+$0x0], $0xffff;
	[tilespmem:s2+$0xFFFFFC30] =	vst v9  }
0x3ec: {  	v47 =	vor.u32 s1, v10;
	v48 =	vor.u32 s7, v10;
	v40 =	vld.idx.msk [tilespmem:v35+s22+$0x0], $0xffff;
	[tilespmem:s2+$0xFFFFFCA0] =	vst v33  }
0x3ed: {  	v50 =	vor.u32 s8, v10;
	v53 =	vor.u32 s13, v10;
	v24 =	vld.idx.msk [tilespmem:v34+s22+$0x0], $0xffff;
	[tilespmem:s2+$0xFFFFFD20] =	vst v23  }
0x3ee: {  	v55 =	vor.u32 s14, v10;
	v56 =	vor.u32 s15, v10;
	[tilespmem:s2+$0xFFFFFDA0] =	vst v21;
	v10 =	vld.idx.msk [tilespmem:v57+s22+$0x0], $0xffff  }
0x3ef: {  	[tilespmem:s2+$0xFFFFFE20] =	vst v20;
	v15 =	vld.idx.msk [tilespmem:v37+s22+$0x0], $0xffff  }
0x3f0: {  	[tilespmem:s2+$0xFFFFFEA0] =	vst v18;
	v44 =	vld.idx.msk [tilespmem:v38+s22+$0x0], $0xffff  }
0x3f1: {  	v27 =	vor.u32 s3, v11;
	[tilespmem:s2+$0xFFFFFF20] =	vst v40;
	v16 =	vld.idx.msk [tilespmem:v39+s22+$0x0], $0xffff  }
0x3f2: {  	v19 =	vld.idx.msk [tilespmem:v41+s22+$0x0], $0xffff;
	[tilespmem:s2+$0xFFFFFFB0] =	vst v24  }
0x3f3: {  	v58 =	vor.u32 s1, v11;
	v49 =	vld.idx.msk [tilespmem:v43+s22+$0x0], $0xffff;
	[tilespmem:s2+$0xFFFFFC40] =	vst v10  }
0x3f4: {  	v60 =	vor.u32 s7, v11;
	v25 =	vor.u32 s14, v11;
	v51 =	vld.idx.msk [tilespmem:v45+s22+$0x0], $0xffff;
	[tilespmem:s2+$0xFFFFFCB0] =	vst v15  }
0x3f5: {  	v52 =	vor.u32 s10, v11;
	v26 =	vor.u32 s15, v11;
	v62 =	vor.u32 s10, v8;
	v23 =	vld.idx.msk [tilespmem:v42+s22+$0x0], $0xffff;
	[tilespmem:s2+$0xFFFFFD30] =	vst v44  }
0x3f6: {  	v36 =	vor.u32 s13, v8;
	v63 =	vor.u32 s8, v11;
	v24 =	vor.u32 s13, v11;
	[tilespmem:s2+$0xFFFFFDB0] =	vst v16;
	v11 =	vld.idx.msk [tilespmem:v27+s22+$0x0], $0xffff  }
0x3f7: {  	v30 =	vor.u32 s1, v8;
	v32 =	vor.u32 s7, v8;
	[tilespmem:s2+$0xFFFFFE30] =	vst v19;
	v54 =	vld.idx.msk [tilespmem:v47+s22+$0x0], $0xffff  }
0x3f8: {  	v34 =	vor.u32 s8, v8;
	v38 =	vor.u32 s14, v8;
	[tilespmem:s2+$0xFFFFFEB0] =	vst v49;
	v17 =	vld.idx.msk [tilespmem:v48+s22+$0x0], $0xffff  }
0x3f9: {  	v39 =	vor.u32 s15, v8;
	v8 =	vor.u32 s3, v8;
	[tilespmem:s2+$0xFFFFFF30] =	vst v51;
	v21 =	vld.idx.msk [tilespmem:v50+s22+$0x0], $0xffff  }
0x3fa: {  	v59 =	vld.idx.msk [tilespmem:v53+s22+$0x0], $0xffff;
	[tilespmem:s2+$0xFFFFFFC0] =	vst v23  }
0x3fb: {  	v61 =	vld.idx.msk [tilespmem:v55+s22+$0x0], $0xffff;
	[tilespmem:s2+$0xFFFFFC50] =	vst v11  }
0x3fc: {  	v19 =	vld.idx.msk [tilespmem:v56+s22+$0x0], $0xffff;
	[tilespmem:s2+$0xFFFFFCC0] =	vst v54  }
0x3fd: {  	v22 =	vld.idx.msk [tilespmem:v52+s22+$0x0], $0xffff;
	[tilespmem:s2+$0xFFFFFD40] =	vst v17  }
0x3fe: {  	[tilespmem:s2+$0xFFFFFDC0] =	vst v21;
	v8 =	vld.idx.msk [tilespmem:v8+s22+$0x0], $0xffff  }
0x3ff: {  	[tilespmem:s2+$0xFFFFFE40] =	vst v59;
	v14 =	vld.idx.msk [tilespmem:v58+s22+$0x0], $0xffff  }
0x400: {  	[tilespmem:s2+$0xFFFFFEC0] =	vst v61;
	v20 =	vld.idx.msk [tilespmem:v60+s22+$0x0], $0xffff  }
0x401: {  	v48 =	vor.u32 s3, v12;
	[tilespmem:s2+$0xFFFFFF40] =	vst v19;
	v29 =	vld.idx.msk [tilespmem:v63+s22+$0x0], $0xffff  }
0x402: {  	v17 =	vld.idx.msk [tilespmem:v24+s22+$0x0], $0xffff;
	[tilespmem:s2+$0xFFFFFFD0] =	vst v22  }
0x403: {  	v31 =	vor.u32 s10, v12;
	v33 =	vld.idx.msk [tilespmem:v25+s22+$0x0], $0xffff;
	[tilespmem:s2+$0xFFFFFC60] =	vst v8  }
0x404: {  	v41 =	vor.u32 s1, v12;
	v43 =	vor.u32 s8, v12;
	v35 =	vld.idx.msk [tilespmem:v26+s22+$0x0], $0xffff;
	[tilespmem:s2+$0xFFFFFCD0] =	vst v14  }
0x405: {  	v45 =	vor.u32 s14, v12;
	v42 =	vor.u32 s7, v12;
	v28 =	vld.idx.msk [tilespmem:v62+s22+$0x0], $0xffff;
	[tilespmem:s2+$0xFFFFFD50] =	vst v20  }
0x406: {  	v44 =	vor.u32 s13, v12;
	v47 =	vor.u32 s15, v12;
	[tilespmem:s2+$0xFFFFFDD0] =	vst v29;
	v12 =	vld.idx.msk [tilespmem:v48+s22+$0x0], $0xffff  }
0x407: {  	[tilespmem:s2+$0xFFFFFE50] =	vst v17;
	v37 =	vld.idx.msk [tilespmem:v30+s22+$0x0], $0xffff  }
0x408: {  	[tilespmem:s2+$0xFFFFFED0] =	vst v33;
	v10 =	vld.idx.msk [tilespmem:v32+s22+$0x0], $0xffff  }
0x409: {  	v58 =	vor.u32 s3, v13;
	[tilespmem:s2+$0xFFFFFF50] =	vst v35;
	v14 =	vld.idx.msk [tilespmem:v34+s22+$0x0], $0xffff  }
0x40a: {  	v20 =	vld.idx.msk [tilespmem:v36+s22+$0x0], $0xffff;
	[tilespmem:s2+$0xFFFFFFE0] =	vst v28  }
0x40b: {  	v16 =	vld.idx.msk [tilespmem:v38+s22+$0x0], $0xffff;
	[tilespmem:s2+$0xFFFFFC70] =	vst v12  }
0x40c: {  	v9 =	vld.idx.msk [tilespmem:v39+s22+$0x0], $0xffff;
	[tilespmem:s2+$0xFFFFFCE0] =	vst v37  }
0x40d: {  	v18 =	vld.idx.msk [tilespmem:v31+s22+$0x0], $0xffff;
	[tilespmem:s2+$0xFFFFFD60] =	vst v10  }
0x40e: {  	[tilespmem:s2+$0xFFFFFDE0] =	vst v14;
	v63 =	vld.idx.msk [tilespmem:v58+s22+$0x0], $0xffff  }
0x40f: {  	[tilespmem:s2+$0xFFFFFE60] =	vst v20;
	v46 =	vld.idx.msk [tilespmem:v41+s22+$0x0], $0xffff  }
0x410: {  	v40 =	vor.u32 s10, v13;
	[tilespmem:s2+$0xFFFFFEE0] =	vst v16;
	v11 =	vld.idx.msk [tilespmem:v42+s22+$0x0], $0xffff  }
0x411: {  	v49 =	vor.u32 s1, v13;
	[tilespmem:s2+$0xFFFFFF60] =	vst v9;
	v15 =	vld.idx.msk [tilespmem:v43+s22+$0x0], $0xffff  }
0x412: {  	v51 =	vor.u32 s7, v13;
	v50 =	vld.idx.msk [tilespmem:v44+s22+$0x0], $0xffff;
	[tilespmem:s2+$0xFFFFFFF0] =	vst v18  }
0x413: {  	v52 =	vor.u32 s8, v13;
	v8 =	vld.idx.msk [tilespmem:v45+s22+$0x0], $0xffff;
	[tilespmem:s2+$0xFFFFFC80] =	vst v63  }
0x414: {  	v54 =	vor.u32 s13, v13;
	v53 =	vld.idx.msk [tilespmem:v47+s22+$0x0], $0xffff;
	[tilespmem:s2+$0xFFFFFCF0] =	vst v46  }
0x415: {  	v55 =	vor.u32 s14, v13;
	v17 =	vld.idx.msk [tilespmem:v40+s22+$0x0], $0xffff;
	[tilespmem:s2+$0xFFFFFD70] =	vst v11  }
0x416: {  	v57 =	vor.u32 s15, v13;
	[tilespmem:s2+$0xFFFFFDF0] =	vst v15;
	v56 =	vld.idx.msk [tilespmem:v49+s22+$0x0], $0xffff  }
0x417: {  	[tilespmem:s2+$0xFFFFFE70] =	vst v50;
	v59 =	vld.idx.msk [tilespmem:v51+s22+$0x0], $0xffff  }
0x418: {  	[tilespmem:s2+$0xFFFFFEF0] =	vst v8;
	v60 =	vld.idx.msk [tilespmem:v52+s22+$0x0], $0xffff  }
0x419: {  	[tilespmem:s2+$0xFFFFFF70] =	vst v53;
	v8 =	vld.idx.msk [tilespmem:v54+s22+$0x0], $0xffff  }
0x41a: {  	v61 =	vld.idx.msk [tilespmem:v55+s22+$0x0], $0xffff;
	[tilespmem:s2+$0x0] =	vst v17  }
0x41b: {  	v62 =	vld.idx.msk [tilespmem:v57+s22+$0x0], $0xffff;
	[tilespmem:s2+$0xFFFFFD00] =	vst v56  }
0x41c: {  	[tilespmem:s2+$0xFFFFFD80] =	vst v59  }
.Ltmp9:
0x41d: {  	[tilespmem:s2+$0xFFFFFE00] =	vst v60;
	(pc) =	sbr.rel @p0 .LBB2_16-.Ltmp9, $4  }
0x41e: {  	[tilespmem:s2+$0xFFFFFE80] =	vst v8  }
0x41f: {  	[tilespmem:s2+$0xFFFFFF00] =	vst v61  }
0x420: {  	s21 =	sadd.s32 s19, s9;
	[tilespmem:s2+$0xFFFFFF80] =	vst v62  }
0x421: {  	[hbm4b:s21+s24] =	stream.strided.scatter [tilespmem:s29], [sflag:$0x6], $0x2000, s12, s24, $0x38;
	[tilespmem:$0x1B200] =	vst v63  }
.Ltmp10:
0x422: {  	(pc) =	sbr.rel .LBB2_2-.Ltmp10, $4  }
0x423: {  	s11 =	sadd.s32 $0x1, s11  }
0x424: {  	s1 =	sshll.u32 s11, $0x9;
	s2 =	sshll.u32 s11, $0x7  }
0x425: {  	s1 =	sand.u32 $0xF000, s1;
	s2 =	sand.u32 $0x380, s2  }
0x426: {  	s1 =	sor.u32 s2, s1  }
.LBB2_17:
0x427: {  	_ =	sfence.sel $0x180000  }
0x428: {  	[bflag:$0x0] =	sbarrier.arrive $0xFFFF  }
0x429: {  	_ =	strace $0x9000004A  }
0x42a: {  	s0 =	stileid.u32;
	[bflag:$0x2] =	sbarrier.arrive $0xFFFF  }
0x42b: {  	p0 =	sne.s32 s0, $0x0;
	s0 =	rddreg [dreg:$0x2]  }
0x42c: {  	s0 =	sadd.s32 @!p0 $0x100000, s0  }
0x42d: {  	[sflag:s0] =	ssyncadd.tile.s32 @!p0 $0x1;
	_ =	shalt  }
.Lfunc_end2:
_tile_overlayer_lowered:
.L_overlay_start_2:
0x42e: {  	(tag) =	ssettag $0x2  }
0x42f: {  	s0 =	rddreg [dreg:$0x0];
	s2 =	stileid.u32  }
0x430: {  	s1 =	rddreg [dreg:$0x1];
	p0 =	sne.s32 s2, $0x0  }
0x431: {  	s3 =	rddreg [dreg:$0x2];
	[bflag:$0x3] =	sbarrier.arrive $0xFFFF;
	s2 =	simm.s32 @!p0 $0x1C07  }
0x432: {  	[timem:s3], [sflag:s2] =	dma.local @!p0 [hbm:s0], s1  }
0x433: {  	s0 =	simm.s32 @!p0 $0x7  }
0x434: {  	_ =	swait.ge @!p0 [sflag:s0], s1  }
0x435: {  	s1 =	ssub.s32 @!p0 $0x0, s1;
	[sflag:s0] =	ssyncset.done @!p0 $0x0  }
0x436: {  	[sflag:s0] =	ssyncadd.s32 @!p0 s1  }
0x437: {  	[bflag:$0x3] =	sbarrier.arrive $0xFFFF  }
0x438: {  	_ =	shalt  }

</sc_bundles>
